<compile_context>
chip_gen: v7x
topology: tpu7x:2x2x1
jax: 0.10.2.dev20260603
libtpu: 0.0.44.dev20260713+nightly
codegen_flags: <defaults>
</compile_context>

<pallas_src>
import functools

import jax
import jax.numpy as jnp
import numpy as np
from jax import lax
from jax.experimental import pallas as pl
from jax.experimental.pallas import tpu as pltpu
from jax.experimental.pallas import tpu_sc as plsc

_N = 10000
_E = 320000
_D = 128
_L = 4
_ALPHA = 0.1
_THETA = 0.5

_NC = 2
_NS = 16
_NW = _NC * _NS
_EPW = _E // _NW
_CH = 80
_NCHUNK = _EPW // _CH
_NP = 10240
_RPT = _NP // _NS
_ZR = 128

_BM = 1024
_GRID = _NP // _BM

_sc_mesh = plsc.VectorSubcoreMesh(core_axis_name="c", subcore_axis_name="s")



@functools.partial(
    pl.kernel,
    out_type=jax.ShapeDtypeStruct((_NC * _NP,), jnp.float32),
    mesh=_sc_mesh,
    scratch_types=[
        pltpu.VMEM((_EPW,), jnp.int32),
        pltpu.VMEM((_CH,), jnp.float32),
        pltpu.VMEM((_RPT,), jnp.float32),
        pltpu.VMEM_SHARED((_NP,), jnp.float32),
    ],
)
def _sc_degree(dst_hbm, out_hbm, idx_v, ones_v, zero_v, acc_sh):
    c = lax.axis_index("c")
    s = lax.axis_index("s")
    w = c * _NS + s

    def fill_ones(i, carry):
        ones_v[pl.ds(i * 16, 16)] = jnp.ones((16,), jnp.float32)
        return carry

    lax.fori_loop(0, _CH // 16, fill_ones, 0)

    def fill_zero(i, carry):
        zero_v[pl.ds(i * 16, 16)] = jnp.zeros((16,), jnp.float32)
        return carry

    lax.fori_loop(0, _RPT // 16, fill_zero, 0)

    pltpu.sync_copy(zero_v, acc_sh.at[pl.ds(s * _RPT, _RPT)])
    pltpu.sync_copy(dst_hbm.at[pl.ds(w * _EPW, _EPW)], idx_v)
    plsc.subcore_barrier()

    def step(g, carry):
        pltpu.sync_copy(ones_v, acc_sh.at[idx_v.at[pl.ds(g * _CH, _CH)]],
                        add=True)
        return carry

    lax.fori_loop(0, _NCHUNK, step, 0)
    plsc.subcore_barrier()
    pltpu.sync_copy(acc_sh.at[pl.ds(s * _RPT, _RPT)],
                    out_hbm.at[pl.ds(c * _NP + s * _RPT, _RPT)])


@functools.partial(
    pl.kernel,
    out_type=jax.ShapeDtypeStruct((_NC * _NP, _D), jnp.float32),
    mesh=_sc_mesh,
    scratch_types=[
        pltpu.VMEM((_EPW,), jnp.int32),
        pltpu.VMEM((_EPW,), jnp.int32),
        pltpu.VMEM((_CH, _D), jnp.float32),
        pltpu.VMEM((_CH, _D), jnp.float32),
        pltpu.VMEM_SHARED((_NP, _D), jnp.float32),
        pltpu.SemaphoreType.DMA,
        pltpu.SemaphoreType.DMA,
        pltpu.SemaphoreType.DMA,
        pltpu.SemaphoreType.DMA,
    ],
)
def _sc_scatter(hp_hbm, src_hbm, dst_hbm, out_hbm,
                src_v, dst_v, rows_a, rows_b, acc_sh,
                sem_a0, sem_a1, sem_b0, sem_b1):
    c = lax.axis_index("c")
    s = lax.axis_index("s")
    w = c * _NS + s

    def fill_zero_row(r, carry):
        def fill_zero_col(q, carry2):
            rows_a[r, pl.ds(q * 16, 16)] = jnp.zeros((16,), jnp.float32)
            return carry2

        return lax.fori_loop(0, _D // 16, fill_zero_col, carry)

    lax.fori_loop(0, _CH, fill_zero_row, 0)

    def zero_chunk(j, carry):
        pltpu.sync_copy(rows_a, acc_sh.at[pl.ds(s * _RPT + j * _CH, _CH)])
        return carry

    lax.fori_loop(0, _RPT // _CH, zero_chunk, 0)
    pltpu.sync_copy(src_hbm.at[pl.ds(w * _EPW, _EPW)], src_v)
    pltpu.sync_copy(dst_hbm.at[pl.ds(w * _EPW, _EPW)], dst_v)
    plsc.subcore_barrier()

    _H = _CH // 2

    def _gather(g, buf, s0, s1):
        pltpu.async_copy(
            hp_hbm.at[src_v.at[pl.ds(g * _CH, _H)]],
            buf.at[pl.ds(0, _H)], s0)
        pltpu.async_copy(
            hp_hbm.at[src_v.at[pl.ds(g * _CH + _H, _H)]],
            buf.at[pl.ds(_H, _H)], s1)

    def _gwait(g, buf, s0, s1):
        pltpu.make_async_copy(
            hp_hbm.at[src_v.at[pl.ds(g * _CH, _H)]],
            buf.at[pl.ds(0, _H)], s0).wait()
        pltpu.make_async_copy(
            hp_hbm.at[src_v.at[pl.ds(g * _CH + _H, _H)]],
            buf.at[pl.ds(_H, _H)], s1).wait()

    _gather(0, rows_a, sem_a0, sem_a1)
    _gather(1, rows_b, sem_b0, sem_b1)

    def step(t, carry):
        ga = 2 * t
        _gwait(ga, rows_a, sem_a0, sem_a1)
        pltpu.sync_copy(rows_a, acc_sh.at[dst_v.at[pl.ds(ga * _CH, _CH)]], add=True)
        _gather(ga + 2, rows_a, sem_a0, sem_a1)
        gb = ga + 1
        _gwait(gb, rows_b, sem_b0, sem_b1)
        pltpu.sync_copy(rows_b, acc_sh.at[dst_v.at[pl.ds(gb * _CH, _CH)]], add=True)
        _gather(gb + 2, rows_b, sem_b0, sem_b1)
        return carry

    lax.fori_loop(0, _NCHUNK // 2 - 1, step, 0)
    _gwait(_NCHUNK - 3, rows_a, sem_a0, sem_a1)
    pltpu.sync_copy(rows_a, acc_sh.at[dst_v.at[pl.ds((_NCHUNK - 3) * _CH, _CH)]], add=True)
    _gather(_NCHUNK - 1, rows_a, sem_a0, sem_a1)
    _gwait(_NCHUNK - 2, rows_b, sem_b0, sem_b1)
    pltpu.sync_copy(rows_b, acc_sh.at[dst_v.at[pl.ds((_NCHUNK - 2) * _CH, _CH)]], add=True)
    _gwait(_NCHUNK - 1, rows_a, sem_a0, sem_a1)
    pltpu.sync_copy(rows_a, acc_sh.at[dst_v.at[pl.ds((_NCHUNK - 1) * _CH, _CH)]], add=True)
    plsc.subcore_barrier()
    pltpu.sync_copy(acc_sh.at[pl.ds(s * _RPT, _RPT)],
                    out_hbm.at[pl.ds(c * _NP + s * _RPT, _RPT)])



def _tc_inproj(x, w_in, b_in):

    def body(x_r, w_r, b_r, h0_r):
        h0_r[...] = jnp.dot(
            x_r[...], w_r[...], preferred_element_type=jnp.float32) + b_r[...]

    return pl.pallas_call(
        body,
        grid=(_GRID,),
        in_specs=[
            pl.BlockSpec((_BM, _D), lambda i: (i, 0)),
            pl.BlockSpec((_D, _D), lambda i: (0, 0)),
            pl.BlockSpec((1, _D), lambda i: (0, 0)),
        ],
        out_specs=pl.BlockSpec((_BM, _D), lambda i: (i, 0)),
        out_shape=jax.ShapeDtypeStruct((_NP, _D), jnp.float32),
    )(x, w_in, b_in)


def _tc_scale(h0, degp2):

    def body(h0_r, d0_r, d1_r, hp_r, dinv_r):
        dinv = lax.rsqrt(d0_r[...] + d1_r[...] + 1.0)
        hp_r[...] = dinv * h0_r[...]
        dinv_r[...] = dinv

    return pl.pallas_call(
        body,
        grid=(_GRID,),
        in_specs=[
            pl.BlockSpec((_BM, _D), lambda i: (i, 0)),
            pl.BlockSpec((_BM, 1), lambda i: (i, 0)),
            pl.BlockSpec((_BM, 1), lambda i: (i + _GRID, 0)),
        ],
        out_specs=[
            pl.BlockSpec((_BM, _D), lambda i: (i, 0)),
            pl.BlockSpec((_BM, 1), lambda i: (i, 0)),
        ],
        out_shape=[
            jax.ShapeDtypeStruct((_NP, _D), jnp.float32),
            jax.ShapeDtypeStruct((_NP, 1), jnp.float32),
        ],
    )(h0, degp2, degp2)


def _tc_layer(p3, hp, h0, dinv, w, beta):

    def body(p0_r, p1_r, hp_r, h0_r, dinv_r, w_r, hpn_r):
        agg = dinv_r[...] * (p0_r[0] + p1_r[0] + hp_r[...])
        sres = (1.0 - _ALPHA) * agg + _ALPHA * h0_r[...]
        t = (1.0 - beta) * sres + beta * jnp.dot(
            sres, w_r[...], preferred_element_type=jnp.float32)
        hpn_r[...] = dinv_r[...] * jnp.maximum(t, 0.0)

    return pl.pallas_call(
        body,
        grid=(_GRID,),
        in_specs=[
            pl.BlockSpec((1, _BM, _D), lambda i: (0, i, 0)),
            pl.BlockSpec((1, _BM, _D), lambda i: (1, i, 0)),
            pl.BlockSpec((_BM, _D), lambda i: (i, 0)),
            pl.BlockSpec((_BM, _D), lambda i: (i, 0)),
            pl.BlockSpec((_BM, 1), lambda i: (i, 0)),
            pl.BlockSpec((_D, _D), lambda i: (0, 0)),
        ],
        out_specs=pl.BlockSpec((_BM, _D), lambda i: (i, 0)),
        out_shape=jax.ShapeDtypeStruct((_NP, _D), jnp.float32),
    )(p3, p3, hp, h0, dinv, w)


_BMF = 1000


def _tc_final(p3, hp, h0, dinv, w, beta, w_out, b_out):

    def body(p0_r, p1_r, hp_r, h0_r, dinv_r, w_r, wo_r, bo_r, out_r):
        agg = dinv_r[...] * (p0_r[0] + p1_r[0] + hp_r[...])
        sres = (1.0 - _ALPHA) * agg + _ALPHA * h0_r[...]
        t = (1.0 - beta) * sres + beta * jnp.dot(
            sres, w_r[...], preferred_element_type=jnp.float32)
        h = jnp.maximum(t, 0.0)
        out_r[...] = jnp.dot(
            h, wo_r[...], preferred_element_type=jnp.float32) + bo_r[...]

    return pl.pallas_call(
        body,
        grid=(_N // _BMF,),
        in_specs=[
            pl.BlockSpec((1, _BMF, _D), lambda i: (0, i, 0)),
            pl.BlockSpec((1, _BMF, _D), lambda i: (1, i, 0)),
            pl.BlockSpec((_BMF, _D), lambda i: (i, 0)),
            pl.BlockSpec((_BMF, _D), lambda i: (i, 0)),
            pl.BlockSpec((_BMF, 1), lambda i: (i, 0)),
            pl.BlockSpec((_D, _D), lambda i: (0, 0)),
            pl.BlockSpec((_D, _D), lambda i: (0, 0)),
            pl.BlockSpec((1, _D), lambda i: (0, 0)),
        ],
        out_specs=pl.BlockSpec((_BMF, _D), lambda i: (i, 0)),
        out_shape=jax.ShapeDtypeStruct((_N, _D), jnp.float32),
    )(p3, p3, hp, h0, dinv, w, w_out, b_out)



def kernel(x, edge_index, edge_weight, W_in, b_in, conv_ws, W_out, b_out):
    del edge_weight
    src = edge_index[0]
    dst = edge_index[1]

    degp2 = _sc_degree(dst).reshape(_NC * _NP, 1)
    h0 = _tc_inproj(x, W_in, b_in.reshape(1, _D))
    hp, dinv = _tc_scale(h0, degp2)

    for i in range(_L - 1):
        beta = float(np.log(_THETA / (i + 1) + 1.0))
        p3 = _sc_scatter(hp, src, dst).reshape(_NC, _NP, _D)
        hp = _tc_layer(p3, hp, h0, dinv, conv_ws[i], beta)

    beta = float(np.log(_THETA / _L + 1.0))
    p3 = _sc_scatter(hp, src, dst).reshape(_NC, _NP, _D)
    return _tc_final(p3, hp, h0, dinv, conv_ws[_L - 1], beta, W_out,
                     b_out.reshape(1, _D))

# --- scband reference (transcript-rebuilt; emitter-appended) ---
"""Pipeline reference for scband-gcn2-net-80479097193052 (READ-ONLY COPY).

The authoritative reference and input builder live on the scoring server;
editing this copy changes nothing except your own understanding.
"""

import jax, jax.numpy as jnp
import numpy as np

N = 10000
E = 320000
D_IN = 128
D_H = 128
D_OUT = 128
L = 4
ALPHA = 0.1
THETA = 0.5


def setup_inputs(seed: int = 0):
    key = jax.random.key(seed)
    ks = jax.random.split(key, 7 + L)
    x = jax.random.normal(ks[0], (N, D_IN), dtype=jnp.float32)
    edge_index = jax.random.randint(ks[1], (2, E), 0, N, dtype=jnp.int32)
    edge_weight = jax.random.uniform(ks[2], (E,), dtype=jnp.float32)
    s_in = 1.0 / np.sqrt(D_IN)
    W_in = jax.random.uniform(ks[3], (D_IN, D_H), minval=-s_in, maxval=s_in, dtype=jnp.float32)
    b_in = jax.random.uniform(ks[4], (D_H,), minval=-s_in, maxval=s_in, dtype=jnp.float32)
    # GCN2Conv weight1: glorot init, shape [channels, channels]
    conv_ws = [jax.random.normal(ks[5 + i], (D_H, D_H), dtype=jnp.float32) * np.sqrt(2.0 / (D_H + D_H)) for i in range(L)]
    s_h = 1.0 / np.sqrt(D_H)
    W_out = jax.random.uniform(ks[5 + L], (D_H, D_OUT), minval=-s_h, maxval=s_h, dtype=jnp.float32)
    b_out = jax.random.uniform(ks[6 + L], (D_OUT,), minval=-s_h, maxval=s_h, dtype=jnp.float32)
    return {"x": x, "edge_index": edge_index, "edge_weight": edge_weight,
            "W_in": W_in, "b_in": b_in, "conv_ws": conv_ws,
            "W_out": W_out, "b_out": b_out}


def _gcn_norm(edge_index, num_nodes):
    # add self loops with weight 1.0, then symmetric normalization
    loop = jnp.arange(num_nodes, dtype=edge_index.dtype)
    src = jnp.concatenate([edge_index[0], loop])
    dst = jnp.concatenate([edge_index[1], loop])
    ew = jnp.ones(src.shape[0], dtype=jnp.float32)
    deg = jnp.zeros((num_nodes,), dtype=jnp.float32).at[dst].add(ew)
    dinv = jnp.where(deg > 0, jax.lax.rsqrt(jnp.maximum(deg, 1e-12)), 0.0)
    norm = dinv[src] * ew * dinv[dst]
    return src, dst, norm


def _gcn2_layer(h, h0, src, dst, norm, W, alpha, beta):
    # propagate: out[i] = sum_{e: dst[e]==i} norm[e] * h[src[e]]
    agg = jnp.zeros_like(h).at[dst].add(norm[:, None] * h[src])
    s = agg * (1.0 - alpha) + alpha * h0
    # shared_weights=True branch: (1-beta)*s + beta*(s @ W)
    return (1.0 - beta) * s + beta * (s @ W)


def reference(x, edge_index, edge_weight, W_in, b_in, conv_ws, W_out, b_out):
    # edge_weight is accepted but unused, faithful to the torch module's forward
    src, dst, norm = _gcn_norm(edge_index, N)
    h0 = x @ W_in + b_in
    h = h0
    for i in range(L):
        beta = float(np.log(THETA / (i + 1) + 1.0))
        h = _gcn2_layer(h, h0, src, dst, norm, conv_ws[i], ALPHA, beta)
        h = jax.nn.relu(h)
        # dropout p=0.0 -> identity
    return h @ W_out + b_out

if __name__ == "__main__":
    import jax
    _d = setup_inputs()
    print(jax.jit(kernel)(*tuple(_d.values())))

</pallas_src>

<mosaic_0001>
#map = affine_map<(d0, d1) -> (0)>
module attributes {stable_mosaic.version = 14 : i64} {
  func.func @_sc_degree(%arg0: i32, %arg1: i32, %arg2: memref<320000xi32, #tpu.memory_space<hbm>>, %arg3: memref<20480xf32, #tpu.memory_space<hbm>>, %arg4: memref<10000xi32, #tpu.memory_space<vmem>>, %arg5: memref<80xf32, #tpu.memory_space<vmem>>, %arg6: memref<640xf32, #tpu.memory_space<vmem>>, %arg7: memref<10240xf32, #tpu.memory_space<vmem_shared>>) attributes {dimension_semantics = [#tpu.dimension_semantics<core_parallel>, #tpu.dimension_semantics<subcore_parallel>], iteration_bounds = array<i64: 2, 16>, scalar_prefetch = 0 : i64, scratch_operands = 4 : i64, tpu.core_type = #tpu.core_type<sc_vector_subcore>, window_params = [{transform_indices = #map}, {transform_indices = #map}]} {
    %mul3A = arith.constant 16 : i32
    %mul3A_0 = arith.muli %arg0, %mul3A : i32
    %add3A = arith.addi %mul3A_0, %arg1 : i32
    %scan3A = arith.constant 0 : i32
    %scan3A_1 = arith.constant 0 : i32
    %scan3A_2 = arith.constant 5 : i32
    %scan3A_3 = arith.addi %scan3A_1, %scan3A_2 : i32
    %scan3A_4 = arith.constant 1 : i32
    scf.for %scan3A_30 = %scan3A_1 to %scan3A_3 step %scan3A_4  : i32 {
      %broadcast_in_dim3A = arith.constant 1.000000e+00 : f32
      %broadcast_in_dim3A_31 = vector.broadcast %broadcast_in_dim3A : f32 to vector<16xf32>
      %mul3A_32 = arith.constant 16 : i32
      %mul3A_33 = arith.muli %scan3A_30, %mul3A_32 : i32
      %swap3A = arith.index_cast %mul3A_33 : i32 to index
      %swap3A_34 = tpu.vector_load %arg5[%swap3A] {strides = array<i32>} : memref<80xf32, #tpu.memory_space<vmem>>, vector<16xf32>,
      %swap3A_35 = vector.shape_cast %swap3A_34 : vector<16xf32> to vector<16xf32>
      %swap3A_36 = vector.shape_cast %broadcast_in_dim3A_31 : vector<16xf32> to vector<16xf32>
      tpu.vector_store %arg5[%swap3A], %swap3A_36 {strides = array<i32>} : memref<80xf32, #tpu.memory_space<vmem>>, vector<16xf32>,
    }
    %scan3A_5 = arith.constant 5 : i32
    %scan3A_6 = arith.constant 0 : i32
    %scan3A_7 = arith.constant 0 : i32
    %scan3A_8 = arith.constant 40 : i32
    %scan3A_9 = arith.addi %scan3A_7, %scan3A_8 : i32
    %scan3A_10 = arith.constant 1 : i32
    scf.for %scan3A_30 = %scan3A_7 to %scan3A_9 step %scan3A_10  : i32 {
      %broadcast_in_dim3A = arith.constant 0.000000e+00 : f32
      %broadcast_in_dim3A_31 = vector.broadcast %broadcast_in_dim3A : f32 to vector<16xf32>
      %mul3A_32 = arith.constant 16 : i32
      %mul3A_33 = arith.muli %scan3A_30, %mul3A_32 : i32
      %swap3A = arith.index_cast %mul3A_33 : i32 to index
      %swap3A_34 = tpu.vector_load %arg6[%swap3A] {strides = array<i32>} : memref<640xf32, #tpu.memory_space<vmem>>, vector<16xf32>,
      %swap3A_35 = vector.shape_cast %swap3A_34 : vector<16xf32> to vector<16xf32>
      %swap3A_36 = vector.shape_cast %broadcast_in_dim3A_31 : vector<16xf32> to vector<16xf32>
      tpu.vector_store %arg6[%swap3A], %swap3A_36 {strides = array<i32>} : memref<640xf32, #tpu.memory_space<vmem>>, vector<16xf32>,
    }
    %scan3A_11 = arith.constant 40 : i32
    %mul3A_12 = arith.constant 640 : i32
    %mul3A_13 = arith.muli %arg1, %mul3A_12 : i32
    "tpu.region"() ({
      %run_scoped3A = tpu.sem_alloc : memref<!tpu.dma_semaphore, #tpu.memory_space<semaphore_mem>>
      %dma_start3A = tpu.memref_slice %arg7[%mul3A_13] : memref<10240xf32, #tpu.memory_space<vmem_shared>> -> memref<640xf32, #tpu.memory_space<vmem_shared>>
      %dma_start3A_30 = tpu.memref_slice %arg7[%mul3A_13] : memref<10240xf32, #tpu.memory_space<vmem_shared>> -> memref<640xf32, #tpu.memory_space<vmem_shared>>
      tpu.enqueue_dma source(%arg6 : memref<640xf32, #tpu.memory_space<vmem>>) target(%dma_start3A_30 : memref<640xf32, #tpu.memory_space<vmem_shared>>) target_semaphore(%run_scoped3A : memref<!tpu.dma_semaphore, #tpu.memory_space<semaphore_mem>>)
      %dma_wait3A = tpu.memref_slice %arg7[%mul3A_13] : memref<10240xf32, #tpu.memory_space<vmem_shared>> -> memref<640xf32, #tpu.memory_space<vmem_shared>>
      %dma_wait3A_31 = tpu.memref_slice %arg7[%mul3A_13] : memref<10240xf32, #tpu.memory_space<vmem_shared>> -> memref<640xf32, #tpu.memory_space<vmem_shared>>
      tpu.wait_dma2 semaphore(%run_scoped3A : memref<!tpu.dma_semaphore, #tpu.memory_space<semaphore_mem>>) src(%arg6 : memref<640xf32, #tpu.memory_space<vmem>>) dst(%dma_wait3A_31 : memref<640xf32, #tpu.memory_space<vmem_shared>>)
      tpu.yield
    }) : () -> ()
    %mul3A_14 = arith.constant 10000 : i32
    %mul3A_15 = arith.muli %add3A, %mul3A_14 : i32
    "tpu.region"() ({
      %run_scoped3A = tpu.sem_alloc : memref<!tpu.dma_semaphore, #tpu.memory_space<semaphore_mem>>
      %dma_start3A = tpu.memref_slice %arg2[%mul3A_15] : memref<320000xi32, #tpu.memory_space<hbm>> -> memref<10000xi32, #tpu.memory_space<hbm>>
      %dma_start3A_30 = tpu.memref_slice %arg2[%mul3A_15] : memref<320000xi32, #tpu.memory_space<hbm>> -> memref<10000xi32, #tpu.memory_space<hbm>>
      tpu.enqueue_dma source(%dma_start3A_30 : memref<10000xi32, #tpu.memory_space<hbm>>) target(%arg4 : memref<10000xi32, #tpu.memory_space<vmem>>) target_semaphore(%run_scoped3A : memref<!tpu.dma_semaphore, #tpu.memory_space<semaphore_mem>>)
      %dma_wait3A = tpu.memref_slice %arg2[%mul3A_15] : memref<320000xi32, #tpu.memory_space<hbm>> -> memref<10000xi32, #tpu.memory_space<hbm>>
      %dma_wait3A_31 = tpu.memref_slice %arg2[%mul3A_15] : memref<320000xi32, #tpu.memory_space<hbm>> -> memref<10000xi32, #tpu.memory_space<hbm>>
      tpu.wait_dma2 semaphore(%run_scoped3A : memref<!tpu.dma_semaphore, #tpu.memory_space<semaphore_mem>>) src(%dma_wait3A_31 : memref<10000xi32, #tpu.memory_space<hbm>>) dst(%arg4 : memref<10000xi32, #tpu.memory_space<vmem>>)
      tpu.yield
    }) : () -> ()
    %barrier3A = arith.constant 0 : index
    tpu.barrier barrier_id(%barrier3A)
    %scan3A_16 = arith.constant 0 : i32
    %scan3A_17 = arith.constant 0 : i32
    %scan3A_18 = arith.constant 125 : i32
    %scan3A_19 = arith.addi %scan3A_17, %scan3A_18 : i32
    %scan3A_20 = arith.constant 1 : i32
    scf.for %scan3A_30 = %scan3A_17 to %scan3A_19 step %scan3A_20  : i32 {
      %mul3A_31 = arith.constant 80 : i32
      %mul3A_32 = arith.muli %scan3A_30, %mul3A_31 : i32
      "tpu.region"() ({
        %run_scoped3A = tpu.sem_alloc : memref<!tpu.dma_semaphore, #tpu.memory_space<semaphore_mem>>
        %dma_start3A = tpu.memref_slice %arg4[%mul3A_32] : memref<10000xi32, #tpu.memory_space<vmem>> -> memref<80xi32, #tpu.memory_space<vmem>>
        %dma_start3A_33 = arith.constant 0 : i32
        %dma_start3A_34 = tpu.memref_slice %arg7[%dma_start3A_33] : memref<10240xf32, #tpu.memory_space<vmem_shared>> -> memref<10240xf32, #tpu.memory_space<vmem_shared>>
        tpu.enqueue_indirect_dma source(%arg5 : memref<80xf32, #tpu.memory_space<vmem>>) target(%dma_start3A_34 : memref<10240xf32, #tpu.memory_space<vmem_shared>>) offsets(%dma_start3A : memref<80xi32, #tpu.memory_space<vmem>>) semaphore(%run_scoped3A : memref<!tpu.dma_semaphore, #tpu.memory_space<semaphore_mem>>) {add = true}
        %dma_wait3A = tpu.memref_slice %arg4[%mul3A_32] : memref<10000xi32, #tpu.memory_space<vmem>> -> memref<80xi32, #tpu.memory_space<vmem>>
        %dma_wait3A_35 = arith.constant 0 : i32
        %dma_wait3A_36 = tpu.memref_slice %arg7[%dma_wait3A_35] : memref<10240xf32, #tpu.memory_space<vmem_shared>> -> memref<10240xf32, #tpu.memory_space<vmem_shared>>
        tpu.wait_indirect_dma semaphore(%run_scoped3A : memref<!tpu.dma_semaphore, #tpu.memory_space<semaphore_mem>>) src(%arg5 : memref<80xf32, #tpu.memory_space<vmem>>) dst(%dma_wait3A_36 : memref<10240xf32, #tpu.memory_space<vmem_shared>>)
        tpu.yield
      }) : () -> ()
    }
    %scan3A_21 = arith.constant 125 : i32
    %barrier3A_22 = arith.constant 0 : index
    tpu.barrier barrier_id(%barrier3A_22)
    %mul3A_23 = arith.constant 640 : i32
    %mul3A_24 = arith.muli %arg1, %mul3A_23 : i32
    %mul3A_25 = arith.constant 10240 : i32
    %mul3A_26 = arith.muli %arg0, %mul3A_25 : i32
    %mul3A_27 = arith.constant 640 : i32
    %mul3A_28 = arith.muli %arg1, %mul3A_27 : i32
    %add3A_29 = arith.addi %mul3A_26, %mul3A_28 : i32
    "tpu.region"() ({
      %run_scoped3A = tpu.sem_alloc : memref<!tpu.dma_semaphore, #tpu.memory_space<semaphore_mem>>
      %dma_start3A = tpu.memref_slice %arg3[%add3A_29] : memref<20480xf32, #tpu.memory_space<hbm>> -> memref<640xf32, #tpu.memory_space<hbm>>
      %dma_start3A_30 = tpu.memref_slice %arg7[%mul3A_24] : memref<10240xf32, #tpu.memory_space<vmem_shared>> -> memref<640xf32, #tpu.memory_space<vmem_shared>>
      tpu.enqueue_dma source(%dma_start3A_30 : memref<640xf32, #tpu.memory_space<vmem_shared>>) target(%dma_start3A : memref<640xf32, #tpu.memory_space<hbm>>) target_semaphore(%run_scoped3A : memref<!tpu.dma_semaphore, #tpu.memory_space<semaphore_mem>>)
      %dma_wait3A = tpu.memref_slice %arg3[%add3A_29] : memref<20480xf32, #tpu.memory_space<hbm>> -> memref<640xf32, #tpu.memory_space<hbm>>
      %dma_wait3A_31 = tpu.memref_slice %arg7[%mul3A_24] : memref<10240xf32, #tpu.memory_space<vmem_shared>> -> memref<640xf32, #tpu.memory_space<vmem_shared>>
      tpu.wait_dma2 semaphore(%run_scoped3A : memref<!tpu.dma_semaphore, #tpu.memory_space<semaphore_mem>>) src(%dma_wait3A_31 : memref<640xf32, #tpu.memory_space<vmem_shared>>) dst(%dma_wait3A : memref<640xf32, #tpu.memory_space<hbm>>)
      tpu.yield
    }) : () -> ()
    return
  }
}

#map = affine_map<(d0, d1) -> (0, 0)>
#map1 = affine_map<(d0, d1) -> (0)>
module attributes {stable_mosaic.version = 14 : i64} {
  func.func @_sc_scatter(%arg0: i32, %arg1: i32, %arg2: memref<10240x128xf32, #tpu.memory_space<hbm>>, %arg3: memref<320000xi32, #tpu.memory_space<hbm>>, %arg4: memref<320000xi32, #tpu.memory_space<hbm>>, %arg5: memref<20480x128xf32, #tpu.memory_space<hbm>>, %arg6: memref<10000xi32, #tpu.memory_space<vmem>>, %arg7: memref<10000xi32, #tpu.memory_space<vmem>>, %arg8: memref<80x128xf32, #tpu.memory_space<vmem>>, %arg9: memref<80x128xf32, #tpu.memory_space<vmem>>, %arg10: memref<10240x128xf32, #tpu.memory_space<vmem_shared>>, %arg11: memref<!tpu.dma_semaphore, #tpu.memory_space<semaphore_mem>>, %arg12: memref<!tpu.dma_semaphore, #tpu.memory_space<semaphore_mem>>, %arg13: memref<!tpu.dma_semaphore, #tpu.memory_space<semaphore_mem>>, %arg14: memref<!tpu.dma_semaphore, #tpu.memory_space<semaphore_mem>>) attributes {dimension_semantics = [#tpu.dimension_semantics<core_parallel>, #tpu.dimension_semantics<subcore_parallel>], iteration_bounds = array<i64: 2, 16>, scalar_prefetch = 0 : i64, scratch_operands = 9 : i64, tpu.core_type = #tpu.core_type<sc_vector_subcore>, window_params = [{transform_indices = #map}, {transform_indices = #map1}, {transform_indices = #map1}, {transform_indices = #map}]} {
    %mul3A = arith.constant 16 : i32
    %mul3A_0 = arith.muli %arg0, %mul3A : i32
    %add3A = arith.addi %mul3A_0, %arg1 : i32
    %scan3A = arith.constant 0 : i32
    %scan3A_1 = arith.constant 0 : i32
    %scan3A_2 = arith.constant 80 : i32
    %scan3A_3 = arith.addi %scan3A_1, %scan3A_2 : i32
    %scan3A_4 = arith.constant 1 : i32
    scf.for %scan3A_124 = %scan3A_1 to %scan3A_3 step %scan3A_4  : i32 {
      %scan3A_125 = arith.constant 0 : i32
      %scan3A_126 = arith.constant 8 : i32
      %scan3A_127 = arith.addi %scan3A_125, %scan3A_126 : i32
      %scan3A_128 = arith.constant 1 : i32
      scf.for %scan3A_130 = %scan3A_125 to %scan3A_127 step %scan3A_128  : i32 {
        %broadcast_in_dim3A = arith.constant 0.000000e+00 : f32
        %broadcast_in_dim3A_131 = vector.broadcast %broadcast_in_dim3A : f32 to vector<16xf32>
        %mul3A_132 = arith.constant 16 : i32
        %mul3A_133 = arith.muli %scan3A_130, %mul3A_132 : i32
        %swap3A = arith.index_cast %scan3A_124 : i32 to index
        %swap3A_134 = arith.index_cast %mul3A_133 : i32 to index
        %swap3A_135 = tpu.vector_load %arg8[%swap3A, %swap3A_134] {strides = array<i32>} : memref<80x128xf32, #tpu.memory_space<vmem>>, vector<1x16xf32>,
        %swap3A_136 = vector.shape_cast %swap3A_135 : vector<1x16xf32> to vector<16xf32>
        %swap3A_137 = vector.shape_cast %broadcast_in_dim3A_131 : vector<16xf32> to vector<1x16xf32>
        tpu.vector_store %arg8[%swap3A, %swap3A_134], %swap3A_137 {strides = array<i32>} : memref<80x128xf32, #tpu.memory_space<vmem>>, vector<1x16xf32>,
      }
      %scan3A_129 = arith.constant 8 : i32
    }
    %scan3A_5 = arith.constant 80 : i32
    %scan3A_6 = arith.constant 0 : i32
    %scan3A_7 = arith.constant 0 : i32
    %scan3A_8 = arith.constant 8 : i32
    %scan3A_9 = arith.addi %scan3A_7, %scan3A_8 : i32
    %scan3A_10 = arith.constant 1 : i32
    scf.for %scan3A_124 = %scan3A_7 to %scan3A_9 step %scan3A_10  : i32 {
      %mul3A_125 = arith.constant 640 : i32
      %mul3A_126 = arith.muli %arg1, %mul3A_125 : i32
      %mul3A_127 = arith.constant 80 : i32
      %mul3A_128 = arith.muli %scan3A_124, %mul3A_127 : i32
      %add3A_129 = arith.addi %mul3A_126, %mul3A_128 : i32
      "tpu.region"() ({
        %run_scoped3A = tpu.sem_alloc : memref<!tpu.dma_semaphore, #tpu.memory_space<semaphore_mem>>
        %dma_start3A_130 = arith.constant 0 : i32
        %dma_start3A_131 = tpu.memref_slice %arg10[%add3A_129, %dma_start3A_130] : memref<10240x128xf32, #tpu.memory_space<vmem_shared>> -> memref<80x128xf32, #tpu.memory_space<vmem_shared>>
        %dma_start3A_132 = arith.constant 0 : i32
        %dma_start3A_133 = tpu.memref_slice %arg10[%add3A_129, %dma_start3A_132] : memref<10240x128xf32, #tpu.memory_space<vmem_shared>> -> memref<80x128xf32, #tpu.memory_space<vmem_shared>>
        tpu.enqueue_dma source(%arg8 : memref<80x128xf32, #tpu.memory_space<vmem>>) target(%dma_start3A_133 : memref<80x128xf32, #tpu.memory_space<vmem_shared>>) target_semaphore(%run_scoped3A : memref<!tpu.dma_semaphore, #tpu.memory_space<semaphore_mem>>)
        %dma_wait3A_134 = arith.constant 0 : i32
        %dma_wait3A_135 = tpu.memref_slice %arg10[%add3A_129, %dma_wait3A_134] : memref<10240x128xf32, #tpu.memory_space<vmem_shared>> -> memref<80x128xf32, #tpu.memory_space<vmem_shared>>
        %dma_wait3A_136 = arith.constant 0 : i32
        %dma_wait3A_137 = tpu.memref_slice %arg10[%add3A_129, %dma_wait3A_136] : memref<10240x128xf32, #tpu.memory_space<vmem_shared>> -> memref<80x128xf32, #tpu.memory_space<vmem_shared>>
        tpu.wait_dma2 semaphore(%run_scoped3A : memref<!tpu.dma_semaphore, #tpu.memory_space<semaphore_mem>>) src(%arg8 : memref<80x128xf32, #tpu.memory_space<vmem>>) dst(%dma_wait3A_137 : memref<80x128xf32, #tpu.memory_space<vmem_shared>>)
        tpu.yield
      }) : () -> ()
    }
    %scan3A_11 = arith.constant 8 : i32
    %mul3A_12 = arith.constant 10000 : i32
    %mul3A_13 = arith.muli %add3A, %mul3A_12 : i32
    "tpu.region"() ({
      %run_scoped3A = tpu.sem_alloc : memref<!tpu.dma_semaphore, #tpu.memory_space<semaphore_mem>>
      %dma_start3A_124 = tpu.memref_slice %arg3[%mul3A_13] : memref<320000xi32, #tpu.memory_space<hbm>> -> memref<10000xi32, #tpu.memory_space<hbm>>
      %dma_start3A_125 = tpu.memref_slice %arg3[%mul3A_13] : memref<320000xi32, #tpu.memory_space<hbm>> -> memref<10000xi32, #tpu.memory_space<hbm>>
      tpu.enqueue_dma source(%dma_start3A_125 : memref<10000xi32, #tpu.memory_space<hbm>>) target(%arg6 : memref<10000xi32, #tpu.memory_space<vmem>>) target_semaphore(%run_scoped3A : memref<!tpu.dma_semaphore, #tpu.memory_space<semaphore_mem>>)
      %dma_wait3A_126 = tpu.memref_slice %arg3[%mul3A_13] : memref<320000xi32, #tpu.memory_space<hbm>> -> memref<10000xi32, #tpu.memory_space<hbm>>
      %dma_wait3A_127 = tpu.memref_slice %arg3[%mul3A_13] : memref<320000xi32, #tpu.memory_space<hbm>> -> memref<10000xi32, #tpu.memory_space<hbm>>
      tpu.wait_dma2 semaphore(%run_scoped3A : memref<!tpu.dma_semaphore, #tpu.memory_space<semaphore_mem>>) src(%dma_wait3A_127 : memref<10000xi32, #tpu.memory_space<hbm>>) dst(%arg6 : memref<10000xi32, #tpu.memory_space<vmem>>)
      tpu.yield
    }) : () -> ()
    %mul3A_14 = arith.constant 10000 : i32
    %mul3A_15 = arith.muli %add3A, %mul3A_14 : i32
    "tpu.region"() ({
      %run_scoped3A = tpu.sem_alloc : memref<!tpu.dma_semaphore, #tpu.memory_space<semaphore_mem>>
      %dma_start3A_124 = tpu.memref_slice %arg4[%mul3A_15] : memref<320000xi32, #tpu.memory_space<hbm>> -> memref<10000xi32, #tpu.memory_space<hbm>>
      %dma_start3A_125 = tpu.memref_slice %arg4[%mul3A_15] : memref<320000xi32, #tpu.memory_space<hbm>> -> memref<10000xi32, #tpu.memory_space<hbm>>
      tpu.enqueue_dma source(%dma_start3A_125 : memref<10000xi32, #tpu.memory_space<hbm>>) target(%arg7 : memref<10000xi32, #tpu.memory_space<vmem>>) target_semaphore(%run_scoped3A : memref<!tpu.dma_semaphore, #tpu.memory_space<semaphore_mem>>)
      %dma_wait3A_126 = tpu.memref_slice %arg4[%mul3A_15] : memref<320000xi32, #tpu.memory_space<hbm>> -> memref<10000xi32, #tpu.memory_space<hbm>>
      %dma_wait3A_127 = tpu.memref_slice %arg4[%mul3A_15] : memref<320000xi32, #tpu.memory_space<hbm>> -> memref<10000xi32, #tpu.memory_space<hbm>>
      tpu.wait_dma2 semaphore(%run_scoped3A : memref<!tpu.dma_semaphore, #tpu.memory_space<semaphore_mem>>) src(%dma_wait3A_127 : memref<10000xi32, #tpu.memory_space<hbm>>) dst(%arg7 : memref<10000xi32, #tpu.memory_space<vmem>>)
      tpu.yield
    }) : () -> ()
    %barrier3A = arith.constant 0 : index
    tpu.barrier barrier_id(%barrier3A)
    %dma_start3A = arith.constant 0 : i32
    %dma_start3A_16 = arith.constant 0 : i32
    %dma_start3A_17 = tpu.memref_slice %arg8[%dma_start3A, %dma_start3A_16] : memref<80x128xf32, #tpu.memory_space<vmem>> -> memref<40x128xf32, #tpu.memory_space<vmem>>
    %dma_start3A_18 = arith.constant 0 : i32
    %dma_start3A_19 = tpu.memref_slice %arg6[%dma_start3A_18] : memref<10000xi32, #tpu.memory_space<vmem>> -> memref<40xi32, #tpu.memory_space<vmem>>
    %dma_start3A_20 = arith.constant 0 : i32
    %dma_start3A_21 = arith.constant 0 : i32
    %dma_start3A_22 = tpu.memref_slice %arg2[%dma_start3A_20, %dma_start3A_21] : memref<10240x128xf32, #tpu.memory_space<hbm>> -> memref<10240x128xf32, #tpu.memory_space<hbm>>
    tpu.enqueue_indirect_dma source(%dma_start3A_22 : memref<10240x128xf32, #tpu.memory_space<hbm>>) target(%dma_start3A_17 : memref<40x128xf32, #tpu.memory_space<vmem>>) offsets(%dma_start3A_19 : memref<40xi32, #tpu.memory_space<vmem>>) semaphore(%arg11 : memref<!tpu.dma_semaphore, #tpu.memory_space<semaphore_mem>>)
    %dma_start3A_23 = arith.constant 40 : i32
    %dma_start3A_24 = arith.constant 0 : i32
    %dma_start3A_25 = tpu.memref_slice %arg8[%dma_start3A_23, %dma_start3A_24] : memref<80x128xf32, #tpu.memory_space<vmem>> -> memref<40x128xf32, #tpu.memory_space<vmem>>
    %dma_start3A_26 = arith.constant 40 : i32
    %dma_start3A_27 = tpu.memref_slice %arg6[%dma_start3A_26] : memref<10000xi32, #tpu.memory_space<vmem>> -> memref<40xi32, #tpu.memory_space<vmem>>
    %dma_start3A_28 = arith.constant 0 : i32
    %dma_start3A_29 = arith.constant 0 : i32
    %dma_start3A_30 = tpu.memref_slice %arg2[%dma_start3A_28, %dma_start3A_29] : memref<10240x128xf32, #tpu.memory_space<hbm>> -> memref<10240x128xf32, #tpu.memory_space<hbm>>
    tpu.enqueue_indirect_dma source(%dma_start3A_30 : memref<10240x128xf32, #tpu.memory_space<hbm>>) target(%dma_start3A_25 : memref<40x128xf32, #tpu.memory_space<vmem>>) offsets(%dma_start3A_27 : memref<40xi32, #tpu.memory_space<vmem>>) semaphore(%arg12 : memref<!tpu.dma_semaphore, #tpu.memory_space<semaphore_mem>>)
    %dma_start3A_31 = arith.constant 0 : i32
    %dma_start3A_32 = arith.constant 0 : i32
    %dma_start3A_33 = tpu.memref_slice %arg9[%dma_start3A_31, %dma_start3A_32] : memref<80x128xf32, #tpu.memory_space<vmem>> -> memref<40x128xf32, #tpu.memory_space<vmem>>
    %dma_start3A_34 = arith.constant 80 : i32
    %dma_start3A_35 = tpu.memref_slice %arg6[%dma_start3A_34] : memref<10000xi32, #tpu.memory_space<vmem>> -> memref<40xi32, #tpu.memory_space<vmem>>
    %dma_start3A_36 = arith.constant 0 : i32
    %dma_start3A_37 = arith.constant 0 : i32
    %dma_start3A_38 = tpu.memref_slice %arg2[%dma_start3A_36, %dma_start3A_37] : memref<10240x128xf32, #tpu.memory_space<hbm>> -> memref<10240x128xf32, #tpu.memory_space<hbm>>
    tpu.enqueue_indirect_dma source(%dma_start3A_38 : memref<10240x128xf32, #tpu.memory_space<hbm>>) target(%dma_start3A_33 : memref<40x128xf32, #tpu.memory_space<vmem>>) offsets(%dma_start3A_35 : memref<40xi32, #tpu.memory_space<vmem>>) semaphore(%arg13 : memref<!tpu.dma_semaphore, #tpu.memory_space<semaphore_mem>>)
    %dma_start3A_39 = arith.constant 40 : i32
    %dma_start3A_40 = arith.constant 0 : i32
    %dma_start3A_41 = tpu.memref_slice %arg9[%dma_start3A_39, %dma_start3A_40] : memref<80x128xf32, #tpu.memory_space<vmem>> -> memref<40x128xf32, #tpu.memory_space<vmem>>
    %dma_start3A_42 = arith.constant 120 : i32
    %dma_start3A_43 = tpu.memref_slice %arg6[%dma_start3A_42] : memref<10000xi32, #tpu.memory_space<vmem>> -> memref<40xi32, #tpu.memory_space<vmem>>
    %dma_start3A_44 = arith.constant 0 : i32
    %dma_start3A_45 = arith.constant 0 : i32
    %dma_start3A_46 = tpu.memref_slice %arg2[%dma_start3A_44, %dma_start3A_45] : memref<10240x128xf32, #tpu.memory_space<hbm>> -> memref<10240x128xf32, #tpu.memory_space<hbm>>
    tpu.enqueue_indirect_dma source(%dma_start3A_46 : memref<10240x128xf32, #tpu.memory_space<hbm>>) target(%dma_start3A_41 : memref<40x128xf32, #tpu.memory_space<vmem>>) offsets(%dma_start3A_43 : memref<40xi32, #tpu.memory_space<vmem>>) semaphore(%arg14 : memref<!tpu.dma_semaphore, #tpu.memory_space<semaphore_mem>>)
    %scan3A_47 = arith.constant 0 : i32
    %scan3A_48 = arith.constant 0 : i32
    %scan3A_49 = arith.constant 61 : i32
    %scan3A_50 = arith.addi %scan3A_48, %scan3A_49 : i32
    %scan3A_51 = arith.constant 1 : i32
    scf.for %scan3A_124 = %scan3A_48 to %scan3A_50 step %scan3A_51  : i32 {
      %mul3A_125 = arith.constant 2 : i32
      %mul3A_126 = arith.muli %mul3A_125, %scan3A_124 : i32
      %mul3A_127 = arith.constant 80 : i32
      %mul3A_128 = arith.muli %mul3A_126, %mul3A_127 : i32
      %dma_wait3A_129 = arith.constant 0 : i32
      %dma_wait3A_130 = arith.constant 0 : i32
      %dma_wait3A_131 = tpu.memref_slice %arg8[%dma_wait3A_129, %dma_wait3A_130] : memref<80x128xf32, #tpu.memory_space<vmem>> -> memref<40x128xf32, #tpu.memory_space<vmem>>
      %dma_wait3A_132 = tpu.memref_slice %arg6[%mul3A_128] : memref<10000xi32, #tpu.memory_space<vmem>> -> memref<40xi32, #tpu.memory_space<vmem>>
      %dma_wait3A_133 = arith.constant 0 : i32
      %dma_wait3A_134 = arith.constant 0 : i32
      %dma_wait3A_135 = tpu.memref_slice %arg2[%dma_wait3A_133, %dma_wait3A_134] : memref<10240x128xf32, #tpu.memory_space<hbm>> -> memref<10240x128xf32, #tpu.memory_space<hbm>>
      tpu.wait_indirect_dma semaphore(%arg11 : memref<!tpu.dma_semaphore, #tpu.memory_space<semaphore_mem>>) src(%dma_wait3A_135 : memref<10240x128xf32, #tpu.memory_space<hbm>>) dst(%dma_wait3A_131 : memref<40x128xf32, #tpu.memory_space<vmem>>)
      %mul3A_136 = arith.constant 80 : i32
      %mul3A_137 = arith.muli %mul3A_126, %mul3A_136 : i32
      %add3A_138 = arith.constant 40 : i32
      %add3A_139 = arith.addi %mul3A_137, %add3A_138 : i32
      %dma_wait3A_140 = arith.constant 40 : i32
      %dma_wait3A_141 = arith.constant 0 : i32
      %dma_wait3A_142 = tpu.memref_slice %arg8[%dma_wait3A_140, %dma_wait3A_141] : memref<80x128xf32, #tpu.memory_space<vmem>> -> memref<40x128xf32, #tpu.memory_space<vmem>>
      %dma_wait3A_143 = tpu.memref_slice %arg6[%add3A_139] : memref<10000xi32, #tpu.memory_space<vmem>> -> memref<40xi32, #tpu.memory_space<vmem>>
      %dma_wait3A_144 = arith.constant 0 : i32
      %dma_wait3A_145 = arith.constant 0 : i32
      %dma_wait3A_146 = tpu.memref_slice %arg2[%dma_wait3A_144, %dma_wait3A_145] : memref<10240x128xf32, #tpu.memory_space<hbm>> -> memref<10240x128xf32, #tpu.memory_space<hbm>>
      tpu.wait_indirect_dma semaphore(%arg12 : memref<!tpu.dma_semaphore, #tpu.memory_space<semaphore_mem>>) src(%dma_wait3A_146 : memref<10240x128xf32, #tpu.memory_space<hbm>>) dst(%dma_wait3A_142 : memref<40x128xf32, #tpu.memory_space<vmem>>)
      %mul3A_147 = arith.constant 80 : i32
      %mul3A_148 = arith.muli %mul3A_126, %mul3A_147 : i32
      "tpu.region"() ({
        %run_scoped3A = tpu.sem_alloc : memref<!tpu.dma_semaphore, #tpu.memory_space<semaphore_mem>>
        %dma_start3A_217 = tpu.memref_slice %arg7[%mul3A_148] : memref<10000xi32, #tpu.memory_space<vmem>> -> memref<80xi32, #tpu.memory_space<vmem>>
        %dma_start3A_218 = arith.constant 0 : i32
        %dma_start3A_219 = arith.constant 0 : i32
        %dma_start3A_220 = tpu.memref_slice %arg10[%dma_start3A_218, %dma_start3A_219] : memref<10240x128xf32, #tpu.memory_space<vmem_shared>> -> memref<10240x128xf32, #tpu.memory_space<vmem_shared>>
        tpu.enqueue_indirect_dma source(%arg8 : memref<80x128xf32, #tpu.memory_space<vmem>>) target(%dma_start3A_220 : memref<10240x128xf32, #tpu.memory_space<vmem_shared>>) offsets(%dma_start3A_217 : memref<80xi32, #tpu.memory_space<vmem>>) semaphore(%run_scoped3A : memref<!tpu.dma_semaphore, #tpu.memory_space<semaphore_mem>>) {add = true}
        %dma_wait3A_221 = tpu.memref_slice %arg7[%mul3A_148] : memref<10000xi32, #tpu.memory_space<vmem>> -> memref<80xi32, #tpu.memory_space<vmem>>
        %dma_wait3A_222 = arith.constant 0 : i32
        %dma_wait3A_223 = arith.constant 0 : i32
        %dma_wait3A_224 = tpu.memref_slice %arg10[%dma_wait3A_222, %dma_wait3A_223] : memref<10240x128xf32, #tpu.memory_space<vmem_shared>> -> memref<10240x128xf32, #tpu.memory_space<vmem_shared>>
        tpu.wait_indirect_dma semaphore(%run_scoped3A : memref<!tpu.dma_semaphore, #tpu.memory_space<semaphore_mem>>) src(%arg8 : memref<80x128xf32, #tpu.memory_space<vmem>>) dst(%dma_wait3A_224 : memref<10240x128xf32, #tpu.memory_space<vmem_shared>>)
        tpu.yield
      }) : () -> ()
      %add3A_149 = arith.constant 2 : i32
      %add3A_150 = arith.addi %mul3A_126, %add3A_149 : i32
      %mul3A_151 = arith.constant 80 : i32
      %mul3A_152 = arith.muli %add3A_150, %mul3A_151 : i32
      %dma_start3A_153 = arith.constant 0 : i32
      %dma_start3A_154 = arith.constant 0 : i32
      %dma_start3A_155 = tpu.memref_slice %arg8[%dma_start3A_153, %dma_start3A_154] : memref<80x128xf32, #tpu.memory_space<vmem>> -> memref<40x128xf32, #tpu.memory_space<vmem>>
      %dma_start3A_156 = tpu.memref_slice %arg6[%mul3A_152] : memref<10000xi32, #tpu.memory_space<vmem>> -> memref<40xi32, #tpu.memory_space<vmem>>
      %dma_start3A_157 = arith.constant 0 : i32
      %dma_start3A_158 = arith.constant 0 : i32
      %dma_start3A_159 = tpu.memref_slice %arg2[%dma_start3A_157, %dma_start3A_158] : memref<10240x128xf32, #tpu.memory_space<hbm>> -> memref<10240x128xf32, #tpu.memory_space<hbm>>
      tpu.enqueue_indirect_dma source(%dma_start3A_159 : memref<10240x128xf32, #tpu.memory_space<hbm>>) target(%dma_start3A_155 : memref<40x128xf32, #tpu.memory_space<vmem>>) offsets(%dma_start3A_156 : memref<40xi32, #tpu.memory_space<vmem>>) semaphore(%arg11 : memref<!tpu.dma_semaphore, #tpu.memory_space<semaphore_mem>>)
      %mul3A_160 = arith.constant 80 : i32
      %mul3A_161 = arith.muli %add3A_150, %mul3A_160 : i32
      %add3A_162 = arith.constant 40 : i32
      %add3A_163 = arith.addi %mul3A_161, %add3A_162 : i32
      %dma_start3A_164 = arith.constant 40 : i32
      %dma_start3A_165 = arith.constant 0 : i32
      %dma_start3A_166 = tpu.memref_slice %arg8[%dma_start3A_164, %dma_start3A_165] : memref<80x128xf32, #tpu.memory_space<vmem>> -> memref<40x128xf32, #tpu.memory_space<vmem>>
      %dma_start3A_167 = tpu.memref_slice %arg6[%add3A_163] : memref<10000xi32, #tpu.memory_space<vmem>> -> memref<40xi32, #tpu.memory_space<vmem>>
      %dma_start3A_168 = arith.constant 0 : i32
      %dma_start3A_169 = arith.constant 0 : i32
      %dma_start3A_170 = tpu.memref_slice %arg2[%dma_start3A_168, %dma_start3A_169] : memref<10240x128xf32, #tpu.memory_space<hbm>> -> memref<10240x128xf32, #tpu.memory_space<hbm>>
      tpu.enqueue_indirect_dma source(%dma_start3A_170 : memref<10240x128xf32, #tpu.memory_space<hbm>>) target(%dma_start3A_166 : memref<40x128xf32, #tpu.memory_space<vmem>>) offsets(%dma_start3A_167 : memref<40xi32, #tpu.memory_space<vmem>>) semaphore(%arg12 : memref<!tpu.dma_semaphore, #tpu.memory_space<semaphore_mem>>)
      %add3A_171 = arith.constant 1 : i32
      %add3A_172 = arith.addi %mul3A_126, %add3A_171 : i32
      %mul3A_173 = arith.constant 80 : i32
      %mul3A_174 = arith.muli %add3A_172, %mul3A_173 : i32
      %dma_wait3A_175 = arith.constant 0 : i32
      %dma_wait3A_176 = arith.constant 0 : i32
      %dma_wait3A_177 = tpu.memref_slice %arg9[%dma_wait3A_175, %dma_wait3A_176] : memref<80x128xf32, #tpu.memory_space<vmem>> -> memref<40x128xf32, #tpu.memory_space<vmem>>
      %dma_wait3A_178 = tpu.memref_slice %arg6[%mul3A_174] : memref<10000xi32, #tpu.memory_space<vmem>> -> memref<40xi32, #tpu.memory_space<vmem>>
      %dma_wait3A_179 = arith.constant 0 : i32
      %dma_wait3A_180 = arith.constant 0 : i32
      %dma_wait3A_181 = tpu.memref_slice %arg2[%dma_wait3A_179, %dma_wait3A_180] : memref<10240x128xf32, #tpu.memory_space<hbm>> -> memref<10240x128xf32, #tpu.memory_space<hbm>>
      tpu.wait_indirect_dma semaphore(%arg13 : memref<!tpu.dma_semaphore, #tpu.memory_space<semaphore_mem>>) src(%dma_wait3A_181 : memref<10240x128xf32, #tpu.memory_space<hbm>>) dst(%dma_wait3A_177 : memref<40x128xf32, #tpu.memory_space<vmem>>)
      %mul3A_182 = arith.constant 80 : i32
      %mul3A_183 = arith.muli %add3A_172, %mul3A_182 : i32
      %add3A_184 = arith.constant 40 : i32
      %add3A_185 = arith.addi %mul3A_183, %add3A_184 : i32
      %dma_wait3A_186 = arith.constant 40 : i32
      %dma_wait3A_187 = arith.constant 0 : i32
      %dma_wait3A_188 = tpu.memref_slice %arg9[%dma_wait3A_186, %dma_wait3A_187] : memref<80x128xf32, #tpu.memory_space<vmem>> -> memref<40x128xf32, #tpu.memory_space<vmem>>
      %dma_wait3A_189 = tpu.memref_slice %arg6[%add3A_185] : memref<10000xi32, #tpu.memory_space<vmem>> -> memref<40xi32, #tpu.memory_space<vmem>>
      %dma_wait3A_190 = arith.constant 0 : i32
      %dma_wait3A_191 = arith.constant 0 : i32
      %dma_wait3A_192 = tpu.memref_slice %arg2[%dma_wait3A_190, %dma_wait3A_191] : memref<10240x128xf32, #tpu.memory_space<hbm>> -> memref<10240x128xf32, #tpu.memory_space<hbm>>
      tpu.wait_indirect_dma semaphore(%arg14 : memref<!tpu.dma_semaphore, #tpu.memory_space<semaphore_mem>>) src(%dma_wait3A_192 : memref<10240x128xf32, #tpu.memory_space<hbm>>) dst(%dma_wait3A_188 : memref<40x128xf32, #tpu.memory_space<vmem>>)
      %mul3A_193 = arith.constant 80 : i32
      %mul3A_194 = arith.muli %add3A_172, %mul3A_193 : i32
      "tpu.region"() ({
        %run_scoped3A = tpu.sem_alloc : memref<!tpu.dma_semaphore, #tpu.memory_space<semaphore_mem>>
        %dma_start3A_217 = tpu.memref_slice %arg7[%mul3A_194] : memref<10000xi32, #tpu.memory_space<vmem>> -> memref<80xi32, #tpu.memory_space<vmem>>
        %dma_start3A_218 = arith.constant 0 : i32
        %dma_start3A_219 = arith.constant 0 : i32
        %dma_start3A_220 = tpu.memref_slice %arg10[%dma_start3A_218, %dma_start3A_219] : memref<10240x128xf32, #tpu.memory_space<vmem_shared>> -> memref<10240x128xf32, #tpu.memory_space<vmem_shared>>
        tpu.enqueue_indirect_dma source(%arg9 : memref<80x128xf32, #tpu.memory_space<vmem>>) target(%dma_start3A_220 : memref<10240x128xf32, #tpu.memory_space<vmem_shared>>) offsets(%dma_start3A_217 : memref<80xi32, #tpu.memory_space<vmem>>) semaphore(%run_scoped3A : memref<!tpu.dma_semaphore, #tpu.memory_space<semaphore_mem>>) {add = true}
        %dma_wait3A_221 = tpu.memref_slice %arg7[%mul3A_194] : memref<10000xi32, #tpu.memory_space<vmem>> -> memref<80xi32, #tpu.memory_space<vmem>>
        %dma_wait3A_222 = arith.constant 0 : i32
        %dma_wait3A_223 = arith.constant 0 : i32
        %dma_wait3A_224 = tpu.memref_slice %arg10[%dma_wait3A_222, %dma_wait3A_223] : memref<10240x128xf32, #tpu.memory_space<vmem_shared>> -> memref<10240x128xf32, #tpu.memory_space<vmem_shared>>
        tpu.wait_indirect_dma semaphore(%run_scoped3A : memref<!tpu.dma_semaphore, #tpu.memory_space<semaphore_mem>>) src(%arg9 : memref<80x128xf32, #tpu.memory_space<vmem>>) dst(%dma_wait3A_224 : memref<10240x128xf32, #tpu.memory_space<vmem_shared>>)
        tpu.yield
      }) : () -> ()
      %add3A_195 = arith.constant 2 : i32
      %add3A_196 = arith.addi %add3A_172, %add3A_195 : i32
      %mul3A_197 = arith.constant 80 : i32
      %mul3A_198 = arith.muli %add3A_196, %mul3A_197 : i32
      %dma_start3A_199 = arith.constant 0 : i32
      %dma_start3A_200 = arith.constant 0 : i32
      %dma_start3A_201 = tpu.memref_slice %arg9[%dma_start3A_199, %dma_start3A_200] : memref<80x128xf32, #tpu.memory_space<vmem>> -> memref<40x128xf32, #tpu.memory_space<vmem>>
      %dma_start3A_202 = tpu.memref_slice %arg6[%mul3A_198] : memref<10000xi32, #tpu.memory_space<vmem>> -> memref<40xi32, #tpu.memory_space<vmem>>
      %dma_start3A_203 = arith.constant 0 : i32
      %dma_start3A_204 = arith.constant 0 : i32
      %dma_start3A_205 = tpu.memref_slice %arg2[%dma_start3A_203, %dma_start3A_204] : memref<10240x128xf32, #tpu.memory_space<hbm>> -> memref<10240x128xf32, #tpu.memory_space<hbm>>
      tpu.enqueue_indirect_dma source(%dma_start3A_205 : memref<10240x128xf32, #tpu.memory_space<hbm>>) target(%dma_start3A_201 : memref<40x128xf32, #tpu.memory_space<vmem>>) offsets(%dma_start3A_202 : memref<40xi32, #tpu.memory_space<vmem>>) semaphore(%arg13 : memref<!tpu.dma_semaphore, #tpu.memory_space<semaphore_mem>>)
      %mul3A_206 = arith.constant 80 : i32
      %mul3A_207 = arith.muli %add3A_196, %mul3A_206 : i32
      %add3A_208 = arith.constant 40 : i32
      %add3A_209 = arith.addi %mul3A_207, %add3A_208 : i32
      %dma_start3A_210 = arith.constant 40 : i32
      %dma_start3A_211 = arith.constant 0 : i32
      %dma_start3A_212 = tpu.memref_slice %arg9[%dma_start3A_210, %dma_start3A_211] : memref<80x128xf32, #tpu.memory_space<vmem>> -> memref<40x128xf32, #tpu.memory_space<vmem>>
      %dma_start3A_213 = tpu.memref_slice %arg6[%add3A_209] : memref<10000xi32, #tpu.memory_space<vmem>> -> memref<40xi32, #tpu.memory_space<vmem>>
      %dma_start3A_214 = arith.constant 0 : i32
      %dma_start3A_215 = arith.constant 0 : i32
      %dma_start3A_216 = tpu.memref_slice %arg2[%dma_start3A_214, %dma_start3A_215] : memref<10240x128xf32, #tpu.memory_space<hbm>> -> memref<10240x128xf32, #tpu.memory_space<hbm>>
      tpu.enqueue_indirect_dma source(%dma_start3A_216 : memref<10240x128xf32, #tpu.memory_space<hbm>>) target(%dma_start3A_212 : memref<40x128xf32, #tpu.memory_space<vmem>>) offsets(%dma_start3A_213 : memref<40xi32, #tpu.memory_space<vmem>>) semaphore(%arg14 : memref<!tpu.dma_semaphore, #tpu.memory_space<semaphore_mem>>)
    }
    %scan3A_52 = arith.constant 61 : i32
    %dma_wait3A = arith.constant 0 : i32
    %dma_wait3A_53 = arith.constant 0 : i32
    %dma_wait3A_54 = tpu.memref_slice %arg8[%dma_wait3A, %dma_wait3A_53] : memref<80x128xf32, #tpu.memory_space<vmem>> -> memref<40x128xf32, #tpu.memory_space<vmem>>
    %dma_wait3A_55 = arith.constant 9760 : i32
    %dma_wait3A_56 = tpu.memref_slice %arg6[%dma_wait3A_55] : memref<10000xi32, #tpu.memory_space<vmem>> -> memref<40xi32, #tpu.memory_space<vmem>>
    %dma_wait3A_57 = arith.constant 0 : i32
    %dma_wait3A_58 = arith.constant 0 : i32
    %dma_wait3A_59 = tpu.memref_slice %arg2[%dma_wait3A_57, %dma_wait3A_58] : memref<10240x128xf32, #tpu.memory_space<hbm>> -> memref<10240x128xf32, #tpu.memory_space<hbm>>
    tpu.wait_indirect_dma semaphore(%arg11 : memref<!tpu.dma_semaphore, #tpu.memory_space<semaphore_mem>>) src(%dma_wait3A_59 : memref<10240x128xf32, #tpu.memory_space<hbm>>) dst(%dma_wait3A_54 : memref<40x128xf32, #tpu.memory_space<vmem>>)
    %dma_wait3A_60 = arith.constant 40 : i32
    %dma_wait3A_61 = arith.constant 0 : i32
    %dma_wait3A_62 = tpu.memref_slice %arg8[%dma_wait3A_60, %dma_wait3A_61] : memref<80x128xf32, #tpu.memory_space<vmem>> -> memref<40x128xf32, #tpu.memory_space<vmem>>
    %dma_wait3A_63 = arith.constant 9800 : i32
    %dma_wait3A_64 = tpu.memref_slice %arg6[%dma_wait3A_63] : memref<10000xi32, #tpu.memory_space<vmem>> -> memref<40xi32, #tpu.memory_space<vmem>>
    %dma_wait3A_65 = arith.constant 0 : i32
    %dma_wait3A_66 = arith.constant 0 : i32
    %dma_wait3A_67 = tpu.memref_slice %arg2[%dma_wait3A_65, %dma_wait3A_66] : memref<10240x128xf32, #tpu.memory_space<hbm>> -> memref<10240x128xf32, #tpu.memory_space<hbm>>
    tpu.wait_indirect_dma semaphore(%arg12 : memref<!tpu.dma_semaphore, #tpu.memory_space<semaphore_mem>>) src(%dma_wait3A_67 : memref<10240x128xf32, #tpu.memory_space<hbm>>) dst(%dma_wait3A_62 : memref<40x128xf32, #tpu.memory_space<vmem>>)
    "tpu.region"() ({
      %run_scoped3A = tpu.sem_alloc : memref<!tpu.dma_semaphore, #tpu.memory_space<semaphore_mem>>
      %dma_start3A_124 = arith.constant 9760 : i32
      %dma_start3A_125 = tpu.memref_slice %arg7[%dma_start3A_124] : memref<10000xi32, #tpu.memory_space<vmem>> -> memref<80xi32, #tpu.memory_space<vmem>>
      %dma_start3A_126 = arith.constant 0 : i32
      %dma_start3A_127 = arith.constant 0 : i32
      %dma_start3A_128 = tpu.memref_slice %arg10[%dma_start3A_126, %dma_start3A_127] : memref<10240x128xf32, #tpu.memory_space<vmem_shared>> -> memref<10240x128xf32, #tpu.memory_space<vmem_shared>>
      tpu.enqueue_indirect_dma source(%arg8 : memref<80x128xf32, #tpu.memory_space<vmem>>) target(%dma_start3A_128 : memref<10240x128xf32, #tpu.memory_space<vmem_shared>>) offsets(%dma_start3A_125 : memref<80xi32, #tpu.memory_space<vmem>>) semaphore(%run_scoped3A : memref<!tpu.dma_semaphore, #tpu.memory_space<semaphore_mem>>) {add = true}
      %dma_wait3A_129 = arith.constant 9760 : i32
      %dma_wait3A_130 = tpu.memref_slice %arg7[%dma_wait3A_129] : memref<10000xi32, #tpu.memory_space<vmem>> -> memref<80xi32, #tpu.memory_space<vmem>>
      %dma_wait3A_131 = arith.constant 0 : i32
      %dma_wait3A_132 = arith.constant 0 : i32
      %dma_wait3A_133 = tpu.memref_slice %arg10[%dma_wait3A_131, %dma_wait3A_132] : memref<10240x128xf32, #tpu.memory_space<vmem_shared>> -> memref<10240x128xf32, #tpu.memory_space<vmem_shared>>
      tpu.wait_indirect_dma semaphore(%run_scoped3A : memref<!tpu.dma_semaphore, #tpu.memory_space<semaphore_mem>>) src(%arg8 : memref<80x128xf32, #tpu.memory_space<vmem>>) dst(%dma_wait3A_133 : memref<10240x128xf32, #tpu.memory_space<vmem_shared>>)
      tpu.yield
    }) : () -> ()
    %dma_start3A_68 = arith.constant 0 : i32
    %dma_start3A_69 = arith.constant 0 : i32
    %dma_start3A_70 = tpu.memref_slice %arg8[%dma_start3A_68, %dma_start3A_69] : memref<80x128xf32, #tpu.memory_space<vmem>> -> memref<40x128xf32, #tpu.memory_space<vmem>>
    %dma_start3A_71 = arith.constant 9920 : i32
    %dma_start3A_72 = tpu.memref_slice %arg6[%dma_start3A_71] : memref<10000xi32, #tpu.memory_space<vmem>> -> memref<40xi32, #tpu.memory_space<vmem>>
    %dma_start3A_73 = arith.constant 0 : i32
    %dma_start3A_74 = arith.constant 0 : i32
    %dma_start3A_75 = tpu.memref_slice %arg2[%dma_start3A_73, %dma_start3A_74] : memref<10240x128xf32, #tpu.memory_space<hbm>> -> memref<10240x128xf32, #tpu.memory_space<hbm>>
    tpu.enqueue_indirect_dma source(%dma_start3A_75 : memref<10240x128xf32, #tpu.memory_space<hbm>>) target(%dma_start3A_70 : memref<40x128xf32, #tpu.memory_space<vmem>>) offsets(%dma_start3A_72 : memref<40xi32, #tpu.memory_space<vmem>>) semaphore(%arg11 : memref<!tpu.dma_semaphore, #tpu.memory_space<semaphore_mem>>)
    %dma_start3A_76 = arith.constant 40 : i32
    %dma_start3A_77 = arith.constant 0 : i32
    %dma_start3A_78 = tpu.memref_slice %arg8[%dma_start3A_76, %dma_start3A_77] : memref<80x128xf32, #tpu.memory_space<vmem>> -> memref<40x128xf32, #tpu.memory_space<vmem>>
    %dma_start3A_79 = arith.constant 9960 : i32
    %dma_start3A_80 = tpu.memref_slice %arg6[%dma_start3A_79] : memref<10000xi32, #tpu.memory_space<vmem>> -> memref<40xi32, #tpu.memory_space<vmem>>
    %dma_start3A_81 = arith.constant 0 : i32
    %dma_start3A_82 = arith.constant 0 : i32
    %dma_start3A_83 = tpu.memref_slice %arg2[%dma_start3A_81, %dma_start3A_82] : memref<10240x128xf32, #tpu.memory_space<hbm>> -> memref<10240x128xf32, #tpu.memory_space<hbm>>
    tpu.enqueue_indirect_dma source(%dma_start3A_83 : memref<10240x128xf32, #tpu.memory_space<hbm>>) target(%dma_start3A_78 : memref<40x128xf32, #tpu.memory_space<vmem>>) offsets(%dma_start3A_80 : memref<40xi32, #tpu.memory_space<vmem>>) semaphore(%arg12 : memref<!tpu.dma_semaphore, #tpu.memory_space<semaphore_mem>>)
    %dma_wait3A_84 = arith.constant 0 : i32
    %dma_wait3A_85 = arith.constant 0 : i32
    %dma_wait3A_86 = tpu.memref_slice %arg9[%dma_wait3A_84, %dma_wait3A_85] : memref<80x128xf32, #tpu.memory_space<vmem>> -> memref<40x128xf32, #tpu.memory_space<vmem>>
    %dma_wait3A_87 = arith.constant 9840 : i32
    %dma_wait3A_88 = tpu.memref_slice %arg6[%dma_wait3A_87] : memref<10000xi32, #tpu.memory_space<vmem>> -> memref<40xi32, #tpu.memory_space<vmem>>
    %dma_wait3A_89 = arith.constant 0 : i32
    %dma_wait3A_90 = arith.constant 0 : i32
    %dma_wait3A_91 = tpu.memref_slice %arg2[%dma_wait3A_89, %dma_wait3A_90] : memref<10240x128xf32, #tpu.memory_space<hbm>> -> memref<10240x128xf32, #tpu.memory_space<hbm>>
    tpu.wait_indirect_dma semaphore(%arg13 : memref<!tpu.dma_semaphore, #tpu.memory_space<semaphore_mem>>) src(%dma_wait3A_91 : memref<10240x128xf32, #tpu.memory_space<hbm>>) dst(%dma_wait3A_86 : memref<40x128xf32, #tpu.memory_space<vmem>>)
    %dma_wait3A_92 = arith.constant 40 : i32
    %dma_wait3A_93 = arith.constant 0 : i32
    %dma_wait3A_94 = tpu.memref_slice %arg9[%dma_wait3A_92, %dma_wait3A_93] : memref<80x128xf32, #tpu.memory_space<vmem>> -> memref<40x128xf32, #tpu.memory_space<vmem>>
    %dma_wait3A_95 = arith.constant 9880 : i32
    %dma_wait3A_96 = tpu.memref_slice %arg6[%dma_wait3A_95] : memref<10000xi32, #tpu.memory_space<vmem>> -> memref<40xi32, #tpu.memory_space<vmem>>
    %dma_wait3A_97 = arith.constant 0 : i32
    %dma_wait3A_98 = arith.constant 0 : i32
    %dma_wait3A_99 = tpu.memref_slice %arg2[%dma_wait3A_97, %dma_wait3A_98] : memref<10240x128xf32, #tpu.memory_space<hbm>> -> memref<10240x128xf32, #tpu.memory_space<hbm>>
    tpu.wait_indirect_dma semaphore(%arg14 : memref<!tpu.dma_semaphore, #tpu.memory_space<semaphore_mem>>) src(%dma_wait3A_99 : memref<10240x128xf32, #tpu.memory_space<hbm>>) dst(%dma_wait3A_94 : memref<40x128xf32, #tpu.memory_space<vmem>>)
    "tpu.region"() ({
      %run_scoped3A = tpu.sem_alloc : memref<!tpu.dma_semaphore, #tpu.memory_space<semaphore_mem>>
      %dma_start3A_124 = arith.constant 9840 : i32
      %dma_start3A_125 = tpu.memref_slice %arg7[%dma_start3A_124] : memref<10000xi32, #tpu.memory_space<vmem>> -> memref<80xi32, #tpu.memory_space<vmem>>
      %dma_start3A_126 = arith.constant 0 : i32
      %dma_start3A_127 = arith.constant 0 : i32
      %dma_start3A_128 = tpu.memref_slice %arg10[%dma_start3A_126, %dma_start3A_127] : memref<10240x128xf32, #tpu.memory_space<vmem_shared>> -> memref<10240x128xf32, #tpu.memory_space<vmem_shared>>
      tpu.enqueue_indirect_dma source(%arg9 : memref<80x128xf32, #tpu.memory_space<vmem>>) target(%dma_start3A_128 : memref<10240x128xf32, #tpu.memory_space<vmem_shared>>) offsets(%dma_start3A_125 : memref<80xi32, #tpu.memory_space<vmem>>) semaphore(%run_scoped3A : memref<!tpu.dma_semaphore, #tpu.memory_space<semaphore_mem>>) {add = true}
      %dma_wait3A_129 = arith.constant 9840 : i32
      %dma_wait3A_130 = tpu.memref_slice %arg7[%dma_wait3A_129] : memref<10000xi32, #tpu.memory_space<vmem>> -> memref<80xi32, #tpu.memory_space<vmem>>
      %dma_wait3A_131 = arith.constant 0 : i32
      %dma_wait3A_132 = arith.constant 0 : i32
      %dma_wait3A_133 = tpu.memref_slice %arg10[%dma_wait3A_131, %dma_wait3A_132] : memref<10240x128xf32, #tpu.memory_space<vmem_shared>> -> memref<10240x128xf32, #tpu.memory_space<vmem_shared>>
      tpu.wait_indirect_dma semaphore(%run_scoped3A : memref<!tpu.dma_semaphore, #tpu.memory_space<semaphore_mem>>) src(%arg9 : memref<80x128xf32, #tpu.memory_space<vmem>>) dst(%dma_wait3A_133 : memref<10240x128xf32, #tpu.memory_space<vmem_shared>>)
      tpu.yield
    }) : () -> ()
    %dma_wait3A_100 = arith.constant 0 : i32
    %dma_wait3A_101 = arith.constant 0 : i32
    %dma_wait3A_102 = tpu.memref_slice %arg8[%dma_wait3A_100, %dma_wait3A_101] : memref<80x128xf32, #tpu.memory_space<vmem>> -> memref<40x128xf32, #tpu.memory_space<vmem>>
    %dma_wait3A_103 = arith.constant 9920 : i32
    %dma_wait3A_104 = tpu.memref_slice %arg6[%dma_wait3A_103] : memref<10000xi32, #tpu.memory_space<vmem>> -> memref<40xi32, #tpu.memory_space<vmem>>
    %dma_wait3A_105 = arith.constant 0 : i32
    %dma_wait3A_106 = arith.constant 0 : i32
    %dma_wait3A_107 = tpu.memref_slice %arg2[%dma_wait3A_105, %dma_wait3A_106] : memref<10240x128xf32, #tpu.memory_space<hbm>> -> memref<10240x128xf32, #tpu.memory_space<hbm>>
    tpu.wait_indirect_dma semaphore(%arg11 : memref<!tpu.dma_semaphore, #tpu.memory_space<semaphore_mem>>) src(%dma_wait3A_107 : memref<10240x128xf32, #tpu.memory_space<hbm>>) dst(%dma_wait3A_102 : memref<40x128xf32, #tpu.memory_space<vmem>>)
    %dma_wait3A_108 = arith.constant 40 : i32
    %dma_wait3A_109 = arith.constant 0 : i32
    %dma_wait3A_110 = tpu.memref_slice %arg8[%dma_wait3A_108, %dma_wait3A_109] : memref<80x128xf32, #tpu.memory_space<vmem>> -> memref<40x128xf32, #tpu.memory_space<vmem>>
    %dma_wait3A_111 = arith.constant 9960 : i32
    %dma_wait3A_112 = tpu.memref_slice %arg6[%dma_wait3A_111] : memref<10000xi32, #tpu.memory_space<vmem>> -> memref<40xi32, #tpu.memory_space<vmem>>
    %dma_wait3A_113 = arith.constant 0 : i32
    %dma_wait3A_114 = arith.constant 0 : i32
    %dma_wait3A_115 = tpu.memref_slice %arg2[%dma_wait3A_113, %dma_wait3A_114] : memref<10240x128xf32, #tpu.memory_space<hbm>> -> memref<10240x128xf32, #tpu.memory_space<hbm>>
    tpu.wait_indirect_dma semaphore(%arg12 : memref<!tpu.dma_semaphore, #tpu.memory_space<semaphore_mem>>) src(%dma_wait3A_115 : memref<10240x128xf32, #tpu.memory_space<hbm>>) dst(%dma_wait3A_110 : memref<40x128xf32, #tpu.memory_space<vmem>>)
    "tpu.region"() ({
      %run_scoped3A = tpu.sem_alloc : memref<!tpu.dma_semaphore, #tpu.memory_space<semaphore_mem>>
      %dma_start3A_124 = arith.constant 9920 : i32
      %dma_start3A_125 = tpu.memref_slice %arg7[%dma_start3A_124] : memref<10000xi32, #tpu.memory_space<vmem>> -> memref<80xi32, #tpu.memory_space<vmem>>
      %dma_start3A_126 = arith.constant 0 : i32
      %dma_start3A_127 = arith.constant 0 : i32
      %dma_start3A_128 = tpu.memref_slice %arg10[%dma_start3A_126, %dma_start3A_127] : memref<10240x128xf32, #tpu.memory_space<vmem_shared>> -> memref<10240x128xf32, #tpu.memory_space<vmem_shared>>
      tpu.enqueue_indirect_dma source(%arg8 : memref<80x128xf32, #tpu.memory_space<vmem>>) target(%dma_start3A_128 : memref<10240x128xf32, #tpu.memory_space<vmem_shared>>) offsets(%dma_start3A_125 : memref<80xi32, #tpu.memory_space<vmem>>) semaphore(%run_scoped3A : memref<!tpu.dma_semaphore, #tpu.memory_space<semaphore_mem>>) {add = true}
      %dma_wait3A_129 = arith.constant 9920 : i32
      %dma_wait3A_130 = tpu.memref_slice %arg7[%dma_wait3A_129] : memref<10000xi32, #tpu.memory_space<vmem>> -> memref<80xi32, #tpu.memory_space<vmem>>
      %dma_wait3A_131 = arith.constant 0 : i32
      %dma_wait3A_132 = arith.constant 0 : i32
      %dma_wait3A_133 = tpu.memref_slice %arg10[%dma_wait3A_131, %dma_wait3A_132] : memref<10240x128xf32, #tpu.memory_space<vmem_shared>> -> memref<10240x128xf32, #tpu.memory_space<vmem_shared>>
      tpu.wait_indirect_dma semaphore(%run_scoped3A : memref<!tpu.dma_semaphore, #tpu.memory_space<semaphore_mem>>) src(%arg8 : memref<80x128xf32, #tpu.memory_space<vmem>>) dst(%dma_wait3A_133 : memref<10240x128xf32, #tpu.memory_space<vmem_shared>>)
      tpu.yield
    }) : () -> ()
    %barrier3A_116 = arith.constant 0 : index
    tpu.barrier barrier_id(%barrier3A_116)
    %mul3A_117 = arith.constant 640 : i32
    %mul3A_118 = arith.muli %arg1, %mul3A_117 : i32
    %mul3A_119 = arith.constant 10240 : i32
    %mul3A_120 = arith.muli %arg0, %mul3A_119 : i32
    %mul3A_121 = arith.constant 640 : i32
    %mul3A_122 = arith.muli %arg1, %mul3A_121 : i32
    %add3A_123 = arith.addi %mul3A_120, %mul3A_122 : i32
    "tpu.region"() ({
      %run_scoped3A = tpu.sem_alloc : memref<!tpu.dma_semaphore, #tpu.memory_space<semaphore_mem>>
      %dma_start3A_124 = arith.constant 0 : i32
      %dma_start3A_125 = tpu.memref_slice %arg5[%add3A_123, %dma_start3A_124] : memref<20480x128xf32, #tpu.memory_space<hbm>> -> memref<640x128xf32, #tpu.memory_space<hbm>>
      %dma_start3A_126 = arith.constant 0 : i32
      %dma_start3A_127 = tpu.memref_slice %arg10[%mul3A_118, %dma_start3A_126] : memref<10240x128xf32, #tpu.memory_space<vmem_shared>> -> memref<640x128xf32, #tpu.memory_space<vmem_shared>>
      tpu.enqueue_dma source(%dma_start3A_127 : memref<640x128xf32, #tpu.memory_space<vmem_shared>>) target(%dma_start3A_125 : memref<640x128xf32, #tpu.memory_space<hbm>>) target_semaphore(%run_scoped3A : memref<!tpu.dma_semaphore, #tpu.memory_space<semaphore_mem>>)
      %dma_wait3A_128 = arith.constant 0 : i32
      %dma_wait3A_129 = tpu.memref_slice %arg5[%add3A_123, %dma_wait3A_128] : memref<20480x128xf32, #tpu.memory_space<hbm>> -> memref<640x128xf32, #tpu.memory_space<hbm>>
      %dma_wait3A_130 = arith.constant 0 : i32
      %dma_wait3A_131 = tpu.memref_slice %arg10[%mul3A_118, %dma_wait3A_130] : memref<10240x128xf32, #tpu.memory_space<vmem_shared>> -> memref<640x128xf32, #tpu.memory_space<vmem_shared>>
      tpu.wait_dma2 semaphore(%run_scoped3A : memref<!tpu.dma_semaphore, #tpu.memory_space<semaphore_mem>>) src(%dma_wait3A_131 : memref<640x128xf32, #tpu.memory_space<vmem_shared>>) dst(%dma_wait3A_129 : memref<640x128xf32, #tpu.memory_space<hbm>>)
      tpu.yield
    }) : () -> ()
    return
  }
}

#map = affine_map<(d0, d1) -> (0, 0)>
#map1 = affine_map<(d0, d1) -> (0)>
module attributes {stable_mosaic.version = 14 : i64} {
  func.func @_sc_scatter(%arg0: i32, %arg1: i32, %arg2: memref<10240x128xf32, #tpu.memory_space<hbm>>, %arg3: memref<320000xi32, #tpu.memory_space<hbm>>, %arg4: memref<320000xi32, #tpu.memory_space<hbm>>, %arg5: memref<20480x128xf32, #tpu.memory_space<hbm>>, %arg6: memref<10000xi32, #tpu.memory_space<vmem>>, %arg7: memref<10000xi32, #tpu.memory_space<vmem>>, %arg8: memref<80x128xf32, #tpu.memory_space<vmem>>, %arg9: memref<80x128xf32, #tpu.memory_space<vmem>>, %arg10: memref<10240x128xf32, #tpu.memory_space<vmem_shared>>, %arg11: memref<!tpu.dma_semaphore, #tpu.memory_space<semaphore_mem>>, %arg12: memref<!tpu.dma_semaphore, #tpu.memory_space<semaphore_mem>>, %arg13: memref<!tpu.dma_semaphore, #tpu.memory_space<semaphore_mem>>, %arg14: memref<!tpu.dma_semaphore, #tpu.memory_space<semaphore_mem>>) attributes {dimension_semantics = [#tpu.dimension_semantics<core_parallel>, #tpu.dimension_semantics<subcore_parallel>], iteration_bounds = array<i64: 2, 16>, scalar_prefetch = 0 : i64, scratch_operands = 9 : i64, tpu.core_type = #tpu.core_type<sc_vector_subcore>, window_params = [{transform_indices = #map}, {transform_indices = #map1}, {transform_indices = #map1}, {transform_indices = #map}]} {
    %mul3A = arith.constant 16 : i32
    %mul3A_0 = arith.muli %arg0, %mul3A : i32
    %add3A = arith.addi %mul3A_0, %arg1 : i32
    %scan3A = arith.constant 0 : i32
    %scan3A_1 = arith.constant 0 : i32
    %scan3A_2 = arith.constant 80 : i32
    %scan3A_3 = arith.addi %scan3A_1, %scan3A_2 : i32
    %scan3A_4 = arith.constant 1 : i32
    scf.for %scan3A_124 = %scan3A_1 to %scan3A_3 step %scan3A_4  : i32 {
      %scan3A_125 = arith.constant 0 : i32
      %scan3A_126 = arith.constant 8 : i32
      %scan3A_127 = arith.addi %scan3A_125, %scan3A_126 : i32
      %scan3A_128 = arith.constant 1 : i32
      scf.for %scan3A_130 = %scan3A_125 to %scan3A_127 step %scan3A_128  : i32 {
        %broadcast_in_dim3A = arith.constant 0.000000e+00 : f32
        %broadcast_in_dim3A_131 = vector.broadcast %broadcast_in_dim3A : f32 to vector<16xf32>
        %mul3A_132 = arith.constant 16 : i32
        %mul3A_133 = arith.muli %scan3A_130, %mul3A_132 : i32
        %swap3A = arith.index_cast %scan3A_124 : i32 to index
        %swap3A_134 = arith.index_cast %mul3A_133 : i32 to index
        %swap3A_135 = tpu.vector_load %arg8[%swap3A, %swap3A_134] {strides = array<i32>} : memref<80x128xf32, #tpu.memory_space<vmem>>, vector<1x16xf32>,
        %swap3A_136 = vector.shape_cast %swap3A_135 : vector<1x16xf32> to vector<16xf32>
        %swap3A_137 = vector.shape_cast %broadcast_in_dim3A_131 : vector<16xf32> to vector<1x16xf32>
        tpu.vector_store %arg8[%swap3A, %swap3A_134], %swap3A_137 {strides = array<i32>} : memref<80x128xf32, #tpu.memory_space<vmem>>, vector<1x16xf32>,
      }
      %scan3A_129 = arith.constant 8 : i32
    }
    %scan3A_5 = arith.constant 80 : i32
    %scan3A_6 = arith.constant 0 : i32
    %scan3A_7 = arith.constant 0 : i32
    %scan3A_8 = arith.constant 8 : i32
    %scan3A_9 = arith.addi %scan3A_7, %scan3A_8 : i32
    %scan3A_10 = arith.constant 1 : i32
    scf.for %scan3A_124 = %scan3A_7 to %scan3A_9 step %scan3A_10  : i32 {
      %mul3A_125 = arith.constant 640 : i32
      %mul3A_126 = arith.muli %arg1, %mul3A_125 : i32
      %mul3A_127 = arith.constant 80 : i32
      %mul3A_128 = arith.muli %scan3A_124, %mul3A_127 : i32
      %add3A_129 = arith.addi %mul3A_126, %mul3A_128 : i32
      "tpu.region"() ({
        %run_scoped3A = tpu.sem_alloc : memref<!tpu.dma_semaphore, #tpu.memory_space<semaphore_mem>>
        %dma_start3A_130 = arith.constant 0 : i32
        %dma_start3A_131 = tpu.memref_slice %arg10[%add3A_129, %dma_start3A_130] : memref<10240x128xf32, #tpu.memory_space<vmem_shared>> -> memref<80x128xf32, #tpu.memory_space<vmem_shared>>
        %dma_start3A_132 = arith.constant 0 : i32
        %dma_start3A_133 = tpu.memref_slice %arg10[%add3A_129, %dma_start3A_132] : memref<10240x128xf32, #tpu.memory_space<vmem_shared>> -> memref<80x128xf32, #tpu.memory_space<vmem_shared>>
        tpu.enqueue_dma source(%arg8 : memref<80x128xf32, #tpu.memory_space<vmem>>) target(%dma_start3A_133 : memref<80x128xf32, #tpu.memory_space<vmem_shared>>) target_semaphore(%run_scoped3A : memref<!tpu.dma_semaphore, #tpu.memory_space<semaphore_mem>>)
        %dma_wait3A_134 = arith.constant 0 : i32
        %dma_wait3A_135 = tpu.memref_slice %arg10[%add3A_129, %dma_wait3A_134] : memref<10240x128xf32, #tpu.memory_space<vmem_shared>> -> memref<80x128xf32, #tpu.memory_space<vmem_shared>>
        %dma_wait3A_136 = arith.constant 0 : i32
        %dma_wait3A_137 = tpu.memref_slice %arg10[%add3A_129, %dma_wait3A_136] : memref<10240x128xf32, #tpu.memory_space<vmem_shared>> -> memref<80x128xf32, #tpu.memory_space<vmem_shared>>
        tpu.wait_dma2 semaphore(%run_scoped3A : memref<!tpu.dma_semaphore, #tpu.memory_space<semaphore_mem>>) src(%arg8 : memref<80x128xf32, #tpu.memory_space<vmem>>) dst(%dma_wait3A_137 : memref<80x128xf32, #tpu.memory_space<vmem_shared>>)
        tpu.yield
      }) : () -> ()
    }
    %scan3A_11 = arith.constant 8 : i32
    %mul3A_12 = arith.constant 10000 : i32
    %mul3A_13 = arith.muli %add3A, %mul3A_12 : i32
    "tpu.region"() ({
      %run_scoped3A = tpu.sem_alloc : memref<!tpu.dma_semaphore, #tpu.memory_space<semaphore_mem>>
      %dma_start3A_124 = tpu.memref_slice %arg3[%mul3A_13] : memref<320000xi32, #tpu.memory_space<hbm>> -> memref<10000xi32, #tpu.memory_space<hbm>>
      %dma_start3A_125 = tpu.memref_slice %arg3[%mul3A_13] : memref<320000xi32, #tpu.memory_space<hbm>> -> memref<10000xi32, #tpu.memory_space<hbm>>
      tpu.enqueue_dma source(%dma_start3A_125 : memref<10000xi32, #tpu.memory_space<hbm>>) target(%arg6 : memref<10000xi32, #tpu.memory_space<vmem>>) target_semaphore(%run_scoped3A : memref<!tpu.dma_semaphore, #tpu.memory_space<semaphore_mem>>)
      %dma_wait3A_126 = tpu.memref_slice %arg3[%mul3A_13] : memref<320000xi32, #tpu.memory_space<hbm>> -> memref<10000xi32, #tpu.memory_space<hbm>>
      %dma_wait3A_127 = tpu.memref_slice %arg3[%mul3A_13] : memref<320000xi32, #tpu.memory_space<hbm>> -> memref<10000xi32, #tpu.memory_space<hbm>>
      tpu.wait_dma2 semaphore(%run_scoped3A : memref<!tpu.dma_semaphore, #tpu.memory_space<semaphore_mem>>) src(%dma_wait3A_127 : memref<10000xi32, #tpu.memory_space<hbm>>) dst(%arg6 : memref<10000xi32, #tpu.memory_space<vmem>>)
      tpu.yield
    }) : () -> ()
    %mul3A_14 = arith.constant 10000 : i32
    %mul3A_15 = arith.muli %add3A, %mul3A_14 : i32
    "tpu.region"() ({
      %run_scoped3A = tpu.sem_alloc : memref<!tpu.dma_semaphore, #tpu.memory_space<semaphore_mem>>
      %dma_start3A_124 = tpu.memref_slice %arg4[%mul3A_15] : memref<320000xi32, #tpu.memory_space<hbm>> -> memref<10000xi32, #tpu.memory_space<hbm>>
      %dma_start3A_125 = tpu.memref_slice %arg4[%mul3A_15] : memref<320000xi32, #tpu.memory_space<hbm>> -> memref<10000xi32, #tpu.memory_space<hbm>>
      tpu.enqueue_dma source(%dma_start3A_125 : memref<10000xi32, #tpu.memory_space<hbm>>) target(%arg7 : memref<10000xi32, #tpu.memory_space<vmem>>) target_semaphore(%run_scoped3A : memref<!tpu.dma_semaphore, #tpu.memory_space<semaphore_mem>>)
      %dma_wait3A_126 = tpu.memref_slice %arg4[%mul3A_15] : memref<320000xi32, #tpu.memory_space<hbm>> -> memref<10000xi32, #tpu.memory_space<hbm>>
      %dma_wait3A_127 = tpu.memref_slice %arg4[%mul3A_15] : memref<320000xi32, #tpu.memory_space<hbm>> -> memref<10000xi32, #tpu.memory_space<hbm>>
      tpu.wait_dma2 semaphore(%run_scoped3A : memref<!tpu.dma_semaphore, #tpu.memory_space<semaphore_mem>>) src(%dma_wait3A_127 : memref<10000xi32, #tpu.memory_space<hbm>>) dst(%arg7 : memref<10000xi32, #tpu.memory_space<vmem>>)
      tpu.yield
    }) : () -> ()
    %barrier3A = arith.constant 0 : index
    tpu.barrier barrier_id(%barrier3A)
    %dma_start3A = arith.constant 0 : i32
    %dma_start3A_16 = arith.constant 0 : i32
    %dma_start3A_17 = tpu.memref_slice %arg8[%dma_start3A, %dma_start3A_16] : memref<80x128xf32, #tpu.memory_space<vmem>> -> memref<40x128xf32, #tpu.memory_space<vmem>>
    %dma_start3A_18 = arith.constant 0 : i32
    %dma_start3A_19 = tpu.memref_slice %arg6[%dma_start3A_18] : memref<10000xi32, #tpu.memory_space<vmem>> -> memref<40xi32, #tpu.memory_space<vmem>>
    %dma_start3A_20 = arith.constant 0 : i32
    %dma_start3A_21 = arith.constant 0 : i32
    %dma_start3A_22 = tpu.memref_slice %arg2[%dma_start3A_20, %dma_start3A_21] : memref<10240x128xf32, #tpu.memory_space<hbm>> -> memref<10240x128xf32, #tpu.memory_space<hbm>>
    tpu.enqueue_indirect_dma source(%dma_start3A_22 : memref<10240x128xf32, #tpu.memory_space<hbm>>) target(%dma_start3A_17 : memref<40x128xf32, #tpu.memory_space<vmem>>) offsets(%dma_start3A_19 : memref<40xi32, #tpu.memory_space<vmem>>) semaphore(%arg11 : memref<!tpu.dma_semaphore, #tpu.memory_space<semaphore_mem>>)
    %dma_start3A_23 = arith.constant 40 : i32
    %dma_start3A_24 = arith.constant 0 : i32
    %dma_start3A_25 = tpu.memref_slice %arg8[%dma_start3A_23, %dma_start3A_24] : memref<80x128xf32, #tpu.memory_space<vmem>> -> memref<40x128xf32, #tpu.memory_space<vmem>>
    %dma_start3A_26 = arith.constant 40 : i32
    %dma_start3A_27 = tpu.memref_slice %arg6[%dma_start3A_26] : memref<10000xi32, #tpu.memory_space<vmem>> -> memref<40xi32, #tpu.memory_space<vmem>>
    %dma_start3A_28 = arith.constant 0 : i32
    %dma_start3A_29 = arith.constant 0 : i32
    %dma_start3A_30 = tpu.memref_slice %arg2[%dma_start3A_28, %dma_start3A_29] : memref<10240x128xf32, #tpu.memory_space<hbm>> -> memref<10240x128xf32, #tpu.memory_space<hbm>>
    tpu.enqueue_indirect_dma source(%dma_start3A_30 : memref<10240x128xf32, #tpu.memory_space<hbm>>) target(%dma_start3A_25 : memref<40x128xf32, #tpu.memory_space<vmem>>) offsets(%dma_start3A_27 : memref<40xi32, #tpu.memory_space<vmem>>) semaphore(%arg12 : memref<!tpu.dma_semaphore, #tpu.memory_space<semaphore_mem>>)
    %dma_start3A_31 = arith.constant 0 : i32
    %dma_start3A_32 = arith.constant 0 : i32
    %dma_start3A_33 = tpu.memref_slice %arg9[%dma_start3A_31, %dma_start3A_32] : memref<80x128xf32, #tpu.memory_space<vmem>> -> memref<40x128xf32, #tpu.memory_space<vmem>>
    %dma_start3A_34 = arith.constant 80 : i32
    %dma_start3A_35 = tpu.memref_slice %arg6[%dma_start3A_34] : memref<10000xi32, #tpu.memory_space<vmem>> -> memref<40xi32, #tpu.memory_space<vmem>>
    %dma_start3A_36 = arith.constant 0 : i32
    %dma_start3A_37 = arith.constant 0 : i32
    %dma_start3A_38 = tpu.memref_slice %arg2[%dma_start3A_36, %dma_start3A_37] : memref<10240x128xf32, #tpu.memory_space<hbm>> -> memref<10240x128xf32, #tpu.memory_space<hbm>>
    tpu.enqueue_indirect_dma source(%dma_start3A_38 : memref<10240x128xf32, #tpu.memory_space<hbm>>) target(%dma_start3A_33 : memref<40x128xf32, #tpu.memory_space<vmem>>) offsets(%dma_start3A_35 : memref<40xi32, #tpu.memory_space<vmem>>) semaphore(%arg13 : memref<!tpu.dma_semaphore, #tpu.memory_space<semaphore_mem>>)
    %dma_start3A_39 = arith.constant 40 : i32
    %dma_start3A_40 = arith.constant 0 : i32
    %dma_start3A_41 = tpu.memref_slice %arg9[%dma_start3A_39, %dma_start3A_40] : memref<80x128xf32, #tpu.memory_space<vmem>> -> memref<40x128xf32, #tpu.memory_space<vmem>>
    %dma_start3A_42 = arith.constant 120 : i32
    %dma_start3A_43 = tpu.memref_slice %arg6[%dma_start3A_42] : memref<10000xi32, #tpu.memory_space<vmem>> -> memref<40xi32, #tpu.memory_space<vmem>>
    %dma_start3A_44 = arith.constant 0 : i32
    %dma_start3A_45 = arith.constant 0 : i32
    %dma_start3A_46 = tpu.memref_slice %arg2[%dma_start3A_44, %dma_start3A_45] : memref<10240x128xf32, #tpu.memory_space<hbm>> -> memref<10240x128xf32, #tpu.memory_space<hbm>>
    tpu.enqueue_indirect_dma source(%dma_start3A_46 : memref<10240x128xf32, #tpu.memory_space<hbm>>) target(%dma_start3A_41 : memref<40x128xf32, #tpu.memory_space<vmem>>) offsets(%dma_start3A_43 : memref<40xi32, #tpu.memory_space<vmem>>) semaphore(%arg14 : memref<!tpu.dma_semaphore, #tpu.memory_space<semaphore_mem>>)
    %scan3A_47 = arith.constant 0 : i32
    %scan3A_48 = arith.constant 0 : i32
    %scan3A_49 = arith.constant 61 : i32
    %scan3A_50 = arith.addi %scan3A_48, %scan3A_49 : i32
    %scan3A_51 = arith.constant 1 : i32
    scf.for %scan3A_124 = %scan3A_48 to %scan3A_50 step %scan3A_51  : i32 {
      %mul3A_125 = arith.constant 2 : i32
      %mul3A_126 = arith.muli %mul3A_125, %scan3A_124 : i32
      %mul3A_127 = arith.constant 80 : i32
      %mul3A_128 = arith.muli %mul3A_126, %mul3A_127 : i32
      %dma_wait3A_129 = arith.constant 0 : i32
      %dma_wait3A_130 = arith.constant 0 : i32
      %dma_wait3A_131 = tpu.memref_slice %arg8[%dma_wait3A_129, %dma_wait3A_130] : memref<80x128xf32, #tpu.memory_space<vmem>> -> memref<40x128xf32, #tpu.memory_space<vmem>>
      %dma_wait3A_132 = tpu.memref_slice %arg6[%mul3A_128] : memref<10000xi32, #tpu.memory_space<vmem>> -> memref<40xi32, #tpu.memory_space<vmem>>
      %dma_wait3A_133 = arith.constant 0 : i32
      %dma_wait3A_134 = arith.constant 0 : i32
      %dma_wait3A_135 = tpu.memref_slice %arg2[%dma_wait3A_133, %dma_wait3A_134] : memref<10240x128xf32, #tpu.memory_space<hbm>> -> memref<10240x128xf32, #tpu.memory_space<hbm>>
      tpu.wait_indirect_dma semaphore(%arg11 : memref<!tpu.dma_semaphore, #tpu.memory_space<semaphore_mem>>) src(%dma_wait3A_135 : memref<10240x128xf32, #tpu.memory_space<hbm>>) dst(%dma_wait3A_131 : memref<40x128xf32, #tpu.memory_space<vmem>>)
      %mul3A_136 = arith.constant 80 : i32
      %mul3A_137 = arith.muli %mul3A_126, %mul3A_136 : i32
      %add3A_138 = arith.constant 40 : i32
      %add3A_139 = arith.addi %mul3A_137, %add3A_138 : i32
      %dma_wait3A_140 = arith.constant 40 : i32
      %dma_wait3A_141 = arith.constant 0 : i32
      %dma_wait3A_142 = tpu.memref_slice %arg8[%dma_wait3A_140, %dma_wait3A_141] : memref<80x128xf32, #tpu.memory_space<vmem>> -> memref<40x128xf32, #tpu.memory_space<vmem>>
      %dma_wait3A_143 = tpu.memref_slice %arg6[%add3A_139] : memref<10000xi32, #tpu.memory_space<vmem>> -> memref<40xi32, #tpu.memory_space<vmem>>
      %dma_wait3A_144 = arith.constant 0 : i32
      %dma_wait3A_145 = arith.constant 0 : i32
      %dma_wait3A_146 = tpu.memref_slice %arg2[%dma_wait3A_144, %dma_wait3A_145] : memref<10240x128xf32, #tpu.memory_space<hbm>> -> memref<10240x128xf32, #tpu.memory_space<hbm>>
      tpu.wait_indirect_dma semaphore(%arg12 : memref<!tpu.dma_semaphore, #tpu.memory_space<semaphore_mem>>) src(%dma_wait3A_146 : memref<10240x128xf32, #tpu.memory_space<hbm>>) dst(%dma_wait3A_142 : memref<40x128xf32, #tpu.memory_space<vmem>>)
      %mul3A_147 = arith.constant 80 : i32
      %mul3A_148 = arith.muli %mul3A_126, %mul3A_147 : i32
      "tpu.region"() ({
        %run_scoped3A = tpu.sem_alloc : memref<!tpu.dma_semaphore, #tpu.memory_space<semaphore_mem>>
        %dma_start3A_217 = tpu.memref_slice %arg7[%mul3A_148] : memref<10000xi32, #tpu.memory_space<vmem>> -> memref<80xi32, #tpu.memory_space<vmem>>
        %dma_start3A_218 = arith.constant 0 : i32
        %dma_start3A_219 = arith.constant 0 : i32
        %dma_start3A_220 = tpu.memref_slice %arg10[%dma_start3A_218, %dma_start3A_219] : memref<10240x128xf32, #tpu.memory_space<vmem_shared>> -> memref<10240x128xf32, #tpu.memory_space<vmem_shared>>
        tpu.enqueue_indirect_dma source(%arg8 : memref<80x128xf32, #tpu.memory_space<vmem>>) target(%dma_start3A_220 : memref<10240x128xf32, #tpu.memory_space<vmem_shared>>) offsets(%dma_start3A_217 : memref<80xi32, #tpu.memory_space<vmem>>) semaphore(%run_scoped3A : memref<!tpu.dma_semaphore, #tpu.memory_space<semaphore_mem>>) {add = true}
        %dma_wait3A_221 = tpu.memref_slice %arg7[%mul3A_148] : memref<10000xi32, #tpu.memory_space<vmem>> -> memref<80xi32, #tpu.memory_space<vmem>>
        %dma_wait3A_222 = arith.constant 0 : i32
        %dma_wait3A_223 = arith.constant 0 : i32
        %dma_wait3A_224 = tpu.memref_slice %arg10[%dma_wait3A_222, %dma_wait3A_223] : memref<10240x128xf32, #tpu.memory_space<vmem_shared>> -> memref<10240x128xf32, #tpu.memory_space<vmem_shared>>
        tpu.wait_indirect_dma semaphore(%run_scoped3A : memref<!tpu.dma_semaphore, #tpu.memory_space<semaphore_mem>>) src(%arg8 : memref<80x128xf32, #tpu.memory_space<vmem>>) dst(%dma_wait3A_224 : memref<10240x128xf32, #tpu.memory_space<vmem_shared>>)
        tpu.yield
      }) : () -> ()
      %add3A_149 = arith.constant 2 : i32
      %add3A_150 = arith.addi %mul3A_126, %add3A_149 : i32
      %mul3A_151 = arith.constant 80 : i32
      %mul3A_152 = arith.muli %add3A_150, %mul3A_151 : i32
      %dma_start3A_153 = arith.constant 0 : i32
      %dma_start3A_154 = arith.constant 0 : i32
      %dma_start3A_155 = tpu.memref_slice %arg8[%dma_start3A_153, %dma_start3A_154] : memref<80x128xf32, #tpu.memory_space<vmem>> -> memref<40x128xf32, #tpu.memory_space<vmem>>
      %dma_start3A_156 = tpu.memref_slice %arg6[%mul3A_152] : memref<10000xi32, #tpu.memory_space<vmem>> -> memref<40xi32, #tpu.memory_space<vmem>>
      %dma_start3A_157 = arith.constant 0 : i32
      %dma_start3A_158 = arith.constant 0 : i32
      %dma_start3A_159 = tpu.memref_slice %arg2[%dma_start3A_157, %dma_start3A_158] : memref<10240x128xf32, #tpu.memory_space<hbm>> -> memref<10240x128xf32, #tpu.memory_space<hbm>>
      tpu.enqueue_indirect_dma source(%dma_start3A_159 : memref<10240x128xf32, #tpu.memory_space<hbm>>) target(%dma_start3A_155 : memref<40x128xf32, #tpu.memory_space<vmem>>) offsets(%dma_start3A_156 : memref<40xi32, #tpu.memory_space<vmem>>) semaphore(%arg11 : memref<!tpu.dma_semaphore, #tpu.memory_space<semaphore_mem>>)
      %mul3A_160 = arith.constant 80 : i32
      %mul3A_161 = arith.muli %add3A_150, %mul3A_160 : i32
      %add3A_162 = arith.constant 40 : i32
      %add3A_163 = arith.addi %mul3A_161, %add3A_162 : i32
      %dma_start3A_164 = arith.constant 40 : i32
      %dma_start3A_165 = arith.constant 0 : i32
      %dma_start3A_166 = tpu.memref_slice %arg8[%dma_start3A_164, %dma_start3A_165] : memref<80x128xf32, #tpu.memory_space<vmem>> -> memref<40x128xf32, #tpu.memory_space<vmem>>
      %dma_start3A_167 = tpu.memref_slice %arg6[%add3A_163] : memref<10000xi32, #tpu.memory_space<vmem>> -> memref<40xi32, #tpu.memory_space<vmem>>
      %dma_start3A_168 = arith.constant 0 : i32
      %dma_start3A_169 = arith.constant 0 : i32
      %dma_start3A_170 = tpu.memref_slice %arg2[%dma_start3A_168, %dma_start3A_169] : memref<10240x128xf32, #tpu.memory_space<hbm>> -> memref<10240x128xf32, #tpu.memory_space<hbm>>
      tpu.enqueue_indirect_dma source(%dma_start3A_170 : memref<10240x128xf32, #tpu.memory_space<hbm>>) target(%dma_start3A_166 : memref<40x128xf32, #tpu.memory_space<vmem>>) offsets(%dma_start3A_167 : memref<40xi32, #tpu.memory_space<vmem>>) semaphore(%arg12 : memref<!tpu.dma_semaphore, #tpu.memory_space<semaphore_mem>>)
      %add3A_171 = arith.constant 1 : i32
      %add3A_172 = arith.addi %mul3A_126, %add3A_171 : i32
      %mul3A_173 = arith.constant 80 : i32
      %mul3A_174 = arith.muli %add3A_172, %mul3A_173 : i32
      %dma_wait3A_175 = arith.constant 0 : i32
      %dma_wait3A_176 = arith.constant 0 : i32
      %dma_wait3A_177 = tpu.memref_slice %arg9[%dma_wait3A_175, %dma_wait3A_176] : memref<80x128xf32, #tpu.memory_space<vmem>> -> memref<40x128xf32, #tpu.memory_space<vmem>>
      %dma_wait3A_178 = tpu.memref_slice %arg6[%mul3A_174] : memref<10000xi32, #tpu.memory_space<vmem>> -> memref<40xi32, #tpu.memory_space<vmem>>
      %dma_wait3A_179 = arith.constant 0 : i32
      %dma_wait3A_180 = arith.constant 0 : i32
      %dma_wait3A_181 = tpu.memref_slice %arg2[%dma_wait3A_179, %dma_wait3A_180] : memref<10240x128xf32, #tpu.memory_space<hbm>> -> memref<10240x128xf32, #tpu.memory_space<hbm>>
      tpu.wait_indirect_dma semaphore(%arg13 : memref<!tpu.dma_semaphore, #tpu.memory_space<semaphore_mem>>) src(%dma_wait3A_181 : memref<10240x128xf32, #tpu.memory_space<hbm>>) dst(%dma_wait3A_177 : memref<40x128xf32, #tpu.memory_space<vmem>>)
      %mul3A_182 = arith.constant 80 : i32
      %mul3A_183 = arith.muli %add3A_172, %mul3A_182 : i32
      %add3A_184 = arith.constant 40 : i32
      %add3A_185 = arith.addi %mul3A_183, %add3A_184 : i32
      %dma_wait3A_186 = arith.constant 40 : i32
      %dma_wait3A_187 = arith.constant 0 : i32
      %dma_wait3A_188 = tpu.memref_slice %arg9[%dma_wait3A_186, %dma_wait3A_187] : memref<80x128xf32, #tpu.memory_space<vmem>> -> memref<40x128xf32, #tpu.memory_space<vmem>>
      %dma_wait3A_189 = tpu.memref_slice %arg6[%add3A_185] : memref<10000xi32, #tpu.memory_space<vmem>> -> memref<40xi32, #tpu.memory_space<vmem>>
      %dma_wait3A_190 = arith.constant 0 : i32
      %dma_wait3A_191 = arith.constant 0 : i32
      %dma_wait3A_192 = tpu.memref_slice %arg2[%dma_wait3A_190, %dma_wait3A_191] : memref<10240x128xf32, #tpu.memory_space<hbm>> -> memref<10240x128xf32, #tpu.memory_space<hbm>>
      tpu.wait_indirect_dma semaphore(%arg14 : memref<!tpu.dma_semaphore, #tpu.memory_space<semaphore_mem>>) src(%dma_wait3A_192 : memref<10240x128xf32, #tpu.memory_space<hbm>>) dst(%dma_wait3A_188 : memref<40x128xf32, #tpu.memory_space<vmem>>)
      %mul3A_193 = arith.constant 80 : i32
      %mul3A_194 = arith.muli %add3A_172, %mul3A_193 : i32
      "tpu.region"() ({
        %run_scoped3A = tpu.sem_alloc : memref<!tpu.dma_semaphore, #tpu.memory_space<semaphore_mem>>
        %dma_start3A_217 = tpu.memref_slice %arg7[%mul3A_194] : memref<10000xi32, #tpu.memory_space<vmem>> -> memref<80xi32, #tpu.memory_space<vmem>>
        %dma_start3A_218 = arith.constant 0 : i32
        %dma_start3A_219 = arith.constant 0 : i32
        %dma_start3A_220 = tpu.memref_slice %arg10[%dma_start3A_218, %dma_start3A_219] : memref<10240x128xf32, #tpu.memory_space<vmem_shared>> -> memref<10240x128xf32, #tpu.memory_space<vmem_shared>>
        tpu.enqueue_indirect_dma source(%arg9 : memref<80x128xf32, #tpu.memory_space<vmem>>) target(%dma_start3A_220 : memref<10240x128xf32, #tpu.memory_space<vmem_shared>>) offsets(%dma_start3A_217 : memref<80xi32, #tpu.memory_space<vmem>>) semaphore(%run_scoped3A : memref<!tpu.dma_semaphore, #tpu.memory_space<semaphore_mem>>) {add = true}
        %dma_wait3A_221 = tpu.memref_slice %arg7[%mul3A_194] : memref<10000xi32, #tpu.memory_space<vmem>> -> memref<80xi32, #tpu.memory_space<vmem>>
        %dma_wait3A_222 = arith.constant 0 : i32
        %dma_wait3A_223 = arith.constant 0 : i32
        %dma_wait3A_224 = tpu.memref_slice %arg10[%dma_wait3A_222, %dma_wait3A_223] : memref<10240x128xf32, #tpu.memory_space<vmem_shared>> -> memref<10240x128xf32, #tpu.memory_space<vmem_shared>>
        tpu.wait_indirect_dma semaphore(%run_scoped3A : memref<!tpu.dma_semaphore, #tpu.memory_space<semaphore_mem>>) src(%arg9 : memref<80x128xf32, #tpu.memory_space<vmem>>) dst(%dma_wait3A_224 : memref<10240x128xf32, #tpu.memory_space<vmem_shared>>)
        tpu.yield
      }) : () -> ()
      %add3A_195 = arith.constant 2 : i32
      %add3A_196 = arith.addi %add3A_172, %add3A_195 : i32
      %mul3A_197 = arith.constant 80 : i32
      %mul3A_198 = arith.muli %add3A_196, %mul3A_197 : i32
      %dma_start3A_199 = arith.constant 0 : i32
      %dma_start3A_200 = arith.constant 0 : i32
      %dma_start3A_201 = tpu.memref_slice %arg9[%dma_start3A_199, %dma_start3A_200] : memref<80x128xf32, #tpu.memory_space<vmem>> -> memref<40x128xf32, #tpu.memory_space<vmem>>
      %dma_start3A_202 = tpu.memref_slice %arg6[%mul3A_198] : memref<10000xi32, #tpu.memory_space<vmem>> -> memref<40xi32, #tpu.memory_space<vmem>>
      %dma_start3A_203 = arith.constant 0 : i32
      %dma_start3A_204 = arith.constant 0 : i32
      %dma_start3A_205 = tpu.memref_slice %arg2[%dma_start3A_203, %dma_start3A_204] : memref<10240x128xf32, #tpu.memory_space<hbm>> -> memref<10240x128xf32, #tpu.memory_space<hbm>>
      tpu.enqueue_indirect_dma source(%dma_start3A_205 : memref<10240x128xf32, #tpu.memory_space<hbm>>) target(%dma_start3A_201 : memref<40x128xf32, #tpu.memory_space<vmem>>) offsets(%dma_start3A_202 : memref<40xi32, #tpu.memory_space<vmem>>) semaphore(%arg13 : memref<!tpu.dma_semaphore, #tpu.memory_space<semaphore_mem>>)
      %mul3A_206 = arith.constant 80 : i32
      %mul3A_207 = arith.muli %add3A_196, %mul3A_206 : i32
      %add3A_208 = arith.constant 40 : i32
      %add3A_209 = arith.addi %mul3A_207, %add3A_208 : i32
      %dma_start3A_210 = arith.constant 40 : i32
      %dma_start3A_211 = arith.constant 0 : i32
      %dma_start3A_212 = tpu.memref_slice %arg9[%dma_start3A_210, %dma_start3A_211] : memref<80x128xf32, #tpu.memory_space<vmem>> -> memref<40x128xf32, #tpu.memory_space<vmem>>
      %dma_start3A_213 = tpu.memref_slice %arg6[%add3A_209] : memref<10000xi32, #tpu.memory_space<vmem>> -> memref<40xi32, #tpu.memory_space<vmem>>
      %dma_start3A_214 = arith.constant 0 : i32
      %dma_start3A_215 = arith.constant 0 : i32
      %dma_start3A_216 = tpu.memref_slice %arg2[%dma_start3A_214, %dma_start3A_215] : memref<10240x128xf32, #tpu.memory_space<hbm>> -> memref<10240x128xf32, #tpu.memory_space<hbm>>
      tpu.enqueue_indirect_dma source(%dma_start3A_216 : memref<10240x128xf32, #tpu.memory_space<hbm>>) target(%dma_start3A_212 : memref<40x128xf32, #tpu.memory_space<vmem>>) offsets(%dma_start3A_213 : memref<40xi32, #tpu.memory_space<vmem>>) semaphore(%arg14 : memref<!tpu.dma_semaphore, #tpu.memory_space<semaphore_mem>>)
    }
    %scan3A_52 = arith.constant 61 : i32
    %dma_wait3A = arith.constant 0 : i32
    %dma_wait3A_53 = arith.constant 0 : i32
    %dma_wait3A_54 = tpu.memref_slice %arg8[%dma_wait3A, %dma_wait3A_53] : memref<80x128xf32, #tpu.memory_space<vmem>> -> memref<40x128xf32, #tpu.memory_space<vmem>>
    %dma_wait3A_55 = arith.constant 9760 : i32
    %dma_wait3A_56 = tpu.memref_slice %arg6[%dma_wait3A_55] : memref<10000xi32, #tpu.memory_space<vmem>> -> memref<40xi32, #tpu.memory_space<vmem>>
    %dma_wait3A_57 = arith.constant 0 : i32
    %dma_wait3A_58 = arith.constant 0 : i32
    %dma_wait3A_59 = tpu.memref_slice %arg2[%dma_wait3A_57, %dma_wait3A_58] : memref<10240x128xf32, #tpu.memory_space<hbm>> -> memref<10240x128xf32, #tpu.memory_space<hbm>>
    tpu.wait_indirect_dma semaphore(%arg11 : memref<!tpu.dma_semaphore, #tpu.memory_space<semaphore_mem>>) src(%dma_wait3A_59 : memref<10240x128xf32, #tpu.memory_space<hbm>>) dst(%dma_wait3A_54 : memref<40x128xf32, #tpu.memory_space<vmem>>)
    %dma_wait3A_60 = arith.constant 40 : i32
    %dma_wait3A_61 = arith.constant 0 : i32
    %dma_wait3A_62 = tpu.memref_slice %arg8[%dma_wait3A_60, %dma_wait3A_61] : memref<80x128xf32, #tpu.memory_space<vmem>> -> memref<40x128xf32, #tpu.memory_space<vmem>>
    %dma_wait3A_63 = arith.constant 9800 : i32
    %dma_wait3A_64 = tpu.memref_slice %arg6[%dma_wait3A_63] : memref<10000xi32, #tpu.memory_space<vmem>> -> memref<40xi32, #tpu.memory_space<vmem>>
    %dma_wait3A_65 = arith.constant 0 : i32
    %dma_wait3A_66 = arith.constant 0 : i32
    %dma_wait3A_67 = tpu.memref_slice %arg2[%dma_wait3A_65, %dma_wait3A_66] : memref<10240x128xf32, #tpu.memory_space<hbm>> -> memref<10240x128xf32, #tpu.memory_space<hbm>>
    tpu.wait_indirect_dma semaphore(%arg12 : memref<!tpu.dma_semaphore, #tpu.memory_space<semaphore_mem>>) src(%dma_wait3A_67 : memref<10240x128xf32, #tpu.memory_space<hbm>>) dst(%dma_wait3A_62 : memref<40x128xf32, #tpu.memory_space<vmem>>)
    "tpu.region"() ({
      %run_scoped3A = tpu.sem_alloc : memref<!tpu.dma_semaphore, #tpu.memory_space<semaphore_mem>>
      %dma_start3A_124 = arith.constant 9760 : i32
      %dma_start3A_125 = tpu.memref_slice %arg7[%dma_start3A_124] : memref<10000xi32, #tpu.memory_space<vmem>> -> memref<80xi32, #tpu.memory_space<vmem>>
      %dma_start3A_126 = arith.constant 0 : i32
      %dma_start3A_127 = arith.constant 0 : i32
      %dma_start3A_128 = tpu.memref_slice %arg10[%dma_start3A_126, %dma_start3A_127] : memref<10240x128xf32, #tpu.memory_space<vmem_shared>> -> memref<10240x128xf32, #tpu.memory_space<vmem_shared>>
      tpu.enqueue_indirect_dma source(%arg8 : memref<80x128xf32, #tpu.memory_space<vmem>>) target(%dma_start3A_128 : memref<10240x128xf32, #tpu.memory_space<vmem_shared>>) offsets(%dma_start3A_125 : memref<80xi32, #tpu.memory_space<vmem>>) semaphore(%run_scoped3A : memref<!tpu.dma_semaphore, #tpu.memory_space<semaphore_mem>>) {add = true}
      %dma_wait3A_129 = arith.constant 9760 : i32
      %dma_wait3A_130 = tpu.memref_slice %arg7[%dma_wait3A_129] : memref<10000xi32, #tpu.memory_space<vmem>> -> memref<80xi32, #tpu.memory_space<vmem>>
      %dma_wait3A_131 = arith.constant 0 : i32
      %dma_wait3A_132 = arith.constant 0 : i32
      %dma_wait3A_133 = tpu.memref_slice %arg10[%dma_wait3A_131, %dma_wait3A_132] : memref<10240x128xf32, #tpu.memory_space<vmem_shared>> -> memref<10240x128xf32, #tpu.memory_space<vmem_shared>>
      tpu.wait_indirect_dma semaphore(%run_scoped3A : memref<!tpu.dma_semaphore, #tpu.memory_space<semaphore_mem>>) src(%arg8 : memref<80x128xf32, #tpu.memory_space<vmem>>) dst(%dma_wait3A_133 : memref<10240x128xf32, #tpu.memory_space<vmem_shared>>)
      tpu.yield
    }) : () -> ()
    %dma_start3A_68 = arith.constant 0 : i32
    %dma_start3A_69 = arith.constant 0 : i32
    %dma_start3A_70 = tpu.memref_slice %arg8[%dma_start3A_68, %dma_start3A_69] : memref<80x128xf32, #tpu.memory_space<vmem>> -> memref<40x128xf32, #tpu.memory_space<vmem>>
    %dma_start3A_71 = arith.constant 9920 : i32
    %dma_start3A_72 = tpu.memref_slice %arg6[%dma_start3A_71] : memref<10000xi32, #tpu.memory_space<vmem>> -> memref<40xi32, #tpu.memory_space<vmem>>
    %dma_start3A_73 = arith.constant 0 : i32
    %dma_start3A_74 = arith.constant 0 : i32
    %dma_start3A_75 = tpu.memref_slice %arg2[%dma_start3A_73, %dma_start3A_74] : memref<10240x128xf32, #tpu.memory_space<hbm>> -> memref<10240x128xf32, #tpu.memory_space<hbm>>
    tpu.enqueue_indirect_dma source(%dma_start3A_75 : memref<10240x128xf32, #tpu.memory_space<hbm>>) target(%dma_start3A_70 : memref<40x128xf32, #tpu.memory_space<vmem>>) offsets(%dma_start3A_72 : memref<40xi32, #tpu.memory_space<vmem>>) semaphore(%arg11 : memref<!tpu.dma_semaphore, #tpu.memory_space<semaphore_mem>>)
    %dma_start3A_76 = arith.constant 40 : i32
    %dma_start3A_77 = arith.constant 0 : i32
    %dma_start3A_78 = tpu.memref_slice %arg8[%dma_start3A_76, %dma_start3A_77] : memref<80x128xf32, #tpu.memory_space<vmem>> -> memref<40x128xf32, #tpu.memory_space<vmem>>
    %dma_start3A_79 = arith.constant 9960 : i32
    %dma_start3A_80 = tpu.memref_slice %arg6[%dma_start3A_79] : memref<10000xi32, #tpu.memory_space<vmem>> -> memref<40xi32, #tpu.memory_space<vmem>>
    %dma_start3A_81 = arith.constant 0 : i32
    %dma_start3A_82 = arith.constant 0 : i32
    %dma_start3A_83 = tpu.memref_slice %arg2[%dma_start3A_81, %dma_start3A_82] : memref<10240x128xf32, #tpu.memory_space<hbm>> -> memref<10240x128xf32, #tpu.memory_space<hbm>>
    tpu.enqueue_indirect_dma source(%dma_start3A_83 : memref<10240x128xf32, #tpu.memory_space<hbm>>) target(%dma_start3A_78 : memref<40x128xf32, #tpu.memory_space<vmem>>) offsets(%dma_start3A_80 : memref<40xi32, #tpu.memory_space<vmem>>) semaphore(%arg12 : memref<!tpu.dma_semaphore, #tpu.memory_space<semaphore_mem>>)
    %dma_wait3A_84 = arith.constant 0 : i32
    %dma_wait3A_85 = arith.constant 0 : i32
    %dma_wait3A_86 = tpu.memref_slice %arg9[%dma_wait3A_84, %dma_wait3A_85] : memref<80x128xf32, #tpu.memory_space<vmem>> -> memref<40x128xf32, #tpu.memory_space<vmem>>
    %dma_wait3A_87 = arith.constant 9840 : i32
    %dma_wait3A_88 = tpu.memref_slice %arg6[%dma_wait3A_87] : memref<10000xi32, #tpu.memory_space<vmem>> -> memref<40xi32, #tpu.memory_space<vmem>>
    %dma_wait3A_89 = arith.constant 0 : i32
    %dma_wait3A_90 = arith.constant 0 : i32
    %dma_wait3A_91 = tpu.memref_slice %arg2[%dma_wait3A_89, %dma_wait3A_90] : memref<10240x128xf32, #tpu.memory_space<hbm>> -> memref<10240x128xf32, #tpu.memory_space<hbm>>
    tpu.wait_indirect_dma semaphore(%arg13 : memref<!tpu.dma_semaphore, #tpu.memory_space<semaphore_mem>>) src(%dma_wait3A_91 : memref<10240x128xf32, #tpu.memory_space<hbm>>) dst(%dma_wait3A_86 : memref<40x128xf32, #tpu.memory_space<vmem>>)
    %dma_wait3A_92 = arith.constant 40 : i32
    %dma_wait3A_93 = arith.constant 0 : i32
    %dma_wait3A_94 = tpu.memref_slice %arg9[%dma_wait3A_92, %dma_wait3A_93] : memref<80x128xf32, #tpu.memory_space<vmem>> -> memref<40x128xf32, #tpu.memory_space<vmem>>
    %dma_wait3A_95 = arith.constant 9880 : i32
    %dma_wait3A_96 = tpu.memref_slice %arg6[%dma_wait3A_95] : memref<10000xi32, #tpu.memory_space<vmem>> -> memref<40xi32, #tpu.memory_space<vmem>>
    %dma_wait3A_97 = arith.constant 0 : i32
    %dma_wait3A_98 = arith.constant 0 : i32
    %dma_wait3A_99 = tpu.memref_slice %arg2[%dma_wait3A_97, %dma_wait3A_98] : memref<10240x128xf32, #tpu.memory_space<hbm>> -> memref<10240x128xf32, #tpu.memory_space<hbm>>
    tpu.wait_indirect_dma semaphore(%arg14 : memref<!tpu.dma_semaphore, #tpu.memory_space<semaphore_mem>>) src(%dma_wait3A_99 : memref<10240x128xf32, #tpu.memory_space<hbm>>) dst(%dma_wait3A_94 : memref<40x128xf32, #tpu.memory_space<vmem>>)
    "tpu.region"() ({
      %run_scoped3A = tpu.sem_alloc : memref<!tpu.dma_semaphore, #tpu.memory_space<semaphore_mem>>
      %dma_start3A_124 = arith.constant 9840 : i32
      %dma_start3A_125 = tpu.memref_slice %arg7[%dma_start3A_124] : memref<10000xi32, #tpu.memory_space<vmem>> -> memref<80xi32, #tpu.memory_space<vmem>>
      %dma_start3A_126 = arith.constant 0 : i32
      %dma_start3A_127 = arith.constant 0 : i32
      %dma_start3A_128 = tpu.memref_slice %arg10[%dma_start3A_126, %dma_start3A_127] : memref<10240x128xf32, #tpu.memory_space<vmem_shared>> -> memref<10240x128xf32, #tpu.memory_space<vmem_shared>>
      tpu.enqueue_indirect_dma source(%arg9 : memref<80x128xf32, #tpu.memory_space<vmem>>) target(%dma_start3A_128 : memref<10240x128xf32, #tpu.memory_space<vmem_shared>>) offsets(%dma_start3A_125 : memref<80xi32, #tpu.memory_space<vmem>>) semaphore(%run_scoped3A : memref<!tpu.dma_semaphore, #tpu.memory_space<semaphore_mem>>) {add = true}
      %dma_wait3A_129 = arith.constant 9840 : i32
      %dma_wait3A_130 = tpu.memref_slice %arg7[%dma_wait3A_129] : memref<10000xi32, #tpu.memory_space<vmem>> -> memref<80xi32, #tpu.memory_space<vmem>>
      %dma_wait3A_131 = arith.constant 0 : i32
      %dma_wait3A_132 = arith.constant 0 : i32
      %dma_wait3A_133 = tpu.memref_slice %arg10[%dma_wait3A_131, %dma_wait3A_132] : memref<10240x128xf32, #tpu.memory_space<vmem_shared>> -> memref<10240x128xf32, #tpu.memory_space<vmem_shared>>
      tpu.wait_indirect_dma semaphore(%run_scoped3A : memref<!tpu.dma_semaphore, #tpu.memory_space<semaphore_mem>>) src(%arg9 : memref<80x128xf32, #tpu.memory_space<vmem>>) dst(%dma_wait3A_133 : memref<10240x128xf32, #tpu.memory_space<vmem_shared>>)
      tpu.yield
    }) : () -> ()
    %dma_wait3A_100 = arith.constant 0 : i32
    %dma_wait3A_101 = arith.constant 0 : i32
    %dma_wait3A_102 = tpu.memref_slice %arg8[%dma_wait3A_100, %dma_wait3A_101] : memref<80x128xf32, #tpu.memory_space<vmem>> -> memref<40x128xf32, #tpu.memory_space<vmem>>
    %dma_wait3A_103 = arith.constant 9920 : i32
    %dma_wait3A_104 = tpu.memref_slice %arg6[%dma_wait3A_103] : memref<10000xi32, #tpu.memory_space<vmem>> -> memref<40xi32, #tpu.memory_space<vmem>>
    %dma_wait3A_105 = arith.constant 0 : i32
    %dma_wait3A_106 = arith.constant 0 : i32
    %dma_wait3A_107 = tpu.memref_slice %arg2[%dma_wait3A_105, %dma_wait3A_106] : memref<10240x128xf32, #tpu.memory_space<hbm>> -> memref<10240x128xf32, #tpu.memory_space<hbm>>
    tpu.wait_indirect_dma semaphore(%arg11 : memref<!tpu.dma_semaphore, #tpu.memory_space<semaphore_mem>>) src(%dma_wait3A_107 : memref<10240x128xf32, #tpu.memory_space<hbm>>) dst(%dma_wait3A_102 : memref<40x128xf32, #tpu.memory_space<vmem>>)
    %dma_wait3A_108 = arith.constant 40 : i32
    %dma_wait3A_109 = arith.constant 0 : i32
    %dma_wait3A_110 = tpu.memref_slice %arg8[%dma_wait3A_108, %dma_wait3A_109] : memref<80x128xf32, #tpu.memory_space<vmem>> -> memref<40x128xf32, #tpu.memory_space<vmem>>
    %dma_wait3A_111 = arith.constant 9960 : i32
    %dma_wait3A_112 = tpu.memref_slice %arg6[%dma_wait3A_111] : memref<10000xi32, #tpu.memory_space<vmem>> -> memref<40xi32, #tpu.memory_space<vmem>>
    %dma_wait3A_113 = arith.constant 0 : i32
    %dma_wait3A_114 = arith.constant 0 : i32
    %dma_wait3A_115 = tpu.memref_slice %arg2[%dma_wait3A_113, %dma_wait3A_114] : memref<10240x128xf32, #tpu.memory_space<hbm>> -> memref<10240x128xf32, #tpu.memory_space<hbm>>
    tpu.wait_indirect_dma semaphore(%arg12 : memref<!tpu.dma_semaphore, #tpu.memory_space<semaphore_mem>>) src(%dma_wait3A_115 : memref<10240x128xf32, #tpu.memory_space<hbm>>) dst(%dma_wait3A_110 : memref<40x128xf32, #tpu.memory_space<vmem>>)
    "tpu.region"() ({
      %run_scoped3A = tpu.sem_alloc : memref<!tpu.dma_semaphore, #tpu.memory_space<semaphore_mem>>
      %dma_start3A_124 = arith.constant 9920 : i32
      %dma_start3A_125 = tpu.memref_slice %arg7[%dma_start3A_124] : memref<10000xi32, #tpu.memory_space<vmem>> -> memref<80xi32, #tpu.memory_space<vmem>>
      %dma_start3A_126 = arith.constant 0 : i32
      %dma_start3A_127 = arith.constant 0 : i32
      %dma_start3A_128 = tpu.memref_slice %arg10[%dma_start3A_126, %dma_start3A_127] : memref<10240x128xf32, #tpu.memory_space<vmem_shared>> -> memref<10240x128xf32, #tpu.memory_space<vmem_shared>>
      tpu.enqueue_indirect_dma source(%arg8 : memref<80x128xf32, #tpu.memory_space<vmem>>) target(%dma_start3A_128 : memref<10240x128xf32, #tpu.memory_space<vmem_shared>>) offsets(%dma_start3A_125 : memref<80xi32, #tpu.memory_space<vmem>>) semaphore(%run_scoped3A : memref<!tpu.dma_semaphore, #tpu.memory_space<semaphore_mem>>) {add = true}
      %dma_wait3A_129 = arith.constant 9920 : i32
      %dma_wait3A_130 = tpu.memref_slice %arg7[%dma_wait3A_129] : memref<10000xi32, #tpu.memory_space<vmem>> -> memref<80xi32, #tpu.memory_space<vmem>>
      %dma_wait3A_131 = arith.constant 0 : i32
      %dma_wait3A_132 = arith.constant 0 : i32
      %dma_wait3A_133 = tpu.memref_slice %arg10[%dma_wait3A_131, %dma_wait3A_132] : memref<10240x128xf32, #tpu.memory_space<vmem_shared>> -> memref<10240x128xf32, #tpu.memory_space<vmem_shared>>
      tpu.wait_indirect_dma semaphore(%run_scoped3A : memref<!tpu.dma_semaphore, #tpu.memory_space<semaphore_mem>>) src(%arg8 : memref<80x128xf32, #tpu.memory_space<vmem>>) dst(%dma_wait3A_133 : memref<10240x128xf32, #tpu.memory_space<vmem_shared>>)
      tpu.yield
    }) : () -> ()
    %barrier3A_116 = arith.constant 0 : index
    tpu.barrier barrier_id(%barrier3A_116)
    %mul3A_117 = arith.constant 640 : i32
    %mul3A_118 = arith.muli %arg1, %mul3A_117 : i32
    %mul3A_119 = arith.constant 10240 : i32
    %mul3A_120 = arith.muli %arg0, %mul3A_119 : i32
    %mul3A_121 = arith.constant 640 : i32
    %mul3A_122 = arith.muli %arg1, %mul3A_121 : i32
    %add3A_123 = arith.addi %mul3A_120, %mul3A_122 : i32
    "tpu.region"() ({
      %run_scoped3A = tpu.sem_alloc : memref<!tpu.dma_semaphore, #tpu.memory_space<semaphore_mem>>
      %dma_start3A_124 = arith.constant 0 : i32
      %dma_start3A_125 = tpu.memref_slice %arg5[%add3A_123, %dma_start3A_124] : memref<20480x128xf32, #tpu.memory_space<hbm>> -> memref<640x128xf32, #tpu.memory_space<hbm>>
      %dma_start3A_126 = arith.constant 0 : i32
      %dma_start3A_127 = tpu.memref_slice %arg10[%mul3A_118, %dma_start3A_126] : memref<10240x128xf32, #tpu.memory_space<vmem_shared>> -> memref<640x128xf32, #tpu.memory_space<vmem_shared>>
      tpu.enqueue_dma source(%dma_start3A_127 : memref<640x128xf32, #tpu.memory_space<vmem_shared>>) target(%dma_start3A_125 : memref<640x128xf32, #tpu.memory_space<hbm>>) target_semaphore(%run_scoped3A : memref<!tpu.dma_semaphore, #tpu.memory_space<semaphore_mem>>)
      %dma_wait3A_128 = arith.constant 0 : i32
      %dma_wait3A_129 = tpu.memref_slice %arg5[%add3A_123, %dma_wait3A_128] : memref<20480x128xf32, #tpu.memory_space<hbm>> -> memref<640x128xf32, #tpu.memory_space<hbm>>
      %dma_wait3A_130 = arith.constant 0 : i32
      %dma_wait3A_131 = tpu.memref_slice %arg10[%mul3A_118, %dma_wait3A_130] : memref<10240x128xf32, #tpu.memory_space<vmem_shared>> -> memref<640x128xf32, #tpu.memory_space<vmem_shared>>
      tpu.wait_dma2 semaphore(%run_scoped3A : memref<!tpu.dma_semaphore, #tpu.memory_space<semaphore_mem>>) src(%dma_wait3A_131 : memref<640x128xf32, #tpu.memory_space<vmem_shared>>) dst(%dma_wait3A_129 : memref<640x128xf32, #tpu.memory_space<hbm>>)
      tpu.yield
    }) : () -> ()
    return
  }
}

#map = affine_map<(d0, d1) -> (0, 0)>
#map1 = affine_map<(d0, d1) -> (0)>
module attributes {stable_mosaic.version = 14 : i64} {
  func.func @_sc_scatter(%arg0: i32, %arg1: i32, %arg2: memref<10240x128xf32, #tpu.memory_space<hbm>>, %arg3: memref<320000xi32, #tpu.memory_space<hbm>>, %arg4: memref<320000xi32, #tpu.memory_space<hbm>>, %arg5: memref<20480x128xf32, #tpu.memory_space<hbm>>, %arg6: memref<10000xi32, #tpu.memory_space<vmem>>, %arg7: memref<10000xi32, #tpu.memory_space<vmem>>, %arg8: memref<80x128xf32, #tpu.memory_space<vmem>>, %arg9: memref<80x128xf32, #tpu.memory_space<vmem>>, %arg10: memref<10240x128xf32, #tpu.memory_space<vmem_shared>>, %arg11: memref<!tpu.dma_semaphore, #tpu.memory_space<semaphore_mem>>, %arg12: memref<!tpu.dma_semaphore, #tpu.memory_space<semaphore_mem>>, %arg13: memref<!tpu.dma_semaphore, #tpu.memory_space<semaphore_mem>>, %arg14: memref<!tpu.dma_semaphore, #tpu.memory_space<semaphore_mem>>) attributes {dimension_semantics = [#tpu.dimension_semantics<core_parallel>, #tpu.dimension_semantics<subcore_parallel>], iteration_bounds = array<i64: 2, 16>, scalar_prefetch = 0 : i64, scratch_operands = 9 : i64, tpu.core_type = #tpu.core_type<sc_vector_subcore>, window_params = [{transform_indices = #map}, {transform_indices = #map1}, {transform_indices = #map1}, {transform_indices = #map}]} {
    %mul3A = arith.constant 16 : i32
    %mul3A_0 = arith.muli %arg0, %mul3A : i32
    %add3A = arith.addi %mul3A_0, %arg1 : i32
    %scan3A = arith.constant 0 : i32
    %scan3A_1 = arith.constant 0 : i32
    %scan3A_2 = arith.constant 80 : i32
    %scan3A_3 = arith.addi %scan3A_1, %scan3A_2 : i32
    %scan3A_4 = arith.constant 1 : i32
    scf.for %scan3A_124 = %scan3A_1 to %scan3A_3 step %scan3A_4  : i32 {
      %scan3A_125 = arith.constant 0 : i32
      %scan3A_126 = arith.constant 8 : i32
      %scan3A_127 = arith.addi %scan3A_125, %scan3A_126 : i32
      %scan3A_128 = arith.constant 1 : i32
      scf.for %scan3A_130 = %scan3A_125 to %scan3A_127 step %scan3A_128  : i32 {
        %broadcast_in_dim3A = arith.constant 0.000000e+00 : f32
        %broadcast_in_dim3A_131 = vector.broadcast %broadcast_in_dim3A : f32 to vector<16xf32>
        %mul3A_132 = arith.constant 16 : i32
        %mul3A_133 = arith.muli %scan3A_130, %mul3A_132 : i32
        %swap3A = arith.index_cast %scan3A_124 : i32 to index
        %swap3A_134 = arith.index_cast %mul3A_133 : i32 to index
        %swap3A_135 = tpu.vector_load %arg8[%swap3A, %swap3A_134] {strides = array<i32>} : memref<80x128xf32, #tpu.memory_space<vmem>>, vector<1x16xf32>,
        %swap3A_136 = vector.shape_cast %swap3A_135 : vector<1x16xf32> to vector<16xf32>
        %swap3A_137 = vector.shape_cast %broadcast_in_dim3A_131 : vector<16xf32> to vector<1x16xf32>
        tpu.vector_store %arg8[%swap3A, %swap3A_134], %swap3A_137 {strides = array<i32>} : memref<80x128xf32, #tpu.memory_space<vmem>>, vector<1x16xf32>,
      }
      %scan3A_129 = arith.constant 8 : i32
    }
    %scan3A_5 = arith.constant 80 : i32
    %scan3A_6 = arith.constant 0 : i32
    %scan3A_7 = arith.constant 0 : i32
    %scan3A_8 = arith.constant 8 : i32
    %scan3A_9 = arith.addi %scan3A_7, %scan3A_8 : i32
    %scan3A_10 = arith.constant 1 : i32
    scf.for %scan3A_124 = %scan3A_7 to %scan3A_9 step %scan3A_10  : i32 {
      %mul3A_125 = arith.constant 640 : i32
      %mul3A_126 = arith.muli %arg1, %mul3A_125 : i32
      %mul3A_127 = arith.constant 80 : i32
      %mul3A_128 = arith.muli %scan3A_124, %mul3A_127 : i32
      %add3A_129 = arith.addi %mul3A_126, %mul3A_128 : i32
      "tpu.region"() ({
        %run_scoped3A = tpu.sem_alloc : memref<!tpu.dma_semaphore, #tpu.memory_space<semaphore_mem>>
        %dma_start3A_130 = arith.constant 0 : i32
        %dma_start3A_131 = tpu.memref_slice %arg10[%add3A_129, %dma_start3A_130] : memref<10240x128xf32, #tpu.memory_space<vmem_shared>> -> memref<80x128xf32, #tpu.memory_space<vmem_shared>>
        %dma_start3A_132 = arith.constant 0 : i32
        %dma_start3A_133 = tpu.memref_slice %arg10[%add3A_129, %dma_start3A_132] : memref<10240x128xf32, #tpu.memory_space<vmem_shared>> -> memref<80x128xf32, #tpu.memory_space<vmem_shared>>
        tpu.enqueue_dma source(%arg8 : memref<80x128xf32, #tpu.memory_space<vmem>>) target(%dma_start3A_133 : memref<80x128xf32, #tpu.memory_space<vmem_shared>>) target_semaphore(%run_scoped3A : memref<!tpu.dma_semaphore, #tpu.memory_space<semaphore_mem>>)
        %dma_wait3A_134 = arith.constant 0 : i32
        %dma_wait3A_135 = tpu.memref_slice %arg10[%add3A_129, %dma_wait3A_134] : memref<10240x128xf32, #tpu.memory_space<vmem_shared>> -> memref<80x128xf32, #tpu.memory_space<vmem_shared>>
        %dma_wait3A_136 = arith.constant 0 : i32
        %dma_wait3A_137 = tpu.memref_slice %arg10[%add3A_129, %dma_wait3A_136] : memref<10240x128xf32, #tpu.memory_space<vmem_shared>> -> memref<80x128xf32, #tpu.memory_space<vmem_shared>>
        tpu.wait_dma2 semaphore(%run_scoped3A : memref<!tpu.dma_semaphore, #tpu.memory_space<semaphore_mem>>) src(%arg8 : memref<80x128xf32, #tpu.memory_space<vmem>>) dst(%dma_wait3A_137 : memref<80x128xf32, #tpu.memory_space<vmem_shared>>)
        tpu.yield
      }) : () -> ()
    }
    %scan3A_11 = arith.constant 8 : i32
    %mul3A_12 = arith.constant 10000 : i32
    %mul3A_13 = arith.muli %add3A, %mul3A_12 : i32
    "tpu.region"() ({
      %run_scoped3A = tpu.sem_alloc : memref<!tpu.dma_semaphore, #tpu.memory_space<semaphore_mem>>
      %dma_start3A_124 = tpu.memref_slice %arg3[%mul3A_13] : memref<320000xi32, #tpu.memory_space<hbm>> -> memref<10000xi32, #tpu.memory_space<hbm>>
      %dma_start3A_125 = tpu.memref_slice %arg3[%mul3A_13] : memref<320000xi32, #tpu.memory_space<hbm>> -> memref<10000xi32, #tpu.memory_space<hbm>>
      tpu.enqueue_dma source(%dma_start3A_125 : memref<10000xi32, #tpu.memory_space<hbm>>) target(%arg6 : memref<10000xi32, #tpu.memory_space<vmem>>) target_semaphore(%run_scoped3A : memref<!tpu.dma_semaphore, #tpu.memory_space<semaphore_mem>>)
      %dma_wait3A_126 = tpu.memref_slice %arg3[%mul3A_13] : memref<320000xi32, #tpu.memory_space<hbm>> -> memref<10000xi32, #tpu.memory_space<hbm>>
      %dma_wait3A_127 = tpu.memref_slice %arg3[%mul3A_13] : memref<320000xi32, #tpu.memory_space<hbm>> -> memref<10000xi32, #tpu.memory_space<hbm>>
      tpu.wait_dma2 semaphore(%run_scoped3A : memref<!tpu.dma_semaphore, #tpu.memory_space<semaphore_mem>>) src(%dma_wait3A_127 : memref<10000xi32, #tpu.memory_space<hbm>>) dst(%arg6 : memref<10000xi32, #tpu.memory_space<vmem>>)
      tpu.yield
    }) : () -> ()
    %mul3A_14 = arith.constant 10000 : i32
    %mul3A_15 = arith.muli %add3A, %mul3A_14 : i32
    "tpu.region"() ({
      %run_scoped3A = tpu.sem_alloc : memref<!tpu.dma_semaphore, #tpu.memory_space<semaphore_mem>>
      %dma_start3A_124 = tpu.memref_slice %arg4[%mul3A_15] : memref<320000xi32, #tpu.memory_space<hbm>> -> memref<10000xi32, #tpu.memory_space<hbm>>
      %dma_start3A_125 = tpu.memref_slice %arg4[%mul3A_15] : memref<320000xi32, #tpu.memory_space<hbm>> -> memref<10000xi32, #tpu.memory_space<hbm>>
      tpu.enqueue_dma source(%dma_start3A_125 : memref<10000xi32, #tpu.memory_space<hbm>>) target(%arg7 : memref<10000xi32, #tpu.memory_space<vmem>>) target_semaphore(%run_scoped3A : memref<!tpu.dma_semaphore, #tpu.memory_space<semaphore_mem>>)
      %dma_wait3A_126 = tpu.memref_slice %arg4[%mul3A_15] : memref<320000xi32, #tpu.memory_space<hbm>> -> memref<10000xi32, #tpu.memory_space<hbm>>
      %dma_wait3A_127 = tpu.memref_slice %arg4[%mul3A_15] : memref<320000xi32, #tpu.memory_space<hbm>> -> memref<10000xi32, #tpu.memory_space<hbm>>
      tpu.wait_dma2 semaphore(%run_scoped3A : memref<!tpu.dma_semaphore, #tpu.memory_space<semaphore_mem>>) src(%dma_wait3A_127 : memref<10000xi32, #tpu.memory_space<hbm>>) dst(%arg7 : memref<10000xi32, #tpu.memory_space<vmem>>)
      tpu.yield
    }) : () -> ()
    %barrier3A = arith.constant 0 : index
    tpu.barrier barrier_id(%barrier3A)
    %dma_start3A = arith.constant 0 : i32
    %dma_start3A_16 = arith.constant 0 : i32
    %dma_start3A_17 = tpu.memref_slice %arg8[%dma_start3A, %dma_start3A_16] : memref<80x128xf32, #tpu.memory_space<vmem>> -> memref<40x128xf32, #tpu.memory_space<vmem>>
    %dma_start3A_18 = arith.constant 0 : i32
    %dma_start3A_19 = tpu.memref_slice %arg6[%dma_start3A_18] : memref<10000xi32, #tpu.memory_space<vmem>> -> memref<40xi32, #tpu.memory_space<vmem>>
    %dma_start3A_20 = arith.constant 0 : i32
    %dma_start3A_21 = arith.constant 0 : i32
    %dma_start3A_22 = tpu.memref_slice %arg2[%dma_start3A_20, %dma_start3A_21] : memref<10240x128xf32, #tpu.memory_space<hbm>> -> memref<10240x128xf32, #tpu.memory_space<hbm>>
    tpu.enqueue_indirect_dma source(%dma_start3A_22 : memref<10240x128xf32, #tpu.memory_space<hbm>>) target(%dma_start3A_17 : memref<40x128xf32, #tpu.memory_space<vmem>>) offsets(%dma_start3A_19 : memref<40xi32, #tpu.memory_space<vmem>>) semaphore(%arg11 : memref<!tpu.dma_semaphore, #tpu.memory_space<semaphore_mem>>)
    %dma_start3A_23 = arith.constant 40 : i32
    %dma_start3A_24 = arith.constant 0 : i32
    %dma_start3A_25 = tpu.memref_slice %arg8[%dma_start3A_23, %dma_start3A_24] : memref<80x128xf32, #tpu.memory_space<vmem>> -> memref<40x128xf32, #tpu.memory_space<vmem>>
    %dma_start3A_26 = arith.constant 40 : i32
    %dma_start3A_27 = tpu.memref_slice %arg6[%dma_start3A_26] : memref<10000xi32, #tpu.memory_space<vmem>> -> memref<40xi32, #tpu.memory_space<vmem>>
    %dma_start3A_28 = arith.constant 0 : i32
    %dma_start3A_29 = arith.constant 0 : i32
    %dma_start3A_30 = tpu.memref_slice %arg2[%dma_start3A_28, %dma_start3A_29] : memref<10240x128xf32, #tpu.memory_space<hbm>> -> memref<10240x128xf32, #tpu.memory_space<hbm>>
    tpu.enqueue_indirect_dma source(%dma_start3A_30 : memref<10240x128xf32, #tpu.memory_space<hbm>>) target(%dma_start3A_25 : memref<40x128xf32, #tpu.memory_space<vmem>>) offsets(%dma_start3A_27 : memref<40xi32, #tpu.memory_space<vmem>>) semaphore(%arg12 : memref<!tpu.dma_semaphore, #tpu.memory_space<semaphore_mem>>)
    %dma_start3A_31 = arith.constant 0 : i32
    %dma_start3A_32 = arith.constant 0 : i32
    %dma_start3A_33 = tpu.memref_slice %arg9[%dma_start3A_31, %dma_start3A_32] : memref<80x128xf32, #tpu.memory_space<vmem>> -> memref<40x128xf32, #tpu.memory_space<vmem>>
    %dma_start3A_34 = arith.constant 80 : i32
    %dma_start3A_35 = tpu.memref_slice %arg6[%dma_start3A_34] : memref<10000xi32, #tpu.memory_space<vmem>> -> memref<40xi32, #tpu.memory_space<vmem>>
    %dma_start3A_36 = arith.constant 0 : i32
    %dma_start3A_37 = arith.constant 0 : i32
    %dma_start3A_38 = tpu.memref_slice %arg2[%dma_start3A_36, %dma_start3A_37] : memref<10240x128xf32, #tpu.memory_space<hbm>> -> memref<10240x128xf32, #tpu.memory_space<hbm>>
    tpu.enqueue_indirect_dma source(%dma_start3A_38 : memref<10240x128xf32, #tpu.memory_space<hbm>>) target(%dma_start3A_33 : memref<40x128xf32, #tpu.memory_space<vmem>>) offsets(%dma_start3A_35 : memref<40xi32, #tpu.memory_space<vmem>>) semaphore(%arg13 : memref<!tpu.dma_semaphore, #tpu.memory_space<semaphore_mem>>)
    %dma_start3A_39 = arith.constant 40 : i32
    %dma_start3A_40 = arith.constant 0 : i32
    %dma_start3A_41 = tpu.memref_slice %arg9[%dma_start3A_39, %dma_start3A_40] : memref<80x128xf32, #tpu.memory_space<vmem>> -> memref<40x128xf32, #tpu.memory_space<vmem>>
    %dma_start3A_42 = arith.constant 120 : i32
    %dma_start3A_43 = tpu.memref_slice %arg6[%dma_start3A_42] : memref<10000xi32, #tpu.memory_space<vmem>> -> memref<40xi32, #tpu.memory_space<vmem>>
    %dma_start3A_44 = arith.constant 0 : i32
    %dma_start3A_45 = arith.constant 0 : i32
    %dma_start3A_46 = tpu.memref_slice %arg2[%dma_start3A_44, %dma_start3A_45] : memref<10240x128xf32, #tpu.memory_space<hbm>> -> memref<10240x128xf32, #tpu.memory_space<hbm>>
    tpu.enqueue_indirect_dma source(%dma_start3A_46 : memref<10240x128xf32, #tpu.memory_space<hbm>>) target(%dma_start3A_41 : memref<40x128xf32, #tpu.memory_space<vmem>>) offsets(%dma_start3A_43 : memref<40xi32, #tpu.memory_space<vmem>>) semaphore(%arg14 : memref<!tpu.dma_semaphore, #tpu.memory_space<semaphore_mem>>)
    %scan3A_47 = arith.constant 0 : i32
    %scan3A_48 = arith.constant 0 : i32
    %scan3A_49 = arith.constant 61 : i32
    %scan3A_50 = arith.addi %scan3A_48, %scan3A_49 : i32
    %scan3A_51 = arith.constant 1 : i32
    scf.for %scan3A_124 = %scan3A_48 to %scan3A_50 step %scan3A_51  : i32 {
      %mul3A_125 = arith.constant 2 : i32
      %mul3A_126 = arith.muli %mul3A_125, %scan3A_124 : i32
      %mul3A_127 = arith.constant 80 : i32
      %mul3A_128 = arith.muli %mul3A_126, %mul3A_127 : i32
      %dma_wait3A_129 = arith.constant 0 : i32
      %dma_wait3A_130 = arith.constant 0 : i32
      %dma_wait3A_131 = tpu.memref_slice %arg8[%dma_wait3A_129, %dma_wait3A_130] : memref<80x128xf32, #tpu.memory_space<vmem>> -> memref<40x128xf32, #tpu.memory_space<vmem>>
      %dma_wait3A_132 = tpu.memref_slice %arg6[%mul3A_128] : memref<10000xi32, #tpu.memory_space<vmem>> -> memref<40xi32, #tpu.memory_space<vmem>>
      %dma_wait3A_133 = arith.constant 0 : i32
      %dma_wait3A_134 = arith.constant 0 : i32
      %dma_wait3A_135 = tpu.memref_slice %arg2[%dma_wait3A_133, %dma_wait3A_134] : memref<10240x128xf32, #tpu.memory_space<hbm>> -> memref<10240x128xf32, #tpu.memory_space<hbm>>
      tpu.wait_indirect_dma semaphore(%arg11 : memref<!tpu.dma_semaphore, #tpu.memory_space<semaphore_mem>>) src(%dma_wait3A_135 : memref<10240x128xf32, #tpu.memory_space<hbm>>) dst(%dma_wait3A_131 : memref<40x128xf32, #tpu.memory_space<vmem>>)
      %mul3A_136 = arith.constant 80 : i32
      %mul3A_137 = arith.muli %mul3A_126, %mul3A_136 : i32
      %add3A_138 = arith.constant 40 : i32
      %add3A_139 = arith.addi %mul3A_137, %add3A_138 : i32
      %dma_wait3A_140 = arith.constant 40 : i32
      %dma_wait3A_141 = arith.constant 0 : i32
      %dma_wait3A_142 = tpu.memref_slice %arg8[%dma_wait3A_140, %dma_wait3A_141] : memref<80x128xf32, #tpu.memory_space<vmem>> -> memref<40x128xf32, #tpu.memory_space<vmem>>
      %dma_wait3A_143 = tpu.memref_slice %arg6[%add3A_139] : memref<10000xi32, #tpu.memory_space<vmem>> -> memref<40xi32, #tpu.memory_space<vmem>>
      %dma_wait3A_144 = arith.constant 0 : i32
      %dma_wait3A_145 = arith.constant 0 : i32
      %dma_wait3A_146 = tpu.memref_slice %arg2[%dma_wait3A_144, %dma_wait3A_145] : memref<10240x128xf32, #tpu.memory_space<hbm>> -> memref<10240x128xf32, #tpu.memory_space<hbm>>
      tpu.wait_indirect_dma semaphore(%arg12 : memref<!tpu.dma_semaphore, #tpu.memory_space<semaphore_mem>>) src(%dma_wait3A_146 : memref<10240x128xf32, #tpu.memory_space<hbm>>) dst(%dma_wait3A_142 : memref<40x128xf32, #tpu.memory_space<vmem>>)
      %mul3A_147 = arith.constant 80 : i32
      %mul3A_148 = arith.muli %mul3A_126, %mul3A_147 : i32
      "tpu.region"() ({
        %run_scoped3A = tpu.sem_alloc : memref<!tpu.dma_semaphore, #tpu.memory_space<semaphore_mem>>
        %dma_start3A_217 = tpu.memref_slice %arg7[%mul3A_148] : memref<10000xi32, #tpu.memory_space<vmem>> -> memref<80xi32, #tpu.memory_space<vmem>>
        %dma_start3A_218 = arith.constant 0 : i32
        %dma_start3A_219 = arith.constant 0 : i32
        %dma_start3A_220 = tpu.memref_slice %arg10[%dma_start3A_218, %dma_start3A_219] : memref<10240x128xf32, #tpu.memory_space<vmem_shared>> -> memref<10240x128xf32, #tpu.memory_space<vmem_shared>>
        tpu.enqueue_indirect_dma source(%arg8 : memref<80x128xf32, #tpu.memory_space<vmem>>) target(%dma_start3A_220 : memref<10240x128xf32, #tpu.memory_space<vmem_shared>>) offsets(%dma_start3A_217 : memref<80xi32, #tpu.memory_space<vmem>>) semaphore(%run_scoped3A : memref<!tpu.dma_semaphore, #tpu.memory_space<semaphore_mem>>) {add = true}
        %dma_wait3A_221 = tpu.memref_slice %arg7[%mul3A_148] : memref<10000xi32, #tpu.memory_space<vmem>> -> memref<80xi32, #tpu.memory_space<vmem>>
        %dma_wait3A_222 = arith.constant 0 : i32
        %dma_wait3A_223 = arith.constant 0 : i32
        %dma_wait3A_224 = tpu.memref_slice %arg10[%dma_wait3A_222, %dma_wait3A_223] : memref<10240x128xf32, #tpu.memory_space<vmem_shared>> -> memref<10240x128xf32, #tpu.memory_space<vmem_shared>>
        tpu.wait_indirect_dma semaphore(%run_scoped3A : memref<!tpu.dma_semaphore, #tpu.memory_space<semaphore_mem>>) src(%arg8 : memref<80x128xf32, #tpu.memory_space<vmem>>) dst(%dma_wait3A_224 : memref<10240x128xf32, #tpu.memory_space<vmem_shared>>)
        tpu.yield
      }) : () -> ()
      %add3A_149 = arith.constant 2 : i32
      %add3A_150 = arith.addi %mul3A_126, %add3A_149 : i32
      %mul3A_151 = arith.constant 80 : i32
      %mul3A_152 = arith.muli %add3A_150, %mul3A_151 : i32
      %dma_start3A_153 = arith.constant 0 : i32
      %dma_start3A_154 = arith.constant 0 : i32
      %dma_start3A_155 = tpu.memref_slice %arg8[%dma_start3A_153, %dma_start3A_154] : memref<80x128xf32, #tpu.memory_space<vmem>> -> memref<40x128xf32, #tpu.memory_space<vmem>>
      %dma_start3A_156 = tpu.memref_slice %arg6[%mul3A_152] : memref<10000xi32, #tpu.memory_space<vmem>> -> memref<40xi32, #tpu.memory_space<vmem>>
      %dma_start3A_157 = arith.constant 0 : i32
      %dma_start3A_158 = arith.constant 0 : i32
      %dma_start3A_159 = tpu.memref_slice %arg2[%dma_start3A_157, %dma_start3A_158] : memref<10240x128xf32, #tpu.memory_space<hbm>> -> memref<10240x128xf32, #tpu.memory_space<hbm>>
      tpu.enqueue_indirect_dma source(%dma_start3A_159 : memref<10240x128xf32, #tpu.memory_space<hbm>>) target(%dma_start3A_155 : memref<40x128xf32, #tpu.memory_space<vmem>>) offsets(%dma_start3A_156 : memref<40xi32, #tpu.memory_space<vmem>>) semaphore(%arg11 : memref<!tpu.dma_semaphore, #tpu.memory_space<semaphore_mem>>)
      %mul3A_160 = arith.constant 80 : i32
      %mul3A_161 = arith.muli %add3A_150, %mul3A_160 : i32
      %add3A_162 = arith.constant 40 : i32
      %add3A_163 = arith.addi %mul3A_161, %add3A_162 : i32
      %dma_start3A_164 = arith.constant 40 : i32
      %dma_start3A_165 = arith.constant 0 : i32
      %dma_start3A_166 = tpu.memref_slice %arg8[%dma_start3A_164, %dma_start3A_165] : memref<80x128xf32, #tpu.memory_space<vmem>> -> memref<40x128xf32, #tpu.memory_space<vmem>>
      %dma_start3A_167 = tpu.memref_slice %arg6[%add3A_163] : memref<10000xi32, #tpu.memory_space<vmem>> -> memref<40xi32, #tpu.memory_space<vmem>>
      %dma_start3A_168 = arith.constant 0 : i32
      %dma_start3A_169 = arith.constant 0 : i32
      %dma_start3A_170 = tpu.memref_slice %arg2[%dma_start3A_168, %dma_start3A_169] : memref<10240x128xf32, #tpu.memory_space<hbm>> -> memref<10240x128xf32, #tpu.memory_space<hbm>>
      tpu.enqueue_indirect_dma source(%dma_start3A_170 : memref<10240x128xf32, #tpu.memory_space<hbm>>) target(%dma_start3A_166 : memref<40x128xf32, #tpu.memory_space<vmem>>) offsets(%dma_start3A_167 : memref<40xi32, #tpu.memory_space<vmem>>) semaphore(%arg12 : memref<!tpu.dma_semaphore, #tpu.memory_space<semaphore_mem>>)
      %add3A_171 = arith.constant 1 : i32
      %add3A_172 = arith.addi %mul3A_126, %add3A_171 : i32
      %mul3A_173 = arith.constant 80 : i32
      %mul3A_174 = arith.muli %add3A_172, %mul3A_173 : i32
      %dma_wait3A_175 = arith.constant 0 : i32
      %dma_wait3A_176 = arith.constant 0 : i32
      %dma_wait3A_177 = tpu.memref_slice %arg9[%dma_wait3A_175, %dma_wait3A_176] : memref<80x128xf32, #tpu.memory_space<vmem>> -> memref<40x128xf32, #tpu.memory_space<vmem>>
      %dma_wait3A_178 = tpu.memref_slice %arg6[%mul3A_174] : memref<10000xi32, #tpu.memory_space<vmem>> -> memref<40xi32, #tpu.memory_space<vmem>>
      %dma_wait3A_179 = arith.constant 0 : i32
      %dma_wait3A_180 = arith.constant 0 : i32
      %dma_wait3A_181 = tpu.memref_slice %arg2[%dma_wait3A_179, %dma_wait3A_180] : memref<10240x128xf32, #tpu.memory_space<hbm>> -> memref<10240x128xf32, #tpu.memory_space<hbm>>
      tpu.wait_indirect_dma semaphore(%arg13 : memref<!tpu.dma_semaphore, #tpu.memory_space<semaphore_mem>>) src(%dma_wait3A_181 : memref<10240x128xf32, #tpu.memory_space<hbm>>) dst(%dma_wait3A_177 : memref<40x128xf32, #tpu.memory_space<vmem>>)
      %mul3A_182 = arith.constant 80 : i32
      %mul3A_183 = arith.muli %add3A_172, %mul3A_182 : i32
      %add3A_184 = arith.constant 40 : i32
      %add3A_185 = arith.addi %mul3A_183, %add3A_184 : i32
      %dma_wait3A_186 = arith.constant 40 : i32
      %dma_wait3A_187 = arith.constant 0 : i32
      %dma_wait3A_188 = tpu.memref_slice %arg9[%dma_wait3A_186, %dma_wait3A_187] : memref<80x128xf32, #tpu.memory_space<vmem>> -> memref<40x128xf32, #tpu.memory_space<vmem>>
      %dma_wait3A_189 = tpu.memref_slice %arg6[%add3A_185] : memref<10000xi32, #tpu.memory_space<vmem>> -> memref<40xi32, #tpu.memory_space<vmem>>
      %dma_wait3A_190 = arith.constant 0 : i32
      %dma_wait3A_191 = arith.constant 0 : i32
      %dma_wait3A_192 = tpu.memref_slice %arg2[%dma_wait3A_190, %dma_wait3A_191] : memref<10240x128xf32, #tpu.memory_space<hbm>> -> memref<10240x128xf32, #tpu.memory_space<hbm>>
      tpu.wait_indirect_dma semaphore(%arg14 : memref<!tpu.dma_semaphore, #tpu.memory_space<semaphore_mem>>) src(%dma_wait3A_192 : memref<10240x128xf32, #tpu.memory_space<hbm>>) dst(%dma_wait3A_188 : memref<40x128xf32, #tpu.memory_space<vmem>>)
      %mul3A_193 = arith.constant 80 : i32
      %mul3A_194 = arith.muli %add3A_172, %mul3A_193 : i32
      "tpu.region"() ({
        %run_scoped3A = tpu.sem_alloc : memref<!tpu.dma_semaphore, #tpu.memory_space<semaphore_mem>>
        %dma_start3A_217 = tpu.memref_slice %arg7[%mul3A_194] : memref<10000xi32, #tpu.memory_space<vmem>> -> memref<80xi32, #tpu.memory_space<vmem>>
        %dma_start3A_218 = arith.constant 0 : i32
        %dma_start3A_219 = arith.constant 0 : i32
        %dma_start3A_220 = tpu.memref_slice %arg10[%dma_start3A_218, %dma_start3A_219] : memref<10240x128xf32, #tpu.memory_space<vmem_shared>> -> memref<10240x128xf32, #tpu.memory_space<vmem_shared>>
        tpu.enqueue_indirect_dma source(%arg9 : memref<80x128xf32, #tpu.memory_space<vmem>>) target(%dma_start3A_220 : memref<10240x128xf32, #tpu.memory_space<vmem_shared>>) offsets(%dma_start3A_217 : memref<80xi32, #tpu.memory_space<vmem>>) semaphore(%run_scoped3A : memref<!tpu.dma_semaphore, #tpu.memory_space<semaphore_mem>>) {add = true}
        %dma_wait3A_221 = tpu.memref_slice %arg7[%mul3A_194] : memref<10000xi32, #tpu.memory_space<vmem>> -> memref<80xi32, #tpu.memory_space<vmem>>
        %dma_wait3A_222 = arith.constant 0 : i32
        %dma_wait3A_223 = arith.constant 0 : i32
        %dma_wait3A_224 = tpu.memref_slice %arg10[%dma_wait3A_222, %dma_wait3A_223] : memref<10240x128xf32, #tpu.memory_space<vmem_shared>> -> memref<10240x128xf32, #tpu.memory_space<vmem_shared>>
        tpu.wait_indirect_dma semaphore(%run_scoped3A : memref<!tpu.dma_semaphore, #tpu.memory_space<semaphore_mem>>) src(%arg9 : memref<80x128xf32, #tpu.memory_space<vmem>>) dst(%dma_wait3A_224 : memref<10240x128xf32, #tpu.memory_space<vmem_shared>>)
        tpu.yield
      }) : () -> ()
      %add3A_195 = arith.constant 2 : i32
      %add3A_196 = arith.addi %add3A_172, %add3A_195 : i32
      %mul3A_197 = arith.constant 80 : i32
      %mul3A_198 = arith.muli %add3A_196, %mul3A_197 : i32
      %dma_start3A_199 = arith.constant 0 : i32
      %dma_start3A_200 = arith.constant 0 : i32
      %dma_start3A_201 = tpu.memref_slice %arg9[%dma_start3A_199, %dma_start3A_200] : memref<80x128xf32, #tpu.memory_space<vmem>> -> memref<40x128xf32, #tpu.memory_space<vmem>>
      %dma_start3A_202 = tpu.memref_slice %arg6[%mul3A_198] : memref<10000xi32, #tpu.memory_space<vmem>> -> memref<40xi32, #tpu.memory_space<vmem>>
      %dma_start3A_203 = arith.constant 0 : i32
      %dma_start3A_204 = arith.constant 0 : i32
      %dma_start3A_205 = tpu.memref_slice %arg2[%dma_start3A_203, %dma_start3A_204] : memref<10240x128xf32, #tpu.memory_space<hbm>> -> memref<10240x128xf32, #tpu.memory_space<hbm>>
      tpu.enqueue_indirect_dma source(%dma_start3A_205 : memref<10240x128xf32, #tpu.memory_space<hbm>>) target(%dma_start3A_201 : memref<40x128xf32, #tpu.memory_space<vmem>>) offsets(%dma_start3A_202 : memref<40xi32, #tpu.memory_space<vmem>>) semaphore(%arg13 : memref<!tpu.dma_semaphore, #tpu.memory_space<semaphore_mem>>)
      %mul3A_206 = arith.constant 80 : i32
      %mul3A_207 = arith.muli %add3A_196, %mul3A_206 : i32
      %add3A_208 = arith.constant 40 : i32
      %add3A_209 = arith.addi %mul3A_207, %add3A_208 : i32
      %dma_start3A_210 = arith.constant 40 : i32
      %dma_start3A_211 = arith.constant 0 : i32
      %dma_start3A_212 = tpu.memref_slice %arg9[%dma_start3A_210, %dma_start3A_211] : memref<80x128xf32, #tpu.memory_space<vmem>> -> memref<40x128xf32, #tpu.memory_space<vmem>>
      %dma_start3A_213 = tpu.memref_slice %arg6[%add3A_209] : memref<10000xi32, #tpu.memory_space<vmem>> -> memref<40xi32, #tpu.memory_space<vmem>>
      %dma_start3A_214 = arith.constant 0 : i32
      %dma_start3A_215 = arith.constant 0 : i32
      %dma_start3A_216 = tpu.memref_slice %arg2[%dma_start3A_214, %dma_start3A_215] : memref<10240x128xf32, #tpu.memory_space<hbm>> -> memref<10240x128xf32, #tpu.memory_space<hbm>>
      tpu.enqueue_indirect_dma source(%dma_start3A_216 : memref<10240x128xf32, #tpu.memory_space<hbm>>) target(%dma_start3A_212 : memref<40x128xf32, #tpu.memory_space<vmem>>) offsets(%dma_start3A_213 : memref<40xi32, #tpu.memory_space<vmem>>) semaphore(%arg14 : memref<!tpu.dma_semaphore, #tpu.memory_space<semaphore_mem>>)
    }
    %scan3A_52 = arith.constant 61 : i32
    %dma_wait3A = arith.constant 0 : i32
    %dma_wait3A_53 = arith.constant 0 : i32
    %dma_wait3A_54 = tpu.memref_slice %arg8[%dma_wait3A, %dma_wait3A_53] : memref<80x128xf32, #tpu.memory_space<vmem>> -> memref<40x128xf32, #tpu.memory_space<vmem>>
    %dma_wait3A_55 = arith.constant 9760 : i32
    %dma_wait3A_56 = tpu.memref_slice %arg6[%dma_wait3A_55] : memref<10000xi32, #tpu.memory_space<vmem>> -> memref<40xi32, #tpu.memory_space<vmem>>
    %dma_wait3A_57 = arith.constant 0 : i32
    %dma_wait3A_58 = arith.constant 0 : i32
    %dma_wait3A_59 = tpu.memref_slice %arg2[%dma_wait3A_57, %dma_wait3A_58] : memref<10240x128xf32, #tpu.memory_space<hbm>> -> memref<10240x128xf32, #tpu.memory_space<hbm>>
    tpu.wait_indirect_dma semaphore(%arg11 : memref<!tpu.dma_semaphore, #tpu.memory_space<semaphore_mem>>) src(%dma_wait3A_59 : memref<10240x128xf32, #tpu.memory_space<hbm>>) dst(%dma_wait3A_54 : memref<40x128xf32, #tpu.memory_space<vmem>>)
    %dma_wait3A_60 = arith.constant 40 : i32
    %dma_wait3A_61 = arith.constant 0 : i32
    %dma_wait3A_62 = tpu.memref_slice %arg8[%dma_wait3A_60, %dma_wait3A_61] : memref<80x128xf32, #tpu.memory_space<vmem>> -> memref<40x128xf32, #tpu.memory_space<vmem>>
    %dma_wait3A_63 = arith.constant 9800 : i32
    %dma_wait3A_64 = tpu.memref_slice %arg6[%dma_wait3A_63] : memref<10000xi32, #tpu.memory_space<vmem>> -> memref<40xi32, #tpu.memory_space<vmem>>
    %dma_wait3A_65 = arith.constant 0 : i32
    %dma_wait3A_66 = arith.constant 0 : i32
    %dma_wait3A_67 = tpu.memref_slice %arg2[%dma_wait3A_65, %dma_wait3A_66] : memref<10240x128xf32, #tpu.memory_space<hbm>> -> memref<10240x128xf32, #tpu.memory_space<hbm>>
    tpu.wait_indirect_dma semaphore(%arg12 : memref<!tpu.dma_semaphore, #tpu.memory_space<semaphore_mem>>) src(%dma_wait3A_67 : memref<10240x128xf32, #tpu.memory_space<hbm>>) dst(%dma_wait3A_62 : memref<40x128xf32, #tpu.memory_space<vmem>>)
    "tpu.region"() ({
      %run_scoped3A = tpu.sem_alloc : memref<!tpu.dma_semaphore, #tpu.memory_space<semaphore_mem>>
      %dma_start3A_124 = arith.constant 9760 : i32
      %dma_start3A_125 = tpu.memref_slice %arg7[%dma_start3A_124] : memref<10000xi32, #tpu.memory_space<vmem>> -> memref<80xi32, #tpu.memory_space<vmem>>
      %dma_start3A_126 = arith.constant 0 : i32
      %dma_start3A_127 = arith.constant 0 : i32
      %dma_start3A_128 = tpu.memref_slice %arg10[%dma_start3A_126, %dma_start3A_127] : memref<10240x128xf32, #tpu.memory_space<vmem_shared>> -> memref<10240x128xf32, #tpu.memory_space<vmem_shared>>
      tpu.enqueue_indirect_dma source(%arg8 : memref<80x128xf32, #tpu.memory_space<vmem>>) target(%dma_start3A_128 : memref<10240x128xf32, #tpu.memory_space<vmem_shared>>) offsets(%dma_start3A_125 : memref<80xi32, #tpu.memory_space<vmem>>) semaphore(%run_scoped3A : memref<!tpu.dma_semaphore, #tpu.memory_space<semaphore_mem>>) {add = true}
      %dma_wait3A_129 = arith.constant 9760 : i32
      %dma_wait3A_130 = tpu.memref_slice %arg7[%dma_wait3A_129] : memref<10000xi32, #tpu.memory_space<vmem>> -> memref<80xi32, #tpu.memory_space<vmem>>
      %dma_wait3A_131 = arith.constant 0 : i32
      %dma_wait3A_132 = arith.constant 0 : i32
      %dma_wait3A_133 = tpu.memref_slice %arg10[%dma_wait3A_131, %dma_wait3A_132] : memref<10240x128xf32, #tpu.memory_space<vmem_shared>> -> memref<10240x128xf32, #tpu.memory_space<vmem_shared>>
      tpu.wait_indirect_dma semaphore(%run_scoped3A : memref<!tpu.dma_semaphore, #tpu.memory_space<semaphore_mem>>) src(%arg8 : memref<80x128xf32, #tpu.memory_space<vmem>>) dst(%dma_wait3A_133 : memref<10240x128xf32, #tpu.memory_space<vmem_shared>>)
      tpu.yield
    }) : () -> ()
    %dma_start3A_68 = arith.constant 0 : i32
    %dma_start3A_69 = arith.constant 0 : i32
    %dma_start3A_70 = tpu.memref_slice %arg8[%dma_start3A_68, %dma_start3A_69] : memref<80x128xf32, #tpu.memory_space<vmem>> -> memref<40x128xf32, #tpu.memory_space<vmem>>
    %dma_start3A_71 = arith.constant 9920 : i32
    %dma_start3A_72 = tpu.memref_slice %arg6[%dma_start3A_71] : memref<10000xi32, #tpu.memory_space<vmem>> -> memref<40xi32, #tpu.memory_space<vmem>>
    %dma_start3A_73 = arith.constant 0 : i32
    %dma_start3A_74 = arith.constant 0 : i32
    %dma_start3A_75 = tpu.memref_slice %arg2[%dma_start3A_73, %dma_start3A_74] : memref<10240x128xf32, #tpu.memory_space<hbm>> -> memref<10240x128xf32, #tpu.memory_space<hbm>>
    tpu.enqueue_indirect_dma source(%dma_start3A_75 : memref<10240x128xf32, #tpu.memory_space<hbm>>) target(%dma_start3A_70 : memref<40x128xf32, #tpu.memory_space<vmem>>) offsets(%dma_start3A_72 : memref<40xi32, #tpu.memory_space<vmem>>) semaphore(%arg11 : memref<!tpu.dma_semaphore, #tpu.memory_space<semaphore_mem>>)
    %dma_start3A_76 = arith.constant 40 : i32
    %dma_start3A_77 = arith.constant 0 : i32
    %dma_start3A_78 = tpu.memref_slice %arg8[%dma_start3A_76, %dma_start3A_77] : memref<80x128xf32, #tpu.memory_space<vmem>> -> memref<40x128xf32, #tpu.memory_space<vmem>>
    %dma_start3A_79 = arith.constant 9960 : i32
    %dma_start3A_80 = tpu.memref_slice %arg6[%dma_start3A_79] : memref<10000xi32, #tpu.memory_space<vmem>> -> memref<40xi32, #tpu.memory_space<vmem>>
    %dma_start3A_81 = arith.constant 0 : i32
    %dma_start3A_82 = arith.constant 0 : i32
    %dma_start3A_83 = tpu.memref_slice %arg2[%dma_start3A_81, %dma_start3A_82] : memref<10240x128xf32, #tpu.memory_space<hbm>> -> memref<10240x128xf32, #tpu.memory_space<hbm>>
    tpu.enqueue_indirect_dma source(%dma_start3A_83 : memref<10240x128xf32, #tpu.memory_space<hbm>>) target(%dma_start3A_78 : memref<40x128xf32, #tpu.memory_space<vmem>>) offsets(%dma_start3A_80 : memref<40xi32, #tpu.memory_space<vmem>>) semaphore(%arg12 : memref<!tpu.dma_semaphore, #tpu.memory_space<semaphore_mem>>)
    %dma_wait3A_84 = arith.constant 0 : i32
    %dma_wait3A_85 = arith.constant 0 : i32
    %dma_wait3A_86 = tpu.memref_slice %arg9[%dma_wait3A_84, %dma_wait3A_85] : memref<80x128xf32, #tpu.memory_space<vmem>> -> memref<40x128xf32, #tpu.memory_space<vmem>>
    %dma_wait3A_87 = arith.constant 9840 : i32
    %dma_wait3A_88 = tpu.memref_slice %arg6[%dma_wait3A_87] : memref<10000xi32, #tpu.memory_space<vmem>> -> memref<40xi32, #tpu.memory_space<vmem>>
    %dma_wait3A_89 = arith.constant 0 : i32
    %dma_wait3A_90 = arith.constant 0 : i32
    %dma_wait3A_91 = tpu.memref_slice %arg2[%dma_wait3A_89, %dma_wait3A_90] : memref<10240x128xf32, #tpu.memory_space<hbm>> -> memref<10240x128xf32, #tpu.memory_space<hbm>>
    tpu.wait_indirect_dma semaphore(%arg13 : memref<!tpu.dma_semaphore, #tpu.memory_space<semaphore_mem>>) src(%dma_wait3A_91 : memref<10240x128xf32, #tpu.memory_space<hbm>>) dst(%dma_wait3A_86 : memref<40x128xf32, #tpu.memory_space<vmem>>)
    %dma_wait3A_92 = arith.constant 40 : i32
    %dma_wait3A_93 = arith.constant 0 : i32
    %dma_wait3A_94 = tpu.memref_slice %arg9[%dma_wait3A_92, %dma_wait3A_93] : memref<80x128xf32, #tpu.memory_space<vmem>> -> memref<40x128xf32, #tpu.memory_space<vmem>>
    %dma_wait3A_95 = arith.constant 9880 : i32
    %dma_wait3A_96 = tpu.memref_slice %arg6[%dma_wait3A_95] : memref<10000xi32, #tpu.memory_space<vmem>> -> memref<40xi32, #tpu.memory_space<vmem>>
    %dma_wait3A_97 = arith.constant 0 : i32
    %dma_wait3A_98 = arith.constant 0 : i32
    %dma_wait3A_99 = tpu.memref_slice %arg2[%dma_wait3A_97, %dma_wait3A_98] : memref<10240x128xf32, #tpu.memory_space<hbm>> -> memref<10240x128xf32, #tpu.memory_space<hbm>>
    tpu.wait_indirect_dma semaphore(%arg14 : memref<!tpu.dma_semaphore, #tpu.memory_space<semaphore_mem>>) src(%dma_wait3A_99 : memref<10240x128xf32, #tpu.memory_space<hbm>>) dst(%dma_wait3A_94 : memref<40x128xf32, #tpu.memory_space<vmem>>)
    "tpu.region"() ({
      %run_scoped3A = tpu.sem_alloc : memref<!tpu.dma_semaphore, #tpu.memory_space<semaphore_mem>>
      %dma_start3A_124 = arith.constant 9840 : i32
      %dma_start3A_125 = tpu.memref_slice %arg7[%dma_start3A_124] : memref<10000xi32, #tpu.memory_space<vmem>> -> memref<80xi32, #tpu.memory_space<vmem>>
      %dma_start3A_126 = arith.constant 0 : i32
      %dma_start3A_127 = arith.constant 0 : i32
      %dma_start3A_128 = tpu.memref_slice %arg10[%dma_start3A_126, %dma_start3A_127] : memref<10240x128xf32, #tpu.memory_space<vmem_shared>> -> memref<10240x128xf32, #tpu.memory_space<vmem_shared>>
      tpu.enqueue_indirect_dma source(%arg9 : memref<80x128xf32, #tpu.memory_space<vmem>>) target(%dma_start3A_128 : memref<10240x128xf32, #tpu.memory_space<vmem_shared>>) offsets(%dma_start3A_125 : memref<80xi32, #tpu.memory_space<vmem>>) semaphore(%run_scoped3A : memref<!tpu.dma_semaphore, #tpu.memory_space<semaphore_mem>>) {add = true}
      %dma_wait3A_129 = arith.constant 9840 : i32
      %dma_wait3A_130 = tpu.memref_slice %arg7[%dma_wait3A_129] : memref<10000xi32, #tpu.memory_space<vmem>> -> memref<80xi32, #tpu.memory_space<vmem>>
      %dma_wait3A_131 = arith.constant 0 : i32
      %dma_wait3A_132 = arith.constant 0 : i32
      %dma_wait3A_133 = tpu.memref_slice %arg10[%dma_wait3A_131, %dma_wait3A_132] : memref<10240x128xf32, #tpu.memory_space<vmem_shared>> -> memref<10240x128xf32, #tpu.memory_space<vmem_shared>>
      tpu.wait_indirect_dma semaphore(%run_scoped3A : memref<!tpu.dma_semaphore, #tpu.memory_space<semaphore_mem>>) src(%arg9 : memref<80x128xf32, #tpu.memory_space<vmem>>) dst(%dma_wait3A_133 : memref<10240x128xf32, #tpu.memory_space<vmem_shared>>)
      tpu.yield
    }) : () -> ()
    %dma_wait3A_100 = arith.constant 0 : i32
    %dma_wait3A_101 = arith.constant 0 : i32
    %dma_wait3A_102 = tpu.memref_slice %arg8[%dma_wait3A_100, %dma_wait3A_101] : memref<80x128xf32, #tpu.memory_space<vmem>> -> memref<40x128xf32, #tpu.memory_space<vmem>>
    %dma_wait3A_103 = arith.constant 9920 : i32
    %dma_wait3A_104 = tpu.memref_slice %arg6[%dma_wait3A_103] : memref<10000xi32, #tpu.memory_space<vmem>> -> memref<40xi32, #tpu.memory_space<vmem>>
    %dma_wait3A_105 = arith.constant 0 : i32
    %dma_wait3A_106 = arith.constant 0 : i32
    %dma_wait3A_107 = tpu.memref_slice %arg2[%dma_wait3A_105, %dma_wait3A_106] : memref<10240x128xf32, #tpu.memory_space<hbm>> -> memref<10240x128xf32, #tpu.memory_space<hbm>>
    tpu.wait_indirect_dma semaphore(%arg11 : memref<!tpu.dma_semaphore, #tpu.memory_space<semaphore_mem>>) src(%dma_wait3A_107 : memref<10240x128xf32, #tpu.memory_space<hbm>>) dst(%dma_wait3A_102 : memref<40x128xf32, #tpu.memory_space<vmem>>)
    %dma_wait3A_108 = arith.constant 40 : i32
    %dma_wait3A_109 = arith.constant 0 : i32
    %dma_wait3A_110 = tpu.memref_slice %arg8[%dma_wait3A_108, %dma_wait3A_109] : memref<80x128xf32, #tpu.memory_space<vmem>> -> memref<40x128xf32, #tpu.memory_space<vmem>>
    %dma_wait3A_111 = arith.constant 9960 : i32
    %dma_wait3A_112 = tpu.memref_slice %arg6[%dma_wait3A_111] : memref<10000xi32, #tpu.memory_space<vmem>> -> memref<40xi32, #tpu.memory_space<vmem>>
    %dma_wait3A_113 = arith.constant 0 : i32
    %dma_wait3A_114 = arith.constant 0 : i32
    %dma_wait3A_115 = tpu.memref_slice %arg2[%dma_wait3A_113, %dma_wait3A_114] : memref<10240x128xf32, #tpu.memory_space<hbm>> -> memref<10240x128xf32, #tpu.memory_space<hbm>>
    tpu.wait_indirect_dma semaphore(%arg12 : memref<!tpu.dma_semaphore, #tpu.memory_space<semaphore_mem>>) src(%dma_wait3A_115 : memref<10240x128xf32, #tpu.memory_space<hbm>>) dst(%dma_wait3A_110 : memref<40x128xf32, #tpu.memory_space<vmem>>)
    "tpu.region"() ({
      %run_scoped3A = tpu.sem_alloc : memref<!tpu.dma_semaphore, #tpu.memory_space<semaphore_mem>>
      %dma_start3A_124 = arith.constant 9920 : i32
      %dma_start3A_125 = tpu.memref_slice %arg7[%dma_start3A_124] : memref<10000xi32, #tpu.memory_space<vmem>> -> memref<80xi32, #tpu.memory_space<vmem>>
      %dma_start3A_126 = arith.constant 0 : i32
      %dma_start3A_127 = arith.constant 0 : i32
      %dma_start3A_128 = tpu.memref_slice %arg10[%dma_start3A_126, %dma_start3A_127] : memref<10240x128xf32, #tpu.memory_space<vmem_shared>> -> memref<10240x128xf32, #tpu.memory_space<vmem_shared>>
      tpu.enqueue_indirect_dma source(%arg8 : memref<80x128xf32, #tpu.memory_space<vmem>>) target(%dma_start3A_128 : memref<10240x128xf32, #tpu.memory_space<vmem_shared>>) offsets(%dma_start3A_125 : memref<80xi32, #tpu.memory_space<vmem>>) semaphore(%run_scoped3A : memref<!tpu.dma_semaphore, #tpu.memory_space<semaphore_mem>>) {add = true}
      %dma_wait3A_129 = arith.constant 9920 : i32
      %dma_wait3A_130 = tpu.memref_slice %arg7[%dma_wait3A_129] : memref<10000xi32, #tpu.memory_space<vmem>> -> memref<80xi32, #tpu.memory_space<vmem>>
      %dma_wait3A_131 = arith.constant 0 : i32
      %dma_wait3A_132 = arith.constant 0 : i32
      %dma_wait3A_133 = tpu.memref_slice %arg10[%dma_wait3A_131, %dma_wait3A_132] : memref<10240x128xf32, #tpu.memory_space<vmem_shared>> -> memref<10240x128xf32, #tpu.memory_space<vmem_shared>>
      tpu.wait_indirect_dma semaphore(%run_scoped3A : memref<!tpu.dma_semaphore, #tpu.memory_space<semaphore_mem>>) src(%arg8 : memref<80x128xf32, #tpu.memory_space<vmem>>) dst(%dma_wait3A_133 : memref<10240x128xf32, #tpu.memory_space<vmem_shared>>)
      tpu.yield
    }) : () -> ()
    %barrier3A_116 = arith.constant 0 : index
    tpu.barrier barrier_id(%barrier3A_116)
    %mul3A_117 = arith.constant 640 : i32
    %mul3A_118 = arith.muli %arg1, %mul3A_117 : i32
    %mul3A_119 = arith.constant 10240 : i32
    %mul3A_120 = arith.muli %arg0, %mul3A_119 : i32
    %mul3A_121 = arith.constant 640 : i32
    %mul3A_122 = arith.muli %arg1, %mul3A_121 : i32
    %add3A_123 = arith.addi %mul3A_120, %mul3A_122 : i32
    "tpu.region"() ({
      %run_scoped3A = tpu.sem_alloc : memref<!tpu.dma_semaphore, #tpu.memory_space<semaphore_mem>>
      %dma_start3A_124 = arith.constant 0 : i32
      %dma_start3A_125 = tpu.memref_slice %arg5[%add3A_123, %dma_start3A_124] : memref<20480x128xf32, #tpu.memory_space<hbm>> -> memref<640x128xf32, #tpu.memory_space<hbm>>
      %dma_start3A_126 = arith.constant 0 : i32
      %dma_start3A_127 = tpu.memref_slice %arg10[%mul3A_118, %dma_start3A_126] : memref<10240x128xf32, #tpu.memory_space<vmem_shared>> -> memref<640x128xf32, #tpu.memory_space<vmem_shared>>
      tpu.enqueue_dma source(%dma_start3A_127 : memref<640x128xf32, #tpu.memory_space<vmem_shared>>) target(%dma_start3A_125 : memref<640x128xf32, #tpu.memory_space<hbm>>) target_semaphore(%run_scoped3A : memref<!tpu.dma_semaphore, #tpu.memory_space<semaphore_mem>>)
      %dma_wait3A_128 = arith.constant 0 : i32
      %dma_wait3A_129 = tpu.memref_slice %arg5[%add3A_123, %dma_wait3A_128] : memref<20480x128xf32, #tpu.memory_space<hbm>> -> memref<640x128xf32, #tpu.memory_space<hbm>>
      %dma_wait3A_130 = arith.constant 0 : i32
      %dma_wait3A_131 = tpu.memref_slice %arg10[%mul3A_118, %dma_wait3A_130] : memref<10240x128xf32, #tpu.memory_space<vmem_shared>> -> memref<640x128xf32, #tpu.memory_space<vmem_shared>>
      tpu.wait_dma2 semaphore(%run_scoped3A : memref<!tpu.dma_semaphore, #tpu.memory_space<semaphore_mem>>) src(%dma_wait3A_131 : memref<640x128xf32, #tpu.memory_space<vmem_shared>>) dst(%dma_wait3A_129 : memref<640x128xf32, #tpu.memory_space<hbm>>)
      tpu.yield
    }) : () -> ()
    return
  }
}

#map = affine_map<(d0, d1) -> (0, 0)>
#map1 = affine_map<(d0, d1) -> (0)>
module attributes {stable_mosaic.version = 14 : i64} {
  func.func @_sc_scatter(%arg0: i32, %arg1: i32, %arg2: memref<10240x128xf32, #tpu.memory_space<hbm>>, %arg3: memref<320000xi32, #tpu.memory_space<hbm>>, %arg4: memref<320000xi32, #tpu.memory_space<hbm>>, %arg5: memref<20480x128xf32, #tpu.memory_space<hbm>>, %arg6: memref<10000xi32, #tpu.memory_space<vmem>>, %arg7: memref<10000xi32, #tpu.memory_space<vmem>>, %arg8: memref<80x128xf32, #tpu.memory_space<vmem>>, %arg9: memref<80x128xf32, #tpu.memory_space<vmem>>, %arg10: memref<10240x128xf32, #tpu.memory_space<vmem_shared>>, %arg11: memref<!tpu.dma_semaphore, #tpu.memory_space<semaphore_mem>>, %arg12: memref<!tpu.dma_semaphore, #tpu.memory_space<semaphore_mem>>, %arg13: memref<!tpu.dma_semaphore, #tpu.memory_space<semaphore_mem>>, %arg14: memref<!tpu.dma_semaphore, #tpu.memory_space<semaphore_mem>>) attributes {dimension_semantics = [#tpu.dimension_semantics<core_parallel>, #tpu.dimension_semantics<subcore_parallel>], iteration_bounds = array<i64: 2, 16>, scalar_prefetch = 0 : i64, scratch_operands = 9 : i64, tpu.core_type = #tpu.core_type<sc_vector_subcore>, window_params = [{transform_indices = #map}, {transform_indices = #map1}, {transform_indices = #map1}, {transform_indices = #map}]} {
    %mul3A = arith.constant 16 : i32
    %mul3A_0 = arith.muli %arg0, %mul3A : i32
    %add3A = arith.addi %mul3A_0, %arg1 : i32
    %scan3A = arith.constant 0 : i32
    %scan3A_1 = arith.constant 0 : i32
    %scan3A_2 = arith.constant 80 : i32
    %scan3A_3 = arith.addi %scan3A_1, %scan3A_2 : i32
    %scan3A_4 = arith.constant 1 : i32
    scf.for %scan3A_124 = %scan3A_1 to %scan3A_3 step %scan3A_4  : i32 {
      %scan3A_125 = arith.constant 0 : i32
      %scan3A_126 = arith.constant 8 : i32
      %scan3A_127 = arith.addi %scan3A_125, %scan3A_126 : i32
      %scan3A_128 = arith.constant 1 : i32
      scf.for %scan3A_130 = %scan3A_125 to %scan3A_127 step %scan3A_128  : i32 {
        %broadcast_in_dim3A = arith.constant 0.000000e+00 : f32
        %broadcast_in_dim3A_131 = vector.broadcast %broadcast_in_dim3A : f32 to vector<16xf32>
        %mul3A_132 = arith.constant 16 : i32
        %mul3A_133 = arith.muli %scan3A_130, %mul3A_132 : i32
        %swap3A = arith.index_cast %scan3A_124 : i32 to index
        %swap3A_134 = arith.index_cast %mul3A_133 : i32 to index
        %swap3A_135 = tpu.vector_load %arg8[%swap3A, %swap3A_134] {strides = array<i32>} : memref<80x128xf32, #tpu.memory_space<vmem>>, vector<1x16xf32>,
        %swap3A_136 = vector.shape_cast %swap3A_135 : vector<1x16xf32> to vector<16xf32>
        %swap3A_137 = vector.shape_cast %broadcast_in_dim3A_131 : vector<16xf32> to vector<1x16xf32>
        tpu.vector_store %arg8[%swap3A, %swap3A_134], %swap3A_137 {strides = array<i32>} : memref<80x128xf32, #tpu.memory_space<vmem>>, vector<1x16xf32>,
      }
      %scan3A_129 = arith.constant 8 : i32
    }
    %scan3A_5 = arith.constant 80 : i32
    %scan3A_6 = arith.constant 0 : i32
    %scan3A_7 = arith.constant 0 : i32
    %scan3A_8 = arith.constant 8 : i32
    %scan3A_9 = arith.addi %scan3A_7, %scan3A_8 : i32
    %scan3A_10 = arith.constant 1 : i32
    scf.for %scan3A_124 = %scan3A_7 to %scan3A_9 step %scan3A_10  : i32 {
      %mul3A_125 = arith.constant 640 : i32
      %mul3A_126 = arith.muli %arg1, %mul3A_125 : i32
      %mul3A_127 = arith.constant 80 : i32
      %mul3A_128 = arith.muli %scan3A_124, %mul3A_127 : i32
      %add3A_129 = arith.addi %mul3A_126, %mul3A_128 : i32
      "tpu.region"() ({
        %run_scoped3A = tpu.sem_alloc : memref<!tpu.dma_semaphore, #tpu.memory_space<semaphore_mem>>
        %dma_start3A_130 = arith.constant 0 : i32
        %dma_start3A_131 = tpu.memref_slice %arg10[%add3A_129, %dma_start3A_130] : memref<10240x128xf32, #tpu.memory_space<vmem_shared>> -> memref<80x128xf32, #tpu.memory_space<vmem_shared>>
        %dma_start3A_132 = arith.constant 0 : i32
        %dma_start3A_133 = tpu.memref_slice %arg10[%add3A_129, %dma_start3A_132] : memref<10240x128xf32, #tpu.memory_space<vmem_shared>> -> memref<80x128xf32, #tpu.memory_space<vmem_shared>>
        tpu.enqueue_dma source(%arg8 : memref<80x128xf32, #tpu.memory_space<vmem>>) target(%dma_start3A_133 : memref<80x128xf32, #tpu.memory_space<vmem_shared>>) target_semaphore(%run_scoped3A : memref<!tpu.dma_semaphore, #tpu.memory_space<semaphore_mem>>)
        %dma_wait3A_134 = arith.constant 0 : i32
        %dma_wait3A_135 = tpu.memref_slice %arg10[%add3A_129, %dma_wait3A_134] : memref<10240x128xf32, #tpu.memory_space<vmem_shared>> -> memref<80x128xf32, #tpu.memory_space<vmem_shared>>
        %dma_wait3A_136 = arith.constant 0 : i32
        %dma_wait3A_137 = tpu.memref_slice %arg10[%add3A_129, %dma_wait3A_136] : memref<10240x128xf32, #tpu.memory_space<vmem_shared>> -> memref<80x128xf32, #tpu.memory_space<vmem_shared>>
        tpu.wait_dma2 semaphore(%run_scoped3A : memref<!tpu.dma_semaphore, #tpu.memory_space<semaphore_mem>>) src(%arg8 : memref<80x128xf32, #tpu.memory_space<vmem>>) dst(%dma_wait3A_137 : memref<80x128xf32, #tpu.memory_space<vmem_shared>>)
        tpu.yield
      }) : () -> ()
    }
    %scan3A_11 = arith.constant 8 : i32
    %mul3A_12 = arith.constant 10000 : i32
    %mul3A_13 = arith.muli %add3A, %mul3A_12 : i32
    "tpu.region"() ({
      %run_scoped3A = tpu.sem_alloc : memref<!tpu.dma_semaphore, #tpu.memory_space<semaphore_mem>>
      %dma_start3A_124 = tpu.memref_slice %arg3[%mul3A_13] : memref<320000xi32, #tpu.memory_space<hbm>> -> memref<10000xi32, #tpu.memory_space<hbm>>
      %dma_start3A_125 = tpu.memref_slice %arg3[%mul3A_13] : memref<320000xi32, #tpu.memory_space<hbm>> -> memref<10000xi32, #tpu.memory_space<hbm>>
      tpu.enqueue_dma source(%dma_start3A_125 : memref<10000xi32, #tpu.memory_space<hbm>>) target(%arg6 : memref<10000xi32, #tpu.memory_space<vmem>>) target_semaphore(%run_scoped3A : memref<!tpu.dma_semaphore, #tpu.memory_space<semaphore_mem>>)
      %dma_wait3A_126 = tpu.memref_slice %arg3[%mul3A_13] : memref<320000xi32, #tpu.memory_space<hbm>> -> memref<10000xi32, #tpu.memory_space<hbm>>
      %dma_wait3A_127 = tpu.memref_slice %arg3[%mul3A_13] : memref<320000xi32, #tpu.memory_space<hbm>> -> memref<10000xi32, #tpu.memory_space<hbm>>
      tpu.wait_dma2 semaphore(%run_scoped3A : memref<!tpu.dma_semaphore, #tpu.memory_space<semaphore_mem>>) src(%dma_wait3A_127 : memref<10000xi32, #tpu.memory_space<hbm>>) dst(%arg6 : memref<10000xi32, #tpu.memory_space<vmem>>)
      tpu.yield
    }) : () -> ()
    %mul3A_14 = arith.constant 10000 : i32
    %mul3A_15 = arith.muli %add3A, %mul3A_14 : i32
    "tpu.region"() ({
      %run_scoped3A = tpu.sem_alloc : memref<!tpu.dma_semaphore, #tpu.memory_space<semaphore_mem>>
      %dma_start3A_124 = tpu.memref_slice %arg4[%mul3A_15] : memref<320000xi32, #tpu.memory_space<hbm>> -> memref<10000xi32, #tpu.memory_space<hbm>>
      %dma_start3A_125 = tpu.memref_slice %arg4[%mul3A_15] : memref<320000xi32, #tpu.memory_space<hbm>> -> memref<10000xi32, #tpu.memory_space<hbm>>
      tpu.enqueue_dma source(%dma_start3A_125 : memref<10000xi32, #tpu.memory_space<hbm>>) target(%arg7 : memref<10000xi32, #tpu.memory_space<vmem>>) target_semaphore(%run_scoped3A : memref<!tpu.dma_semaphore, #tpu.memory_space<semaphore_mem>>)
      %dma_wait3A_126 = tpu.memref_slice %arg4[%mul3A_15] : memref<320000xi32, #tpu.memory_space<hbm>> -> memref<10000xi32, #tpu.memory_space<hbm>>
      %dma_wait3A_127 = tpu.memref_slice %arg4[%mul3A_15] : memref<320000xi32, #tpu.memory_space<hbm>> -> memref<10000xi32, #tpu.memory_space<hbm>>
      tpu.wait_dma2 semaphore(%run_scoped3A : memref<!tpu.dma_semaphore, #tpu.memory_space<semaphore_mem>>) src(%dma_wait3A_127 : memref<10000xi32, #tpu.memory_space<hbm>>) dst(%arg7 : memref<10000xi32, #tpu.memory_space<vmem>>)
      tpu.yield
    }) : () -> ()
    %barrier3A = arith.constant 0 : index
    tpu.barrier barrier_id(%barrier3A)
    %dma_start3A = arith.constant 0 : i32
    %dma_start3A_16 = arith.constant 0 : i32
    %dma_start3A_17 = tpu.memref_slice %arg8[%dma_start3A, %dma_start3A_16] : memref<80x128xf32, #tpu.memory_space<vmem>> -> memref<40x128xf32, #tpu.memory_space<vmem>>
    %dma_start3A_18 = arith.constant 0 : i32
    %dma_start3A_19 = tpu.memref_slice %arg6[%dma_start3A_18] : memref<10000xi32, #tpu.memory_space<vmem>> -> memref<40xi32, #tpu.memory_space<vmem>>
    %dma_start3A_20 = arith.constant 0 : i32
    %dma_start3A_21 = arith.constant 0 : i32
    %dma_start3A_22 = tpu.memref_slice %arg2[%dma_start3A_20, %dma_start3A_21] : memref<10240x128xf32, #tpu.memory_space<hbm>> -> memref<10240x128xf32, #tpu.memory_space<hbm>>
    tpu.enqueue_indirect_dma source(%dma_start3A_22 : memref<10240x128xf32, #tpu.memory_space<hbm>>) target(%dma_start3A_17 : memref<40x128xf32, #tpu.memory_space<vmem>>) offsets(%dma_start3A_19 : memref<40xi32, #tpu.memory_space<vmem>>) semaphore(%arg11 : memref<!tpu.dma_semaphore, #tpu.memory_space<semaphore_mem>>)
    %dma_start3A_23 = arith.constant 40 : i32
    %dma_start3A_24 = arith.constant 0 : i32
    %dma_start3A_25 = tpu.memref_slice %arg8[%dma_start3A_23, %dma_start3A_24] : memref<80x128xf32, #tpu.memory_space<vmem>> -> memref<40x128xf32, #tpu.memory_space<vmem>>
    %dma_start3A_26 = arith.constant 40 : i32
    %dma_start3A_27 = tpu.memref_slice %arg6[%dma_start3A_26] : memref<10000xi32, #tpu.memory_space<vmem>> -> memref<40xi32, #tpu.memory_space<vmem>>
    %dma_start3A_28 = arith.constant 0 : i32
    %dma_start3A_29 = arith.constant 0 : i32
    %dma_start3A_30 = tpu.memref_slice %arg2[%dma_start3A_28, %dma_start3A_29] : memref<10240x128xf32, #tpu.memory_space<hbm>> -> memref<10240x128xf32, #tpu.memory_space<hbm>>
    tpu.enqueue_indirect_dma source(%dma_start3A_30 : memref<10240x128xf32, #tpu.memory_space<hbm>>) target(%dma_start3A_25 : memref<40x128xf32, #tpu.memory_space<vmem>>) offsets(%dma_start3A_27 : memref<40xi32, #tpu.memory_space<vmem>>) semaphore(%arg12 : memref<!tpu.dma_semaphore, #tpu.memory_space<semaphore_mem>>)
    %dma_start3A_31 = arith.constant 0 : i32
    %dma_start3A_32 = arith.constant 0 : i32
    %dma_start3A_33 = tpu.memref_slice %arg9[%dma_start3A_31, %dma_start3A_32] : memref<80x128xf32, #tpu.memory_space<vmem>> -> memref<40x128xf32, #tpu.memory_space<vmem>>
    %dma_start3A_34 = arith.constant 80 : i32
    %dma_start3A_35 = tpu.memref_slice %arg6[%dma_start3A_34] : memref<10000xi32, #tpu.memory_space<vmem>> -> memref<40xi32, #tpu.memory_space<vmem>>
    %dma_start3A_36 = arith.constant 0 : i32
    %dma_start3A_37 = arith.constant 0 : i32
    %dma_start3A_38 = tpu.memref_slice %arg2[%dma_start3A_36, %dma_start3A_37] : memref<10240x128xf32, #tpu.memory_space<hbm>> -> memref<10240x128xf32, #tpu.memory_space<hbm>>
    tpu.enqueue_indirect_dma source(%dma_start3A_38 : memref<10240x128xf32, #tpu.memory_space<hbm>>) target(%dma_start3A_33 : memref<40x128xf32, #tpu.memory_space<vmem>>) offsets(%dma_start3A_35 : memref<40xi32, #tpu.memory_space<vmem>>) semaphore(%arg13 : memref<!tpu.dma_semaphore, #tpu.memory_space<semaphore_mem>>)
    %dma_start3A_39 = arith.constant 40 : i32
    %dma_start3A_40 = arith.constant 0 : i32
    %dma_start3A_41 = tpu.memref_slice %arg9[%dma_start3A_39, %dma_start3A_40] : memref<80x128xf32, #tpu.memory_space<vmem>> -> memref<40x128xf32, #tpu.memory_space<vmem>>
    %dma_start3A_42 = arith.constant 120 : i32
    %dma_start3A_43 = tpu.memref_slice %arg6[%dma_start3A_42] : memref<10000xi32, #tpu.memory_space<vmem>> -> memref<40xi32, #tpu.memory_space<vmem>>
    %dma_start3A_44 = arith.constant 0 : i32
    %dma_start3A_45 = arith.constant 0 : i32
    %dma_start3A_46 = tpu.memref_slice %arg2[%dma_start3A_44, %dma_start3A_45] : memref<10240x128xf32, #tpu.memory_space<hbm>> -> memref<10240x128xf32, #tpu.memory_space<hbm>>
    tpu.enqueue_indirect_dma source(%dma_start3A_46 : memref<10240x128xf32, #tpu.memory_space<hbm>>) target(%dma_start3A_41 : memref<40x128xf32, #tpu.memory_space<vmem>>) offsets(%dma_start3A_43 : memref<40xi32, #tpu.memory_space<vmem>>) semaphore(%arg14 : memref<!tpu.dma_semaphore, #tpu.memory_space<semaphore_mem>>)
    %scan3A_47 = arith.constant 0 : i32
    %scan3A_48 = arith.constant 0 : i32
    %scan3A_49 = arith.constant 61 : i32
    %scan3A_50 = arith.addi %scan3A_48, %scan3A_49 : i32
    %scan3A_51 = arith.constant 1 : i32
    scf.for %scan3A_124 = %scan3A_48 to %scan3A_50 step %scan3A_51  : i32 {
      %mul3A_125 = arith.constant 2 : i32
      %mul3A_126 = arith.muli %mul3A_125, %scan3A_124 : i32
      %mul3A_127 = arith.constant 80 : i32
      %mul3A_128 = arith.muli %mul3A_126, %mul3A_127 : i32
      %dma_wait3A_129 = arith.constant 0 : i32
      %dma_wait3A_130 = arith.constant 0 : i32
      %dma_wait3A_131 = tpu.memref_slice %arg8[%dma_wait3A_129, %dma_wait3A_130] : memref<80x128xf32, #tpu.memory_space<vmem>> -> memref<40x128xf32, #tpu.memory_space<vmem>>
      %dma_wait3A_132 = tpu.memref_slice %arg6[%mul3A_128] : memref<10000xi32, #tpu.memory_space<vmem>> -> memref<40xi32, #tpu.memory_space<vmem>>
      %dma_wait3A_133 = arith.constant 0 : i32
      %dma_wait3A_134 = arith.constant 0 : i32
      %dma_wait3A_135 = tpu.memref_slice %arg2[%dma_wait3A_133, %dma_wait3A_134] : memref<10240x128xf32, #tpu.memory_space<hbm>> -> memref<10240x128xf32, #tpu.memory_space<hbm>>
      tpu.wait_indirect_dma semaphore(%arg11 : memref<!tpu.dma_semaphore, #tpu.memory_space<semaphore_mem>>) src(%dma_wait3A_135 : memref<10240x128xf32, #tpu.memory_space<hbm>>) dst(%dma_wait3A_131 : memref<40x128xf32, #tpu.memory_space<vmem>>)
      %mul3A_136 = arith.constant 80 : i32
      %mul3A_137 = arith.muli %mul3A_126, %mul3A_136 : i32
      %add3A_138 = arith.constant 40 : i32
      %add3A_139 = arith.addi %mul3A_137, %add3A_138 : i32
      %dma_wait3A_140 = arith.constant 40 : i32
      %dma_wait3A_141 = arith.constant 0 : i32
      %dma_wait3A_142 = tpu.memref_slice %arg8[%dma_wait3A_140, %dma_wait3A_141] : memref<80x128xf32, #tpu.memory_space<vmem>> -> memref<40x128xf32, #tpu.memory_space<vmem>>
      %dma_wait3A_143 = tpu.memref_slice %arg6[%add3A_139] : memref<10000xi32, #tpu.memory_space<vmem>> -> memref<40xi32, #tpu.memory_space<vmem>>
      %dma_wait3A_144 = arith.constant 0 : i32
      %dma_wait3A_145 = arith.constant 0 : i32
      %dma_wait3A_146 = tpu.memref_slice %arg2[%dma_wait3A_144, %dma_wait3A_145] : memref<10240x128xf32, #tpu.memory_space<hbm>> -> memref<10240x128xf32, #tpu.memory_space<hbm>>
      tpu.wait_indirect_dma semaphore(%arg12 : memref<!tpu.dma_semaphore, #tpu.memory_space<semaphore_mem>>) src(%dma_wait3A_146 : memref<10240x128xf32, #tpu.memory_space<hbm>>) dst(%dma_wait3A_142 : memref<40x128xf32, #tpu.memory_space<vmem>>)
      %mul3A_147 = arith.constant 80 : i32
      %mul3A_148 = arith.muli %mul3A_126, %mul3A_147 : i32
      "tpu.region"() ({
        %run_scoped3A = tpu.sem_alloc : memref<!tpu.dma_semaphore, #tpu.memory_space<semaphore_mem>>
        %dma_start3A_217 = tpu.memref_slice %arg7[%mul3A_148] : memref<10000xi32, #tpu.memory_space<vmem>> -> memref<80xi32, #tpu.memory_space<vmem>>
        %dma_start3A_218 = arith.constant 0 : i32
        %dma_start3A_219 = arith.constant 0 : i32
        %dma_start3A_220 = tpu.memref_slice %arg10[%dma_start3A_218, %dma_start3A_219] : memref<10240x128xf32, #tpu.memory_space<vmem_shared>> -> memref<10240x128xf32, #tpu.memory_space<vmem_shared>>
        tpu.enqueue_indirect_dma source(%arg8 : memref<80x128xf32, #tpu.memory_space<vmem>>) target(%dma_start3A_220 : memref<10240x128xf32, #tpu.memory_space<vmem_shared>>) offsets(%dma_start3A_217 : memref<80xi32, #tpu.memory_space<vmem>>) semaphore(%run_scoped3A : memref<!tpu.dma_semaphore, #tpu.memory_space<semaphore_mem>>) {add = true}
        %dma_wait3A_221 = tpu.memref_slice %arg7[%mul3A_148] : memref<10000xi32, #tpu.memory_space<vmem>> -> memref<80xi32, #tpu.memory_space<vmem>>
        %dma_wait3A_222 = arith.constant 0 : i32
        %dma_wait3A_223 = arith.constant 0 : i32
        %dma_wait3A_224 = tpu.memref_slice %arg10[%dma_wait3A_222, %dma_wait3A_223] : memref<10240x128xf32, #tpu.memory_space<vmem_shared>> -> memref<10240x128xf32, #tpu.memory_space<vmem_shared>>
        tpu.wait_indirect_dma semaphore(%run_scoped3A : memref<!tpu.dma_semaphore, #tpu.memory_space<semaphore_mem>>) src(%arg8 : memref<80x128xf32, #tpu.memory_space<vmem>>) dst(%dma_wait3A_224 : memref<10240x128xf32, #tpu.memory_space<vmem_shared>>)
        tpu.yield
      }) : () -> ()
      %add3A_149 = arith.constant 2 : i32
      %add3A_150 = arith.addi %mul3A_126, %add3A_149 : i32
      %mul3A_151 = arith.constant 80 : i32
      %mul3A_152 = arith.muli %add3A_150, %mul3A_151 : i32
      %dma_start3A_153 = arith.constant 0 : i32
      %dma_start3A_154 = arith.constant 0 : i32
      %dma_start3A_155 = tpu.memref_slice %arg8[%dma_start3A_153, %dma_start3A_154] : memref<80x128xf32, #tpu.memory_space<vmem>> -> memref<40x128xf32, #tpu.memory_space<vmem>>
      %dma_start3A_156 = tpu.memref_slice %arg6[%mul3A_152] : memref<10000xi32, #tpu.memory_space<vmem>> -> memref<40xi32, #tpu.memory_space<vmem>>
      %dma_start3A_157 = arith.constant 0 : i32
      %dma_start3A_158 = arith.constant 0 : i32
      %dma_start3A_159 = tpu.memref_slice %arg2[%dma_start3A_157, %dma_start3A_158] : memref<10240x128xf32, #tpu.memory_space<hbm>> -> memref<10240x128xf32, #tpu.memory_space<hbm>>
      tpu.enqueue_indirect_dma source(%dma_start3A_159 : memref<10240x128xf32, #tpu.memory_space<hbm>>) target(%dma_start3A_155 : memref<40x128xf32, #tpu.memory_space<vmem>>) offsets(%dma_start3A_156 : memref<40xi32, #tpu.memory_space<vmem>>) semaphore(%arg11 : memref<!tpu.dma_semaphore, #tpu.memory_space<semaphore_mem>>)
      %mul3A_160 = arith.constant 80 : i32
      %mul3A_161 = arith.muli %add3A_150, %mul3A_160 : i32
      %add3A_162 = arith.constant 40 : i32
      %add3A_163 = arith.addi %mul3A_161, %add3A_162 : i32
      %dma_start3A_164 = arith.constant 40 : i32
      %dma_start3A_165 = arith.constant 0 : i32
      %dma_start3A_166 = tpu.memref_slice %arg8[%dma_start3A_164, %dma_start3A_165] : memref<80x128xf32, #tpu.memory_space<vmem>> -> memref<40x128xf32, #tpu.memory_space<vmem>>
      %dma_start3A_167 = tpu.memref_slice %arg6[%add3A_163] : memref<10000xi32, #tpu.memory_space<vmem>> -> memref<40xi32, #tpu.memory_space<vmem>>
      %dma_start3A_168 = arith.constant 0 : i32
      %dma_start3A_169 = arith.constant 0 : i32
      %dma_start3A_170 = tpu.memref_slice %arg2[%dma_start3A_168, %dma_start3A_169] : memref<10240x128xf32, #tpu.memory_space<hbm>> -> memref<10240x128xf32, #tpu.memory_space<hbm>>
      tpu.enqueue_indirect_dma source(%dma_start3A_170 : memref<10240x128xf32, #tpu.memory_space<hbm>>) target(%dma_start3A_166 : memref<40x128xf32, #tpu.memory_space<vmem>>) offsets(%dma_start3A_167 : memref<40xi32, #tpu.memory_space<vmem>>) semaphore(%arg12 : memref<!tpu.dma_semaphore, #tpu.memory_space<semaphore_mem>>)
      %add3A_171 = arith.constant 1 : i32
      %add3A_172 = arith.addi %mul3A_126, %add3A_171 : i32
      %mul3A_173 = arith.constant 80 : i32
      %mul3A_174 = arith.muli %add3A_172, %mul3A_173 : i32
      %dma_wait3A_175 = arith.constant 0 : i32
      %dma_wait3A_176 = arith.constant 0 : i32
      %dma_wait3A_177 = tpu.memref_slice %arg9[%dma_wait3A_175, %dma_wait3A_176] : memref<80x128xf32, #tpu.memory_space<vmem>> -> memref<40x128xf32, #tpu.memory_space<vmem>>
      %dma_wait3A_178 = tpu.memref_slice %arg6[%mul3A_174] : memref<10000xi32, #tpu.memory_space<vmem>> -> memref<40xi32, #tpu.memory_space<vmem>>
      %dma_wait3A_179 = arith.constant 0 : i32
      %dma_wait3A_180 = arith.constant 0 : i32
      %dma_wait3A_181 = tpu.memref_slice %arg2[%dma_wait3A_179, %dma_wait3A_180] : memref<10240x128xf32, #tpu.memory_space<hbm>> -> memref<10240x128xf32, #tpu.memory_space<hbm>>
      tpu.wait_indirect_dma semaphore(%arg13 : memref<!tpu.dma_semaphore, #tpu.memory_space<semaphore_mem>>) src(%dma_wait3A_181 : memref<10240x128xf32, #tpu.memory_space<hbm>>) dst(%dma_wait3A_177 : memref<40x128xf32, #tpu.memory_space<vmem>>)
      %mul3A_182 = arith.constant 80 : i32
      %mul3A_183 = arith.muli %add3A_172, %mul3A_182 : i32
      %add3A_184 = arith.constant 40 : i32
      %add3A_185 = arith.addi %mul3A_183, %add3A_184 : i32
      %dma_wait3A_186 = arith.constant 40 : i32
      %dma_wait3A_187 = arith.constant 0 : i32
      %dma_wait3A_188 = tpu.memref_slice %arg9[%dma_wait3A_186, %dma_wait3A_187] : memref<80x128xf32, #tpu.memory_space<vmem>> -> memref<40x128xf32, #tpu.memory_space<vmem>>
      %dma_wait3A_189 = tpu.memref_slice %arg6[%add3A_185] : memref<10000xi32, #tpu.memory_space<vmem>> -> memref<40xi32, #tpu.memory_space<vmem>>
      %dma_wait3A_190 = arith.constant 0 : i32
      %dma_wait3A_191 = arith.constant 0 : i32
      %dma_wait3A_192 = tpu.memref_slice %arg2[%dma_wait3A_190, %dma_wait3A_191] : memref<10240x128xf32, #tpu.memory_space<hbm>> -> memref<10240x128xf32, #tpu.memory_space<hbm>>
      tpu.wait_indirect_dma semaphore(%arg14 : memref<!tpu.dma_semaphore, #tpu.memory_space<semaphore_mem>>) src(%dma_wait3A_192 : memref<10240x128xf32, #tpu.memory_space<hbm>>) dst(%dma_wait3A_188 : memref<40x128xf32, #tpu.memory_space<vmem>>)
      %mul3A_193 = arith.constant 80 : i32
      %mul3A_194 = arith.muli %add3A_172, %mul3A_193 : i32
      "tpu.region"() ({
        %run_scoped3A = tpu.sem_alloc : memref<!tpu.dma_semaphore, #tpu.memory_space<semaphore_mem>>
        %dma_start3A_217 = tpu.memref_slice %arg7[%mul3A_194] : memref<10000xi32, #tpu.memory_space<vmem>> -> memref<80xi32, #tpu.memory_space<vmem>>
        %dma_start3A_218 = arith.constant 0 : i32
        %dma_start3A_219 = arith.constant 0 : i32
        %dma_start3A_220 = tpu.memref_slice %arg10[%dma_start3A_218, %dma_start3A_219] : memref<10240x128xf32, #tpu.memory_space<vmem_shared>> -> memref<10240x128xf32, #tpu.memory_space<vmem_shared>>
        tpu.enqueue_indirect_dma source(%arg9 : memref<80x128xf32, #tpu.memory_space<vmem>>) target(%dma_start3A_220 : memref<10240x128xf32, #tpu.memory_space<vmem_shared>>) offsets(%dma_start3A_217 : memref<80xi32, #tpu.memory_space<vmem>>) semaphore(%run_scoped3A : memref<!tpu.dma_semaphore, #tpu.memory_space<semaphore_mem>>) {add = true}
        %dma_wait3A_221 = tpu.memref_slice %arg7[%mul3A_194] : memref<10000xi32, #tpu.memory_space<vmem>> -> memref<80xi32, #tpu.memory_space<vmem>>
        %dma_wait3A_222 = arith.constant 0 : i32
        %dma_wait3A_223 = arith.constant 0 : i32
        %dma_wait3A_224 = tpu.memref_slice %arg10[%dma_wait3A_222, %dma_wait3A_223] : memref<10240x128xf32, #tpu.memory_space<vmem_shared>> -> memref<10240x128xf32, #tpu.memory_space<vmem_shared>>
        tpu.wait_indirect_dma semaphore(%run_scoped3A : memref<!tpu.dma_semaphore, #tpu.memory_space<semaphore_mem>>) src(%arg9 : memref<80x128xf32, #tpu.memory_space<vmem>>) dst(%dma_wait3A_224 : memref<10240x128xf32, #tpu.memory_space<vmem_shared>>)
        tpu.yield
      }) : () -> ()
      %add3A_195 = arith.constant 2 : i32
      %add3A_196 = arith.addi %add3A_172, %add3A_195 : i32
      %mul3A_197 = arith.constant 80 : i32
      %mul3A_198 = arith.muli %add3A_196, %mul3A_197 : i32
      %dma_start3A_199 = arith.constant 0 : i32
      %dma_start3A_200 = arith.constant 0 : i32
      %dma_start3A_201 = tpu.memref_slice %arg9[%dma_start3A_199, %dma_start3A_200] : memref<80x128xf32, #tpu.memory_space<vmem>> -> memref<40x128xf32, #tpu.memory_space<vmem>>
      %dma_start3A_202 = tpu.memref_slice %arg6[%mul3A_198] : memref<10000xi32, #tpu.memory_space<vmem>> -> memref<40xi32, #tpu.memory_space<vmem>>
      %dma_start3A_203 = arith.constant 0 : i32
      %dma_start3A_204 = arith.constant 0 : i32
      %dma_start3A_205 = tpu.memref_slice %arg2[%dma_start3A_203, %dma_start3A_204] : memref<10240x128xf32, #tpu.memory_space<hbm>> -> memref<10240x128xf32, #tpu.memory_space<hbm>>
      tpu.enqueue_indirect_dma source(%dma_start3A_205 : memref<10240x128xf32, #tpu.memory_space<hbm>>) target(%dma_start3A_201 : memref<40x128xf32, #tpu.memory_space<vmem>>) offsets(%dma_start3A_202 : memref<40xi32, #tpu.memory_space<vmem>>) semaphore(%arg13 : memref<!tpu.dma_semaphore, #tpu.memory_space<semaphore_mem>>)
      %mul3A_206 = arith.constant 80 : i32
      %mul3A_207 = arith.muli %add3A_196, %mul3A_206 : i32
      %add3A_208 = arith.constant 40 : i32
      %add3A_209 = arith.addi %mul3A_207, %add3A_208 : i32
      %dma_start3A_210 = arith.constant 40 : i32
      %dma_start3A_211 = arith.constant 0 : i32
      %dma_start3A_212 = tpu.memref_slice %arg9[%dma_start3A_210, %dma_start3A_211] : memref<80x128xf32, #tpu.memory_space<vmem>> -> memref<40x128xf32, #tpu.memory_space<vmem>>
      %dma_start3A_213 = tpu.memref_slice %arg6[%add3A_209] : memref<10000xi32, #tpu.memory_space<vmem>> -> memref<40xi32, #tpu.memory_space<vmem>>
      %dma_start3A_214 = arith.constant 0 : i32
      %dma_start3A_215 = arith.constant 0 : i32
      %dma_start3A_216 = tpu.memref_slice %arg2[%dma_start3A_214, %dma_start3A_215] : memref<10240x128xf32, #tpu.memory_space<hbm>> -> memref<10240x128xf32, #tpu.memory_space<hbm>>
      tpu.enqueue_indirect_dma source(%dma_start3A_216 : memref<10240x128xf32, #tpu.memory_space<hbm>>) target(%dma_start3A_212 : memref<40x128xf32, #tpu.memory_space<vmem>>) offsets(%dma_start3A_213 : memref<40xi32, #tpu.memory_space<vmem>>) semaphore(%arg14 : memref<!tpu.dma_semaphore, #tpu.memory_space<semaphore_mem>>)
    }
    %scan3A_52 = arith.constant 61 : i32
    %dma_wait3A = arith.constant 0 : i32
    %dma_wait3A_53 = arith.constant 0 : i32
    %dma_wait3A_54 = tpu.memref_slice %arg8[%dma_wait3A, %dma_wait3A_53] : memref<80x128xf32, #tpu.memory_space<vmem>> -> memref<40x128xf32, #tpu.memory_space<vmem>>
    %dma_wait3A_55 = arith.constant 9760 : i32
    %dma_wait3A_56 = tpu.memref_slice %arg6[%dma_wait3A_55] : memref<10000xi32, #tpu.memory_space<vmem>> -> memref<40xi32, #tpu.memory_space<vmem>>
    %dma_wait3A_57 = arith.constant 0 : i32
    %dma_wait3A_58 = arith.constant 0 : i32
    %dma_wait3A_59 = tpu.memref_slice %arg2[%dma_wait3A_57, %dma_wait3A_58] : memref<10240x128xf32, #tpu.memory_space<hbm>> -> memref<10240x128xf32, #tpu.memory_space<hbm>>
    tpu.wait_indirect_dma semaphore(%arg11 : memref<!tpu.dma_semaphore, #tpu.memory_space<semaphore_mem>>) src(%dma_wait3A_59 : memref<10240x128xf32, #tpu.memory_space<hbm>>) dst(%dma_wait3A_54 : memref<40x128xf32, #tpu.memory_space<vmem>>)
    %dma_wait3A_60 = arith.constant 40 : i32
    %dma_wait3A_61 = arith.constant 0 : i32
    %dma_wait3A_62 = tpu.memref_slice %arg8[%dma_wait3A_60, %dma_wait3A_61] : memref<80x128xf32, #tpu.memory_space<vmem>> -> memref<40x128xf32, #tpu.memory_space<vmem>>
    %dma_wait3A_63 = arith.constant 9800 : i32
    %dma_wait3A_64 = tpu.memref_slice %arg6[%dma_wait3A_63] : memref<10000xi32, #tpu.memory_space<vmem>> -> memref<40xi32, #tpu.memory_space<vmem>>
    %dma_wait3A_65 = arith.constant 0 : i32
    %dma_wait3A_66 = arith.constant 0 : i32
    %dma_wait3A_67 = tpu.memref_slice %arg2[%dma_wait3A_65, %dma_wait3A_66] : memref<10240x128xf32, #tpu.memory_space<hbm>> -> memref<10240x128xf32, #tpu.memory_space<hbm>>
    tpu.wait_indirect_dma semaphore(%arg12 : memref<!tpu.dma_semaphore, #tpu.memory_space<semaphore_mem>>) src(%dma_wait3A_67 : memref<10240x128xf32, #tpu.memory_space<hbm>>) dst(%dma_wait3A_62 : memref<40x128xf32, #tpu.memory_space<vmem>>)
    "tpu.region"() ({
      %run_scoped3A = tpu.sem_alloc : memref<!tpu.dma_semaphore, #tpu.memory_space<semaphore_mem>>
      %dma_start3A_124 = arith.constant 9760 : i32
      %dma_start3A_125 = tpu.memref_slice %arg7[%dma_start3A_124] : memref<10000xi32, #tpu.memory_space<vmem>> -> memref<80xi32, #tpu.memory_space<vmem>>
      %dma_start3A_126 = arith.constant 0 : i32
      %dma_start3A_127 = arith.constant 0 : i32
      %dma_start3A_128 = tpu.memref_slice %arg10[%dma_start3A_126, %dma_start3A_127] : memref<10240x128xf32, #tpu.memory_space<vmem_shared>> -> memref<10240x128xf32, #tpu.memory_space<vmem_shared>>
      tpu.enqueue_indirect_dma source(%arg8 : memref<80x128xf32, #tpu.memory_space<vmem>>) target(%dma_start3A_128 : memref<10240x128xf32, #tpu.memory_space<vmem_shared>>) offsets(%dma_start3A_125 : memref<80xi32, #tpu.memory_space<vmem>>) semaphore(%run_scoped3A : memref<!tpu.dma_semaphore, #tpu.memory_space<semaphore_mem>>) {add = true}
      %dma_wait3A_129 = arith.constant 9760 : i32
      %dma_wait3A_130 = tpu.memref_slice %arg7[%dma_wait3A_129] : memref<10000xi32, #tpu.memory_space<vmem>> -> memref<80xi32, #tpu.memory_space<vmem>>
      %dma_wait3A_131 = arith.constant 0 : i32
      %dma_wait3A_132 = arith.constant 0 : i32
      %dma_wait3A_133 = tpu.memref_slice %arg10[%dma_wait3A_131, %dma_wait3A_132] : memref<10240x128xf32, #tpu.memory_space<vmem_shared>> -> memref<10240x128xf32, #tpu.memory_space<vmem_shared>>
      tpu.wait_indirect_dma semaphore(%run_scoped3A : memref<!tpu.dma_semaphore, #tpu.memory_space<semaphore_mem>>) src(%arg8 : memref<80x128xf32, #tpu.memory_space<vmem>>) dst(%dma_wait3A_133 : memref<10240x128xf32, #tpu.memory_space<vmem_shared>>)
      tpu.yield
    }) : () -> ()
    %dma_start3A_68 = arith.constant 0 : i32
    %dma_start3A_69 = arith.constant 0 : i32
    %dma_start3A_70 = tpu.memref_slice %arg8[%dma_start3A_68, %dma_start3A_69] : memref<80x128xf32, #tpu.memory_space<vmem>> -> memref<40x128xf32, #tpu.memory_space<vmem>>
    %dma_start3A_71 = arith.constant 9920 : i32
    %dma_start3A_72 = tpu.memref_slice %arg6[%dma_start3A_71] : memref<10000xi32, #tpu.memory_space<vmem>> -> memref<40xi32, #tpu.memory_space<vmem>>
    %dma_start3A_73 = arith.constant 0 : i32
    %dma_start3A_74 = arith.constant 0 : i32
    %dma_start3A_75 = tpu.memref_slice %arg2[%dma_start3A_73, %dma_start3A_74] : memref<10240x128xf32, #tpu.memory_space<hbm>> -> memref<10240x128xf32, #tpu.memory_space<hbm>>
    tpu.enqueue_indirect_dma source(%dma_start3A_75 : memref<10240x128xf32, #tpu.memory_space<hbm>>) target(%dma_start3A_70 : memref<40x128xf32, #tpu.memory_space<vmem>>) offsets(%dma_start3A_72 : memref<40xi32, #tpu.memory_space<vmem>>) semaphore(%arg11 : memref<!tpu.dma_semaphore, #tpu.memory_space<semaphore_mem>>)
    %dma_start3A_76 = arith.constant 40 : i32
    %dma_start3A_77 = arith.constant 0 : i32
    %dma_start3A_78 = tpu.memref_slice %arg8[%dma_start3A_76, %dma_start3A_77] : memref<80x128xf32, #tpu.memory_space<vmem>> -> memref<40x128xf32, #tpu.memory_space<vmem>>
    %dma_start3A_79 = arith.constant 9960 : i32
    %dma_start3A_80 = tpu.memref_slice %arg6[%dma_start3A_79] : memref<10000xi32, #tpu.memory_space<vmem>> -> memref<40xi32, #tpu.memory_space<vmem>>
    %dma_start3A_81 = arith.constant 0 : i32
    %dma_start3A_82 = arith.constant 0 : i32
    %dma_start3A_83 = tpu.memref_slice %arg2[%dma_start3A_81, %dma_start3A_82] : memref<10240x128xf32, #tpu.memory_space<hbm>> -> memref<10240x128xf32, #tpu.memory_space<hbm>>
    tpu.enqueue_indirect_dma source(%dma_start3A_83 : memref<10240x128xf32, #tpu.memory_space<hbm>>) target(%dma_start3A_78 : memref<40x128xf32, #tpu.memory_space<vmem>>) offsets(%dma_start3A_80 : memref<40xi32, #tpu.memory_space<vmem>>) semaphore(%arg12 : memref<!tpu.dma_semaphore, #tpu.memory_space<semaphore_mem>>)
    %dma_wait3A_84 = arith.constant 0 : i32
    %dma_wait3A_85 = arith.constant 0 : i32
    %dma_wait3A_86 = tpu.memref_slice %arg9[%dma_wait3A_84, %dma_wait3A_85] : memref<80x128xf32, #tpu.memory_space<vmem>> -> memref<40x128xf32, #tpu.memory_space<vmem>>
    %dma_wait3A_87 = arith.constant 9840 : i32
    %dma_wait3A_88 = tpu.memref_slice %arg6[%dma_wait3A_87] : memref<10000xi32, #tpu.memory_space<vmem>> -> memref<40xi32, #tpu.memory_space<vmem>>
    %dma_wait3A_89 = arith.constant 0 : i32
    %dma_wait3A_90 = arith.constant 0 : i32
    %dma_wait3A_91 = tpu.memref_slice %arg2[%dma_wait3A_89, %dma_wait3A_90] : memref<10240x128xf32, #tpu.memory_space<hbm>> -> memref<10240x128xf32, #tpu.memory_space<hbm>>
    tpu.wait_indirect_dma semaphore(%arg13 : memref<!tpu.dma_semaphore, #tpu.memory_space<semaphore_mem>>) src(%dma_wait3A_91 : memref<10240x128xf32, #tpu.memory_space<hbm>>) dst(%dma_wait3A_86 : memref<40x128xf32, #tpu.memory_space<vmem>>)
    %dma_wait3A_92 = arith.constant 40 : i32
    %dma_wait3A_93 = arith.constant 0 : i32
    %dma_wait3A_94 = tpu.memref_slice %arg9[%dma_wait3A_92, %dma_wait3A_93] : memref<80x128xf32, #tpu.memory_space<vmem>> -> memref<40x128xf32, #tpu.memory_space<vmem>>
    %dma_wait3A_95 = arith.constant 9880 : i32
    %dma_wait3A_96 = tpu.memref_slice %arg6[%dma_wait3A_95] : memref<10000xi32, #tpu.memory_space<vmem>> -> memref<40xi32, #tpu.memory_space<vmem>>
    %dma_wait3A_97 = arith.constant 0 : i32
    %dma_wait3A_98 = arith.constant 0 : i32
    %dma_wait3A_99 = tpu.memref_slice %arg2[%dma_wait3A_97, %dma_wait3A_98] : memref<10240x128xf32, #tpu.memory_space<hbm>> -> memref<10240x128xf32, #tpu.memory_space<hbm>>
    tpu.wait_indirect_dma semaphore(%arg14 : memref<!tpu.dma_semaphore, #tpu.memory_space<semaphore_mem>>) src(%dma_wait3A_99 : memref<10240x128xf32, #tpu.memory_space<hbm>>) dst(%dma_wait3A_94 : memref<40x128xf32, #tpu.memory_space<vmem>>)
    "tpu.region"() ({
      %run_scoped3A = tpu.sem_alloc : memref<!tpu.dma_semaphore, #tpu.memory_space<semaphore_mem>>
      %dma_start3A_124 = arith.constant 9840 : i32
      %dma_start3A_125 = tpu.memref_slice %arg7[%dma_start3A_124] : memref<10000xi32, #tpu.memory_space<vmem>> -> memref<80xi32, #tpu.memory_space<vmem>>
      %dma_start3A_126 = arith.constant 0 : i32
      %dma_start3A_127 = arith.constant 0 : i32
      %dma_start3A_128 = tpu.memref_slice %arg10[%dma_start3A_126, %dma_start3A_127] : memref<10240x128xf32, #tpu.memory_space<vmem_shared>> -> memref<10240x128xf32, #tpu.memory_space<vmem_shared>>
      tpu.enqueue_indirect_dma source(%arg9 : memref<80x128xf32, #tpu.memory_space<vmem>>) target(%dma_start3A_128 : memref<10240x128xf32, #tpu.memory_space<vmem_shared>>) offsets(%dma_start3A_125 : memref<80xi32, #tpu.memory_space<vmem>>) semaphore(%run_scoped3A : memref<!tpu.dma_semaphore, #tpu.memory_space<semaphore_mem>>) {add = true}
      %dma_wait3A_129 = arith.constant 9840 : i32
      %dma_wait3A_130 = tpu.memref_slice %arg7[%dma_wait3A_129] : memref<10000xi32, #tpu.memory_space<vmem>> -> memref<80xi32, #tpu.memory_space<vmem>>
      %dma_wait3A_131 = arith.constant 0 : i32
      %dma_wait3A_132 = arith.constant 0 : i32
      %dma_wait3A_133 = tpu.memref_slice %arg10[%dma_wait3A_131, %dma_wait3A_132] : memref<10240x128xf32, #tpu.memory_space<vmem_shared>> -> memref<10240x128xf32, #tpu.memory_space<vmem_shared>>
      tpu.wait_indirect_dma semaphore(%run_scoped3A : memref<!tpu.dma_semaphore, #tpu.memory_space<semaphore_mem>>) src(%arg9 : memref<80x128xf32, #tpu.memory_space<vmem>>) dst(%dma_wait3A_133 : memref<10240x128xf32, #tpu.memory_space<vmem_shared>>)
      tpu.yield
    }) : () -> ()
    %dma_wait3A_100 = arith.constant 0 : i32
    %dma_wait3A_101 = arith.constant 0 : i32
    %dma_wait3A_102 = tpu.memref_slice %arg8[%dma_wait3A_100, %dma_wait3A_101] : memref<80x128xf32, #tpu.memory_space<vmem>> -> memref<40x128xf32, #tpu.memory_space<vmem>>
    %dma_wait3A_103 = arith.constant 9920 : i32
    %dma_wait3A_104 = tpu.memref_slice %arg6[%dma_wait3A_103] : memref<10000xi32, #tpu.memory_space<vmem>> -> memref<40xi32, #tpu.memory_space<vmem>>
    %dma_wait3A_105 = arith.constant 0 : i32
    %dma_wait3A_106 = arith.constant 0 : i32
    %dma_wait3A_107 = tpu.memref_slice %arg2[%dma_wait3A_105, %dma_wait3A_106] : memref<10240x128xf32, #tpu.memory_space<hbm>> -> memref<10240x128xf32, #tpu.memory_space<hbm>>
    tpu.wait_indirect_dma semaphore(%arg11 : memref<!tpu.dma_semaphore, #tpu.memory_space<semaphore_mem>>) src(%dma_wait3A_107 : memref<10240x128xf32, #tpu.memory_space<hbm>>) dst(%dma_wait3A_102 : memref<40x128xf32, #tpu.memory_space<vmem>>)
    %dma_wait3A_108 = arith.constant 40 : i32
    %dma_wait3A_109 = arith.constant 0 : i32
    %dma_wait3A_110 = tpu.memref_slice %arg8[%dma_wait3A_108, %dma_wait3A_109] : memref<80x128xf32, #tpu.memory_space<vmem>> -> memref<40x128xf32, #tpu.memory_space<vmem>>
    %dma_wait3A_111 = arith.constant 9960 : i32
    %dma_wait3A_112 = tpu.memref_slice %arg6[%dma_wait3A_111] : memref<10000xi32, #tpu.memory_space<vmem>> -> memref<40xi32, #tpu.memory_space<vmem>>
    %dma_wait3A_113 = arith.constant 0 : i32
    %dma_wait3A_114 = arith.constant 0 : i32
    %dma_wait3A_115 = tpu.memref_slice %arg2[%dma_wait3A_113, %dma_wait3A_114] : memref<10240x128xf32, #tpu.memory_space<hbm>> -> memref<10240x128xf32, #tpu.memory_space<hbm>>
    tpu.wait_indirect_dma semaphore(%arg12 : memref<!tpu.dma_semaphore, #tpu.memory_space<semaphore_mem>>) src(%dma_wait3A_115 : memref<10240x128xf32, #tpu.memory_space<hbm>>) dst(%dma_wait3A_110 : memref<40x128xf32, #tpu.memory_space<vmem>>)
    "tpu.region"() ({
      %run_scoped3A = tpu.sem_alloc : memref<!tpu.dma_semaphore, #tpu.memory_space<semaphore_mem>>
      %dma_start3A_124 = arith.constant 9920 : i32
      %dma_start3A_125 = tpu.memref_slice %arg7[%dma_start3A_124] : memref<10000xi32, #tpu.memory_space<vmem>> -> memref<80xi32, #tpu.memory_space<vmem>>
      %dma_start3A_126 = arith.constant 0 : i32
      %dma_start3A_127 = arith.constant 0 : i32
      %dma_start3A_128 = tpu.memref_slice %arg10[%dma_start3A_126, %dma_start3A_127] : memref<10240x128xf32, #tpu.memory_space<vmem_shared>> -> memref<10240x128xf32, #tpu.memory_space<vmem_shared>>
      tpu.enqueue_indirect_dma source(%arg8 : memref<80x128xf32, #tpu.memory_space<vmem>>) target(%dma_start3A_128 : memref<10240x128xf32, #tpu.memory_space<vmem_shared>>) offsets(%dma_start3A_125 : memref<80xi32, #tpu.memory_space<vmem>>) semaphore(%run_scoped3A : memref<!tpu.dma_semaphore, #tpu.memory_space<semaphore_mem>>) {add = true}
      %dma_wait3A_129 = arith.constant 9920 : i32
      %dma_wait3A_130 = tpu.memref_slice %arg7[%dma_wait3A_129] : memref<10000xi32, #tpu.memory_space<vmem>> -> memref<80xi32, #tpu.memory_space<vmem>>
      %dma_wait3A_131 = arith.constant 0 : i32
      %dma_wait3A_132 = arith.constant 0 : i32
      %dma_wait3A_133 = tpu.memref_slice %arg10[%dma_wait3A_131, %dma_wait3A_132] : memref<10240x128xf32, #tpu.memory_space<vmem_shared>> -> memref<10240x128xf32, #tpu.memory_space<vmem_shared>>
      tpu.wait_indirect_dma semaphore(%run_scoped3A : memref<!tpu.dma_semaphore, #tpu.memory_space<semaphore_mem>>) src(%arg8 : memref<80x128xf32, #tpu.memory_space<vmem>>) dst(%dma_wait3A_133 : memref<10240x128xf32, #tpu.memory_space<vmem_shared>>)
      tpu.yield
    }) : () -> ()
    %barrier3A_116 = arith.constant 0 : index
    tpu.barrier barrier_id(%barrier3A_116)
    %mul3A_117 = arith.constant 640 : i32
    %mul3A_118 = arith.muli %arg1, %mul3A_117 : i32
    %mul3A_119 = arith.constant 10240 : i32
    %mul3A_120 = arith.muli %arg0, %mul3A_119 : i32
    %mul3A_121 = arith.constant 640 : i32
    %mul3A_122 = arith.muli %arg1, %mul3A_121 : i32
    %add3A_123 = arith.addi %mul3A_120, %mul3A_122 : i32
    "tpu.region"() ({
      %run_scoped3A = tpu.sem_alloc : memref<!tpu.dma_semaphore, #tpu.memory_space<semaphore_mem>>
      %dma_start3A_124 = arith.constant 0 : i32
      %dma_start3A_125 = tpu.memref_slice %arg5[%add3A_123, %dma_start3A_124] : memref<20480x128xf32, #tpu.memory_space<hbm>> -> memref<640x128xf32, #tpu.memory_space<hbm>>
      %dma_start3A_126 = arith.constant 0 : i32
      %dma_start3A_127 = tpu.memref_slice %arg10[%mul3A_118, %dma_start3A_126] : memref<10240x128xf32, #tpu.memory_space<vmem_shared>> -> memref<640x128xf32, #tpu.memory_space<vmem_shared>>
      tpu.enqueue_dma source(%dma_start3A_127 : memref<640x128xf32, #tpu.memory_space<vmem_shared>>) target(%dma_start3A_125 : memref<640x128xf32, #tpu.memory_space<hbm>>) target_semaphore(%run_scoped3A : memref<!tpu.dma_semaphore, #tpu.memory_space<semaphore_mem>>)
      %dma_wait3A_128 = arith.constant 0 : i32
      %dma_wait3A_129 = tpu.memref_slice %arg5[%add3A_123, %dma_wait3A_128] : memref<20480x128xf32, #tpu.memory_space<hbm>> -> memref<640x128xf32, #tpu.memory_space<hbm>>
      %dma_wait3A_130 = arith.constant 0 : i32
      %dma_wait3A_131 = tpu.memref_slice %arg10[%mul3A_118, %dma_wait3A_130] : memref<10240x128xf32, #tpu.memory_space<vmem_shared>> -> memref<640x128xf32, #tpu.memory_space<vmem_shared>>
      tpu.wait_dma2 semaphore(%run_scoped3A : memref<!tpu.dma_semaphore, #tpu.memory_space<semaphore_mem>>) src(%dma_wait3A_131 : memref<640x128xf32, #tpu.memory_space<vmem_shared>>) dst(%dma_wait3A_129 : memref<640x128xf32, #tpu.memory_space<hbm>>)
      tpu.yield
    }) : () -> ()
    return
  }
}

module attributes {stable_mosaic.version = 14 : i64} {
  func.func @body(%arg0: i32, %arg1: memref<1024x128xf32, #tpu.memory_space<vmem>>, %arg2: memref<1024x1xf32, #tpu.memory_space<vmem>>, %arg3: memref<1024x1xf32, #tpu.memory_space<vmem>>, %arg4: memref<1024x128xf32, #tpu.memory_space<vmem>>, %arg5: memref<1024x1xf32, #tpu.memory_space<vmem>>) attributes {dimension_semantics = [#tpu.dimension_semantics<arbitrary>], iteration_bounds = array<i64: 10>, scalar_prefetch = 0 : i64, scratch_operands = 0 : i64, tpu.core_type = #tpu.core_type<tc>, window_params = [{transform_indices = @transform_0, window_bounds = array<i64: 1024, 128>}, {transform_indices = @transform_1, window_bounds = array<i64: 1024, 1>}, {transform_indices = @transform_2, window_bounds = array<i64: 1024, 1>}, {transform_indices = @transform_3, window_bounds = array<i64: 1024, 128>}, {transform_indices = @transform_4, window_bounds = array<i64: 1024, 1>}]} {
    %get3A = arith.constant 0 : index
    %get3A_0 = arith.constant 0 : index
    %get3A_1 = vector.load %arg2[%get3A, %get3A_0] : memref<1024x1xf32, #tpu.memory_space<vmem>>, vector<1024x1xf32>
    %get3A_2 = arith.constant 0 : index
    %get3A_3 = arith.constant 0 : index
    %get3A_4 = vector.load %arg3[%get3A_2, %get3A_3] : memref<1024x1xf32, #tpu.memory_space<vmem>>, vector<1024x1xf32>
    %add3A = arith.addf %get3A_1, %get3A_4 : vector<1024x1xf32>
    %add3A_5 = arith.constant 1.000000e+00 : f32
    %add3A_6 = vector.broadcast %add3A_5 : f32 to vector<1024x1xf32>
    %add3A_7 = arith.addf %add3A, %add3A_6 : vector<1024x1xf32>
    %rsqrt3A = math.rsqrt %add3A_7 : vector<1024x1xf32>
    %get3A_8 = arith.constant 0 : index
    %get3A_9 = arith.constant 0 : index
    %get3A_10 = vector.load %arg1[%get3A_8, %get3A_9] : memref<1024x128xf32, #tpu.memory_space<vmem>>, vector<1024x128xf32>
    %mul3A = vector.broadcast %rsqrt3A : vector<1024x1xf32> to vector<1024x128xf32>
    %mul3A_11 = arith.mulf %mul3A, %get3A_10 : vector<1024x128xf32>
    %swap3A = arith.constant 0 : index
    %swap3A_12 = arith.constant 0 : index
    %swap3A_13 = vector.load %arg4[%swap3A, %swap3A_12] : memref<1024x128xf32, #tpu.memory_space<vmem>>, vector<1024x128xf32>
    tpu.vector_store %arg4[%swap3A, %swap3A_12], %mul3A_11 {strides = array<i32>} : memref<1024x128xf32, #tpu.memory_space<vmem>>, vector<1024x128xf32>,
    %swap3A_14 = arith.constant 0 : index
    %swap3A_15 = arith.constant 0 : index
    %swap3A_16 = vector.load %arg5[%swap3A_14, %swap3A_15] : memref<1024x1xf32, #tpu.memory_space<vmem>>, vector<1024x1xf32>
    tpu.vector_store %arg5[%swap3A_14, %swap3A_15], %rsqrt3A {strides = array<i32>} : memref<1024x1xf32, #tpu.memory_space<vmem>>, vector<1024x1xf32>,
    return
  }
  func.func @transform_0(%arg0: i32) -> (i32, i32) {
    %c0_i32 = arith.constant 0 : i32
    %c0_i32_0 = arith.constant 0 : i32
    return %arg0, %c0_i32 : i32, i32
  }
  func.func @transform_1(%arg0: i32) -> (i32, i32) {
    %c0_i32 = arith.constant 0 : i32
    %c0_i32_0 = arith.constant 0 : i32
    return %arg0, %c0_i32 : i32, i32
  }
  func.func @transform_2(%arg0: i32) -> (i32, i32) {
    %add3A = arith.constant 10 : i32
    %add3A_0 = arith.addi %arg0, %add3A : i32
    %c0_i32 = arith.constant 0 : i32
    %c0_i32_1 = arith.constant 0 : i32
    return %add3A_0, %c0_i32 : i32, i32
  }
  func.func @transform_3(%arg0: i32) -> (i32, i32) {
    %c0_i32 = arith.constant 0 : i32
    %c0_i32_0 = arith.constant 0 : i32
    return %arg0, %c0_i32 : i32, i32
  }
  func.func @transform_4(%arg0: i32) -> (i32, i32) {
    %c0_i32 = arith.constant 0 : i32
    %c0_i32_0 = arith.constant 0 : i32
    return %arg0, %c0_i32 : i32, i32
  }
}

module attributes {stable_mosaic.version = 14 : i64} {
  func.func @body(%arg0: i32, %arg1: memref<1024x128xf32, #tpu.memory_space<vmem>>, %arg2: memref<128x128xf32, #tpu.memory_space<vmem>>, %arg3: memref<1x128xf32, #tpu.memory_space<vmem>>, %arg4: memref<1024x128xf32, #tpu.memory_space<vmem>>) attributes {dimension_semantics = [#tpu.dimension_semantics<arbitrary>], iteration_bounds = array<i64: 10>, scalar_prefetch = 0 : i64, scratch_operands = 0 : i64, tpu.core_type = #tpu.core_type<tc>, window_params = [{transform_indices = @transform_0, window_bounds = array<i64: 1024, 128>}, {pipeline_mode = #tpu.pipeline_mode<synchronous>, transform_indices = @transform_1, window_bounds = array<i64: 128, 128>}, {pipeline_mode = #tpu.pipeline_mode<synchronous>, transform_indices = @transform_2, window_bounds = array<i64: 1, 128>}, {transform_indices = @transform_3, window_bounds = array<i64: 1024, 128>}]} {
    %get3A = arith.constant 0 : index
    %get3A_0 = arith.constant 0 : index
    %get3A_1 = vector.load %arg1[%get3A, %get3A_0] : memref<1024x128xf32, #tpu.memory_space<vmem>>, vector<1024x128xf32>
    %get3A_2 = arith.constant 0 : index
    %get3A_3 = arith.constant 0 : index
    %get3A_4 = vector.load %arg2[%get3A_2, %get3A_3] : memref<128x128xf32, #tpu.memory_space<vmem>>, vector<128x128xf32>
    %dot_general3A = arith.constant dense<0.000000e+00> : vector<1024x128xf32>
    %dot_general3A_5 = tpu.matmul %get3A_1, %get3A_4, %dot_general3A {dimension_numbers = #tpu.dot_dimension_numbers<[1], [0], [0], [1], [0, 0, 1, 1], [], []>, transpose_lhs_hint = false} : vector<1024x128xf32>, vector<128x128xf32>, vector<1024x128xf32> -> vector<1024x128xf32>
    %get3A_6 = arith.constant 0 : index
    %get3A_7 = arith.constant 0 : index
    %get3A_8 = vector.load %arg3[%get3A_6, %get3A_7] : memref<1x128xf32, #tpu.memory_space<vmem>>, vector<1x128xf32>
    %add3A = vector.broadcast %get3A_8 : vector<1x128xf32> to vector<1024x128xf32>
    %add3A_9 = arith.addf %dot_general3A_5, %add3A : vector<1024x128xf32>
    %swap3A = arith.constant 0 : index
    %swap3A_10 = arith.constant 0 : index
    %swap3A_11 = vector.load %arg4[%swap3A, %swap3A_10] : memref<1024x128xf32, #tpu.memory_space<vmem>>, vector<1024x128xf32>
    tpu.vector_store %arg4[%swap3A, %swap3A_10], %add3A_9 {strides = array<i32>} : memref<1024x128xf32, #tpu.memory_space<vmem>>, vector<1024x128xf32>,
    return
  }
  func.func @transform_0(%arg0: i32) -> (i32, i32) {
    %c0_i32 = arith.constant 0 : i32
    %c0_i32_0 = arith.constant 0 : i32
    return %arg0, %c0_i32 : i32, i32
  }
  func.func @transform_1(%arg0: i32) -> (i32, i32) {
    %c0_i32 = arith.constant 0 : i32
    %c0_i32_0 = arith.constant 0 : i32
    %c0_i32_1 = arith.constant 0 : i32
    return %c0_i32, %c0_i32_0 : i32, i32
  }
  func.func @transform_2(%arg0: i32) -> (i32, i32) {
    %c0_i32 = arith.constant 0 : i32
    %c0_i32_0 = arith.constant 0 : i32
    %c0_i32_1 = arith.constant 0 : i32
    return %c0_i32, %c0_i32_0 : i32, i32
  }
  func.func @transform_3(%arg0: i32) -> (i32, i32) {
    %c0_i32 = arith.constant 0 : i32
    %c0_i32_0 = arith.constant 0 : i32
    return %arg0, %c0_i32 : i32, i32
  }
}

module attributes {stable_mosaic.version = 14 : i64} {
  func.func @body(%arg0: i32, %arg1: memref<1x1024x128xf32, #tpu.memory_space<vmem>>, %arg2: memref<1x1024x128xf32, #tpu.memory_space<vmem>>, %arg3: memref<1024x128xf32, #tpu.memory_space<vmem>>, %arg4: memref<1024x128xf32, #tpu.memory_space<vmem>>, %arg5: memref<1024x1xf32, #tpu.memory_space<vmem>>, %arg6: memref<128x128xf32, #tpu.memory_space<vmem>>, %arg7: memref<1024x128xf32, #tpu.memory_space<vmem>>) attributes {dimension_semantics = [#tpu.dimension_semantics<arbitrary>], iteration_bounds = array<i64: 10>, scalar_prefetch = 0 : i64, scratch_operands = 0 : i64, tpu.core_type = #tpu.core_type<tc>, window_params = [{transform_indices = @transform_0, window_bounds = array<i64: 1, 1024, 128>}, {transform_indices = @transform_1, window_bounds = array<i64: 1, 1024, 128>}, {transform_indices = @transform_2, window_bounds = array<i64: 1024, 128>}, {transform_indices = @transform_3, window_bounds = array<i64: 1024, 128>}, {transform_indices = @transform_4, window_bounds = array<i64: 1024, 1>}, {pipeline_mode = #tpu.pipeline_mode<synchronous>, transform_indices = @transform_5, window_bounds = array<i64: 128, 128>}, {transform_indices = @transform_6, window_bounds = array<i64: 1024, 128>}]} {
    %get3A = arith.constant 0 : index
    %get3A_0 = arith.constant 0 : index
    %get3A_1 = vector.load %arg5[%get3A, %get3A_0] : memref<1024x1xf32, #tpu.memory_space<vmem>>, vector<1024x1xf32>
    %get3A_2 = arith.constant 0 : index
    %get3A_3 = arith.constant 0 : index
    %get3A_4 = arith.constant 0 : index
    %get3A_5 = vector.load %arg1[%get3A_2, %get3A_3, %get3A_4] : memref<1x1024x128xf32, #tpu.memory_space<vmem>>, vector<1x1024x128xf32>
    %get3A_6 = vector.shape_cast %get3A_5 : vector<1x1024x128xf32> to vector<1024x128xf32>
    %get3A_7 = arith.constant 0 : index
    %get3A_8 = arith.constant 0 : index
    %get3A_9 = arith.constant 0 : index
    %get3A_10 = vector.load %arg2[%get3A_7, %get3A_8, %get3A_9] : memref<1x1024x128xf32, #tpu.memory_space<vmem>>, vector<1x1024x128xf32>
    %get3A_11 = vector.shape_cast %get3A_10 : vector<1x1024x128xf32> to vector<1024x128xf32>
    %add3A = arith.addf %get3A_6, %get3A_11 : vector<1024x128xf32>
    %get3A_12 = arith.constant 0 : index
    %get3A_13 = arith.constant 0 : index
    %get3A_14 = vector.load %arg3[%get3A_12, %get3A_13] : memref<1024x128xf32, #tpu.memory_space<vmem>>, vector<1024x128xf32>
    %add3A_15 = arith.addf %add3A, %get3A_14 : vector<1024x128xf32>
    %mul3A = vector.broadcast %get3A_1 : vector<1024x1xf32> to vector<1024x128xf32>
    %mul3A_16 = arith.mulf %mul3A, %add3A_15 : vector<1024x128xf32>
    %mul3A_17 = arith.constant 0.899999976 : f32
    %mul3A_18 = vector.broadcast %mul3A_17 : f32 to vector<1024x128xf32>
    %mul3A_19 = arith.mulf %mul3A_18, %mul3A_16 : vector<1024x128xf32>
    %get3A_20 = arith.constant 0 : index
    %get3A_21 = arith.constant 0 : index
    %get3A_22 = vector.load %arg4[%get3A_20, %get3A_21] : memref<1024x128xf32, #tpu.memory_space<vmem>>, vector<1024x128xf32>
    %mul3A_23 = arith.constant 1.000000e-01 : f32
    %mul3A_24 = vector.broadcast %mul3A_23 : f32 to vector<1024x128xf32>
    %mul3A_25 = arith.mulf %mul3A_24, %get3A_22 : vector<1024x128xf32>
    %add3A_26 = arith.addf %mul3A_19, %mul3A_25 : vector<1024x128xf32>
    %mul3A_27 = arith.constant 0.594534874 : f32
    %mul3A_28 = vector.broadcast %mul3A_27 : f32 to vector<1024x128xf32>
    %mul3A_29 = arith.mulf %mul3A_28, %add3A_26 : vector<1024x128xf32>
    %get3A_30 = arith.constant 0 : index
    %get3A_31 = arith.constant 0 : index
    %get3A_32 = vector.load %arg6[%get3A_30, %get3A_31] : memref<128x128xf32, #tpu.memory_space<vmem>>, vector<128x128xf32>
    %dot_general3A = arith.constant dense<0.000000e+00> : vector<1024x128xf32>
    %dot_general3A_33 = tpu.matmul %add3A_26, %get3A_32, %dot_general3A {dimension_numbers = #tpu.dot_dimension_numbers<[1], [0], [0], [1], [0, 0, 1, 1], [], []>, transpose_lhs_hint = false} : vector<1024x128xf32>, vector<128x128xf32>, vector<1024x128xf32> -> vector<1024x128xf32>
    %mul3A_34 = arith.constant 0.405465096 : f32
    %mul3A_35 = vector.broadcast %mul3A_34 : f32 to vector<1024x128xf32>
    %mul3A_36 = arith.mulf %mul3A_35, %dot_general3A_33 : vector<1024x128xf32>
    %add3A_37 = arith.addf %mul3A_29, %mul3A_36 : vector<1024x128xf32>
    %get3A_38 = arith.constant 0 : index
    %get3A_39 = arith.constant 0 : index
    %get3A_40 = vector.load %arg5[%get3A_38, %get3A_39] : memref<1024x1xf32, #tpu.memory_space<vmem>>, vector<1024x1xf32>
    %max3A = arith.constant 0.000000e+00 : f32
    %max3A_41 = vector.broadcast %max3A : f32 to vector<1024x128xf32>
    %max3A_42 = arith.maximumf %add3A_37, %max3A_41 : vector<1024x128xf32>
    %mul3A_43 = vector.broadcast %get3A_40 : vector<1024x1xf32> to vector<1024x128xf32>
    %mul3A_44 = arith.mulf %mul3A_43, %max3A_42 : vector<1024x128xf32>
    %swap3A = arith.constant 0 : index
    %swap3A_45 = arith.constant 0 : index
    %swap3A_46 = vector.load %arg7[%swap3A, %swap3A_45] : memref<1024x128xf32, #tpu.memory_space<vmem>>, vector<1024x128xf32>
    tpu.vector_store %arg7[%swap3A, %swap3A_45], %mul3A_44 {strides = array<i32>} : memref<1024x128xf32, #tpu.memory_space<vmem>>, vector<1024x128xf32>,
    return
  }
  func.func @transform_0(%arg0: i32) -> (i32, i32, i32) {
    %c0_i32 = arith.constant 0 : i32
    %c0_i32_0 = arith.constant 0 : i32
    %c0_i32_1 = arith.constant 0 : i32
    return %c0_i32, %arg0, %c0_i32_0 : i32, i32, i32
  }
  func.func @transform_1(%arg0: i32) -> (i32, i32, i32) {
    %c1_i32 = arith.constant 1 : i32
    %c0_i32 = arith.constant 0 : i32
    %c0_i32_0 = arith.constant 0 : i32
    return %c1_i32, %arg0, %c0_i32 : i32, i32, i32
  }
  func.func @transform_2(%arg0: i32) -> (i32, i32) {
    %c0_i32 = arith.constant 0 : i32
    %c0_i32_0 = arith.constant 0 : i32
    return %arg0, %c0_i32 : i32, i32
  }
  func.func @transform_3(%arg0: i32) -> (i32, i32) {
    %c0_i32 = arith.constant 0 : i32
    %c0_i32_0 = arith.constant 0 : i32
    return %arg0, %c0_i32 : i32, i32
  }
  func.func @transform_4(%arg0: i32) -> (i32, i32) {
    %c0_i32 = arith.constant 0 : i32
    %c0_i32_0 = arith.constant 0 : i32
    return %arg0, %c0_i32 : i32, i32
  }
  func.func @transform_5(%arg0: i32) -> (i32, i32) {
    %c0_i32 = arith.constant 0 : i32
    %c0_i32_0 = arith.constant 0 : i32
    %c0_i32_1 = arith.constant 0 : i32
    return %c0_i32, %c0_i32_0 : i32, i32
  }
  func.func @transform_6(%arg0: i32) -> (i32, i32) {
    %c0_i32 = arith.constant 0 : i32
    %c0_i32_0 = arith.constant 0 : i32
    return %arg0, %c0_i32 : i32, i32
  }
}

module attributes {stable_mosaic.version = 14 : i64} {
  func.func @body(%arg0: i32, %arg1: memref<1x1024x128xf32, #tpu.memory_space<vmem>>, %arg2: memref<1x1024x128xf32, #tpu.memory_space<vmem>>, %arg3: memref<1024x128xf32, #tpu.memory_space<vmem>>, %arg4: memref<1024x128xf32, #tpu.memory_space<vmem>>, %arg5: memref<1024x1xf32, #tpu.memory_space<vmem>>, %arg6: memref<128x128xf32, #tpu.memory_space<vmem>>, %arg7: memref<1024x128xf32, #tpu.memory_space<vmem>>) attributes {dimension_semantics = [#tpu.dimension_semantics<arbitrary>], iteration_bounds = array<i64: 10>, scalar_prefetch = 0 : i64, scratch_operands = 0 : i64, tpu.core_type = #tpu.core_type<tc>, window_params = [{transform_indices = @transform_0, window_bounds = array<i64: 1, 1024, 128>}, {transform_indices = @transform_1, window_bounds = array<i64: 1, 1024, 128>}, {transform_indices = @transform_2, window_bounds = array<i64: 1024, 128>}, {transform_indices = @transform_3, window_bounds = array<i64: 1024, 128>}, {transform_indices = @transform_4, window_bounds = array<i64: 1024, 1>}, {pipeline_mode = #tpu.pipeline_mode<synchronous>, transform_indices = @transform_5, window_bounds = array<i64: 128, 128>}, {transform_indices = @transform_6, window_bounds = array<i64: 1024, 128>}]} {
    %get3A = arith.constant 0 : index
    %get3A_0 = arith.constant 0 : index
    %get3A_1 = vector.load %arg5[%get3A, %get3A_0] : memref<1024x1xf32, #tpu.memory_space<vmem>>, vector<1024x1xf32>
    %get3A_2 = arith.constant 0 : index
    %get3A_3 = arith.constant 0 : index
    %get3A_4 = arith.constant 0 : index
    %get3A_5 = vector.load %arg1[%get3A_2, %get3A_3, %get3A_4] : memref<1x1024x128xf32, #tpu.memory_space<vmem>>, vector<1x1024x128xf32>
    %get3A_6 = vector.shape_cast %get3A_5 : vector<1x1024x128xf32> to vector<1024x128xf32>
    %get3A_7 = arith.constant 0 : index
    %get3A_8 = arith.constant 0 : index
    %get3A_9 = arith.constant 0 : index
    %get3A_10 = vector.load %arg2[%get3A_7, %get3A_8, %get3A_9] : memref<1x1024x128xf32, #tpu.memory_space<vmem>>, vector<1x1024x128xf32>
    %get3A_11 = vector.shape_cast %get3A_10 : vector<1x1024x128xf32> to vector<1024x128xf32>
    %add3A = arith.addf %get3A_6, %get3A_11 : vector<1024x128xf32>
    %get3A_12 = arith.constant 0 : index
    %get3A_13 = arith.constant 0 : index
    %get3A_14 = vector.load %arg3[%get3A_12, %get3A_13] : memref<1024x128xf32, #tpu.memory_space<vmem>>, vector<1024x128xf32>
    %add3A_15 = arith.addf %add3A, %get3A_14 : vector<1024x128xf32>
    %mul3A = vector.broadcast %get3A_1 : vector<1024x1xf32> to vector<1024x128xf32>
    %mul3A_16 = arith.mulf %mul3A, %add3A_15 : vector<1024x128xf32>
    %mul3A_17 = arith.constant 0.899999976 : f32
    %mul3A_18 = vector.broadcast %mul3A_17 : f32 to vector<1024x128xf32>
    %mul3A_19 = arith.mulf %mul3A_18, %mul3A_16 : vector<1024x128xf32>
    %get3A_20 = arith.constant 0 : index
    %get3A_21 = arith.constant 0 : index
    %get3A_22 = vector.load %arg4[%get3A_20, %get3A_21] : memref<1024x128xf32, #tpu.memory_space<vmem>>, vector<1024x128xf32>
    %mul3A_23 = arith.constant 1.000000e-01 : f32
    %mul3A_24 = vector.broadcast %mul3A_23 : f32 to vector<1024x128xf32>
    %mul3A_25 = arith.mulf %mul3A_24, %get3A_22 : vector<1024x128xf32>
    %add3A_26 = arith.addf %mul3A_19, %mul3A_25 : vector<1024x128xf32>
    %mul3A_27 = arith.constant 0.776856422 : f32
    %mul3A_28 = vector.broadcast %mul3A_27 : f32 to vector<1024x128xf32>
    %mul3A_29 = arith.mulf %mul3A_28, %add3A_26 : vector<1024x128xf32>
    %get3A_30 = arith.constant 0 : index
    %get3A_31 = arith.constant 0 : index
    %get3A_32 = vector.load %arg6[%get3A_30, %get3A_31] : memref<128x128xf32, #tpu.memory_space<vmem>>, vector<128x128xf32>
    %dot_general3A = arith.constant dense<0.000000e+00> : vector<1024x128xf32>
    %dot_general3A_33 = tpu.matmul %add3A_26, %get3A_32, %dot_general3A {dimension_numbers = #tpu.dot_dimension_numbers<[1], [0], [0], [1], [0, 0, 1, 1], [], []>, transpose_lhs_hint = false} : vector<1024x128xf32>, vector<128x128xf32>, vector<1024x128xf32> -> vector<1024x128xf32>
    %mul3A_34 = arith.constant 0.223143548 : f32
    %mul3A_35 = vector.broadcast %mul3A_34 : f32 to vector<1024x128xf32>
    %mul3A_36 = arith.mulf %mul3A_35, %dot_general3A_33 : vector<1024x128xf32>
    %add3A_37 = arith.addf %mul3A_29, %mul3A_36 : vector<1024x128xf32>
    %get3A_38 = arith.constant 0 : index
    %get3A_39 = arith.constant 0 : index
    %get3A_40 = vector.load %arg5[%get3A_38, %get3A_39] : memref<1024x1xf32, #tpu.memory_space<vmem>>, vector<1024x1xf32>
    %max3A = arith.constant 0.000000e+00 : f32
    %max3A_41 = vector.broadcast %max3A : f32 to vector<1024x128xf32>
    %max3A_42 = arith.maximumf %add3A_37, %max3A_41 : vector<1024x128xf32>
    %mul3A_43 = vector.broadcast %get3A_40 : vector<1024x1xf32> to vector<1024x128xf32>
    %mul3A_44 = arith.mulf %mul3A_43, %max3A_42 : vector<1024x128xf32>
    %swap3A = arith.constant 0 : index
    %swap3A_45 = arith.constant 0 : index
    %swap3A_46 = vector.load %arg7[%swap3A, %swap3A_45] : memref<1024x128xf32, #tpu.memory_space<vmem>>, vector<1024x128xf32>
    tpu.vector_store %arg7[%swap3A, %swap3A_45], %mul3A_44 {strides = array<i32>} : memref<1024x128xf32, #tpu.memory_space<vmem>>, vector<1024x128xf32>,
    return
  }
  func.func @transform_0(%arg0: i32) -> (i32, i32, i32) {
    %c0_i32 = arith.constant 0 : i32
    %c0_i32_0 = arith.constant 0 : i32
    %c0_i32_1 = arith.constant 0 : i32
    return %c0_i32, %arg0, %c0_i32_0 : i32, i32, i32
  }
  func.func @transform_1(%arg0: i32) -> (i32, i32, i32) {
    %c1_i32 = arith.constant 1 : i32
    %c0_i32 = arith.constant 0 : i32
    %c0_i32_0 = arith.constant 0 : i32
    return %c1_i32, %arg0, %c0_i32 : i32, i32, i32
  }
  func.func @transform_2(%arg0: i32) -> (i32, i32) {
    %c0_i32 = arith.constant 0 : i32
    %c0_i32_0 = arith.constant 0 : i32
    return %arg0, %c0_i32 : i32, i32
  }
  func.func @transform_3(%arg0: i32) -> (i32, i32) {
    %c0_i32 = arith.constant 0 : i32
    %c0_i32_0 = arith.constant 0 : i32
    return %arg0, %c0_i32 : i32, i32
  }
  func.func @transform_4(%arg0: i32) -> (i32, i32) {
    %c0_i32 = arith.constant 0 : i32
    %c0_i32_0 = arith.constant 0 : i32
    return %arg0, %c0_i32 : i32, i32
  }
  func.func @transform_5(%arg0: i32) -> (i32, i32) {
    %c0_i32 = arith.constant 0 : i32
    %c0_i32_0 = arith.constant 0 : i32
    %c0_i32_1 = arith.constant 0 : i32
    return %c0_i32, %c0_i32_0 : i32, i32
  }
  func.func @transform_6(%arg0: i32) -> (i32, i32) {
    %c0_i32 = arith.constant 0 : i32
    %c0_i32_0 = arith.constant 0 : i32
    return %arg0, %c0_i32 : i32, i32
  }
}

module attributes {stable_mosaic.version = 14 : i64} {
  func.func @body(%arg0: i32, %arg1: memref<1x1024x128xf32, #tpu.memory_space<vmem>>, %arg2: memref<1x1024x128xf32, #tpu.memory_space<vmem>>, %arg3: memref<1024x128xf32, #tpu.memory_space<vmem>>, %arg4: memref<1024x128xf32, #tpu.memory_space<vmem>>, %arg5: memref<1024x1xf32, #tpu.memory_space<vmem>>, %arg6: memref<128x128xf32, #tpu.memory_space<vmem>>, %arg7: memref<1024x128xf32, #tpu.memory_space<vmem>>) attributes {dimension_semantics = [#tpu.dimension_semantics<arbitrary>], iteration_bounds = array<i64: 10>, scalar_prefetch = 0 : i64, scratch_operands = 0 : i64, tpu.core_type = #tpu.core_type<tc>, window_params = [{transform_indices = @transform_0, window_bounds = array<i64: 1, 1024, 128>}, {transform_indices = @transform_1, window_bounds = array<i64: 1, 1024, 128>}, {transform_indices = @transform_2, window_bounds = array<i64: 1024, 128>}, {transform_indices = @transform_3, window_bounds = array<i64: 1024, 128>}, {transform_indices = @transform_4, window_bounds = array<i64: 1024, 1>}, {pipeline_mode = #tpu.pipeline_mode<synchronous>, transform_indices = @transform_5, window_bounds = array<i64: 128, 128>}, {transform_indices = @transform_6, window_bounds = array<i64: 1024, 128>}]} {
    %get3A = arith.constant 0 : index
    %get3A_0 = arith.constant 0 : index
    %get3A_1 = vector.load %arg5[%get3A, %get3A_0] : memref<1024x1xf32, #tpu.memory_space<vmem>>, vector<1024x1xf32>
    %get3A_2 = arith.constant 0 : index
    %get3A_3 = arith.constant 0 : index
    %get3A_4 = arith.constant 0 : index
    %get3A_5 = vector.load %arg1[%get3A_2, %get3A_3, %get3A_4] : memref<1x1024x128xf32, #tpu.memory_space<vmem>>, vector<1x1024x128xf32>
    %get3A_6 = vector.shape_cast %get3A_5 : vector<1x1024x128xf32> to vector<1024x128xf32>
    %get3A_7 = arith.constant 0 : index
    %get3A_8 = arith.constant 0 : index
    %get3A_9 = arith.constant 0 : index
    %get3A_10 = vector.load %arg2[%get3A_7, %get3A_8, %get3A_9] : memref<1x1024x128xf32, #tpu.memory_space<vmem>>, vector<1x1024x128xf32>
    %get3A_11 = vector.shape_cast %get3A_10 : vector<1x1024x128xf32> to vector<1024x128xf32>
    %add3A = arith.addf %get3A_6, %get3A_11 : vector<1024x128xf32>
    %get3A_12 = arith.constant 0 : index
    %get3A_13 = arith.constant 0 : index
    %get3A_14 = vector.load %arg3[%get3A_12, %get3A_13] : memref<1024x128xf32, #tpu.memory_space<vmem>>, vector<1024x128xf32>
    %add3A_15 = arith.addf %add3A, %get3A_14 : vector<1024x128xf32>
    %mul3A = vector.broadcast %get3A_1 : vector<1024x1xf32> to vector<1024x128xf32>
    %mul3A_16 = arith.mulf %mul3A, %add3A_15 : vector<1024x128xf32>
    %mul3A_17 = arith.constant 0.899999976 : f32
    %mul3A_18 = vector.broadcast %mul3A_17 : f32 to vector<1024x128xf32>
    %mul3A_19 = arith.mulf %mul3A_18, %mul3A_16 : vector<1024x128xf32>
    %get3A_20 = arith.constant 0 : index
    %get3A_21 = arith.constant 0 : index
    %get3A_22 = vector.load %arg4[%get3A_20, %get3A_21] : memref<1024x128xf32, #tpu.memory_space<vmem>>, vector<1024x128xf32>
    %mul3A_23 = arith.constant 1.000000e-01 : f32
    %mul3A_24 = vector.broadcast %mul3A_23 : f32 to vector<1024x128xf32>
    %mul3A_25 = arith.mulf %mul3A_24, %get3A_22 : vector<1024x128xf32>
    %add3A_26 = arith.addf %mul3A_19, %mul3A_25 : vector<1024x128xf32>
    %mul3A_27 = arith.constant 0.845849335 : f32
    %mul3A_28 = vector.broadcast %mul3A_27 : f32 to vector<1024x128xf32>
    %mul3A_29 = arith.mulf %mul3A_28, %add3A_26 : vector<1024x128xf32>
    %get3A_30 = arith.constant 0 : index
    %get3A_31 = arith.constant 0 : index
    %get3A_32 = vector.load %arg6[%get3A_30, %get3A_31] : memref<128x128xf32, #tpu.memory_space<vmem>>, vector<128x128xf32>
    %dot_general3A = arith.constant dense<0.000000e+00> : vector<1024x128xf32>
    %dot_general3A_33 = tpu.matmul %add3A_26, %get3A_32, %dot_general3A {dimension_numbers = #tpu.dot_dimension_numbers<[1], [0], [0], [1], [0, 0, 1, 1], [], []>, transpose_lhs_hint = false} : vector<1024x128xf32>, vector<128x128xf32>, vector<1024x128xf32> -> vector<1024x128xf32>
    %mul3A_34 = arith.constant 0.15415068 : f32
    %mul3A_35 = vector.broadcast %mul3A_34 : f32 to vector<1024x128xf32>
    %mul3A_36 = arith.mulf %mul3A_35, %dot_general3A_33 : vector<1024x128xf32>
    %add3A_37 = arith.addf %mul3A_29, %mul3A_36 : vector<1024x128xf32>
    %get3A_38 = arith.constant 0 : index
    %get3A_39 = arith.constant 0 : index
    %get3A_40 = vector.load %arg5[%get3A_38, %get3A_39] : memref<1024x1xf32, #tpu.memory_space<vmem>>, vector<1024x1xf32>
    %max3A = arith.constant 0.000000e+00 : f32
    %max3A_41 = vector.broadcast %max3A : f32 to vector<1024x128xf32>
    %max3A_42 = arith.maximumf %add3A_37, %max3A_41 : vector<1024x128xf32>
    %mul3A_43 = vector.broadcast %get3A_40 : vector<1024x1xf32> to vector<1024x128xf32>
    %mul3A_44 = arith.mulf %mul3A_43, %max3A_42 : vector<1024x128xf32>
    %swap3A = arith.constant 0 : index
    %swap3A_45 = arith.constant 0 : index
    %swap3A_46 = vector.load %arg7[%swap3A, %swap3A_45] : memref<1024x128xf32, #tpu.memory_space<vmem>>, vector<1024x128xf32>
    tpu.vector_store %arg7[%swap3A, %swap3A_45], %mul3A_44 {strides = array<i32>} : memref<1024x128xf32, #tpu.memory_space<vmem>>, vector<1024x128xf32>,
    return
  }
  func.func @transform_0(%arg0: i32) -> (i32, i32, i32) {
    %c0_i32 = arith.constant 0 : i32
    %c0_i32_0 = arith.constant 0 : i32
    %c0_i32_1 = arith.constant 0 : i32
    return %c0_i32, %arg0, %c0_i32_0 : i32, i32, i32
  }
  func.func @transform_1(%arg0: i32) -> (i32, i32, i32) {
    %c1_i32 = arith.constant 1 : i32
    %c0_i32 = arith.constant 0 : i32
    %c0_i32_0 = arith.constant 0 : i32
    return %c1_i32, %arg0, %c0_i32 : i32, i32, i32
  }
  func.func @transform_2(%arg0: i32) -> (i32, i32) {
    %c0_i32 = arith.constant 0 : i32
    %c0_i32_0 = arith.constant 0 : i32
    return %arg0, %c0_i32 : i32, i32
  }
  func.func @transform_3(%arg0: i32) -> (i32, i32) {
    %c0_i32 = arith.constant 0 : i32
    %c0_i32_0 = arith.constant 0 : i32
    return %arg0, %c0_i32 : i32, i32
  }
  func.func @transform_4(%arg0: i32) -> (i32, i32) {
    %c0_i32 = arith.constant 0 : i32
    %c0_i32_0 = arith.constant 0 : i32
    return %arg0, %c0_i32 : i32, i32
  }
  func.func @transform_5(%arg0: i32) -> (i32, i32) {
    %c0_i32 = arith.constant 0 : i32
    %c0_i32_0 = arith.constant 0 : i32
    %c0_i32_1 = arith.constant 0 : i32
    return %c0_i32, %c0_i32_0 : i32, i32
  }
  func.func @transform_6(%arg0: i32) -> (i32, i32) {
    %c0_i32 = arith.constant 0 : i32
    %c0_i32_0 = arith.constant 0 : i32
    return %arg0, %c0_i32 : i32, i32
  }
}

module attributes {stable_mosaic.version = 14 : i64} {
  func.func @body(%arg0: i32, %arg1: memref<1x1000x128xf32, #tpu.memory_space<vmem>>, %arg2: memref<1x1000x128xf32, #tpu.memory_space<vmem>>, %arg3: memref<1000x128xf32, #tpu.memory_space<vmem>>, %arg4: memref<1000x128xf32, #tpu.memory_space<vmem>>, %arg5: memref<1000x1xf32, #tpu.memory_space<vmem>>, %arg6: memref<128x128xf32, #tpu.memory_space<vmem>>, %arg7: memref<128x128xf32, #tpu.memory_space<vmem>>, %arg8: memref<1x128xf32, #tpu.memory_space<vmem>>, %arg9: memref<1000x128xf32, #tpu.memory_space<vmem>>) attributes {dimension_semantics = [#tpu.dimension_semantics<arbitrary>], iteration_bounds = array<i64: 10>, scalar_prefetch = 0 : i64, scratch_operands = 0 : i64, tpu.core_type = #tpu.core_type<tc>, window_params = [{transform_indices = @transform_0, window_bounds = array<i64: 1, 1000, 128>}, {transform_indices = @transform_1, window_bounds = array<i64: 1, 1000, 128>}, {transform_indices = @transform_2, window_bounds = array<i64: 1000, 128>}, {transform_indices = @transform_3, window_bounds = array<i64: 1000, 128>}, {transform_indices = @transform_4, window_bounds = array<i64: 1000, 1>}, {pipeline_mode = #tpu.pipeline_mode<synchronous>, transform_indices = @transform_5, window_bounds = array<i64: 128, 128>}, {pipeline_mode = #tpu.pipeline_mode<synchronous>, transform_indices = @transform_6, window_bounds = array<i64: 128, 128>}, {pipeline_mode = #tpu.pipeline_mode<synchronous>, transform_indices = @transform_7, window_bounds = array<i64: 1, 128>}, {transform_indices = @transform_8, window_bounds = array<i64: 1000, 128>}]} {
    %get3A = arith.constant 0 : index
    %get3A_0 = arith.constant 0 : index
    %get3A_1 = vector.load %arg5[%get3A, %get3A_0] : memref<1000x1xf32, #tpu.memory_space<vmem>>, vector<1000x1xf32>
    %get3A_2 = arith.constant 0 : index
    %get3A_3 = arith.constant 0 : index
    %get3A_4 = arith.constant 0 : index
    %get3A_5 = vector.load %arg1[%get3A_2, %get3A_3, %get3A_4] : memref<1x1000x128xf32, #tpu.memory_space<vmem>>, vector<1x1000x128xf32>
    %get3A_6 = vector.shape_cast %get3A_5 : vector<1x1000x128xf32> to vector<1000x128xf32>
    %get3A_7 = arith.constant 0 : index
    %get3A_8 = arith.constant 0 : index
    %get3A_9 = arith.constant 0 : index
    %get3A_10 = vector.load %arg2[%get3A_7, %get3A_8, %get3A_9] : memref<1x1000x128xf32, #tpu.memory_space<vmem>>, vector<1x1000x128xf32>
    %get3A_11 = vector.shape_cast %get3A_10 : vector<1x1000x128xf32> to vector<1000x128xf32>
    %add3A = arith.addf %get3A_6, %get3A_11 : vector<1000x128xf32>
    %get3A_12 = arith.constant 0 : index
    %get3A_13 = arith.constant 0 : index
    %get3A_14 = vector.load %arg3[%get3A_12, %get3A_13] : memref<1000x128xf32, #tpu.memory_space<vmem>>, vector<1000x128xf32>
    %add3A_15 = arith.addf %add3A, %get3A_14 : vector<1000x128xf32>
    %mul3A = vector.broadcast %get3A_1 : vector<1000x1xf32> to vector<1000x128xf32>
    %mul3A_16 = arith.mulf %mul3A, %add3A_15 : vector<1000x128xf32>
    %mul3A_17 = arith.constant 0.899999976 : f32
    %mul3A_18 = vector.broadcast %mul3A_17 : f32 to vector<1000x128xf32>
    %mul3A_19 = arith.mulf %mul3A_18, %mul3A_16 : vector<1000x128xf32>
    %get3A_20 = arith.constant 0 : index
    %get3A_21 = arith.constant 0 : index
    %get3A_22 = vector.load %arg4[%get3A_20, %get3A_21] : memref<1000x128xf32, #tpu.memory_space<vmem>>, vector<1000x128xf32>
    %mul3A_23 = arith.constant 1.000000e-01 : f32
    %mul3A_24 = vector.broadcast %mul3A_23 : f32 to vector<1000x128xf32>
    %mul3A_25 = arith.mulf %mul3A_24, %get3A_22 : vector<1000x128xf32>
    %add3A_26 = arith.addf %mul3A_19, %mul3A_25 : vector<1000x128xf32>
    %mul3A_27 = arith.constant 0.882216989 : f32
    %mul3A_28 = vector.broadcast %mul3A_27 : f32 to vector<1000x128xf32>
    %mul3A_29 = arith.mulf %mul3A_28, %add3A_26 : vector<1000x128xf32>
    %get3A_30 = arith.constant 0 : index
    %get3A_31 = arith.constant 0 : index
    %get3A_32 = vector.load %arg6[%get3A_30, %get3A_31] : memref<128x128xf32, #tpu.memory_space<vmem>>, vector<128x128xf32>
    %dot_general3A = arith.constant dense<0.000000e+00> : vector<1000x128xf32>
    %dot_general3A_33 = tpu.matmul %add3A_26, %get3A_32, %dot_general3A {dimension_numbers = #tpu.dot_dimension_numbers<[1], [0], [0], [1], [0, 0, 1, 1], [], []>, transpose_lhs_hint = false} : vector<1000x128xf32>, vector<128x128xf32>, vector<1000x128xf32> -> vector<1000x128xf32>
    %mul3A_34 = arith.constant 0.117783032 : f32
    %mul3A_35 = vector.broadcast %mul3A_34 : f32 to vector<1000x128xf32>
    %mul3A_36 = arith.mulf %mul3A_35, %dot_general3A_33 : vector<1000x128xf32>
    %add3A_37 = arith.addf %mul3A_29, %mul3A_36 : vector<1000x128xf32>
    %max3A = arith.constant 0.000000e+00 : f32
    %max3A_38 = vector.broadcast %max3A : f32 to vector<1000x128xf32>
    %max3A_39 = arith.maximumf %add3A_37, %max3A_38 : vector<1000x128xf32>
    %get3A_40 = arith.constant 0 : index
    %get3A_41 = arith.constant 0 : index
    %get3A_42 = vector.load %arg7[%get3A_40, %get3A_41] : memref<128x128xf32, #tpu.memory_space<vmem>>, vector<128x128xf32>
    %dot_general3A_43 = arith.constant dense<0.000000e+00> : vector<1000x128xf32>
    %dot_general3A_44 = tpu.matmul %max3A_39, %get3A_42, %dot_general3A_43 {dimension_numbers = #tpu.dot_dimension_numbers<[1], [0], [0], [1], [0, 0, 1, 1], [], []>, transpose_lhs_hint = false} : vector<1000x128xf32>, vector<128x128xf32>, vector<1000x128xf32> -> vector<1000x128xf32>
    %get3A_45 = arith.constant 0 : index
    %get3A_46 = arith.constant 0 : index
    %get3A_47 = vector.load %arg8[%get3A_45, %get3A_46] : memref<1x128xf32, #tpu.memory_space<vmem>>, vector<1x128xf32>
    %add3A_48 = vector.broadcast %get3A_47 : vector<1x128xf32> to vector<1000x128xf32>
    %add3A_49 = arith.addf %dot_general3A_44, %add3A_48 : vector<1000x128xf32>
    %swap3A = arith.constant 0 : index
    %swap3A_50 = arith.constant 0 : index
    %swap3A_51 = vector.load %arg9[%swap3A, %swap3A_50] : memref<1000x128xf32, #tpu.memory_space<vmem>>, vector<1000x128xf32>
    tpu.vector_store %arg9[%swap3A, %swap3A_50], %add3A_49 {strides = array<i32>} : memref<1000x128xf32, #tpu.memory_space<vmem>>, vector<1000x128xf32>,
    return
  }
  func.func @transform_0(%arg0: i32) -> (i32, i32, i32) {
    %c0_i32 = arith.constant 0 : i32
    %c0_i32_0 = arith.constant 0 : i32
    %c0_i32_1 = arith.constant 0 : i32
    return %c0_i32, %arg0, %c0_i32_0 : i32, i32, i32
  }
  func.func @transform_1(%arg0: i32) -> (i32, i32, i32) {
    %c1_i32 = arith.constant 1 : i32
    %c0_i32 = arith.constant 0 : i32
    %c0_i32_0 = arith.constant 0 : i32
    return %c1_i32, %arg0, %c0_i32 : i32, i32, i32
  }
  func.func @transform_2(%arg0: i32) -> (i32, i32) {
    %c0_i32 = arith.constant 0 : i32
    %c0_i32_0 = arith.constant 0 : i32
    return %arg0, %c0_i32 : i32, i32
  }
  func.func @transform_3(%arg0: i32) -> (i32, i32) {
    %c0_i32 = arith.constant 0 : i32
    %c0_i32_0 = arith.constant 0 : i32
    return %arg0, %c0_i32 : i32, i32
  }
  func.func @transform_4(%arg0: i32) -> (i32, i32) {
    %c0_i32 = arith.constant 0 : i32
    %c0_i32_0 = arith.constant 0 : i32
    return %arg0, %c0_i32 : i32, i32
  }
  func.func @transform_5(%arg0: i32) -> (i32, i32) {
    %c0_i32 = arith.constant 0 : i32
    %c0_i32_0 = arith.constant 0 : i32
    %c0_i32_1 = arith.constant 0 : i32
    return %c0_i32, %c0_i32_0 : i32, i32
  }
  func.func @transform_6(%arg0: i32) -> (i32, i32) {
    %c0_i32 = arith.constant 0 : i32
    %c0_i32_0 = arith.constant 0 : i32
    %c0_i32_1 = arith.constant 0 : i32
    return %c0_i32, %c0_i32_0 : i32, i32
  }
  func.func @transform_7(%arg0: i32) -> (i32, i32) {
    %c0_i32 = arith.constant 0 : i32
    %c0_i32_0 = arith.constant 0 : i32
    %c0_i32_1 = arith.constant 0 : i32
    return %c0_i32, %c0_i32_0 : i32, i32
  }
  func.func @transform_8(%arg0: i32) -> (i32, i32) {
    %c0_i32 = arith.constant 0 : i32
    %c0_i32_0 = arith.constant 0 : i32
    return %arg0, %c0_i32 : i32, i32
  }
}

</mosaic_0001>

<sc_bundles>
// kernel: kernel.13.cloned.1.call-start
scs
__scs_entry_jumppad:
0x0: {  	(pc) =	sbr.rel $0x88, $3  }
0x1: {  	(tag) =	ssettag $0x0;
	lr =	simm.s32 $0x1  }
0x2: {  	[smem:$0x3F97] =	sst lr;
	_ =	strace $0xD0000000  }
0x3: {  	_ = 	snop  }
0x4: {  	_ = 	snop  }
0x5: {  	_ = 	snop  }
0x6: {  	_ = 	snop  }
0x7: {  	_ = 	snop  }
__scs_overlays_trampoline_lowered:
0x8: {  	[smem:$0x3FA6] =	sst s0  }
0x9: {  	[smem:$0x3FA7] =	sst s1  }
0xa: {  	[smem:$0x3FA8] =	sst s2  }
0xb: {  	[smem:$0x3FA9] =	sst s3  }
0xc: {  	[smem:$0x3FAA] =	sst s4  }
0xd: {  	[smem:$0x3FAB] =	sst s5  }
0xe: {  	[smem:$0x3FAC] =	sst s6  }
0xf: {  	[smem:$0x3FAD] =	sst s7  }
0x10: {  	[smem:$0x3FAE] =	sst s8  }
0x11: {  	[smem:$0x3FAF] =	sst s9;
	s0 =	simm.s32 @!p0 $0x0  }
0x12: {  	s1 =	sld [smem:$0x3F95];
	s0 =	simm.s32 @p0 $0x1  }
0x13: {  	[smem:$0x3FB0] =	sst s0;
	s0 =	simm.s32 @!p1 $0x0  }
0x14: {  	s2 =	sld [smem:$0x3F94];
	s0 =	simm.s32 @p1 $0x1  }
0x15: {  	[smem:$0x3FB1] =	sst s0;
	s0 =	simm.s32 @!p2 $0x0  }
0x16: {  	s3 =	sld [smem:$0x3FDB];
	s0 =	simm.s32 @p2 $0x1  }
0x17: {  	s4 =	simm.s32 $0x1BF5;
	[smem:$0x3FB3] =	sst s0  }
0x18: {  	s0 =	sld [smem:$0x3F96];
	_ =	swait.ge [sflag:s4], $0x0  }
0x19: {  	s7 =	sld [smem:$0x3F97]  }
0x1a: {  	s8 =	sadd.s32 $0xFFFFE003, lr  }
0x1b: {  	s9 =	sadd.s32 $0xFFFFFEF7, lr;
	s5 =	simm.s32 $0xFFFFFFFF;
	p2 =	slt.u32 s8, $0xFFFFF086  }
0x1c: {  	p1 =	slt.u32 s9, $0xF7A;
	s5 =	simm.s32 @!p2 $0x0  }
0x1d: {  	s5 =	simm.s32 @p1 $0x1;
	p0 =	seq.s32 s7, s2  }
0x1e: {  	s7 =	smul.u32 @!p0 $0xF7A, s2;
	p2 =	seq.s32 @!p0 s5, $0x0  }
0x1f: {  	s9 =	smul.u32 $0xF7A, s1;
	s8 =	simm.s32 @!p0 $0x1BF5;
	p2 =	por !p2, p0  }
0x20: {  	[sflag:s8] =	ssyncset.s32 @!p0 $0xFFFFF086;
	s6 =	sadd.s32 @!p0 s3, s7;
	s7 =	simm.s32 @!p0 $0x108  }
0x21: {  	s3 =	sadd.s32 s3, s9;
	s6 =	sadd.s32 @!p0 $0x88, s6;
	s7 =	simm.s32 @p2 $0x1082  }
0x22: {  	[simem:s7], [sflag:s8] =	dma.local @!p0 [hbm:s6], $0xF7A  }
0x23: {  	s9 =	sor.u32 $0xD0000000, s2;
	s6 =	simm.s32 $0x108;
	_ =	swait.ge @!p0 [sflag:s8], $0x0  }
0x24: {  	s3 =	sadd.s32 $0x88, s3;
	s6 =	simm.s32 @!p1 $0x1082;
	[sflag:s4] =	ssyncset.s32 $0xFFFFF086  }
0x25: {  	[simem:s6], [sflag:s4] =	dma.local [hbm:s3], $0xF7A  }
0x26: {  	[smem:$0x3F97] =	sst s1;
	(tag) =	ssettag s2;
	_ =	strace s9  }
0x27: {  	s1 =	sld [smem:$0x3FA7]  }
0x28: {  	s2 =	sld [smem:$0x3FA8]  }
0x29: {  	s4 =	sld [smem:$0x3FAA]  }
0x2a: {  	p0 =	seq.s32 s5, $0x0;
	s5 =	sld [smem:$0x3FAB]  }
0x2b: {  	s6 =	sld [smem:$0x3FAC]  }
0x2c: {  	s7 =	sld [smem:$0x3FAD]  }
0x2d: {  	s3 =	simm.s32 $0x108;
	s8 =	sld [smem:$0x3FAE]  }
0x2e: {  	s3 =	simm.s32 @!p0 $0x1082;
	s9 =	sld [smem:$0x3FAF]  }
0x2f: {  	lr =	sadd.s32 s0, s3;
	s0 =	sld [smem:$0x3FA6]  }
0x30: {  	s3 =	sld [smem:$0x3FA9]  }
0x31: {  	[smem:$0x3FB2] =	sst s10  }
0x32: {  	s10 =	sld [smem:$0x3FB0];
	_ =	sdelay $0x3  }
0x33: {  	p0 =	seq.s32 s10, $0x1;
	s10 =	sld [smem:$0x3FB2];
	_ =	sdelay $0x3  }
0x34: {  	[smem:$0x3FB2] =	sst s10  }
0x35: {  	s10 =	sld [smem:$0x3FB1];
	_ =	sdelay $0x3  }
0x36: {  	p1 =	seq.s32 s10, $0x1;
	s10 =	sld [smem:$0x3FB2];
	_ =	sdelay $0x3  }
0x37: {  	[smem:$0x3FB2] =	sst s10  }
0x38: {  	s10 =	sld [smem:$0x3FB3]  }
0x39: {  	_ = 	snop;
	(pc) =	sbr.ind lr, $3  }
0x3a: {  	_ = 	snop  }
0x3b: {  	_ = 	snop  }
0x3c: {  	p2 =	seq.s32 s10, $0x1;
	s10 =	sld [smem:$0x3FB2]  }
0x3d: {  	_ =	shalt  }
0x3e: {  	_ =	shalt  }
0x3f: {  	_ =	shalt  }
0x40: {  	_ =	shalt  }
0x41: {  	_ =	shalt  }
0x42: {  	_ =	shalt  }
0x43: {  	_ =	shalt  }
0x44: {  	_ =	shalt  }
0x45: {  	_ =	shalt  }
0x46: {  	_ =	shalt  }
0x47: {  	_ =	shalt  }
0x48: {  	_ =	shalt  }
0x49: {  	_ =	shalt  }
0x4a: {  	_ =	shalt  }
0x4b: {  	_ =	shalt  }
0x4c: {  	_ =	shalt  }
0x4d: {  	_ =	shalt  }
0x4e: {  	_ =	shalt  }
0x4f: {  	_ =	shalt  }
0x50: {  	_ =	shalt  }
0x51: {  	_ =	shalt  }
0x52: {  	_ =	shalt  }
0x53: {  	_ =	shalt  }
0x54: {  	_ =	shalt  }
0x55: {  	_ =	shalt  }
0x56: {  	_ =	shalt  }
0x57: {  	_ =	shalt  }
0x58: {  	_ =	shalt  }
0x59: {  	_ =	shalt  }
0x5a: {  	_ =	shalt  }
0x5b: {  	_ =	shalt  }
0x5c: {  	_ =	shalt  }
0x5d: {  	_ =	shalt  }
0x5e: {  	_ =	shalt  }
0x5f: {  	_ =	shalt  }
0x60: {  	_ =	shalt  }
0x61: {  	_ =	shalt  }
0x62: {  	_ =	shalt  }
0x63: {  	_ =	shalt  }
0x64: {  	_ =	shalt  }
0x65: {  	_ =	shalt  }
0x66: {  	_ =	shalt  }
0x67: {  	_ =	shalt  }
0x68: {  	_ =	shalt  }
0x69: {  	_ =	shalt  }
0x6a: {  	_ =	shalt  }
0x6b: {  	_ =	shalt  }
0x6c: {  	_ =	shalt  }
0x6d: {  	_ =	shalt  }
0x6e: {  	_ =	shalt  }
0x6f: {  	_ =	shalt  }
0x70: {  	_ =	shalt  }
0x71: {  	_ =	shalt  }
0x72: {  	_ =	shalt  }
0x73: {  	_ =	shalt  }
0x74: {  	_ =	shalt  }
0x75: {  	_ =	shalt  }
0x76: {  	_ =	shalt  }
0x77: {  	_ =	shalt  }
0x78: {  	_ =	shalt  }
0x79: {  	_ =	shalt  }
0x7a: {  	_ =	shalt  }
0x7b: {  	_ =	shalt  }
0x7c: {  	_ =	shalt  }
0x7d: {  	_ =	shalt  }
0x7e: {  	_ =	shalt  }
0x7f: {  	_ =	shalt  }
0x80: {  	_ =	shalt  }
0x81: {  	_ =	shalt  }
0x82: {  	_ =	shalt  }
0x83: {  	_ =	shalt  }
0x84: {  	_ =	shalt  }
0x85: {  	_ =	shalt  }
0x86: {  	_ =	shalt  }
0x87: {  	_ =	shalt  }
.Lfunc_end0:
.L_simem_size_0:
called_computation_lowered:
.L_overlay_start_0:
0x88: {  	s2 =	sld [smem:$0x3FD9]  }
0x89: {  	s3 =	sld [smem:$0x3FFE];
	_ =	sdelay $0x1  }
0x8a: {  	s1 =	srdreg.scid  }
0x8b: {  	s0 =	sand.u32 $0x1, s1  }
0x8c: {  	s16 =	sshll.u32 s0, $0xA;
	s2 =	sadd.s32 s3, s2  }
0x8d: {  	s2 =	sadd.s32 s2, s16  }
0x8e: {  	[smem:$0x3FBE] =	sst s2  }
0x8f: {  	_ = 	snop  }
0x90: {  	(tm) =	ssettm $0x1  }
0x91: {  	s17 =	sld [smem:$0x3FFB];
	_ =	sdelay $0x3  }
0x92: {  	_ =	strace s17  }
0x93: {  	s2 =	sld [smem:$0x3FFC];
	_ =	sdelay $0x3  }
0x94: {  	_ =	strace s2  }
0x95: {  	s2 =	sld [smem:$0x3FFD];
	_ =	sdelay $0x3  }
0x96: {  	_ =	strace s2  }
0x97: {  	_ =	strace $0x8FFFFFFF  }
0x98: {  	s18 =	sld [smem:$0x3FDB];
	_ =	sdelay $0x1  }
0x99: {  	s19 =	simm.s32 $_scs_section_size  }
0x9a: {  	s4 =	simm.s32 $_size__tile_overlayer_lowered;
	s5 =	simm.s32 $_tile_overlayer_lowered  }
0x9b: {  	s22 =	simm.s32 $0x1BFF;
	s21 =	sshll.u32 s5, $0x1;
	s2 =	sadd.s32 s19, s18  }
0x9c: {  	s6 =	simm.s32 $0x0;
	s20 =	sshll.u32 s4, $0x1;
	s4 =	sadd.s32 s21, s2  }
0x9d: {  	[timem:s6], [sflag:s22] =	dma.local [hbm:s4], s20  }
0x9e: {  	_ =	swait.ge [sflag:s22], s20  }
0x9f: {  	s3 =	ssub.s32 $0x0, s20;
	[sflag:s22] =	ssyncset.done $0x0  }
0xa0: {  	[sflag:s22] =	ssyncadd.s32 s3;
	_ =	sdelay $0x1  }
0xa1: {  	s23 =	simm.s32 $0x1B8B  }
0xa2: {  	_ =	swait.ge [sflag:s23], $0x1  }
0xa3: {  	[sflag:s23] =	ssyncset.done $0x0  }
0xa4: {  	s25 =	simm.s32 $0x1B8E;
	s24 =	sld [smem:$0x3FFE];
	[sflag:s23] =	ssyncadd.s32 $0xFFFFFFFF  }
0xa5: {  	s26 =	simm.s32 $execute0_lowered;
	[smem:$0x3FD2] =	sst s25  }
0xa6: {  	s4 =	sshll.u32 s26, $0x1;
	_ =	strace $0x80000046;
	[dreg:$0x1] =	wrdreg $0xFFFFFFFF  }
0xa7: {  	s28 =	simm.s32 $_size_execute0_lowered;
	s2 =	sadd.s32 s2, s4;
	[dreg:$0x0] =	wrdreg $0x0  }
0xa8: {  	s4 =	sshll.u32 s28, $0x1;
	[dreg:$0x2] =	wrdreg s2  }
0xa9: {  	[dreg:$0x3] =	wrdreg s4  }
0xaa: {  	[dreg:$0x4] =	wrdreg $0xC0  }
0xab: {  	_ =	task [dreg:s6], $0x5FFFF  }
0xac: {  	[dreg:$0x1] =	wrdreg $0xFFFFFFFF  }
0xad: {  	[dreg:$0x0] =	wrdreg $0x60  }
0xae: {  	[dreg:$0x2] =	wrdreg s24  }
0xaf: {  	[dreg:$0x3] =	wrdreg $0x2A800  }
0xb0: {  	[dreg:$0x4] =	wrdreg $0x9  }
0xb1: {  	_ =	task.clear_ibuf [dreg:s6], $0x5FFFF;
	_ =	strace $0x90000046  }
0xb2: {  	s29 =	simm.s32 $0x9;
	_ =	strace $0x80000048  }
0xb3: {  	_ =	swait.ge [sflag:s29], $0x1  }
0xb4: {  	[sflag:s29] =	ssyncadd.s32 $0xFFFFFFFF  }
0xb5: {  	_ =	strace $0x90000048  }
0xb6: {  	_ =	sfence  }
0xb7: {  	s30 =	sld [smem:$0x0];
	_ =	sdelay $0x2  }
0xb8: {  	s31 =	sshll.u32 s1, $0xD;
	s1 =	sshrl.u32 s1, $0x2  }
0xb9: {  	s3 =	sand.u32 $0x4000, s31;
	s1 =	sadd.s32 s1, s30  }
0xba: {  	s0 =	sor.u32 s3, s0;
	s1 =	sshll.u32 s1, $0x11  }
0xbb: {  	s0 =	sor.u32 s1, s0  }
0xbc: {  	s0 =	sadd.s32 $0x8F2B, s0  }
0xbd: {  	[sflag:s0] =	ssyncadd.remote.s32 $0x1  }
0xbe: {  	_ =	sfence.sel $0xFFFF  }
0xbf: {  	[dreg:$0x0] =	wrdreg $0xFFFFFFFF;
	(pc) =	sbr.abs _section_cstart, $3  }
0xc0: {  	[dreg:$0x1] =	wrdreg $0xFFFFFFFF  }
0xc1: {  	_ =	task.clear_ibuf [dreg:s6], $0x2FFFF;
	_ =	strace $0x9FFFFFFF  }
0xc2: {  	(tm) =	ssettm $0x7FFFFFFF  }
0xc3: {  	_ =	shalt  }
tec
execute0_lowered:
.L_overlay_start_1:
0x0: {  	(tag) =	ssettag $0x1  }
0x1: {  	s4 =	rddreg [dreg:$0x0]  }
0x2: {  	s2 =	rddreg [dreg:$0x1];
	s3 =	srdreg.scid  }
0x3: {  	s1 =	stileid.u32;
	s0 =	rddreg [dreg:$0x2];
	s10 =	simm.s32 $0x50  }
0x4: {  	s11 =	simm.s32 $0x2780;
	s14 =	simm.s32 $0x0;
	s5 =	sand.u32 $0x1, s3  }
0x5: {  	s6 =	smul.u32 $0x280, s1;
	s3 =	simm.s32 $0x0;
	s12 =	sshll.u32 s1, $0x6  }
0x6: {  	s7 =	sshll.u32 s5, $0x4;
	s8 =	smul.u32 $0x2800, s5;
	[smem:$0x7FF] =	sst s3  }
0x7: {  	s5 =	ssub.s32 $0x2, s5;
	s12 =	sor.u32 $0x1C01, s12;
	s7 =	sor.u32 s1, s7  }
0x8: {  	s9 =	sshrl.u32 s5, $0x1;
	s7 =	smul.u32 $0x4E2, s7;
	s8 =	sadd.s32 s6, s8  }
0x9: {  	_ =	strace $0x80000047;
	s9 =	ssub.s32 s5, s9;
	s8 =	sshrl.u32 s8, $0x3  }
0xa: {  	s7 =	sadd.s32 s7, s4;
	s8 =	sadd.s32 s8, s4;
	s4 =	sadd.s32 s6, s2  }
0xb: {  	s5 =	sadd.s32 $0x3600, s7;
	s6 =	sadd.s32 $0xD400, s8;
	s7 =	smax.u32 s9, $0x1  }
0xc: {  	v0 =	vimm.f32 $1.000000000e+00;
	v1 =	vimm.f32 $0.0e+00;
	s8 =	simm.s32 $0x2800;
	s9 =	simm.s32 $0x1;
	s13 =	sshrl.u32 s4, $0x3  }
.LBB2_1:
0xd: {  	[tilespmem:$0x2780] =	vst v0  }
0xe: {  	[tilespmem:$0x2790] =	vst v0  }
0xf: {  	[tilespmem:$0x27A0] =	vst v0  }
0x10: {  	[tilespmem:$0x27B0] =	vst v0  }
0x11: {  	[tilespmem:$0x27C0] =	vst v0  }
0x12: {  	[tilespmem:$0x2800] =	vst v1  }
0x13: {  	[tilespmem:$0x2810] =	vst v1  }
0x14: {  	[tilespmem:$0x2820] =	vst v1  }
0x15: {  	[tilespmem:$0x2830] =	vst v1  }
0x16: {  	[tilespmem:$0x2840] =	vst v1  }
0x17: {  	[tilespmem:$0x2850] =	vst v1  }
0x18: {  	[tilespmem:$0x2860] =	vst v1  }
0x19: {  	[tilespmem:$0x2870] =	vst v1  }
0x1a: {  	[tilespmem:$0x2880] =	vst v1  }
0x1b: {  	[tilespmem:$0x2890] =	vst v1  }
0x1c: {  	[tilespmem:$0x28A0] =	vst v1  }
0x1d: {  	[tilespmem:$0x28B0] =	vst v1  }
0x1e: {  	[tilespmem:$0x28C0] =	vst v1  }
0x1f: {  	[tilespmem:$0x28D0] =	vst v1  }
0x20: {  	[tilespmem:$0x28E0] =	vst v1  }
0x21: {  	[tilespmem:$0x28F0] =	vst v1  }
0x22: {  	[tilespmem:$0x2900] =	vst v1  }
0x23: {  	[tilespmem:$0x2910] =	vst v1  }
0x24: {  	[tilespmem:$0x2920] =	vst v1  }
0x25: {  	[tilespmem:$0x2930] =	vst v1  }
0x26: {  	[tilespmem:$0x2940] =	vst v1  }
0x27: {  	[tilespmem:$0x2950] =	vst v1  }
0x28: {  	[tilespmem:$0x2960] =	vst v1  }
0x29: {  	[tilespmem:$0x2970] =	vst v1  }
0x2a: {  	[tilespmem:$0x2980] =	vst v1  }
0x2b: {  	[tilespmem:$0x2990] =	vst v1  }
0x2c: {  	[tilespmem:$0x29A0] =	vst v1  }
0x2d: {  	[tilespmem:$0x29B0] =	vst v1  }
0x2e: {  	[tilespmem:$0x29C0] =	vst v1  }
0x2f: {  	[tilespmem:$0x29D0] =	vst v1  }
0x30: {  	[tilespmem:$0x29E0] =	vst v1  }
0x31: {  	[tilespmem:$0x29F0] =	vst v1  }
0x32: {  	[tilespmem:$0x2A00] =	vst v1  }
0x33: {  	[tilespmem:$0x2A10] =	vst v1  }
0x34: {  	[tilespmem:$0x2A20] =	vst v1  }
0x35: {  	[tilespmem:$0x2A30] =	vst v1  }
0x36: {  	[tilespmem:$0x2A40] =	vst v1  }
0x37: {  	[tilespmem:$0x2A50] =	vst v1  }
0x38: {  	[tilespmem:$0x2A60] =	vst v1  }
0x39: {  	[tilespmem:$0x2A70] =	vst v1  }
0x3a: {  	[spmem:s4] =	stream.linear.scatter [tilespmem:s8], [sflag:$0x1], $0x280, $0x38;
	[tilespmem:$0x2D00] =	vst v63  }
0x3b: {  	_ =	swait.ge [sflag:s9], $0x280  }
0x3c: {  	[sflag:s9] =	ssyncset.done $0x0  }
0x3d: {  	[sflag:s9] =	ssyncadd.s32 $0xFFFFFD80  }
0x3e: {  	[tilespmem:s3], [sflag:$0x1] =	stream.linear.gather [hbm4b:s5+s3], $0x2710, $0x38;
	[tilespmem:$0x2D00] =	vst v63  }
0x3f: {  	_ =	swait.ge [sflag:s9], $0x2710  }
0x40: {  	[sflag:s9] =	ssyncset.done $0x0  }
0x41: {  	[sflag:s9] =	ssyncadd.s32 $0xFFFFD8F0  }
0x42: {  	s15 =	simm.s32 $0x0;
	[bflag:$0x0] =	sbarrier.arrive $0xFFFF  }
0x43: {  	[spmem:s2] =	stream.indirect.scatter.add.f32 [tilespmem:s11], [sflag:$0x1], $0x1, s15, s10, $0xb8;
	[tilespmem:$0x2D00] =	vst v63  }
0x44: {  	_ =	swait.ge [sflag:s9], $0x50  }
0x45: {  	s15 =	simm.s32 $0x140;
	[sflag:s9] =	ssyncset.done $0x0  }
.LBB2_2:
0x46: {  	s16 =	sshra.s32 s15, $0x2;
	[sflag:s9] =	ssyncadd.s32 $0xFFFFFFB0;
	p0 =	sne.s32 s15, $0x9B00  }
0x47: {  	[spmem:s2] =	stream.indirect.scatter.add.f32 [tilespmem:s11], [sflag:$0x1], $0x1, s16, s10, $0xb8;
	[tilespmem:$0x2D00] =	vst v63  }
.Ltmp0:
0x48: {  	_ = 	snop;
	(pc) =	sbr.rel @p0 .LBB2_2-.Ltmp0, $4  }
0x49: {  	_ = 	snop  }
0x4a: {  	s15 =	sadd.s32 $0x140, s15  }
0x4b: {  	_ =	swait.ge [sflag:s9], $0x50  }
0x4c: {  	[sflag:s9] =	ssyncset.done $0x0  }
0x4d: {  	s14 =	sadd.s32 $0x1, s14  }
0x4e: {  	[sflag:s9] =	ssyncadd.s32 $0xFFFFFFB0;
	p0 =	sne.s32 s14, s7  }
.Ltmp1:
0x4f: {  	[bflag:$0x0] =	sbarrier.arrive $0xFFFF;
	(pc) =	sbr.rel @p0 .LBB2_1-.Ltmp1, $4  }
0x50: {  	[hbm:s6], [sflag:s12] =	dma.local [spmem:s13], $0x50  }
0x51: {  	_ =	swait.ge [sflag:s9], $0x50  }
0x52: {  	[sflag:s9] =	ssyncset.done $0x0  }
0x53: {  	[sflag:s9] =	ssyncadd.s32 $0xFFFFFFB0  }
0x54: {  	_ =	sfence.sel $0x180000  }
0x55: {  	[bflag:$0x0] =	sbarrier.arrive $0xFFFF  }
0x56: {  	p0 =	sne.s32 s1, $0x0;
	_ =	strace $0x90000047  }
0x57: {  	s0 =	sadd.s32 @!p0 $0x100000, s0;
	[bflag:$0x2] =	sbarrier.arrive $0xFFFF  }
0x58: {  	[sflag:s0] =	ssyncadd.tile.s32 @!p0 $0x1;
	_ =	shalt  }
.Lfunc_end2:
_tile_overlayer_lowered:
.L_overlay_start_2:
0x59: {  	(tag) =	ssettag $0x2  }
0x5a: {  	s0 =	rddreg [dreg:$0x0];
	s2 =	stileid.u32  }
0x5b: {  	s1 =	rddreg [dreg:$0x1];
	p0 =	sne.s32 s2, $0x0  }
0x5c: {  	s3 =	rddreg [dreg:$0x2];
	[bflag:$0x3] =	sbarrier.arrive $0xFFFF;
	s2 =	simm.s32 @!p0 $0x1C01  }
0x5d: {  	[timem:s3], [sflag:s2] =	dma.local @!p0 [hbm:s0], s1  }
0x5e: {  	s0 =	simm.s32 @!p0 $0x1  }
0x5f: {  	_ =	swait.ge @!p0 [sflag:s0], s1  }
0x60: {  	s1 =	ssub.s32 @!p0 $0x0, s1;
	[sflag:s0] =	ssyncset.done @!p0 $0x0  }
0x61: {  	[sflag:s0] =	ssyncadd.s32 @!p0 s1  }
0x62: {  	[bflag:$0x3] =	sbarrier.arrive $0xFFFF  }
0x63: {  	_ =	shalt  }

// kernel: kernel.16.cloned.1.call-start
scs
__scs_entry_jumppad:
0x0: {  	(pc) =	sbr.rel $0x88, $3  }
0x1: {  	(tag) =	ssettag $0x0;
	lr =	simm.s32 $0x1  }
0x2: {  	[smem:$0x3F97] =	sst lr;
	_ =	strace $0xD0000000  }
0x3: {  	_ = 	snop  }
0x4: {  	_ = 	snop  }
0x5: {  	_ = 	snop  }
0x6: {  	_ = 	snop  }
0x7: {  	_ = 	snop  }
__scs_overlays_trampoline_lowered:
0x8: {  	[smem:$0x3FA6] =	sst s0  }
0x9: {  	[smem:$0x3FA7] =	sst s1  }
0xa: {  	[smem:$0x3FA8] =	sst s2  }
0xb: {  	[smem:$0x3FA9] =	sst s3  }
0xc: {  	[smem:$0x3FAA] =	sst s4  }
0xd: {  	[smem:$0x3FAB] =	sst s5  }
0xe: {  	[smem:$0x3FAC] =	sst s6  }
0xf: {  	[smem:$0x3FAD] =	sst s7  }
0x10: {  	[smem:$0x3FAE] =	sst s8  }
0x11: {  	[smem:$0x3FAF] =	sst s9;
	s0 =	simm.s32 @!p0 $0x0  }
0x12: {  	s1 =	sld [smem:$0x3F95];
	s0 =	simm.s32 @p0 $0x1  }
0x13: {  	[smem:$0x3FB0] =	sst s0;
	s0 =	simm.s32 @!p1 $0x0  }
0x14: {  	s2 =	sld [smem:$0x3F94];
	s0 =	simm.s32 @p1 $0x1  }
0x15: {  	[smem:$0x3FB1] =	sst s0;
	s0 =	simm.s32 @!p2 $0x0  }
0x16: {  	s3 =	sld [smem:$0x3FDB];
	s0 =	simm.s32 @p2 $0x1  }
0x17: {  	s4 =	simm.s32 $0x1BF5;
	[smem:$0x3FB3] =	sst s0  }
0x18: {  	s0 =	sld [smem:$0x3F96];
	_ =	swait.ge [sflag:s4], $0x0  }
0x19: {  	s7 =	sld [smem:$0x3F97]  }
0x1a: {  	s8 =	sadd.s32 $0xFFFFE003, lr  }
0x1b: {  	s9 =	sadd.s32 $0xFFFFFEF7, lr;
	s5 =	simm.s32 $0xFFFFFFFF;
	p2 =	slt.u32 s8, $0xFFFFF086  }
0x1c: {  	p1 =	slt.u32 s9, $0xF7A;
	s5 =	simm.s32 @!p2 $0x0  }
0x1d: {  	s5 =	simm.s32 @p1 $0x1;
	p0 =	seq.s32 s7, s2  }
0x1e: {  	s7 =	smul.u32 @!p0 $0xF7A, s2;
	p2 =	seq.s32 @!p0 s5, $0x0  }
0x1f: {  	s9 =	smul.u32 $0xF7A, s1;
	s8 =	simm.s32 @!p0 $0x1BF5;
	p2 =	por !p2, p0  }
0x20: {  	[sflag:s8] =	ssyncset.s32 @!p0 $0xFFFFF086;
	s6 =	sadd.s32 @!p0 s3, s7;
	s7 =	simm.s32 @!p0 $0x108  }
0x21: {  	s3 =	sadd.s32 s3, s9;
	s6 =	sadd.s32 @!p0 $0x88, s6;
	s7 =	simm.s32 @p2 $0x1082  }
0x22: {  	[simem:s7], [sflag:s8] =	dma.local @!p0 [hbm:s6], $0xF7A  }
0x23: {  	s9 =	sor.u32 $0xD0000000, s2;
	s6 =	simm.s32 $0x108;
	_ =	swait.ge @!p0 [sflag:s8], $0x0  }
0x24: {  	s3 =	sadd.s32 $0x88, s3;
	s6 =	simm.s32 @!p1 $0x1082;
	[sflag:s4] =	ssyncset.s32 $0xFFFFF086  }
0x25: {  	[simem:s6], [sflag:s4] =	dma.local [hbm:s3], $0xF7A  }
0x26: {  	[smem:$0x3F97] =	sst s1;
	(tag) =	ssettag s2;
	_ =	strace s9  }
0x27: {  	s1 =	sld [smem:$0x3FA7]  }
0x28: {  	s2 =	sld [smem:$0x3FA8]  }
0x29: {  	s4 =	sld [smem:$0x3FAA]  }
0x2a: {  	p0 =	seq.s32 s5, $0x0;
	s5 =	sld [smem:$0x3FAB]  }
0x2b: {  	s6 =	sld [smem:$0x3FAC]  }
0x2c: {  	s7 =	sld [smem:$0x3FAD]  }
0x2d: {  	s3 =	simm.s32 $0x108;
	s8 =	sld [smem:$0x3FAE]  }
0x2e: {  	s3 =	simm.s32 @!p0 $0x1082;
	s9 =	sld [smem:$0x3FAF]  }
0x2f: {  	lr =	sadd.s32 s0, s3;
	s0 =	sld [smem:$0x3FA6]  }
0x30: {  	s3 =	sld [smem:$0x3FA9]  }
0x31: {  	[smem:$0x3FB2] =	sst s10  }
0x32: {  	s10 =	sld [smem:$0x3FB0];
	_ =	sdelay $0x3  }
0x33: {  	p0 =	seq.s32 s10, $0x1;
	s10 =	sld [smem:$0x3FB2];
	_ =	sdelay $0x3  }
0x34: {  	[smem:$0x3FB2] =	sst s10  }
0x35: {  	s10 =	sld [smem:$0x3FB1];
	_ =	sdelay $0x3  }
0x36: {  	p1 =	seq.s32 s10, $0x1;
	s10 =	sld [smem:$0x3FB2];
	_ =	sdelay $0x3  }
0x37: {  	[smem:$0x3FB2] =	sst s10  }
0x38: {  	s10 =	sld [smem:$0x3FB3]  }
0x39: {  	_ = 	snop;
	(pc) =	sbr.ind lr, $3  }
0x3a: {  	_ = 	snop  }
0x3b: {  	_ = 	snop  }
0x3c: {  	p2 =	seq.s32 s10, $0x1;
	s10 =	sld [smem:$0x3FB2]  }
0x3d: {  	_ =	shalt  }
0x3e: {  	_ =	shalt  }
0x3f: {  	_ =	shalt  }
0x40: {  	_ =	shalt  }
0x41: {  	_ =	shalt  }
0x42: {  	_ =	shalt  }
0x43: {  	_ =	shalt  }
0x44: {  	_ =	shalt  }
0x45: {  	_ =	shalt  }
0x46: {  	_ =	shalt  }
0x47: {  	_ =	shalt  }
0x48: {  	_ =	shalt  }
0x49: {  	_ =	shalt  }
0x4a: {  	_ =	shalt  }
0x4b: {  	_ =	shalt  }
0x4c: {  	_ =	shalt  }
0x4d: {  	_ =	shalt  }
0x4e: {  	_ =	shalt  }
0x4f: {  	_ =	shalt  }
0x50: {  	_ =	shalt  }
0x51: {  	_ =	shalt  }
0x52: {  	_ =	shalt  }
0x53: {  	_ =	shalt  }
0x54: {  	_ =	shalt  }
0x55: {  	_ =	shalt  }
0x56: {  	_ =	shalt  }
0x57: {  	_ =	shalt  }
0x58: {  	_ =	shalt  }
0x59: {  	_ =	shalt  }
0x5a: {  	_ =	shalt  }
0x5b: {  	_ =	shalt  }
0x5c: {  	_ =	shalt  }
0x5d: {  	_ =	shalt  }
0x5e: {  	_ =	shalt  }
0x5f: {  	_ =	shalt  }
0x60: {  	_ =	shalt  }
0x61: {  	_ =	shalt  }
0x62: {  	_ =	shalt  }
0x63: {  	_ =	shalt  }
0x64: {  	_ =	shalt  }
0x65: {  	_ =	shalt  }
0x66: {  	_ =	shalt  }
0x67: {  	_ =	shalt  }
0x68: {  	_ =	shalt  }
0x69: {  	_ =	shalt  }
0x6a: {  	_ =	shalt  }
0x6b: {  	_ =	shalt  }
0x6c: {  	_ =	shalt  }
0x6d: {  	_ =	shalt  }
0x6e: {  	_ =	shalt  }
0x6f: {  	_ =	shalt  }
0x70: {  	_ =	shalt  }
0x71: {  	_ =	shalt  }
0x72: {  	_ =	shalt  }
0x73: {  	_ =	shalt  }
0x74: {  	_ =	shalt  }
0x75: {  	_ =	shalt  }
0x76: {  	_ =	shalt  }
0x77: {  	_ =	shalt  }
0x78: {  	_ =	shalt  }
0x79: {  	_ =	shalt  }
0x7a: {  	_ =	shalt  }
0x7b: {  	_ =	shalt  }
0x7c: {  	_ =	shalt  }
0x7d: {  	_ =	shalt  }
0x7e: {  	_ =	shalt  }
0x7f: {  	_ =	shalt  }
0x80: {  	_ =	shalt  }
0x81: {  	_ =	shalt  }
0x82: {  	_ =	shalt  }
0x83: {  	_ =	shalt  }
0x84: {  	_ =	shalt  }
0x85: {  	_ =	shalt  }
0x86: {  	_ =	shalt  }
0x87: {  	_ =	shalt  }
.Lfunc_end0:
.L_simem_size_0:
called_computation.1_lowered:
.L_overlay_start_0:
0x88: {  	s2 =	sld [smem:$0x3FD9]  }
0x89: {  	s3 =	sld [smem:$0x3FFE];
	_ =	sdelay $0x1  }
0x8a: {  	s1 =	srdreg.scid  }
0x8b: {  	s0 =	sand.u32 $0x1, s1  }
0x8c: {  	s17 =	sshll.u32 s0, $0xA;
	s2 =	sadd.s32 s3, s2  }
0x8d: {  	s2 =	sadd.s32 s2, s17  }
0x8e: {  	[smem:$0x3FBE] =	sst s2  }
0x8f: {  	_ = 	snop  }
0x90: {  	s2 =	sld [smem:$0x3FD0];
	(tm) =	ssettm $0x1  }
0x91: {  	s18 =	sld [smem:$0x3FFB];
	_ =	sdelay $0x3  }
0x92: {  	_ =	strace s18  }
0x93: {  	s3 =	sld [smem:$0x3FFC];
	_ =	sdelay $0x3  }
0x94: {  	_ =	strace s3  }
0x95: {  	s3 =	sld [smem:$0x3FFD];
	_ =	sdelay $0x3  }
0x96: {  	_ =	strace s3  }
0x97: {  	_ =	strace $0x8FFFFFFF  }
0x98: {  	s19 =	sld [smem:$0x3FDB];
	_ =	sdelay $0x1  }
0x99: {  	s4 =	simm.s32 $_scs_section_size  }
0x9a: {  	s5 =	simm.s32 $_size__tile_overlayer_lowered;
	s6 =	simm.s32 $_tile_overlayer_lowered  }
0x9b: {  	s22 =	simm.s32 $0x1BFF;
	s21 =	sshll.u32 s6, $0x1;
	s3 =	sadd.s32 s4, s19  }
0x9c: {  	s7 =	simm.s32 $0x0;
	s20 =	sshll.u32 s5, $0x1;
	s5 =	sadd.s32 s21, s3  }
0x9d: {  	[timem:s7], [sflag:s22] =	dma.local [hbm:s5], s20  }
0x9e: {  	_ =	swait.ge [sflag:s22], s20  }
0x9f: {  	s4 =	ssub.s32 $0x0, s20;
	[sflag:s22] =	ssyncset.done $0x0  }
0xa0: {  	[sflag:s22] =	ssyncadd.s32 s4;
	_ =	sdelay $0x1  }
0xa1: {  	s23 =	simm.s32 $0x1B8B  }
0xa2: {  	_ =	swait.ge [sflag:s23], $0x1  }
0xa3: {  	[sflag:s23] =	ssyncset.done $0x0  }
0xa4: {  	s25 =	simm.s32 $0x1B8E;
	s24 =	sld [smem:$0x3FFE];
	[sflag:s23] =	ssyncadd.s32 $0xFFFFFFFF  }
0xa5: {  	s26 =	simm.s32 $execute0_lowered;
	[smem:$0x3FD2] =	sst s25  }
0xa6: {  	s5 =	sshll.u32 s26, $0x1;
	_ =	strace $0x80000049;
	[dreg:$0x1] =	wrdreg $0xFFFFFFFF  }
0xa7: {  	s28 =	simm.s32 $_size_execute0_lowered;
	s3 =	sadd.s32 s3, s5;
	[dreg:$0x0] =	wrdreg $0x0  }
0xa8: {  	s5 =	sshll.u32 s28, $0x1;
	[dreg:$0x2] =	wrdreg s3  }
0xa9: {  	[dreg:$0x3] =	wrdreg s5  }
0xaa: {  	[dreg:$0x4] =	wrdreg $0xC0  }
0xab: {  	_ =	task [dreg:s7], $0x5FFFF  }
0xac: {  	[dreg:$0x1] =	wrdreg $0xFFFFFFFF  }
0xad: {  	[dreg:$0x0] =	wrdreg $0x60  }
0xae: {  	[dreg:$0x2] =	wrdreg s24  }
0xaf: {  	[dreg:$0x3] =	wrdreg s2  }
0xb0: {  	[dreg:$0x4] =	wrdreg $0x9F000  }
0xb1: {  	[dreg:$0x5] =	wrdreg $0x9  }
0xb2: {  	_ =	task.clear_ibuf [dreg:s7], $0x6FFFF;
	_ =	strace $0x90000049  }
0xb3: {  	s29 =	simm.s32 $0x9;
	_ =	strace $0x8000004B  }
0xb4: {  	_ =	swait.ge [sflag:s29], $0x1  }
0xb5: {  	[sflag:s29] =	ssyncadd.s32 $0xFFFFFFFF  }
0xb6: {  	_ =	strace $0x9000004B  }
0xb7: {  	_ =	sfence  }
0xb8: {  	s30 =	sld [smem:$0x0];
	_ =	sdelay $0x2  }
0xb9: {  	s31 =	sshll.u32 s1, $0xD;
	s1 =	sshrl.u32 s1, $0x2  }
0xba: {  	s3 =	sand.u32 $0x4000, s31;
	s1 =	sadd.s32 s1, s30  }
0xbb: {  	s0 =	sor.u32 s3, s0;
	s1 =	sshll.u32 s1, $0x11  }
0xbc: {  	s0 =	sor.u32 s1, s0  }
0xbd: {  	s0 =	sadd.s32 $0x8F2B, s0  }
0xbe: {  	[sflag:s0] =	ssyncadd.remote.s32 $0x1  }
0xbf: {  	_ =	sfence.sel $0xFFFF  }
0xc0: {  	[dreg:$0x0] =	wrdreg $0xFFFFFFFF;
	(pc) =	sbr.abs _section_cstart, $3  }
0xc1: {  	[dreg:$0x1] =	wrdreg $0xFFFFFFFF  }
0xc2: {  	_ =	task.clear_ibuf [dreg:s7], $0x2FFFF;
	_ =	strace $0x9FFFFFFF  }
0xc3: {  	(tm) =	ssettm $0x7FFFFFFF  }
tec
execute0_lowered:
.L_overlay_start_1:
0x0: {  	(tag) =	ssettag $0x1  }
0x1: {  	s1 =	rddreg [dreg:$0x0]  }
0x2: {  	s0 =	srdreg.scid;
	s5 =	rddreg [dreg:$0x1]  }
0x3: {  	s9 =	stileid.u32;
	s2 =	rddreg [dreg:$0x2];
	s17 =	simm.s32 $0x4F00  }
0x4: {  	s18 =	simm.s32 $0x5;
	s20 =	simm.s32 $0x28;
	s21 =	simm.s32 $0x6300  }
0x5: {  	s22 =	simm.s32 $0x50;
	s23 =	simm.s32 $0x7700;
	s25 =	simm.s32 $0x8B00  }
0x6: {  	s28 =	simm.s32 $0x2;
	s29 =	simm.s32 $0x3;
	s30 =	simm.s32 $0x4  }
0x7: {  	s19 =	simm.s32 $0x4DF0;
	s0 =	sand.u32 $0x1, s0;
	s8 =	smul.u32 $0x2800, s9  }
0x8: {  	s24 =	simm.s32 $0x4E40;
	s3 =	sshll.u32 s0, $0x4;
	s7 =	smul.u32 $0x28000, s0  }
0x9: {  	s0 =	ssub.s32 $0x2, s0;
	s4 =	sor.u32 s9, s3;
	s9 =	smul.u32 $0x50000, s9  }
0xa: {  	s3 =	simm.s32 $0x0;
	s26 =	sshrl.u32 s0, $0x1;
	s6 =	smul.u32 $0x4E2, s4  }
0xb: {  	[smem:$0x7FF] =	sst s3;
	s4 =	sadd.s32 $0xD400, s1;
	s7 =	sadd.s32 s8, s7  }
0xc: {  	s0 =	ssub.s32 s0, s26;
	s26 =	simm.s32 $0x1;
	_ =	strace $0x8000004A  }
0xd: {  	s31 =	sshrl.u32 s9, $0x2;
	s9 =	smax.u32 s0, $0x1;
	s10 =	sadd.s32 s6, s1  }
0xe: {  	s1 =	sadd.s32 s7, s1;
	s5 =	sadd.s32 s5, s6;
	s7 =	sadd.s32 s31, s2  }
0xf: {  	s6 =	sadd.s32 $0x3600, s10;
	s8 =	sadd.s32 $0x35400, s1;
	s10 =	sadd.s32 $0x2800, s7  }
0x10: {  	s11 =	sadd.s32 $0x5000, s7;
	s12 =	sadd.s32 $0x7800, s7;
	s13 =	sadd.s32 $0xA000, s7  }
0x11: {  	v0 =	vimm.f32 $0.0e+00;
	s14 =	sadd.s32 $0xC800, s7;
	s15 =	sadd.s32 $0xF000, s7;
	s16 =	sadd.s32 $0x11800, s7  }
.LBB2_1:
0x12: {  	s31 =	simm.s32 $0x70;
	s1 =	simm.s32 $0x3C0  }
.LBB2_2:
0x13: {  	p0 =	sne.s32 s1, $0x9FC0;
	[tilespmem:s31+$0x4F00] =	vst v0  }
0x14: {  	[tilespmem:s31+$0x4E90] =	vst v0  }
0x15: {  	[tilespmem:s31+$0x4EA0] =	vst v0  }
.Ltmp0:
0x16: {  	[tilespmem:s31+$0x4EB0] =	vst v0;
	(pc) =	sbr.rel @p0 .LBB2_2-.Ltmp0, $4  }
0x17: {  	[tilespmem:s31+$0x4EC0] =	vst v0  }
0x18: {  	[tilespmem:s31+$0x4ED0] =	vst v0  }
0x19: {  	[tilespmem:s31+$0x4EE0] =	vst v0  }
0x1a: {  	[tilespmem:s31+$0x4EF0] =	vst v0;
	s31 =	sshra.s32 s1, $0x2;
	s1 =	sadd.s32 $0x200, s1  }
0x1b: {  	[tilespmem:s31+$0x4F00] =	vst v0  }
0x1c: {  	[tilespmem:s31+$0x4E90] =	vst v0  }
0x1d: {  	[tilespmem:s31+$0x4EA0] =	vst v0  }
0x1e: {  	[tilespmem:s31+$0x4EB0] =	vst v0  }
0x1f: {  	[tilespmem:s31+$0x4EC0] =	vst v0  }
0x20: {  	[tilespmem:s31+$0x4ED0] =	vst v0  }
0x21: {  	[tilespmem:s31+$0x4EE0] =	vst v0  }
0x22: {  	[tilespmem:s31+$0x4EF0] =	vst v0  }
0x23: {  	[spmem:s7] =	stream.linear.scatter [tilespmem:s17], [sflag:$0x5], $0x2800, $0x38;
	[tilespmem:$0x1DF00] =	vst v63  }
0x24: {  	_ =	swait.ge [sflag:s18], $0x2800  }
0x25: {  	[sflag:s18] =	ssyncset.done $0x0  }
0x26: {  	[sflag:s18] =	ssyncadd.s32 $0xFFFFD800  }
0x27: {  	[spmem:s10] =	stream.linear.scatter [tilespmem:s17], [sflag:$0x5], $0x2800, $0x38;
	[tilespmem:$0x1DF00] =	vst v63  }
0x28: {  	_ =	swait.ge [sflag:s18], $0x2800  }
0x29: {  	[sflag:s18] =	ssyncset.done $0x0  }
0x2a: {  	[sflag:s18] =	ssyncadd.s32 $0xFFFFD800  }
0x2b: {  	[spmem:s11] =	stream.linear.scatter [tilespmem:s17], [sflag:$0x5], $0x2800, $0x38;
	[tilespmem:$0x1DF00] =	vst v63  }
0x2c: {  	_ =	swait.ge [sflag:s18], $0x2800  }
0x2d: {  	[sflag:s18] =	ssyncset.done $0x0  }
0x2e: {  	[sflag:s18] =	ssyncadd.s32 $0xFFFFD800  }
0x2f: {  	[spmem:s12] =	stream.linear.scatter [tilespmem:s17], [sflag:$0x5], $0x2800, $0x38;
	[tilespmem:$0x1DF00] =	vst v63  }
0x30: {  	_ =	swait.ge [sflag:s18], $0x2800  }
0x31: {  	[sflag:s18] =	ssyncset.done $0x0  }
0x32: {  	[sflag:s18] =	ssyncadd.s32 $0xFFFFD800  }
0x33: {  	[spmem:s13] =	stream.linear.scatter [tilespmem:s17], [sflag:$0x5], $0x2800, $0x38;
	[tilespmem:$0x1DF00] =	vst v63  }
0x34: {  	_ =	swait.ge [sflag:s18], $0x2800  }
0x35: {  	[sflag:s18] =	ssyncset.done $0x0  }
0x36: {  	[sflag:s18] =	ssyncadd.s32 $0xFFFFD800  }
0x37: {  	[spmem:s14] =	stream.linear.scatter [tilespmem:s17], [sflag:$0x5], $0x2800, $0x38;
	[tilespmem:$0x1DF00] =	vst v63  }
0x38: {  	_ =	swait.ge [sflag:s18], $0x2800  }
0x39: {  	[sflag:s18] =	ssyncset.done $0x0  }
0x3a: {  	[sflag:s18] =	ssyncadd.s32 $0xFFFFD800  }
0x3b: {  	[spmem:s15] =	stream.linear.scatter [tilespmem:s17], [sflag:$0x5], $0x2800, $0x38;
	[tilespmem:$0x1DF00] =	vst v63  }
0x3c: {  	_ =	swait.ge [sflag:s18], $0x2800  }
0x3d: {  	[sflag:s18] =	ssyncset.done $0x0  }
0x3e: {  	[sflag:s18] =	ssyncadd.s32 $0xFFFFD800  }
0x3f: {  	[spmem:s16] =	stream.linear.scatter [tilespmem:s17], [sflag:$0x5], $0x2800, $0x38;
	[tilespmem:$0x1DF00] =	vst v63  }
0x40: {  	_ =	swait.ge [sflag:s18], $0x2800  }
0x41: {  	[sflag:s18] =	ssyncset.done $0x0  }
0x42: {  	s1 =	simm.s32 $0x0;
	[sflag:s18] =	ssyncadd.s32 $0xFFFFD800  }
0x43: {  	[tilespmem:s1], [sflag:$0x5] =	stream.linear.gather [hbm4b:s5+s1], $0x2710, $0x38;
	[tilespmem:$0x1DF00] =	vst v63  }
0x44: {  	_ =	swait.ge [sflag:s18], $0x2710  }
0x45: {  	[sflag:s18] =	ssyncset.done $0x0  }
0x46: {  	s0 =	simm.s32 $0x2780;
	[sflag:s18] =	ssyncadd.s32 $0xFFFFD8F0  }
0x47: {  	[tilespmem:s0], [sflag:$0x5] =	stream.linear.gather [hbm4b:s6+s1], $0x2710, $0x38;
	[tilespmem:$0x1DF00] =	vst v63  }
0x48: {  	_ =	swait.ge [sflag:s18], $0x2710  }
0x49: {  	[sflag:s18] =	ssyncset.done $0x0  }
0x4a: {  	[sflag:s18] =	ssyncadd.s32 $0xFFFFD8F0  }
0x4b: {  	[bflag:$0x0] =	sbarrier.arrive $0xFFFF  }
0x4c: {  	[tilespmem:s17], [sflag:$0x1] =	stream.indirect.gather [hbm4b:s4+s20], $0x80, s1, s20, $0xb8;
	[tilespmem:$0x1DF00] =	vst v63  }
0x4d: {  	_ = 	snop  }
0x4e: {  	[tilespmem:s21], [sflag:$0x2] =	stream.indirect.gather [hbm4b:s4+s20], $0x80, s20, s20, $0xb8;
	[tilespmem:$0x1DF00] =	vst v63  }
0x4f: {  	_ = 	snop  }
0x50: {  	[tilespmem:s23], [sflag:$0x3] =	stream.indirect.gather [hbm4b:s4+s20], $0x80, s22, s20, $0xb8;
	[tilespmem:$0x1DF00] =	vst v63  }
0x51: {  	s1 =	simm.s32 $0x78  }
0x52: {  	[tilespmem:s25], [sflag:$0x4] =	stream.indirect.gather [hbm4b:s4+s20], $0x80, s1, s20, $0xb8;
	[tilespmem:$0x1DF00] =	vst v63  }
0x53: {  	_ =	swait.ge [sflag:s26], $0x1400  }
0x54: {  	[sflag:s26] =	ssyncset.done $0x0  }
0x55: {  	[sflag:s26] =	ssyncadd.s32 $0xFFFFEC00  }
0x56: {  	_ =	swait.ge [sflag:s28], $0x1400  }
0x57: {  	[sflag:s28] =	ssyncset.done $0x0  }
0x58: {  	s0 =	simm.s32 $0x2780;
	[sflag:s28] =	ssyncadd.s32 $0xFFFFEC00  }
0x59: {  	[spmem:s2] =	stream.indirect.scatter.add.f32 [tilespmem:s17], [sflag:$0x5], $0x80, s0, s22, $0xb8;
	[tilespmem:$0x1DF00] =	vst v63  }
0x5a: {  	_ =	swait.ge [sflag:s18], $0x2800  }
0x5b: {  	[sflag:s18] =	ssyncset.done $0x0  }
0x5c: {  	s0 =	simm.s32 $0xA0;
	[sflag:s18] =	ssyncadd.s32 $0xFFFFD800  }
0x5d: {  	[tilespmem:s17], [sflag:$0x1] =	stream.indirect.gather [hbm4b:s4+s20], $0x80, s0, s20, $0xb8;
	[tilespmem:$0x1DF00] =	vst v63  }
0x5e: {  	s0 =	simm.s32 $0xC8  }
0x5f: {  	[tilespmem:s21], [sflag:$0x2] =	stream.indirect.gather [hbm4b:s4+s20], $0x80, s0, s20, $0xb8;
	[tilespmem:$0x1DF00] =	vst v63  }
0x60: {  	_ =	swait.ge [sflag:s29], $0x1400  }
0x61: {  	[sflag:s29] =	ssyncset.done $0x0  }
0x62: {  	[sflag:s29] =	ssyncadd.s32 $0xFFFFEC00  }
0x63: {  	_ =	swait.ge [sflag:s30], $0x1400  }
0x64: {  	[sflag:s30] =	ssyncset.done $0x0  }
0x65: {  	s0 =	simm.s32 $0x27D0;
	[sflag:s30] =	ssyncadd.s32 $0xFFFFEC00  }
0x66: {  	[spmem:s2] =	stream.indirect.scatter.add.f32 [tilespmem:s23], [sflag:$0x5], $0x80, s0, s22, $0xb8;
	[tilespmem:$0x1DF00] =	vst v63  }
0x67: {  	_ =	swait.ge [sflag:s18], $0x2800  }
0x68: {  	s31 =	simm.s32 $0x280;
	[sflag:s18] =	ssyncset.done $0x0  }
0x69: {  	s1 =	simm.s32 $0x118;
	s0 =	simm.s32 $0xF0;
	[sflag:s18] =	ssyncadd.s32 $0xFFFFD800  }
0x6a: {  	[tilespmem:s23], [sflag:$0x3] =	stream.indirect.gather [hbm4b:s4+s20], $0x80, s0, s20, $0xb8;
	[tilespmem:$0x1DF00] =	vst v63  }
.LBB2_4:
0x6b: {  	[tilespmem:s25], [sflag:$0x4] =	stream.indirect.gather [hbm4b:s4+s20], $0x80, s1, s20, $0xb8;
	[tilespmem:$0x1DF00] =	vst v63  }
0x6c: {  	s1 =	smov.u32 s31  }
0x6d: {  	p0 =	sne.s32 s31, $0x9600;
	s31 =	sadd.s32 $0x280, s31;
	_ =	swait.ge [sflag:s26], $0x1400  }
0x6e: {  	[sflag:s26] =	ssyncset.done $0x0  }
0x6f: {  	[sflag:s26] =	ssyncadd.s32 $0xFFFFEC00  }
0x70: {  	_ =	swait.ge [sflag:s28], $0x1400  }
0x71: {  	s1 =	sshra.s32 s1, $0x2;
	[sflag:s28] =	ssyncset.done $0x0  }
0x72: {  	s0 =	sadd.s32 $0x2780, s1;
	[sflag:s28] =	ssyncadd.s32 $0xFFFFEC00  }
0x73: {  	[spmem:s2] =	stream.indirect.scatter.add.f32 [tilespmem:s17], [sflag:$0x5], $0x80, s0, s22, $0xb8;
	[tilespmem:$0x1DF00] =	vst v63  }
0x74: {  	_ =	swait.ge [sflag:s18], $0x2800  }
0x75: {  	[sflag:s18] =	ssyncset.done $0x0  }
0x76: {  	s0 =	sadd.s32 $0xA0, s1;
	[sflag:s18] =	ssyncadd.s32 $0xFFFFD800  }
0x77: {  	[tilespmem:s17], [sflag:$0x1] =	stream.indirect.gather [hbm4b:s4+s20], $0x80, s0, s20, $0xb8;
	[tilespmem:$0x1DF00] =	vst v63  }
0x78: {  	s0 =	sadd.s32 $0xC8, s1  }
0x79: {  	[tilespmem:s21], [sflag:$0x2] =	stream.indirect.gather [hbm4b:s4+s20], $0x80, s0, s20, $0xb8;
	[tilespmem:$0x1DF00] =	vst v63  }
0x7a: {  	_ =	swait.ge [sflag:s29], $0x1400  }
0x7b: {  	[sflag:s29] =	ssyncset.done $0x0  }
0x7c: {  	[sflag:s29] =	ssyncadd.s32 $0xFFFFEC00  }
0x7d: {  	_ =	swait.ge [sflag:s30], $0x1400  }
0x7e: {  	[sflag:s30] =	ssyncset.done $0x0  }
0x7f: {  	s0 =	sadd.s32 $0x27D0, s1;
	[sflag:s30] =	ssyncadd.s32 $0xFFFFEC00  }
0x80: {  	[spmem:s2] =	stream.indirect.scatter.add.f32 [tilespmem:s23], [sflag:$0x5], $0x80, s0, s22, $0xb8;
	[tilespmem:$0x1DF00] =	vst v63  }
.Ltmp1:
0x81: {  	_ =	swait.ge [sflag:s18], $0x2800;
	(pc) =	sbr.rel @p0 .LBB2_4-.Ltmp1, $4  }
0x82: {  	[sflag:s18] =	ssyncset.done $0x0  }
0x83: {  	s0 =	sadd.s32 $0xF0, s1;
	[sflag:s18] =	ssyncadd.s32 $0xFFFFD800  }
0x84: {  	[tilespmem:s23], [sflag:$0x3] =	stream.indirect.gather [hbm4b:s4+s20], $0x80, s0, s20, $0xb8;
	[tilespmem:$0x1DF00] =	vst v63  }
0x85: {  	s1 =	sadd.s32 $0x118, s1  }
0x86: {  	[tilespmem:s25], [sflag:$0x4] =	stream.indirect.gather [hbm4b:s4+s20], $0x80, s1, s20, $0xb8;
	[tilespmem:$0x1DF00] =	vst v63  }
0x87: {  	_ =	swait.ge [sflag:s26], $0x1400  }
0x88: {  	[sflag:s26] =	ssyncset.done $0x0  }
0x89: {  	[sflag:s26] =	ssyncadd.s32 $0xFFFFEC00  }
0x8a: {  	_ =	swait.ge [sflag:s28], $0x1400  }
0x8b: {  	[sflag:s28] =	ssyncset.done $0x0  }
0x8c: {  	s0 =	simm.s32 $0x4DA0;
	[sflag:s28] =	ssyncadd.s32 $0xFFFFEC00  }
0x8d: {  	[spmem:s2] =	stream.indirect.scatter.add.f32 [tilespmem:s17], [sflag:$0x5], $0x80, s0, s22, $0xb8;
	[tilespmem:$0x1DF00] =	vst v63  }
0x8e: {  	_ =	swait.ge [sflag:s18], $0x2800  }
0x8f: {  	[sflag:s18] =	ssyncset.done $0x0  }
0x90: {  	s1 =	simm.s32 $0x26C0;
	[sflag:s18] =	ssyncadd.s32 $0xFFFFD800  }
0x91: {  	[tilespmem:s17], [sflag:$0x1] =	stream.indirect.gather [hbm4b:s4+s20], $0x80, s1, s20, $0xb8;
	[tilespmem:$0x1DF00] =	vst v63  }
0x92: {  	s31 =	simm.s32 $0x26E8  }
0x93: {  	[tilespmem:s21], [sflag:$0x2] =	stream.indirect.gather [hbm4b:s4+s20], $0x80, s31, s20, $0xb8;
	[tilespmem:$0x1DF00] =	vst v63  }
0x94: {  	_ =	swait.ge [sflag:s29], $0x1400  }
0x95: {  	[sflag:s29] =	ssyncset.done $0x0  }
0x96: {  	[sflag:s29] =	ssyncadd.s32 $0xFFFFEC00  }
0x97: {  	_ =	swait.ge [sflag:s30], $0x1400  }
0x98: {  	[sflag:s30] =	ssyncset.done $0x0  }
0x99: {  	[sflag:s30] =	ssyncadd.s32 $0xFFFFEC00  }
0x9a: {  	[spmem:s2] =	stream.indirect.scatter.add.f32 [tilespmem:s23], [sflag:$0x5], $0x80, s19, s22, $0xb8;
	[tilespmem:$0x1DF00] =	vst v63  }
0x9b: {  	_ =	swait.ge [sflag:s18], $0x2800  }
0x9c: {  	[sflag:s18] =	ssyncset.done $0x0  }
0x9d: {  	[sflag:s18] =	ssyncadd.s32 $0xFFFFD800  }
0x9e: {  	_ =	swait.ge [sflag:s26], $0x1400  }
0x9f: {  	[sflag:s26] =	ssyncset.done $0x0  }
0xa0: {  	[sflag:s26] =	ssyncadd.s32 $0xFFFFEC00  }
0xa1: {  	_ =	swait.ge [sflag:s28], $0x1400  }
0xa2: {  	[sflag:s28] =	ssyncset.done $0x0  }
0xa3: {  	[sflag:s28] =	ssyncadd.s32 $0xFFFFEC00  }
0xa4: {  	[spmem:s2] =	stream.indirect.scatter.add.f32 [tilespmem:s17], [sflag:$0x5], $0x80, s24, s22, $0xb8;
	[tilespmem:$0x1DF00] =	vst v63  }
0xa5: {  	s1 =	stileid.u32;
	_ =	swait.ge [sflag:s18], $0x2800  }
0xa6: {  	s3 =	sadd.s32 $0x1, s3;
	s0 =	sshll.u32 s1, $0x6;
	[sflag:s18] =	ssyncset.done $0x0  }
0xa7: {  	p0 =	sne.s32 s3, s9;
	s0 =	sor.u32 $0x1C05, s0;
	[sflag:s18] =	ssyncadd.s32 $0xFFFFD800  }
.Ltmp2:
0xa8: {  	s31 =	sshrl.u32 s7, $0x3;
	[bflag:$0x0] =	sbarrier.arrive $0xFFFF;
	(pc) =	sbr.rel @p0 .LBB2_1-.Ltmp2, $4  }
0xa9: {  	[hbm:s8], [sflag:s0] =	dma.local [spmem:s31], $0x2800  }
0xaa: {  	_ =	swait.ge [sflag:s18], $0x2800  }
0xab: {  	[sflag:s18] =	ssyncset.done $0x0  }
0xac: {  	[sflag:s18] =	ssyncadd.s32 $0xFFFFD800  }
0xad: {  	_ =	sfence.sel $0x180000  }
0xae: {  	[bflag:$0x0] =	sbarrier.arrive $0xFFFF  }
0xaf: {  	_ =	strace $0x9000004A  }
0xb0: {  	s0 =	stileid.u32;
	[bflag:$0x2] =	sbarrier.arrive $0xFFFF  }
0xb1: {  	p0 =	sne.s32 s0, $0x0;
	s0 =	rddreg [dreg:$0x3]  }
0xb2: {  	s0 =	sadd.s32 @!p0 $0x100000, s0  }
0xb3: {  	[sflag:s0] =	ssyncadd.tile.s32 @!p0 $0x1;
	_ =	shalt  }
.Lfunc_end2:
_tile_overlayer_lowered:
.L_overlay_start_2:
0xb4: {  	(tag) =	ssettag $0x2  }
0xb5: {  	s0 =	rddreg [dreg:$0x0];
	s2 =	stileid.u32  }
0xb6: {  	s1 =	rddreg [dreg:$0x1];
	p0 =	sne.s32 s2, $0x0  }
0xb7: {  	s3 =	rddreg [dreg:$0x2];
	[bflag:$0x3] =	sbarrier.arrive $0xFFFF;
	s2 =	simm.s32 @!p0 $0x1C05  }
0xb8: {  	[timem:s3], [sflag:s2] =	dma.local @!p0 [hbm:s0], s1  }
0xb9: {  	s0 =	simm.s32 @!p0 $0x5  }
0xba: {  	_ =	swait.ge @!p0 [sflag:s0], s1  }
0xbb: {  	s1 =	ssub.s32 @!p0 $0x0, s1;
	[sflag:s0] =	ssyncset.done @!p0 $0x0  }
0xbc: {  	[sflag:s0] =	ssyncadd.s32 @!p0 s1  }
0xbd: {  	[bflag:$0x3] =	sbarrier.arrive $0xFFFF  }
0xbe: {  	_ =	shalt  }

// kernel: kernel.19.cloned.1.call-start
scs
__scs_entry_jumppad:
0x0: {  	(pc) =	sbr.rel $0x88, $3  }
0x1: {  	(tag) =	ssettag $0x0;
	lr =	simm.s32 $0x1  }
0x2: {  	[smem:$0x3F97] =	sst lr;
	_ =	strace $0xD0000000  }
0x3: {  	_ = 	snop  }
0x4: {  	_ = 	snop  }
0x5: {  	_ = 	snop  }
0x6: {  	_ = 	snop  }
0x7: {  	_ = 	snop  }
__scs_overlays_trampoline_lowered:
0x8: {  	[smem:$0x3FA6] =	sst s0  }
0x9: {  	[smem:$0x3FA7] =	sst s1  }
0xa: {  	[smem:$0x3FA8] =	sst s2  }
0xb: {  	[smem:$0x3FA9] =	sst s3  }
0xc: {  	[smem:$0x3FAA] =	sst s4  }
0xd: {  	[smem:$0x3FAB] =	sst s5  }
0xe: {  	[smem:$0x3FAC] =	sst s6  }
0xf: {  	[smem:$0x3FAD] =	sst s7  }
0x10: {  	[smem:$0x3FAE] =	sst s8  }
0x11: {  	[smem:$0x3FAF] =	sst s9;
	s0 =	simm.s32 @!p0 $0x0  }
0x12: {  	s1 =	sld [smem:$0x3F95];
	s0 =	simm.s32 @p0 $0x1  }
0x13: {  	[smem:$0x3FB0] =	sst s0;
	s0 =	simm.s32 @!p1 $0x0  }
0x14: {  	s2 =	sld [smem:$0x3F94];
	s0 =	simm.s32 @p1 $0x1  }
0x15: {  	[smem:$0x3FB1] =	sst s0;
	s0 =	simm.s32 @!p2 $0x0  }
0x16: {  	s3 =	sld [smem:$0x3FDB];
	s0 =	simm.s32 @p2 $0x1  }
0x17: {  	s4 =	simm.s32 $0x1BF5;
	[smem:$0x3FB3] =	sst s0  }
0x18: {  	s0 =	sld [smem:$0x3F96];
	_ =	swait.ge [sflag:s4], $0x0  }
0x19: {  	s7 =	sld [smem:$0x3F97]  }
0x1a: {  	s8 =	sadd.s32 $0xFFFFE003, lr  }
0x1b: {  	s9 =	sadd.s32 $0xFFFFFEF7, lr;
	s5 =	simm.s32 $0xFFFFFFFF;
	p2 =	slt.u32 s8, $0xFFFFF086  }
0x1c: {  	p1 =	slt.u32 s9, $0xF7A;
	s5 =	simm.s32 @!p2 $0x0  }
0x1d: {  	s5 =	simm.s32 @p1 $0x1;
	p0 =	seq.s32 s7, s2  }
0x1e: {  	s7 =	smul.u32 @!p0 $0xF7A, s2;
	p2 =	seq.s32 @!p0 s5, $0x0  }
0x1f: {  	s9 =	smul.u32 $0xF7A, s1;
	s8 =	simm.s32 @!p0 $0x1BF5;
	p2 =	por !p2, p0  }
0x20: {  	[sflag:s8] =	ssyncset.s32 @!p0 $0xFFFFF086;
	s6 =	sadd.s32 @!p0 s3, s7;
	s7 =	simm.s32 @!p0 $0x108  }
0x21: {  	s3 =	sadd.s32 s3, s9;
	s6 =	sadd.s32 @!p0 $0x88, s6;
	s7 =	simm.s32 @p2 $0x1082  }
0x22: {  	[simem:s7], [sflag:s8] =	dma.local @!p0 [hbm:s6], $0xF7A  }
0x23: {  	s9 =	sor.u32 $0xD0000000, s2;
	s6 =	simm.s32 $0x108;
	_ =	swait.ge @!p0 [sflag:s8], $0x0  }
0x24: {  	s3 =	sadd.s32 $0x88, s3;
	s6 =	simm.s32 @!p1 $0x1082;
	[sflag:s4] =	ssyncset.s32 $0xFFFFF086  }
0x25: {  	[simem:s6], [sflag:s4] =	dma.local [hbm:s3], $0xF7A  }
0x26: {  	[smem:$0x3F97] =	sst s1;
	(tag) =	ssettag s2;
	_ =	strace s9  }
0x27: {  	s1 =	sld [smem:$0x3FA7]  }
0x28: {  	s2 =	sld [smem:$0x3FA8]  }
0x29: {  	s4 =	sld [smem:$0x3FAA]  }
0x2a: {  	p0 =	seq.s32 s5, $0x0;
	s5 =	sld [smem:$0x3FAB]  }
0x2b: {  	s6 =	sld [smem:$0x3FAC]  }
0x2c: {  	s7 =	sld [smem:$0x3FAD]  }
0x2d: {  	s3 =	simm.s32 $0x108;
	s8 =	sld [smem:$0x3FAE]  }
0x2e: {  	s3 =	simm.s32 @!p0 $0x1082;
	s9 =	sld [smem:$0x3FAF]  }
0x2f: {  	lr =	sadd.s32 s0, s3;
	s0 =	sld [smem:$0x3FA6]  }
0x30: {  	s3 =	sld [smem:$0x3FA9]  }
0x31: {  	[smem:$0x3FB2] =	sst s10  }
0x32: {  	s10 =	sld [smem:$0x3FB0];
	_ =	sdelay $0x3  }
0x33: {  	p0 =	seq.s32 s10, $0x1;
	s10 =	sld [smem:$0x3FB2];
	_ =	sdelay $0x3  }
0x34: {  	[smem:$0x3FB2] =	sst s10  }
0x35: {  	s10 =	sld [smem:$0x3FB1];
	_ =	sdelay $0x3  }
0x36: {  	p1 =	seq.s32 s10, $0x1;
	s10 =	sld [smem:$0x3FB2];
	_ =	sdelay $0x3  }
0x37: {  	[smem:$0x3FB2] =	sst s10  }
0x38: {  	s10 =	sld [smem:$0x3FB3]  }
0x39: {  	_ = 	snop;
	(pc) =	sbr.ind lr, $3  }
0x3a: {  	_ = 	snop  }
0x3b: {  	_ = 	snop  }
0x3c: {  	p2 =	seq.s32 s10, $0x1;
	s10 =	sld [smem:$0x3FB2]  }
0x3d: {  	_ =	shalt  }
0x3e: {  	_ =	shalt  }
0x3f: {  	_ =	shalt  }
0x40: {  	_ =	shalt  }
0x41: {  	_ =	shalt  }
0x42: {  	_ =	shalt  }
0x43: {  	_ =	shalt  }
0x44: {  	_ =	shalt  }
0x45: {  	_ =	shalt  }
0x46: {  	_ =	shalt  }
0x47: {  	_ =	shalt  }
0x48: {  	_ =	shalt  }
0x49: {  	_ =	shalt  }
0x4a: {  	_ =	shalt  }
0x4b: {  	_ =	shalt  }
0x4c: {  	_ =	shalt  }
0x4d: {  	_ =	shalt  }
0x4e: {  	_ =	shalt  }
0x4f: {  	_ =	shalt  }
0x50: {  	_ =	shalt  }
0x51: {  	_ =	shalt  }
0x52: {  	_ =	shalt  }
0x53: {  	_ =	shalt  }
0x54: {  	_ =	shalt  }
0x55: {  	_ =	shalt  }
0x56: {  	_ =	shalt  }
0x57: {  	_ =	shalt  }
0x58: {  	_ =	shalt  }
0x59: {  	_ =	shalt  }
0x5a: {  	_ =	shalt  }
0x5b: {  	_ =	shalt  }
0x5c: {  	_ =	shalt  }
0x5d: {  	_ =	shalt  }
0x5e: {  	_ =	shalt  }
0x5f: {  	_ =	shalt  }
0x60: {  	_ =	shalt  }
0x61: {  	_ =	shalt  }
0x62: {  	_ =	shalt  }
0x63: {  	_ =	shalt  }
0x64: {  	_ =	shalt  }
0x65: {  	_ =	shalt  }
0x66: {  	_ =	shalt  }
0x67: {  	_ =	shalt  }
0x68: {  	_ =	shalt  }
0x69: {  	_ =	shalt  }
0x6a: {  	_ =	shalt  }
0x6b: {  	_ =	shalt  }
0x6c: {  	_ =	shalt  }
0x6d: {  	_ =	shalt  }
0x6e: {  	_ =	shalt  }
0x6f: {  	_ =	shalt  }
0x70: {  	_ =	shalt  }
0x71: {  	_ =	shalt  }
0x72: {  	_ =	shalt  }
0x73: {  	_ =	shalt  }
0x74: {  	_ =	shalt  }
0x75: {  	_ =	shalt  }
0x76: {  	_ =	shalt  }
0x77: {  	_ =	shalt  }
0x78: {  	_ =	shalt  }
0x79: {  	_ =	shalt  }
0x7a: {  	_ =	shalt  }
0x7b: {  	_ =	shalt  }
0x7c: {  	_ =	shalt  }
0x7d: {  	_ =	shalt  }
0x7e: {  	_ =	shalt  }
0x7f: {  	_ =	shalt  }
0x80: {  	_ =	shalt  }
0x81: {  	_ =	shalt  }
0x82: {  	_ =	shalt  }
0x83: {  	_ =	shalt  }
0x84: {  	_ =	shalt  }
0x85: {  	_ =	shalt  }
0x86: {  	_ =	shalt  }
0x87: {  	_ =	shalt  }
.Lfunc_end0:
.L_simem_size_0:
called_computation.2_lowered:
.L_overlay_start_0:
0x88: {  	s2 =	sld [smem:$0x3FD9]  }
0x89: {  	s3 =	sld [smem:$0x3FFE];
	_ =	sdelay $0x1  }
0x8a: {  	s1 =	srdreg.scid  }
0x8b: {  	s0 =	sand.u32 $0x1, s1  }
0x8c: {  	s17 =	sshll.u32 s0, $0xA;
	s2 =	sadd.s32 s3, s2  }
0x8d: {  	s2 =	sadd.s32 s2, s17  }
0x8e: {  	[smem:$0x3FBE] =	sst s2  }
0x8f: {  	_ = 	snop  }
0x90: {  	s2 =	sld [smem:$0x3FD0];
	(tm) =	ssettm $0x1  }
0x91: {  	s18 =	sld [smem:$0x3FFB];
	_ =	sdelay $0x3  }
0x92: {  	_ =	strace s18  }
0x93: {  	s3 =	sld [smem:$0x3FFC];
	_ =	sdelay $0x3  }
0x94: {  	_ =	strace s3  }
0x95: {  	s3 =	sld [smem:$0x3FFD];
	_ =	sdelay $0x3  }
0x96: {  	_ =	strace s3  }
0x97: {  	_ =	strace $0x8FFFFFFF  }
0x98: {  	s19 =	sld [smem:$0x3FDB];
	_ =	sdelay $0x1  }
0x99: {  	s4 =	simm.s32 $_scs_section_size  }
0x9a: {  	s5 =	simm.s32 $_size__tile_overlayer_lowered;
	s6 =	simm.s32 $_tile_overlayer_lowered  }
0x9b: {  	s22 =	simm.s32 $0x1BFF;
	s21 =	sshll.u32 s6, $0x1;
	s3 =	sadd.s32 s4, s19  }
0x9c: {  	s7 =	simm.s32 $0x0;
	s20 =	sshll.u32 s5, $0x1;
	s5 =	sadd.s32 s21, s3  }
0x9d: {  	[timem:s7], [sflag:s22] =	dma.local [hbm:s5], s20  }
0x9e: {  	_ =	swait.ge [sflag:s22], s20  }
0x9f: {  	s4 =	ssub.s32 $0x0, s20;
	[sflag:s22] =	ssyncset.done $0x0  }
0xa0: {  	[sflag:s22] =	ssyncadd.s32 s4;
	_ =	sdelay $0x1  }
0xa1: {  	s23 =	simm.s32 $0x1B8B  }
0xa2: {  	_ =	swait.ge [sflag:s23], $0x1  }
0xa3: {  	[sflag:s23] =	ssyncset.done $0x0  }
0xa4: {  	s25 =	simm.s32 $0x1B8E;
	s24 =	sld [smem:$0x3FFE];
	[sflag:s23] =	ssyncadd.s32 $0xFFFFFFFF  }
0xa5: {  	s26 =	simm.s32 $execute0_lowered;
	[smem:$0x3FD2] =	sst s25  }
0xa6: {  	s5 =	sshll.u32 s26, $0x1;
	_ =	strace $0x8000004C;
	[dreg:$0x1] =	wrdreg $0xFFFFFFFF  }
0xa7: {  	s28 =	simm.s32 $_size_execute0_lowered;
	s3 =	sadd.s32 s3, s5;
	[dreg:$0x0] =	wrdreg $0x0  }
0xa8: {  	s5 =	sshll.u32 s28, $0x1;
	[dreg:$0x2] =	wrdreg s3  }
0xa9: {  	[dreg:$0x3] =	wrdreg s5  }
0xaa: {  	[dreg:$0x4] =	wrdreg $0xC0  }
0xab: {  	_ =	task [dreg:s7], $0x5FFFF  }
0xac: {  	[dreg:$0x1] =	wrdreg $0xFFFFFFFF  }
0xad: {  	[dreg:$0x0] =	wrdreg $0x60  }
0xae: {  	[dreg:$0x2] =	wrdreg s24  }
0xaf: {  	[dreg:$0x3] =	wrdreg s2  }
0xb0: {  	[dreg:$0x4] =	wrdreg $0x9F000  }
0xb1: {  	[dreg:$0x5] =	wrdreg $0x9  }
0xb2: {  	_ =	task.clear_ibuf [dreg:s7], $0x6FFFF;
	_ =	strace $0x9000004C  }
0xb3: {  	s29 =	simm.s32 $0x9;
	_ =	strace $0x8000004E  }
0xb4: {  	_ =	swait.ge [sflag:s29], $0x1  }
0xb5: {  	[sflag:s29] =	ssyncadd.s32 $0xFFFFFFFF  }
0xb6: {  	_ =	strace $0x9000004E  }
0xb7: {  	_ =	sfence  }
0xb8: {  	s30 =	sld [smem:$0x0];
	_ =	sdelay $0x2  }
0xb9: {  	s31 =	sshll.u32 s1, $0xD;
	s1 =	sshrl.u32 s1, $0x2  }
0xba: {  	s3 =	sand.u32 $0x4000, s31;
	s1 =	sadd.s32 s1, s30  }
0xbb: {  	s0 =	sor.u32 s3, s0;
	s1 =	sshll.u32 s1, $0x11  }
0xbc: {  	s0 =	sor.u32 s1, s0  }
0xbd: {  	s0 =	sadd.s32 $0x8F2B, s0  }
0xbe: {  	[sflag:s0] =	ssyncadd.remote.s32 $0x1  }
0xbf: {  	_ =	sfence.sel $0xFFFF  }
0xc0: {  	[dreg:$0x0] =	wrdreg $0xFFFFFFFF;
	(pc) =	sbr.abs _section_cstart, $3  }
0xc1: {  	[dreg:$0x1] =	wrdreg $0xFFFFFFFF  }
0xc2: {  	_ =	task.clear_ibuf [dreg:s7], $0x2FFFF;
	_ =	strace $0x9FFFFFFF  }
0xc3: {  	(tm) =	ssettm $0x7FFFFFFF  }
tec
execute0_lowered:
.L_overlay_start_1:
0x0: {  	(tag) =	ssettag $0x1  }
0x1: {  	s1 =	rddreg [dreg:$0x0]  }
0x2: {  	s0 =	srdreg.scid;
	s5 =	rddreg [dreg:$0x1]  }
0x3: {  	s9 =	stileid.u32;
	s2 =	rddreg [dreg:$0x2];
	s17 =	simm.s32 $0x4F00  }
0x4: {  	s18 =	simm.s32 $0x5;
	s20 =	simm.s32 $0x28;
	s21 =	simm.s32 $0x6300  }
0x5: {  	s22 =	simm.s32 $0x50;
	s23 =	simm.s32 $0x7700;
	s25 =	simm.s32 $0x8B00  }
0x6: {  	s28 =	simm.s32 $0x2;
	s29 =	simm.s32 $0x3;
	s30 =	simm.s32 $0x4  }
0x7: {  	s19 =	simm.s32 $0x4DF0;
	s0 =	sand.u32 $0x1, s0;
	s8 =	smul.u32 $0x2800, s9  }
0x8: {  	s24 =	simm.s32 $0x4E40;
	s3 =	sshll.u32 s0, $0x4;
	s7 =	smul.u32 $0x28000, s0  }
0x9: {  	s0 =	ssub.s32 $0x2, s0;
	s4 =	sor.u32 s9, s3;
	s9 =	smul.u32 $0x50000, s9  }
0xa: {  	s3 =	simm.s32 $0x0;
	s26 =	sshrl.u32 s0, $0x1;
	s6 =	smul.u32 $0x4E2, s4  }
0xb: {  	[smem:$0x7FF] =	sst s3;
	s4 =	sadd.s32 $0xD400, s1;
	s7 =	sadd.s32 s8, s7  }
0xc: {  	s0 =	ssub.s32 s0, s26;
	s26 =	simm.s32 $0x1;
	_ =	strace $0x8000004D  }
0xd: {  	s31 =	sshrl.u32 s9, $0x2;
	s9 =	smax.u32 s0, $0x1;
	s10 =	sadd.s32 s6, s1  }
0xe: {  	s1 =	sadd.s32 s7, s1;
	s5 =	sadd.s32 s5, s6;
	s7 =	sadd.s32 s31, s2  }
0xf: {  	s6 =	sadd.s32 $0x3600, s10;
	s8 =	sadd.s32 $0x35400, s1;
	s10 =	sadd.s32 $0x2800, s7  }
0x10: {  	s11 =	sadd.s32 $0x5000, s7;
	s12 =	sadd.s32 $0x7800, s7;
	s13 =	sadd.s32 $0xA000, s7  }
0x11: {  	v0 =	vimm.f32 $0.0e+00;
	s14 =	sadd.s32 $0xC800, s7;
	s15 =	sadd.s32 $0xF000, s7;
	s16 =	sadd.s32 $0x11800, s7  }
.LBB2_1:
0x12: {  	s31 =	simm.s32 $0x70;
	s1 =	simm.s32 $0x3C0  }
.LBB2_2:
0x13: {  	p0 =	sne.s32 s1, $0x9FC0;
	[tilespmem:s31+$0x4F00] =	vst v0  }
0x14: {  	[tilespmem:s31+$0x4E90] =	vst v0  }
0x15: {  	[tilespmem:s31+$0x4EA0] =	vst v0  }
.Ltmp0:
0x16: {  	[tilespmem:s31+$0x4EB0] =	vst v0;
	(pc) =	sbr.rel @p0 .LBB2_2-.Ltmp0, $4  }
0x17: {  	[tilespmem:s31+$0x4EC0] =	vst v0  }
0x18: {  	[tilespmem:s31+$0x4ED0] =	vst v0  }
0x19: {  	[tilespmem:s31+$0x4EE0] =	vst v0  }
0x1a: {  	[tilespmem:s31+$0x4EF0] =	vst v0;
	s31 =	sshra.s32 s1, $0x2;
	s1 =	sadd.s32 $0x200, s1  }
0x1b: {  	[tilespmem:s31+$0x4F00] =	vst v0  }
0x1c: {  	[tilespmem:s31+$0x4E90] =	vst v0  }
0x1d: {  	[tilespmem:s31+$0x4EA0] =	vst v0  }
0x1e: {  	[tilespmem:s31+$0x4EB0] =	vst v0  }
0x1f: {  	[tilespmem:s31+$0x4EC0] =	vst v0  }
0x20: {  	[tilespmem:s31+$0x4ED0] =	vst v0  }
0x21: {  	[tilespmem:s31+$0x4EE0] =	vst v0  }
0x22: {  	[tilespmem:s31+$0x4EF0] =	vst v0  }
0x23: {  	[spmem:s7] =	stream.linear.scatter [tilespmem:s17], [sflag:$0x5], $0x2800, $0x38;
	[tilespmem:$0x1DF00] =	vst v63  }
0x24: {  	_ =	swait.ge [sflag:s18], $0x2800  }
0x25: {  	[sflag:s18] =	ssyncset.done $0x0  }
0x26: {  	[sflag:s18] =	ssyncadd.s32 $0xFFFFD800  }
0x27: {  	[spmem:s10] =	stream.linear.scatter [tilespmem:s17], [sflag:$0x5], $0x2800, $0x38;
	[tilespmem:$0x1DF00] =	vst v63  }
0x28: {  	_ =	swait.ge [sflag:s18], $0x2800  }
0x29: {  	[sflag:s18] =	ssyncset.done $0x0  }
0x2a: {  	[sflag:s18] =	ssyncadd.s32 $0xFFFFD800  }
0x2b: {  	[spmem:s11] =	stream.linear.scatter [tilespmem:s17], [sflag:$0x5], $0x2800, $0x38;
	[tilespmem:$0x1DF00] =	vst v63  }
0x2c: {  	_ =	swait.ge [sflag:s18], $0x2800  }
0x2d: {  	[sflag:s18] =	ssyncset.done $0x0  }
0x2e: {  	[sflag:s18] =	ssyncadd.s32 $0xFFFFD800  }
0x2f: {  	[spmem:s12] =	stream.linear.scatter [tilespmem:s17], [sflag:$0x5], $0x2800, $0x38;
	[tilespmem:$0x1DF00] =	vst v63  }
0x30: {  	_ =	swait.ge [sflag:s18], $0x2800  }
0x31: {  	[sflag:s18] =	ssyncset.done $0x0  }
0x32: {  	[sflag:s18] =	ssyncadd.s32 $0xFFFFD800  }
0x33: {  	[spmem:s13] =	stream.linear.scatter [tilespmem:s17], [sflag:$0x5], $0x2800, $0x38;
	[tilespmem:$0x1DF00] =	vst v63  }
0x34: {  	_ =	swait.ge [sflag:s18], $0x2800  }
0x35: {  	[sflag:s18] =	ssyncset.done $0x0  }
0x36: {  	[sflag:s18] =	ssyncadd.s32 $0xFFFFD800  }
0x37: {  	[spmem:s14] =	stream.linear.scatter [tilespmem:s17], [sflag:$0x5], $0x2800, $0x38;
	[tilespmem:$0x1DF00] =	vst v63  }
0x38: {  	_ =	swait.ge [sflag:s18], $0x2800  }
0x39: {  	[sflag:s18] =	ssyncset.done $0x0  }
0x3a: {  	[sflag:s18] =	ssyncadd.s32 $0xFFFFD800  }
0x3b: {  	[spmem:s15] =	stream.linear.scatter [tilespmem:s17], [sflag:$0x5], $0x2800, $0x38;
	[tilespmem:$0x1DF00] =	vst v63  }
0x3c: {  	_ =	swait.ge [sflag:s18], $0x2800  }
0x3d: {  	[sflag:s18] =	ssyncset.done $0x0  }
0x3e: {  	[sflag:s18] =	ssyncadd.s32 $0xFFFFD800  }
0x3f: {  	[spmem:s16] =	stream.linear.scatter [tilespmem:s17], [sflag:$0x5], $0x2800, $0x38;
	[tilespmem:$0x1DF00] =	vst v63  }
0x40: {  	_ =	swait.ge [sflag:s18], $0x2800  }
0x41: {  	[sflag:s18] =	ssyncset.done $0x0  }
0x42: {  	s1 =	simm.s32 $0x0;
	[sflag:s18] =	ssyncadd.s32 $0xFFFFD800  }
0x43: {  	[tilespmem:s1], [sflag:$0x5] =	stream.linear.gather [hbm4b:s5+s1], $0x2710, $0x38;
	[tilespmem:$0x1DF00] =	vst v63  }
0x44: {  	_ =	swait.ge [sflag:s18], $0x2710  }
0x45: {  	[sflag:s18] =	ssyncset.done $0x0  }
0x46: {  	s0 =	simm.s32 $0x2780;
	[sflag:s18] =	ssyncadd.s32 $0xFFFFD8F0  }
0x47: {  	[tilespmem:s0], [sflag:$0x5] =	stream.linear.gather [hbm4b:s6+s1], $0x2710, $0x38;
	[tilespmem:$0x1DF00] =	vst v63  }
0x48: {  	_ =	swait.ge [sflag:s18], $0x2710  }
0x49: {  	[sflag:s18] =	ssyncset.done $0x0  }
0x4a: {  	[sflag:s18] =	ssyncadd.s32 $0xFFFFD8F0  }
0x4b: {  	[bflag:$0x0] =	sbarrier.arrive $0xFFFF  }
0x4c: {  	[tilespmem:s17], [sflag:$0x1] =	stream.indirect.gather [hbm4b:s4+s20], $0x80, s1, s20, $0xb8;
	[tilespmem:$0x1DF00] =	vst v63  }
0x4d: {  	_ = 	snop  }
0x4e: {  	[tilespmem:s21], [sflag:$0x2] =	stream.indirect.gather [hbm4b:s4+s20], $0x80, s20, s20, $0xb8;
	[tilespmem:$0x1DF00] =	vst v63  }
0x4f: {  	_ = 	snop  }
0x50: {  	[tilespmem:s23], [sflag:$0x3] =	stream.indirect.gather [hbm4b:s4+s20], $0x80, s22, s20, $0xb8;
	[tilespmem:$0x1DF00] =	vst v63  }
0x51: {  	s1 =	simm.s32 $0x78  }
0x52: {  	[tilespmem:s25], [sflag:$0x4] =	stream.indirect.gather [hbm4b:s4+s20], $0x80, s1, s20, $0xb8;
	[tilespmem:$0x1DF00] =	vst v63  }
0x53: {  	_ =	swait.ge [sflag:s26], $0x1400  }
0x54: {  	[sflag:s26] =	ssyncset.done $0x0  }
0x55: {  	[sflag:s26] =	ssyncadd.s32 $0xFFFFEC00  }
0x56: {  	_ =	swait.ge [sflag:s28], $0x1400  }
0x57: {  	[sflag:s28] =	ssyncset.done $0x0  }
0x58: {  	s0 =	simm.s32 $0x2780;
	[sflag:s28] =	ssyncadd.s32 $0xFFFFEC00  }
0x59: {  	[spmem:s2] =	stream.indirect.scatter.add.f32 [tilespmem:s17], [sflag:$0x5], $0x80, s0, s22, $0xb8;
	[tilespmem:$0x1DF00] =	vst v63  }
0x5a: {  	_ =	swait.ge [sflag:s18], $0x2800  }
0x5b: {  	[sflag:s18] =	ssyncset.done $0x0  }
0x5c: {  	s0 =	simm.s32 $0xA0;
	[sflag:s18] =	ssyncadd.s32 $0xFFFFD800  }
0x5d: {  	[tilespmem:s17], [sflag:$0x1] =	stream.indirect.gather [hbm4b:s4+s20], $0x80, s0, s20, $0xb8;
	[tilespmem:$0x1DF00] =	vst v63  }
0x5e: {  	s0 =	simm.s32 $0xC8  }
0x5f: {  	[tilespmem:s21], [sflag:$0x2] =	stream.indirect.gather [hbm4b:s4+s20], $0x80, s0, s20, $0xb8;
	[tilespmem:$0x1DF00] =	vst v63  }
0x60: {  	_ =	swait.ge [sflag:s29], $0x1400  }
0x61: {  	[sflag:s29] =	ssyncset.done $0x0  }
0x62: {  	[sflag:s29] =	ssyncadd.s32 $0xFFFFEC00  }
0x63: {  	_ =	swait.ge [sflag:s30], $0x1400  }
0x64: {  	[sflag:s30] =	ssyncset.done $0x0  }
0x65: {  	s0 =	simm.s32 $0x27D0;
	[sflag:s30] =	ssyncadd.s32 $0xFFFFEC00  }
0x66: {  	[spmem:s2] =	stream.indirect.scatter.add.f32 [tilespmem:s23], [sflag:$0x5], $0x80, s0, s22, $0xb8;
	[tilespmem:$0x1DF00] =	vst v63  }
0x67: {  	_ =	swait.ge [sflag:s18], $0x2800  }
0x68: {  	s31 =	simm.s32 $0x280;
	[sflag:s18] =	ssyncset.done $0x0  }
0x69: {  	s1 =	simm.s32 $0x118;
	s0 =	simm.s32 $0xF0;
	[sflag:s18] =	ssyncadd.s32 $0xFFFFD800  }
0x6a: {  	[tilespmem:s23], [sflag:$0x3] =	stream.indirect.gather [hbm4b:s4+s20], $0x80, s0, s20, $0xb8;
	[tilespmem:$0x1DF00] =	vst v63  }
.LBB2_4:
0x6b: {  	[tilespmem:s25], [sflag:$0x4] =	stream.indirect.gather [hbm4b:s4+s20], $0x80, s1, s20, $0xb8;
	[tilespmem:$0x1DF00] =	vst v63  }
0x6c: {  	s1 =	smov.u32 s31  }
0x6d: {  	p0 =	sne.s32 s31, $0x9600;
	s31 =	sadd.s32 $0x280, s31;
	_ =	swait.ge [sflag:s26], $0x1400  }
0x6e: {  	[sflag:s26] =	ssyncset.done $0x0  }
0x6f: {  	[sflag:s26] =	ssyncadd.s32 $0xFFFFEC00  }
0x70: {  	_ =	swait.ge [sflag:s28], $0x1400  }
0x71: {  	s1 =	sshra.s32 s1, $0x2;
	[sflag:s28] =	ssyncset.done $0x0  }
0x72: {  	s0 =	sadd.s32 $0x2780, s1;
	[sflag:s28] =	ssyncadd.s32 $0xFFFFEC00  }
0x73: {  	[spmem:s2] =	stream.indirect.scatter.add.f32 [tilespmem:s17], [sflag:$0x5], $0x80, s0, s22, $0xb8;
	[tilespmem:$0x1DF00] =	vst v63  }
0x74: {  	_ =	swait.ge [sflag:s18], $0x2800  }
0x75: {  	[sflag:s18] =	ssyncset.done $0x0  }
0x76: {  	s0 =	sadd.s32 $0xA0, s1;
	[sflag:s18] =	ssyncadd.s32 $0xFFFFD800  }
0x77: {  	[tilespmem:s17], [sflag:$0x1] =	stream.indirect.gather [hbm4b:s4+s20], $0x80, s0, s20, $0xb8;
	[tilespmem:$0x1DF00] =	vst v63  }
0x78: {  	s0 =	sadd.s32 $0xC8, s1  }
0x79: {  	[tilespmem:s21], [sflag:$0x2] =	stream.indirect.gather [hbm4b:s4+s20], $0x80, s0, s20, $0xb8;
	[tilespmem:$0x1DF00] =	vst v63  }
0x7a: {  	_ =	swait.ge [sflag:s29], $0x1400  }
0x7b: {  	[sflag:s29] =	ssyncset.done $0x0  }
0x7c: {  	[sflag:s29] =	ssyncadd.s32 $0xFFFFEC00  }
0x7d: {  	_ =	swait.ge [sflag:s30], $0x1400  }
0x7e: {  	[sflag:s30] =	ssyncset.done $0x0  }
0x7f: {  	s0 =	sadd.s32 $0x27D0, s1;
	[sflag:s30] =	ssyncadd.s32 $0xFFFFEC00  }
0x80: {  	[spmem:s2] =	stream.indirect.scatter.add.f32 [tilespmem:s23], [sflag:$0x5], $0x80, s0, s22, $0xb8;
	[tilespmem:$0x1DF00] =	vst v63  }
.Ltmp1:
0x81: {  	_ =	swait.ge [sflag:s18], $0x2800;
	(pc) =	sbr.rel @p0 .LBB2_4-.Ltmp1, $4  }
0x82: {  	[sflag:s18] =	ssyncset.done $0x0  }
0x83: {  	s0 =	sadd.s32 $0xF0, s1;
	[sflag:s18] =	ssyncadd.s32 $0xFFFFD800  }
0x84: {  	[tilespmem:s23], [sflag:$0x3] =	stream.indirect.gather [hbm4b:s4+s20], $0x80, s0, s20, $0xb8;
	[tilespmem:$0x1DF00] =	vst v63  }
0x85: {  	s1 =	sadd.s32 $0x118, s1  }
0x86: {  	[tilespmem:s25], [sflag:$0x4] =	stream.indirect.gather [hbm4b:s4+s20], $0x80, s1, s20, $0xb8;
	[tilespmem:$0x1DF00] =	vst v63  }
0x87: {  	_ =	swait.ge [sflag:s26], $0x1400  }
0x88: {  	[sflag:s26] =	ssyncset.done $0x0  }
0x89: {  	[sflag:s26] =	ssyncadd.s32 $0xFFFFEC00  }
0x8a: {  	_ =	swait.ge [sflag:s28], $0x1400  }
0x8b: {  	[sflag:s28] =	ssyncset.done $0x0  }
0x8c: {  	s0 =	simm.s32 $0x4DA0;
	[sflag:s28] =	ssyncadd.s32 $0xFFFFEC00  }
0x8d: {  	[spmem:s2] =	stream.indirect.scatter.add.f32 [tilespmem:s17], [sflag:$0x5], $0x80, s0, s22, $0xb8;
	[tilespmem:$0x1DF00] =	vst v63  }
0x8e: {  	_ =	swait.ge [sflag:s18], $0x2800  }
0x8f: {  	[sflag:s18] =	ssyncset.done $0x0  }
0x90: {  	s1 =	simm.s32 $0x26C0;
	[sflag:s18] =	ssyncadd.s32 $0xFFFFD800  }
0x91: {  	[tilespmem:s17], [sflag:$0x1] =	stream.indirect.gather [hbm4b:s4+s20], $0x80, s1, s20, $0xb8;
	[tilespmem:$0x1DF00] =	vst v63  }
0x92: {  	s31 =	simm.s32 $0x26E8  }
0x93: {  	[tilespmem:s21], [sflag:$0x2] =	stream.indirect.gather [hbm4b:s4+s20], $0x80, s31, s20, $0xb8;
	[tilespmem:$0x1DF00] =	vst v63  }
0x94: {  	_ =	swait.ge [sflag:s29], $0x1400  }
0x95: {  	[sflag:s29] =	ssyncset.done $0x0  }
0x96: {  	[sflag:s29] =	ssyncadd.s32 $0xFFFFEC00  }
0x97: {  	_ =	swait.ge [sflag:s30], $0x1400  }
0x98: {  	[sflag:s30] =	ssyncset.done $0x0  }
0x99: {  	[sflag:s30] =	ssyncadd.s32 $0xFFFFEC00  }
0x9a: {  	[spmem:s2] =	stream.indirect.scatter.add.f32 [tilespmem:s23], [sflag:$0x5], $0x80, s19, s22, $0xb8;
	[tilespmem:$0x1DF00] =	vst v63  }
0x9b: {  	_ =	swait.ge [sflag:s18], $0x2800  }
0x9c: {  	[sflag:s18] =	ssyncset.done $0x0  }
0x9d: {  	[sflag:s18] =	ssyncadd.s32 $0xFFFFD800  }
0x9e: {  	_ =	swait.ge [sflag:s26], $0x1400  }
0x9f: {  	[sflag:s26] =	ssyncset.done $0x0  }
0xa0: {  	[sflag:s26] =	ssyncadd.s32 $0xFFFFEC00  }
0xa1: {  	_ =	swait.ge [sflag:s28], $0x1400  }
0xa2: {  	[sflag:s28] =	ssyncset.done $0x0  }
0xa3: {  	[sflag:s28] =	ssyncadd.s32 $0xFFFFEC00  }
0xa4: {  	[spmem:s2] =	stream.indirect.scatter.add.f32 [tilespmem:s17], [sflag:$0x5], $0x80, s24, s22, $0xb8;
	[tilespmem:$0x1DF00] =	vst v63  }
0xa5: {  	s1 =	stileid.u32;
	_ =	swait.ge [sflag:s18], $0x2800  }
0xa6: {  	s3 =	sadd.s32 $0x1, s3;
	s0 =	sshll.u32 s1, $0x6;
	[sflag:s18] =	ssyncset.done $0x0  }
0xa7: {  	p0 =	sne.s32 s3, s9;
	s0 =	sor.u32 $0x1C05, s0;
	[sflag:s18] =	ssyncadd.s32 $0xFFFFD800  }
.Ltmp2:
0xa8: {  	s31 =	sshrl.u32 s7, $0x3;
	[bflag:$0x0] =	sbarrier.arrive $0xFFFF;
	(pc) =	sbr.rel @p0 .LBB2_1-.Ltmp2, $4  }
0xa9: {  	[hbm:s8], [sflag:s0] =	dma.local [spmem:s31], $0x2800  }
0xaa: {  	_ =	swait.ge [sflag:s18], $0x2800  }
0xab: {  	[sflag:s18] =	ssyncset.done $0x0  }
0xac: {  	[sflag:s18] =	ssyncadd.s32 $0xFFFFD800  }
0xad: {  	_ =	sfence.sel $0x180000  }
0xae: {  	[bflag:$0x0] =	sbarrier.arrive $0xFFFF  }
0xaf: {  	_ =	strace $0x9000004D  }
0xb0: {  	s0 =	stileid.u32;
	[bflag:$0x2] =	sbarrier.arrive $0xFFFF  }
0xb1: {  	p0 =	sne.s32 s0, $0x0;
	s0 =	rddreg [dreg:$0x3]  }
0xb2: {  	s0 =	sadd.s32 @!p0 $0x100000, s0  }
0xb3: {  	[sflag:s0] =	ssyncadd.tile.s32 @!p0 $0x1;
	_ =	shalt  }
.Lfunc_end2:
_tile_overlayer_lowered:
.L_overlay_start_2:
0xb4: {  	(tag) =	ssettag $0x2  }
0xb5: {  	s0 =	rddreg [dreg:$0x0];
	s2 =	stileid.u32  }
0xb6: {  	s1 =	rddreg [dreg:$0x1];
	p0 =	sne.s32 s2, $0x0  }
0xb7: {  	s3 =	rddreg [dreg:$0x2];
	[bflag:$0x3] =	sbarrier.arrive $0xFFFF;
	s2 =	simm.s32 @!p0 $0x1C05  }
0xb8: {  	[timem:s3], [sflag:s2] =	dma.local @!p0 [hbm:s0], s1  }
0xb9: {  	s0 =	simm.s32 @!p0 $0x5  }
0xba: {  	_ =	swait.ge @!p0 [sflag:s0], s1  }
0xbb: {  	s1 =	ssub.s32 @!p0 $0x0, s1;
	[sflag:s0] =	ssyncset.done @!p0 $0x0  }
0xbc: {  	[sflag:s0] =	ssyncadd.s32 @!p0 s1  }
0xbd: {  	[bflag:$0x3] =	sbarrier.arrive $0xFFFF  }
0xbe: {  	_ =	shalt  }

// kernel: kernel.22.cloned.1.call-start
scs
__scs_entry_jumppad:
0x0: {  	(pc) =	sbr.rel $0x88, $3  }
0x1: {  	(tag) =	ssettag $0x0;
	lr =	simm.s32 $0x1  }
0x2: {  	[smem:$0x3F97] =	sst lr;
	_ =	strace $0xD0000000  }
0x3: {  	_ = 	snop  }
0x4: {  	_ = 	snop  }
0x5: {  	_ = 	snop  }
0x6: {  	_ = 	snop  }
0x7: {  	_ = 	snop  }
__scs_overlays_trampoline_lowered:
0x8: {  	[smem:$0x3FA6] =	sst s0  }
0x9: {  	[smem:$0x3FA7] =	sst s1  }
0xa: {  	[smem:$0x3FA8] =	sst s2  }
0xb: {  	[smem:$0x3FA9] =	sst s3  }
0xc: {  	[smem:$0x3FAA] =	sst s4  }
0xd: {  	[smem:$0x3FAB] =	sst s5  }
0xe: {  	[smem:$0x3FAC] =	sst s6  }
0xf: {  	[smem:$0x3FAD] =	sst s7  }
0x10: {  	[smem:$0x3FAE] =	sst s8  }
0x11: {  	[smem:$0x3FAF] =	sst s9;
	s0 =	simm.s32 @!p0 $0x0  }
0x12: {  	s1 =	sld [smem:$0x3F95];
	s0 =	simm.s32 @p0 $0x1  }
0x13: {  	[smem:$0x3FB0] =	sst s0;
	s0 =	simm.s32 @!p1 $0x0  }
0x14: {  	s2 =	sld [smem:$0x3F94];
	s0 =	simm.s32 @p1 $0x1  }
0x15: {  	[smem:$0x3FB1] =	sst s0;
	s0 =	simm.s32 @!p2 $0x0  }
0x16: {  	s3 =	sld [smem:$0x3FDB];
	s0 =	simm.s32 @p2 $0x1  }
0x17: {  	s4 =	simm.s32 $0x1BF5;
	[smem:$0x3FB3] =	sst s0  }
0x18: {  	s0 =	sld [smem:$0x3F96];
	_ =	swait.ge [sflag:s4], $0x0  }
0x19: {  	s7 =	sld [smem:$0x3F97]  }
0x1a: {  	s8 =	sadd.s32 $0xFFFFE003, lr  }
0x1b: {  	s9 =	sadd.s32 $0xFFFFFEF7, lr;
	s5 =	simm.s32 $0xFFFFFFFF;
	p2 =	slt.u32 s8, $0xFFFFF086  }
0x1c: {  	p1 =	slt.u32 s9, $0xF7A;
	s5 =	simm.s32 @!p2 $0x0  }
0x1d: {  	s5 =	simm.s32 @p1 $0x1;
	p0 =	seq.s32 s7, s2  }
0x1e: {  	s7 =	smul.u32 @!p0 $0xF7A, s2;
	p2 =	seq.s32 @!p0 s5, $0x0  }
0x1f: {  	s9 =	smul.u32 $0xF7A, s1;
	s8 =	simm.s32 @!p0 $0x1BF5;
	p2 =	por !p2, p0  }
0x20: {  	[sflag:s8] =	ssyncset.s32 @!p0 $0xFFFFF086;
	s6 =	sadd.s32 @!p0 s3, s7;
	s7 =	simm.s32 @!p0 $0x108  }
0x21: {  	s3 =	sadd.s32 s3, s9;
	s6 =	sadd.s32 @!p0 $0x88, s6;
	s7 =	simm.s32 @p2 $0x1082  }
0x22: {  	[simem:s7], [sflag:s8] =	dma.local @!p0 [hbm:s6], $0xF7A  }
0x23: {  	s9 =	sor.u32 $0xD0000000, s2;
	s6 =	simm.s32 $0x108;
	_ =	swait.ge @!p0 [sflag:s8], $0x0  }
0x24: {  	s3 =	sadd.s32 $0x88, s3;
	s6 =	simm.s32 @!p1 $0x1082;
	[sflag:s4] =	ssyncset.s32 $0xFFFFF086  }
0x25: {  	[simem:s6], [sflag:s4] =	dma.local [hbm:s3], $0xF7A  }
0x26: {  	[smem:$0x3F97] =	sst s1;
	(tag) =	ssettag s2;
	_ =	strace s9  }
0x27: {  	s1 =	sld [smem:$0x3FA7]  }
0x28: {  	s2 =	sld [smem:$0x3FA8]  }
0x29: {  	s4 =	sld [smem:$0x3FAA]  }
0x2a: {  	p0 =	seq.s32 s5, $0x0;
	s5 =	sld [smem:$0x3FAB]  }
0x2b: {  	s6 =	sld [smem:$0x3FAC]  }
0x2c: {  	s7 =	sld [smem:$0x3FAD]  }
0x2d: {  	s3 =	simm.s32 $0x108;
	s8 =	sld [smem:$0x3FAE]  }
0x2e: {  	s3 =	simm.s32 @!p0 $0x1082;
	s9 =	sld [smem:$0x3FAF]  }
0x2f: {  	lr =	sadd.s32 s0, s3;
	s0 =	sld [smem:$0x3FA6]  }
0x30: {  	s3 =	sld [smem:$0x3FA9]  }
0x31: {  	[smem:$0x3FB2] =	sst s10  }
0x32: {  	s10 =	sld [smem:$0x3FB0];
	_ =	sdelay $0x3  }
0x33: {  	p0 =	seq.s32 s10, $0x1;
	s10 =	sld [smem:$0x3FB2];
	_ =	sdelay $0x3  }
0x34: {  	[smem:$0x3FB2] =	sst s10  }
0x35: {  	s10 =	sld [smem:$0x3FB1];
	_ =	sdelay $0x3  }
0x36: {  	p1 =	seq.s32 s10, $0x1;
	s10 =	sld [smem:$0x3FB2];
	_ =	sdelay $0x3  }
0x37: {  	[smem:$0x3FB2] =	sst s10  }
0x38: {  	s10 =	sld [smem:$0x3FB3]  }
0x39: {  	_ = 	snop;
	(pc) =	sbr.ind lr, $3  }
0x3a: {  	_ = 	snop  }
0x3b: {  	_ = 	snop  }
0x3c: {  	p2 =	seq.s32 s10, $0x1;
	s10 =	sld [smem:$0x3FB2]  }
0x3d: {  	_ =	shalt  }
0x3e: {  	_ =	shalt  }
0x3f: {  	_ =	shalt  }
0x40: {  	_ =	shalt  }
0x41: {  	_ =	shalt  }
0x42: {  	_ =	shalt  }
0x43: {  	_ =	shalt  }
0x44: {  	_ =	shalt  }
0x45: {  	_ =	shalt  }
0x46: {  	_ =	shalt  }
0x47: {  	_ =	shalt  }
0x48: {  	_ =	shalt  }
0x49: {  	_ =	shalt  }
0x4a: {  	_ =	shalt  }
0x4b: {  	_ =	shalt  }
0x4c: {  	_ =	shalt  }
0x4d: {  	_ =	shalt  }
0x4e: {  	_ =	shalt  }
0x4f: {  	_ =	shalt  }
0x50: {  	_ =	shalt  }
0x51: {  	_ =	shalt  }
0x52: {  	_ =	shalt  }
0x53: {  	_ =	shalt  }
0x54: {  	_ =	shalt  }
0x55: {  	_ =	shalt  }
0x56: {  	_ =	shalt  }
0x57: {  	_ =	shalt  }
0x58: {  	_ =	shalt  }
0x59: {  	_ =	shalt  }
0x5a: {  	_ =	shalt  }
0x5b: {  	_ =	shalt  }
0x5c: {  	_ =	shalt  }
0x5d: {  	_ =	shalt  }
0x5e: {  	_ =	shalt  }
0x5f: {  	_ =	shalt  }
0x60: {  	_ =	shalt  }
0x61: {  	_ =	shalt  }
0x62: {  	_ =	shalt  }
0x63: {  	_ =	shalt  }
0x64: {  	_ =	shalt  }
0x65: {  	_ =	shalt  }
0x66: {  	_ =	shalt  }
0x67: {  	_ =	shalt  }
0x68: {  	_ =	shalt  }
0x69: {  	_ =	shalt  }
0x6a: {  	_ =	shalt  }
0x6b: {  	_ =	shalt  }
0x6c: {  	_ =	shalt  }
0x6d: {  	_ =	shalt  }
0x6e: {  	_ =	shalt  }
0x6f: {  	_ =	shalt  }
0x70: {  	_ =	shalt  }
0x71: {  	_ =	shalt  }
0x72: {  	_ =	shalt  }
0x73: {  	_ =	shalt  }
0x74: {  	_ =	shalt  }
0x75: {  	_ =	shalt  }
0x76: {  	_ =	shalt  }
0x77: {  	_ =	shalt  }
0x78: {  	_ =	shalt  }
0x79: {  	_ =	shalt  }
0x7a: {  	_ =	shalt  }
0x7b: {  	_ =	shalt  }
0x7c: {  	_ =	shalt  }
0x7d: {  	_ =	shalt  }
0x7e: {  	_ =	shalt  }
0x7f: {  	_ =	shalt  }
0x80: {  	_ =	shalt  }
0x81: {  	_ =	shalt  }
0x82: {  	_ =	shalt  }
0x83: {  	_ =	shalt  }
0x84: {  	_ =	shalt  }
0x85: {  	_ =	shalt  }
0x86: {  	_ =	shalt  }
0x87: {  	_ =	shalt  }
.Lfunc_end0:
.L_simem_size_0:
called_computation.3_lowered:
.L_overlay_start_0:
0x88: {  	s2 =	sld [smem:$0x3FD9]  }
0x89: {  	s3 =	sld [smem:$0x3FFE];
	_ =	sdelay $0x1  }
0x8a: {  	s1 =	srdreg.scid  }
0x8b: {  	s0 =	sand.u32 $0x1, s1  }
0x8c: {  	s17 =	sshll.u32 s0, $0xA;
	s2 =	sadd.s32 s3, s2  }
0x8d: {  	s2 =	sadd.s32 s2, s17  }
0x8e: {  	[smem:$0x3FBE] =	sst s2  }
0x8f: {  	_ = 	snop  }
0x90: {  	s2 =	sld [smem:$0x3FD0];
	(tm) =	ssettm $0x1  }
0x91: {  	s18 =	sld [smem:$0x3FFB];
	_ =	sdelay $0x3  }
0x92: {  	_ =	strace s18  }
0x93: {  	s3 =	sld [smem:$0x3FFC];
	_ =	sdelay $0x3  }
0x94: {  	_ =	strace s3  }
0x95: {  	s3 =	sld [smem:$0x3FFD];
	_ =	sdelay $0x3  }
0x96: {  	_ =	strace s3  }
0x97: {  	_ =	strace $0x8FFFFFFF  }
0x98: {  	s19 =	sld [smem:$0x3FDB];
	_ =	sdelay $0x1  }
0x99: {  	s4 =	simm.s32 $_scs_section_size  }
0x9a: {  	s5 =	simm.s32 $_size__tile_overlayer_lowered;
	s6 =	simm.s32 $_tile_overlayer_lowered  }
0x9b: {  	s22 =	simm.s32 $0x1BFF;
	s21 =	sshll.u32 s6, $0x1;
	s3 =	sadd.s32 s4, s19  }
0x9c: {  	s7 =	simm.s32 $0x0;
	s20 =	sshll.u32 s5, $0x1;
	s5 =	sadd.s32 s21, s3  }
0x9d: {  	[timem:s7], [sflag:s22] =	dma.local [hbm:s5], s20  }
0x9e: {  	_ =	swait.ge [sflag:s22], s20  }
0x9f: {  	s4 =	ssub.s32 $0x0, s20;
	[sflag:s22] =	ssyncset.done $0x0  }
0xa0: {  	[sflag:s22] =	ssyncadd.s32 s4;
	_ =	sdelay $0x1  }
0xa1: {  	s23 =	simm.s32 $0x1B8B  }
0xa2: {  	_ =	swait.ge [sflag:s23], $0x1  }
0xa3: {  	[sflag:s23] =	ssyncset.done $0x0  }
0xa4: {  	s25 =	simm.s32 $0x1B8E;
	s24 =	sld [smem:$0x3FFE];
	[sflag:s23] =	ssyncadd.s32 $0xFFFFFFFF  }
0xa5: {  	s26 =	simm.s32 $execute0_lowered;
	[smem:$0x3FD2] =	sst s25  }
0xa6: {  	s5 =	sshll.u32 s26, $0x1;
	_ =	strace $0x8000004F;
	[dreg:$0x1] =	wrdreg $0xFFFFFFFF  }
0xa7: {  	s28 =	simm.s32 $_size_execute0_lowered;
	s3 =	sadd.s32 s3, s5;
	[dreg:$0x0] =	wrdreg $0x0  }
0xa8: {  	s5 =	sshll.u32 s28, $0x1;
	[dreg:$0x2] =	wrdreg s3  }
0xa9: {  	[dreg:$0x3] =	wrdreg s5  }
0xaa: {  	[dreg:$0x4] =	wrdreg $0xC0  }
0xab: {  	_ =	task [dreg:s7], $0x5FFFF  }
0xac: {  	[dreg:$0x1] =	wrdreg $0xFFFFFFFF  }
0xad: {  	[dreg:$0x0] =	wrdreg $0x60  }
0xae: {  	[dreg:$0x2] =	wrdreg s24  }
0xaf: {  	[dreg:$0x3] =	wrdreg s2  }
0xb0: {  	[dreg:$0x4] =	wrdreg $0x9F000  }
0xb1: {  	[dreg:$0x5] =	wrdreg $0x9  }
0xb2: {  	_ =	task.clear_ibuf [dreg:s7], $0x6FFFF;
	_ =	strace $0x9000004F  }
0xb3: {  	s29 =	simm.s32 $0x9;
	_ =	strace $0x80000051  }
0xb4: {  	_ =	swait.ge [sflag:s29], $0x1  }
0xb5: {  	[sflag:s29] =	ssyncadd.s32 $0xFFFFFFFF  }
0xb6: {  	_ =	strace $0x90000051  }
0xb7: {  	_ =	sfence  }
0xb8: {  	s30 =	sld [smem:$0x0];
	_ =	sdelay $0x2  }
0xb9: {  	s31 =	sshll.u32 s1, $0xD;
	s1 =	sshrl.u32 s1, $0x2  }
0xba: {  	s3 =	sand.u32 $0x4000, s31;
	s1 =	sadd.s32 s1, s30  }
0xbb: {  	s0 =	sor.u32 s3, s0;
	s1 =	sshll.u32 s1, $0x11  }
0xbc: {  	s0 =	sor.u32 s1, s0  }
0xbd: {  	s0 =	sadd.s32 $0x8F2B, s0  }
0xbe: {  	[sflag:s0] =	ssyncadd.remote.s32 $0x1  }
0xbf: {  	_ =	sfence.sel $0xFFFF  }
0xc0: {  	[dreg:$0x0] =	wrdreg $0xFFFFFFFF;
	(pc) =	sbr.abs _section_cstart, $3  }
0xc1: {  	[dreg:$0x1] =	wrdreg $0xFFFFFFFF  }
0xc2: {  	_ =	task.clear_ibuf [dreg:s7], $0x2FFFF;
	_ =	strace $0x9FFFFFFF  }
0xc3: {  	(tm) =	ssettm $0x7FFFFFFF  }
tec
execute0_lowered:
.L_overlay_start_1:
0x0: {  	(tag) =	ssettag $0x1  }
0x1: {  	s1 =	rddreg [dreg:$0x0]  }
0x2: {  	s0 =	srdreg.scid;
	s5 =	rddreg [dreg:$0x1]  }
0x3: {  	s9 =	stileid.u32;
	s2 =	rddreg [dreg:$0x2];
	s17 =	simm.s32 $0x4F00  }
0x4: {  	s18 =	simm.s32 $0x5;
	s20 =	simm.s32 $0x28;
	s21 =	simm.s32 $0x6300  }
0x5: {  	s22 =	simm.s32 $0x50;
	s23 =	simm.s32 $0x7700;
	s25 =	simm.s32 $0x8B00  }
0x6: {  	s28 =	simm.s32 $0x2;
	s29 =	simm.s32 $0x3;
	s30 =	simm.s32 $0x4  }
0x7: {  	s19 =	simm.s32 $0x4DF0;
	s0 =	sand.u32 $0x1, s0;
	s8 =	smul.u32 $0x2800, s9  }
0x8: {  	s24 =	simm.s32 $0x4E40;
	s3 =	sshll.u32 s0, $0x4;
	s7 =	smul.u32 $0x28000, s0  }
0x9: {  	s0 =	ssub.s32 $0x2, s0;
	s4 =	sor.u32 s9, s3;
	s9 =	smul.u32 $0x50000, s9  }
0xa: {  	s3 =	simm.s32 $0x0;
	s26 =	sshrl.u32 s0, $0x1;
	s6 =	smul.u32 $0x4E2, s4  }
0xb: {  	[smem:$0x7FF] =	sst s3;
	s4 =	sadd.s32 $0xD400, s1;
	s7 =	sadd.s32 s8, s7  }
0xc: {  	s0 =	ssub.s32 s0, s26;
	s26 =	simm.s32 $0x1;
	_ =	strace $0x80000050  }
0xd: {  	s31 =	sshrl.u32 s9, $0x2;
	s9 =	smax.u32 s0, $0x1;
	s10 =	sadd.s32 s6, s1  }
0xe: {  	s1 =	sadd.s32 s7, s1;
	s5 =	sadd.s32 s5, s6;
	s7 =	sadd.s32 s31, s2  }
0xf: {  	s6 =	sadd.s32 $0x3600, s10;
	s8 =	sadd.s32 $0x35400, s1;
	s10 =	sadd.s32 $0x2800, s7  }
0x10: {  	s11 =	sadd.s32 $0x5000, s7;
	s12 =	sadd.s32 $0x7800, s7;
	s13 =	sadd.s32 $0xA000, s7  }
0x11: {  	v0 =	vimm.f32 $0.0e+00;
	s14 =	sadd.s32 $0xC800, s7;
	s15 =	sadd.s32 $0xF000, s7;
	s16 =	sadd.s32 $0x11800, s7  }
.LBB2_1:
0x12: {  	s31 =	simm.s32 $0x70;
	s1 =	simm.s32 $0x3C0  }
.LBB2_2:
0x13: {  	p0 =	sne.s32 s1, $0x9FC0;
	[tilespmem:s31+$0x4F00] =	vst v0  }
0x14: {  	[tilespmem:s31+$0x4E90] =	vst v0  }
0x15: {  	[tilespmem:s31+$0x4EA0] =	vst v0  }
.Ltmp0:
0x16: {  	[tilespmem:s31+$0x4EB0] =	vst v0;
	(pc) =	sbr.rel @p0 .LBB2_2-.Ltmp0, $4  }
0x17: {  	[tilespmem:s31+$0x4EC0] =	vst v0  }
0x18: {  	[tilespmem:s31+$0x4ED0] =	vst v0  }
0x19: {  	[tilespmem:s31+$0x4EE0] =	vst v0  }
0x1a: {  	[tilespmem:s31+$0x4EF0] =	vst v0;
	s31 =	sshra.s32 s1, $0x2;
	s1 =	sadd.s32 $0x200, s1  }
0x1b: {  	[tilespmem:s31+$0x4F00] =	vst v0  }
0x1c: {  	[tilespmem:s31+$0x4E90] =	vst v0  }
0x1d: {  	[tilespmem:s31+$0x4EA0] =	vst v0  }
0x1e: {  	[tilespmem:s31+$0x4EB0] =	vst v0  }
0x1f: {  	[tilespmem:s31+$0x4EC0] =	vst v0  }
0x20: {  	[tilespmem:s31+$0x4ED0] =	vst v0  }
0x21: {  	[tilespmem:s31+$0x4EE0] =	vst v0  }
0x22: {  	[tilespmem:s31+$0x4EF0] =	vst v0  }
0x23: {  	[spmem:s7] =	stream.linear.scatter [tilespmem:s17], [sflag:$0x5], $0x2800, $0x38;
	[tilespmem:$0x1DF00] =	vst v63  }
0x24: {  	_ =	swait.ge [sflag:s18], $0x2800  }
0x25: {  	[sflag:s18] =	ssyncset.done $0x0  }
0x26: {  	[sflag:s18] =	ssyncadd.s32 $0xFFFFD800  }
0x27: {  	[spmem:s10] =	stream.linear.scatter [tilespmem:s17], [sflag:$0x5], $0x2800, $0x38;
	[tilespmem:$0x1DF00] =	vst v63  }
0x28: {  	_ =	swait.ge [sflag:s18], $0x2800  }
0x29: {  	[sflag:s18] =	ssyncset.done $0x0  }
0x2a: {  	[sflag:s18] =	ssyncadd.s32 $0xFFFFD800  }
0x2b: {  	[spmem:s11] =	stream.linear.scatter [tilespmem:s17], [sflag:$0x5], $0x2800, $0x38;
	[tilespmem:$0x1DF00] =	vst v63  }
0x2c: {  	_ =	swait.ge [sflag:s18], $0x2800  }
0x2d: {  	[sflag:s18] =	ssyncset.done $0x0  }
0x2e: {  	[sflag:s18] =	ssyncadd.s32 $0xFFFFD800  }
0x2f: {  	[spmem:s12] =	stream.linear.scatter [tilespmem:s17], [sflag:$0x5], $0x2800, $0x38;
	[tilespmem:$0x1DF00] =	vst v63  }
0x30: {  	_ =	swait.ge [sflag:s18], $0x2800  }
0x31: {  	[sflag:s18] =	ssyncset.done $0x0  }
0x32: {  	[sflag:s18] =	ssyncadd.s32 $0xFFFFD800  }
0x33: {  	[spmem:s13] =	stream.linear.scatter [tilespmem:s17], [sflag:$0x5], $0x2800, $0x38;
	[tilespmem:$0x1DF00] =	vst v63  }
0x34: {  	_ =	swait.ge [sflag:s18], $0x2800  }
0x35: {  	[sflag:s18] =	ssyncset.done $0x0  }
0x36: {  	[sflag:s18] =	ssyncadd.s32 $0xFFFFD800  }
0x37: {  	[spmem:s14] =	stream.linear.scatter [tilespmem:s17], [sflag:$0x5], $0x2800, $0x38;
	[tilespmem:$0x1DF00] =	vst v63  }
0x38: {  	_ =	swait.ge [sflag:s18], $0x2800  }
0x39: {  	[sflag:s18] =	ssyncset.done $0x0  }
0x3a: {  	[sflag:s18] =	ssyncadd.s32 $0xFFFFD800  }
0x3b: {  	[spmem:s15] =	stream.linear.scatter [tilespmem:s17], [sflag:$0x5], $0x2800, $0x38;
	[tilespmem:$0x1DF00] =	vst v63  }
0x3c: {  	_ =	swait.ge [sflag:s18], $0x2800  }
0x3d: {  	[sflag:s18] =	ssyncset.done $0x0  }
0x3e: {  	[sflag:s18] =	ssyncadd.s32 $0xFFFFD800  }
0x3f: {  	[spmem:s16] =	stream.linear.scatter [tilespmem:s17], [sflag:$0x5], $0x2800, $0x38;
	[tilespmem:$0x1DF00] =	vst v63  }
0x40: {  	_ =	swait.ge [sflag:s18], $0x2800  }
0x41: {  	[sflag:s18] =	ssyncset.done $0x0  }
0x42: {  	s1 =	simm.s32 $0x0;
	[sflag:s18] =	ssyncadd.s32 $0xFFFFD800  }
0x43: {  	[tilespmem:s1], [sflag:$0x5] =	stream.linear.gather [hbm4b:s5+s1], $0x2710, $0x38;
	[tilespmem:$0x1DF00] =	vst v63  }
0x44: {  	_ =	swait.ge [sflag:s18], $0x2710  }
0x45: {  	[sflag:s18] =	ssyncset.done $0x0  }
0x46: {  	s0 =	simm.s32 $0x2780;
	[sflag:s18] =	ssyncadd.s32 $0xFFFFD8F0  }
0x47: {  	[tilespmem:s0], [sflag:$0x5] =	stream.linear.gather [hbm4b:s6+s1], $0x2710, $0x38;
	[tilespmem:$0x1DF00] =	vst v63  }
0x48: {  	_ =	swait.ge [sflag:s18], $0x2710  }
0x49: {  	[sflag:s18] =	ssyncset.done $0x0  }
0x4a: {  	[sflag:s18] =	ssyncadd.s32 $0xFFFFD8F0  }
0x4b: {  	[bflag:$0x0] =	sbarrier.arrive $0xFFFF  }
0x4c: {  	[tilespmem:s17], [sflag:$0x1] =	stream.indirect.gather [hbm4b:s4+s20], $0x80, s1, s20, $0xb8;
	[tilespmem:$0x1DF00] =	vst v63  }
0x4d: {  	_ = 	snop  }
0x4e: {  	[tilespmem:s21], [sflag:$0x2] =	stream.indirect.gather [hbm4b:s4+s20], $0x80, s20, s20, $0xb8;
	[tilespmem:$0x1DF00] =	vst v63  }
0x4f: {  	_ = 	snop  }
0x50: {  	[tilespmem:s23], [sflag:$0x3] =	stream.indirect.gather [hbm4b:s4+s20], $0x80, s22, s20, $0xb8;
	[tilespmem:$0x1DF00] =	vst v63  }
0x51: {  	s1 =	simm.s32 $0x78  }
0x52: {  	[tilespmem:s25], [sflag:$0x4] =	stream.indirect.gather [hbm4b:s4+s20], $0x80, s1, s20, $0xb8;
	[tilespmem:$0x1DF00] =	vst v63  }
0x53: {  	_ =	swait.ge [sflag:s26], $0x1400  }
0x54: {  	[sflag:s26] =	ssyncset.done $0x0  }
0x55: {  	[sflag:s26] =	ssyncadd.s32 $0xFFFFEC00  }
0x56: {  	_ =	swait.ge [sflag:s28], $0x1400  }
0x57: {  	[sflag:s28] =	ssyncset.done $0x0  }
0x58: {  	s0 =	simm.s32 $0x2780;
	[sflag:s28] =	ssyncadd.s32 $0xFFFFEC00  }
0x59: {  	[spmem:s2] =	stream.indirect.scatter.add.f32 [tilespmem:s17], [sflag:$0x5], $0x80, s0, s22, $0xb8;
	[tilespmem:$0x1DF00] =	vst v63  }
0x5a: {  	_ =	swait.ge [sflag:s18], $0x2800  }
0x5b: {  	[sflag:s18] =	ssyncset.done $0x0  }
0x5c: {  	s0 =	simm.s32 $0xA0;
	[sflag:s18] =	ssyncadd.s32 $0xFFFFD800  }
0x5d: {  	[tilespmem:s17], [sflag:$0x1] =	stream.indirect.gather [hbm4b:s4+s20], $0x80, s0, s20, $0xb8;
	[tilespmem:$0x1DF00] =	vst v63  }
0x5e: {  	s0 =	simm.s32 $0xC8  }
0x5f: {  	[tilespmem:s21], [sflag:$0x2] =	stream.indirect.gather [hbm4b:s4+s20], $0x80, s0, s20, $0xb8;
	[tilespmem:$0x1DF00] =	vst v63  }
0x60: {  	_ =	swait.ge [sflag:s29], $0x1400  }
0x61: {  	[sflag:s29] =	ssyncset.done $0x0  }
0x62: {  	[sflag:s29] =	ssyncadd.s32 $0xFFFFEC00  }
0x63: {  	_ =	swait.ge [sflag:s30], $0x1400  }
0x64: {  	[sflag:s30] =	ssyncset.done $0x0  }
0x65: {  	s0 =	simm.s32 $0x27D0;
	[sflag:s30] =	ssyncadd.s32 $0xFFFFEC00  }
0x66: {  	[spmem:s2] =	stream.indirect.scatter.add.f32 [tilespmem:s23], [sflag:$0x5], $0x80, s0, s22, $0xb8;
	[tilespmem:$0x1DF00] =	vst v63  }
0x67: {  	_ =	swait.ge [sflag:s18], $0x2800  }
0x68: {  	s31 =	simm.s32 $0x280;
	[sflag:s18] =	ssyncset.done $0x0  }
0x69: {  	s1 =	simm.s32 $0x118;
	s0 =	simm.s32 $0xF0;
	[sflag:s18] =	ssyncadd.s32 $0xFFFFD800  }
0x6a: {  	[tilespmem:s23], [sflag:$0x3] =	stream.indirect.gather [hbm4b:s4+s20], $0x80, s0, s20, $0xb8;
	[tilespmem:$0x1DF00] =	vst v63  }
.LBB2_4:
0x6b: {  	[tilespmem:s25], [sflag:$0x4] =	stream.indirect.gather [hbm4b:s4+s20], $0x80, s1, s20, $0xb8;
	[tilespmem:$0x1DF00] =	vst v63  }
0x6c: {  	s1 =	smov.u32 s31  }
0x6d: {  	p0 =	sne.s32 s31, $0x9600;
	s31 =	sadd.s32 $0x280, s31;
	_ =	swait.ge [sflag:s26], $0x1400  }
0x6e: {  	[sflag:s26] =	ssyncset.done $0x0  }
0x6f: {  	[sflag:s26] =	ssyncadd.s32 $0xFFFFEC00  }
0x70: {  	_ =	swait.ge [sflag:s28], $0x1400  }
0x71: {  	s1 =	sshra.s32 s1, $0x2;
	[sflag:s28] =	ssyncset.done $0x0  }
0x72: {  	s0 =	sadd.s32 $0x2780, s1;
	[sflag:s28] =	ssyncadd.s32 $0xFFFFEC00  }
0x73: {  	[spmem:s2] =	stream.indirect.scatter.add.f32 [tilespmem:s17], [sflag:$0x5], $0x80, s0, s22, $0xb8;
	[tilespmem:$0x1DF00] =	vst v63  }
0x74: {  	_ =	swait.ge [sflag:s18], $0x2800  }
0x75: {  	[sflag:s18] =	ssyncset.done $0x0  }
0x76: {  	s0 =	sadd.s32 $0xA0, s1;
	[sflag:s18] =	ssyncadd.s32 $0xFFFFD800  }
0x77: {  	[tilespmem:s17], [sflag:$0x1] =	stream.indirect.gather [hbm4b:s4+s20], $0x80, s0, s20, $0xb8;
	[tilespmem:$0x1DF00] =	vst v63  }
0x78: {  	s0 =	sadd.s32 $0xC8, s1  }
0x79: {  	[tilespmem:s21], [sflag:$0x2] =	stream.indirect.gather [hbm4b:s4+s20], $0x80, s0, s20, $0xb8;
	[tilespmem:$0x1DF00] =	vst v63  }
0x7a: {  	_ =	swait.ge [sflag:s29], $0x1400  }
0x7b: {  	[sflag:s29] =	ssyncset.done $0x0  }
0x7c: {  	[sflag:s29] =	ssyncadd.s32 $0xFFFFEC00  }
0x7d: {  	_ =	swait.ge [sflag:s30], $0x1400  }
0x7e: {  	[sflag:s30] =	ssyncset.done $0x0  }
0x7f: {  	s0 =	sadd.s32 $0x27D0, s1;
	[sflag:s30] =	ssyncadd.s32 $0xFFFFEC00  }
0x80: {  	[spmem:s2] =	stream.indirect.scatter.add.f32 [tilespmem:s23], [sflag:$0x5], $0x80, s0, s22, $0xb8;
	[tilespmem:$0x1DF00] =	vst v63  }
.Ltmp1:
0x81: {  	_ =	swait.ge [sflag:s18], $0x2800;
	(pc) =	sbr.rel @p0 .LBB2_4-.Ltmp1, $4  }
0x82: {  	[sflag:s18] =	ssyncset.done $0x0  }
0x83: {  	s0 =	sadd.s32 $0xF0, s1;
	[sflag:s18] =	ssyncadd.s32 $0xFFFFD800  }
0x84: {  	[tilespmem:s23], [sflag:$0x3] =	stream.indirect.gather [hbm4b:s4+s20], $0x80, s0, s20, $0xb8;
	[tilespmem:$0x1DF00] =	vst v63  }
0x85: {  	s1 =	sadd.s32 $0x118, s1  }
0x86: {  	[tilespmem:s25], [sflag:$0x4] =	stream.indirect.gather [hbm4b:s4+s20], $0x80, s1, s20, $0xb8;
	[tilespmem:$0x1DF00] =	vst v63  }
0x87: {  	_ =	swait.ge [sflag:s26], $0x1400  }
0x88: {  	[sflag:s26] =	ssyncset.done $0x0  }
0x89: {  	[sflag:s26] =	ssyncadd.s32 $0xFFFFEC00  }
0x8a: {  	_ =	swait.ge [sflag:s28], $0x1400  }
0x8b: {  	[sflag:s28] =	ssyncset.done $0x0  }
0x8c: {  	s0 =	simm.s32 $0x4DA0;
	[sflag:s28] =	ssyncadd.s32 $0xFFFFEC00  }
0x8d: {  	[spmem:s2] =	stream.indirect.scatter.add.f32 [tilespmem:s17], [sflag:$0x5], $0x80, s0, s22, $0xb8;
	[tilespmem:$0x1DF00] =	vst v63  }
0x8e: {  	_ =	swait.ge [sflag:s18], $0x2800  }
0x8f: {  	[sflag:s18] =	ssyncset.done $0x0  }
0x90: {  	s1 =	simm.s32 $0x26C0;
	[sflag:s18] =	ssyncadd.s32 $0xFFFFD800  }
0x91: {  	[tilespmem:s17], [sflag:$0x1] =	stream.indirect.gather [hbm4b:s4+s20], $0x80, s1, s20, $0xb8;
	[tilespmem:$0x1DF00] =	vst v63  }
0x92: {  	s31 =	simm.s32 $0x26E8  }
0x93: {  	[tilespmem:s21], [sflag:$0x2] =	stream.indirect.gather [hbm4b:s4+s20], $0x80, s31, s20, $0xb8;
	[tilespmem:$0x1DF00] =	vst v63  }
0x94: {  	_ =	swait.ge [sflag:s29], $0x1400  }
0x95: {  	[sflag:s29] =	ssyncset.done $0x0  }
0x96: {  	[sflag:s29] =	ssyncadd.s32 $0xFFFFEC00  }
0x97: {  	_ =	swait.ge [sflag:s30], $0x1400  }
0x98: {  	[sflag:s30] =	ssyncset.done $0x0  }
0x99: {  	[sflag:s30] =	ssyncadd.s32 $0xFFFFEC00  }
0x9a: {  	[spmem:s2] =	stream.indirect.scatter.add.f32 [tilespmem:s23], [sflag:$0x5], $0x80, s19, s22, $0xb8;
	[tilespmem:$0x1DF00] =	vst v63  }
0x9b: {  	_ =	swait.ge [sflag:s18], $0x2800  }
0x9c: {  	[sflag:s18] =	ssyncset.done $0x0  }
0x9d: {  	[sflag:s18] =	ssyncadd.s32 $0xFFFFD800  }
0x9e: {  	_ =	swait.ge [sflag:s26], $0x1400  }
0x9f: {  	[sflag:s26] =	ssyncset.done $0x0  }
0xa0: {  	[sflag:s26] =	ssyncadd.s32 $0xFFFFEC00  }
0xa1: {  	_ =	swait.ge [sflag:s28], $0x1400  }
0xa2: {  	[sflag:s28] =	ssyncset.done $0x0  }
0xa3: {  	[sflag:s28] =	ssyncadd.s32 $0xFFFFEC00  }
0xa4: {  	[spmem:s2] =	stream.indirect.scatter.add.f32 [tilespmem:s17], [sflag:$0x5], $0x80, s24, s22, $0xb8;
	[tilespmem:$0x1DF00] =	vst v63  }
0xa5: {  	s1 =	stileid.u32;
	_ =	swait.ge [sflag:s18], $0x2800  }
0xa6: {  	s3 =	sadd.s32 $0x1, s3;
	s0 =	sshll.u32 s1, $0x6;
	[sflag:s18] =	ssyncset.done $0x0  }
0xa7: {  	p0 =	sne.s32 s3, s9;
	s0 =	sor.u32 $0x1C05, s0;
	[sflag:s18] =	ssyncadd.s32 $0xFFFFD800  }
.Ltmp2:
0xa8: {  	s31 =	sshrl.u32 s7, $0x3;
	[bflag:$0x0] =	sbarrier.arrive $0xFFFF;
	(pc) =	sbr.rel @p0 .LBB2_1-.Ltmp2, $4  }
0xa9: {  	[hbm:s8], [sflag:s0] =	dma.local [spmem:s31], $0x2800  }
0xaa: {  	_ =	swait.ge [sflag:s18], $0x2800  }
0xab: {  	[sflag:s18] =	ssyncset.done $0x0  }
0xac: {  	[sflag:s18] =	ssyncadd.s32 $0xFFFFD800  }
0xad: {  	_ =	sfence.sel $0x180000  }
0xae: {  	[bflag:$0x0] =	sbarrier.arrive $0xFFFF  }
0xaf: {  	_ =	strace $0x90000050  }
0xb0: {  	s0 =	stileid.u32;
	[bflag:$0x2] =	sbarrier.arrive $0xFFFF  }
0xb1: {  	p0 =	sne.s32 s0, $0x0;
	s0 =	rddreg [dreg:$0x3]  }
0xb2: {  	s0 =	sadd.s32 @!p0 $0x100000, s0  }
0xb3: {  	[sflag:s0] =	ssyncadd.tile.s32 @!p0 $0x1;
	_ =	shalt  }
.Lfunc_end2:
_tile_overlayer_lowered:
.L_overlay_start_2:
0xb4: {  	(tag) =	ssettag $0x2  }
0xb5: {  	s0 =	rddreg [dreg:$0x0];
	s2 =	stileid.u32  }
0xb6: {  	s1 =	rddreg [dreg:$0x1];
	p0 =	sne.s32 s2, $0x0  }
0xb7: {  	s3 =	rddreg [dreg:$0x2];
	[bflag:$0x3] =	sbarrier.arrive $0xFFFF;
	s2 =	simm.s32 @!p0 $0x1C05  }
0xb8: {  	[timem:s3], [sflag:s2] =	dma.local @!p0 [hbm:s0], s1  }
0xb9: {  	s0 =	simm.s32 @!p0 $0x5  }
0xba: {  	_ =	swait.ge @!p0 [sflag:s0], s1  }
0xbb: {  	s1 =	ssub.s32 @!p0 $0x0, s1;
	[sflag:s0] =	ssyncset.done @!p0 $0x0  }
0xbc: {  	[sflag:s0] =	ssyncadd.s32 @!p0 s1  }
0xbd: {  	[bflag:$0x3] =	sbarrier.arrive $0xFFFF  }
0xbe: {  	_ =	shalt  }

// kernel: kernel.25.cloned.1.call-start
scs
__scs_entry_jumppad:
0x0: {  	(pc) =	sbr.rel $0x88, $3  }
0x1: {  	(tag) =	ssettag $0x0;
	lr =	simm.s32 $0x1  }
0x2: {  	[smem:$0x3F97] =	sst lr;
	_ =	strace $0xD0000000  }
0x3: {  	_ = 	snop  }
0x4: {  	_ = 	snop  }
0x5: {  	_ = 	snop  }
0x6: {  	_ = 	snop  }
0x7: {  	_ = 	snop  }
__scs_overlays_trampoline_lowered:
0x8: {  	[smem:$0x3FA6] =	sst s0  }
0x9: {  	[smem:$0x3FA7] =	sst s1  }
0xa: {  	[smem:$0x3FA8] =	sst s2  }
0xb: {  	[smem:$0x3FA9] =	sst s3  }
0xc: {  	[smem:$0x3FAA] =	sst s4  }
0xd: {  	[smem:$0x3FAB] =	sst s5  }
0xe: {  	[smem:$0x3FAC] =	sst s6  }
0xf: {  	[smem:$0x3FAD] =	sst s7  }
0x10: {  	[smem:$0x3FAE] =	sst s8  }
0x11: {  	[smem:$0x3FAF] =	sst s9;
	s0 =	simm.s32 @!p0 $0x0  }
0x12: {  	s1 =	sld [smem:$0x3F95];
	s0 =	simm.s32 @p0 $0x1  }
0x13: {  	[smem:$0x3FB0] =	sst s0;
	s0 =	simm.s32 @!p1 $0x0  }
0x14: {  	s2 =	sld [smem:$0x3F94];
	s0 =	simm.s32 @p1 $0x1  }
0x15: {  	[smem:$0x3FB1] =	sst s0;
	s0 =	simm.s32 @!p2 $0x0  }
0x16: {  	s3 =	sld [smem:$0x3FDB];
	s0 =	simm.s32 @p2 $0x1  }
0x17: {  	s4 =	simm.s32 $0x1BF5;
	[smem:$0x3FB3] =	sst s0  }
0x18: {  	s0 =	sld [smem:$0x3F96];
	_ =	swait.ge [sflag:s4], $0x0  }
0x19: {  	s7 =	sld [smem:$0x3F97]  }
0x1a: {  	s8 =	sadd.s32 $0xFFFFE003, lr  }
0x1b: {  	s9 =	sadd.s32 $0xFFFFFEF7, lr;
	s5 =	simm.s32 $0xFFFFFFFF;
	p2 =	slt.u32 s8, $0xFFFFF086  }
0x1c: {  	p1 =	slt.u32 s9, $0xF7A;
	s5 =	simm.s32 @!p2 $0x0  }
0x1d: {  	s5 =	simm.s32 @p1 $0x1;
	p0 =	seq.s32 s7, s2  }
0x1e: {  	s7 =	smul.u32 @!p0 $0xF7A, s2;
	p2 =	seq.s32 @!p0 s5, $0x0  }
0x1f: {  	s9 =	smul.u32 $0xF7A, s1;
	s8 =	simm.s32 @!p0 $0x1BF5;
	p2 =	por !p2, p0  }
0x20: {  	[sflag:s8] =	ssyncset.s32 @!p0 $0xFFFFF086;
	s6 =	sadd.s32 @!p0 s3, s7;
	s7 =	simm.s32 @!p0 $0x108  }
0x21: {  	s3 =	sadd.s32 s3, s9;
	s6 =	sadd.s32 @!p0 $0x88, s6;
	s7 =	simm.s32 @p2 $0x1082  }
0x22: {  	[simem:s7], [sflag:s8] =	dma.local @!p0 [hbm:s6], $0xF7A  }
0x23: {  	s9 =	sor.u32 $0xD0000000, s2;
	s6 =	simm.s32 $0x108;
	_ =	swait.ge @!p0 [sflag:s8], $0x0  }
0x24: {  	s3 =	sadd.s32 $0x88, s3;
	s6 =	simm.s32 @!p1 $0x1082;
	[sflag:s4] =	ssyncset.s32 $0xFFFFF086  }
0x25: {  	[simem:s6], [sflag:s4] =	dma.local [hbm:s3], $0xF7A  }
0x26: {  	[smem:$0x3F97] =	sst s1;
	(tag) =	ssettag s2;
	_ =	strace s9  }
0x27: {  	s1 =	sld [smem:$0x3FA7]  }
0x28: {  	s2 =	sld [smem:$0x3FA8]  }
0x29: {  	s4 =	sld [smem:$0x3FAA]  }
0x2a: {  	p0 =	seq.s32 s5, $0x0;
	s5 =	sld [smem:$0x3FAB]  }
0x2b: {  	s6 =	sld [smem:$0x3FAC]  }
0x2c: {  	s7 =	sld [smem:$0x3FAD]  }
0x2d: {  	s3 =	simm.s32 $0x108;
	s8 =	sld [smem:$0x3FAE]  }
0x2e: {  	s3 =	simm.s32 @!p0 $0x1082;
	s9 =	sld [smem:$0x3FAF]  }
0x2f: {  	lr =	sadd.s32 s0, s3;
	s0 =	sld [smem:$0x3FA6]  }
0x30: {  	s3 =	sld [smem:$0x3FA9]  }
0x31: {  	[smem:$0x3FB2] =	sst s10  }
0x32: {  	s10 =	sld [smem:$0x3FB0];
	_ =	sdelay $0x3  }
0x33: {  	p0 =	seq.s32 s10, $0x1;
	s10 =	sld [smem:$0x3FB2];
	_ =	sdelay $0x3  }
0x34: {  	[smem:$0x3FB2] =	sst s10  }
0x35: {  	s10 =	sld [smem:$0x3FB1];
	_ =	sdelay $0x3  }
0x36: {  	p1 =	seq.s32 s10, $0x1;
	s10 =	sld [smem:$0x3FB2];
	_ =	sdelay $0x3  }
0x37: {  	[smem:$0x3FB2] =	sst s10  }
0x38: {  	s10 =	sld [smem:$0x3FB3]  }
0x39: {  	_ = 	snop;
	(pc) =	sbr.ind lr, $3  }
0x3a: {  	_ = 	snop  }
0x3b: {  	_ = 	snop  }
0x3c: {  	p2 =	seq.s32 s10, $0x1;
	s10 =	sld [smem:$0x3FB2]  }
0x3d: {  	_ =	shalt  }
0x3e: {  	_ =	shalt  }
0x3f: {  	_ =	shalt  }
0x40: {  	_ =	shalt  }
0x41: {  	_ =	shalt  }
0x42: {  	_ =	shalt  }
0x43: {  	_ =	shalt  }
0x44: {  	_ =	shalt  }
0x45: {  	_ =	shalt  }
0x46: {  	_ =	shalt  }
0x47: {  	_ =	shalt  }
0x48: {  	_ =	shalt  }
0x49: {  	_ =	shalt  }
0x4a: {  	_ =	shalt  }
0x4b: {  	_ =	shalt  }
0x4c: {  	_ =	shalt  }
0x4d: {  	_ =	shalt  }
0x4e: {  	_ =	shalt  }
0x4f: {  	_ =	shalt  }
0x50: {  	_ =	shalt  }
0x51: {  	_ =	shalt  }
0x52: {  	_ =	shalt  }
0x53: {  	_ =	shalt  }
0x54: {  	_ =	shalt  }
0x55: {  	_ =	shalt  }
0x56: {  	_ =	shalt  }
0x57: {  	_ =	shalt  }
0x58: {  	_ =	shalt  }
0x59: {  	_ =	shalt  }
0x5a: {  	_ =	shalt  }
0x5b: {  	_ =	shalt  }
0x5c: {  	_ =	shalt  }
0x5d: {  	_ =	shalt  }
0x5e: {  	_ =	shalt  }
0x5f: {  	_ =	shalt  }
0x60: {  	_ =	shalt  }
0x61: {  	_ =	shalt  }
0x62: {  	_ =	shalt  }
0x63: {  	_ =	shalt  }
0x64: {  	_ =	shalt  }
0x65: {  	_ =	shalt  }
0x66: {  	_ =	shalt  }
0x67: {  	_ =	shalt  }
0x68: {  	_ =	shalt  }
0x69: {  	_ =	shalt  }
0x6a: {  	_ =	shalt  }
0x6b: {  	_ =	shalt  }
0x6c: {  	_ =	shalt  }
0x6d: {  	_ =	shalt  }
0x6e: {  	_ =	shalt  }
0x6f: {  	_ =	shalt  }
0x70: {  	_ =	shalt  }
0x71: {  	_ =	shalt  }
0x72: {  	_ =	shalt  }
0x73: {  	_ =	shalt  }
0x74: {  	_ =	shalt  }
0x75: {  	_ =	shalt  }
0x76: {  	_ =	shalt  }
0x77: {  	_ =	shalt  }
0x78: {  	_ =	shalt  }
0x79: {  	_ =	shalt  }
0x7a: {  	_ =	shalt  }
0x7b: {  	_ =	shalt  }
0x7c: {  	_ =	shalt  }
0x7d: {  	_ =	shalt  }
0x7e: {  	_ =	shalt  }
0x7f: {  	_ =	shalt  }
0x80: {  	_ =	shalt  }
0x81: {  	_ =	shalt  }
0x82: {  	_ =	shalt  }
0x83: {  	_ =	shalt  }
0x84: {  	_ =	shalt  }
0x85: {  	_ =	shalt  }
0x86: {  	_ =	shalt  }
0x87: {  	_ =	shalt  }
.Lfunc_end0:
.L_simem_size_0:
called_computation.4_lowered:
.L_overlay_start_0:
0x88: {  	s2 =	sld [smem:$0x3FD9]  }
0x89: {  	s3 =	sld [smem:$0x3FFE];
	_ =	sdelay $0x1  }
0x8a: {  	s1 =	srdreg.scid  }
0x8b: {  	s0 =	sand.u32 $0x1, s1  }
0x8c: {  	s17 =	sshll.u32 s0, $0xA;
	s2 =	sadd.s32 s3, s2  }
0x8d: {  	s2 =	sadd.s32 s2, s17  }
0x8e: {  	[smem:$0x3FBE] =	sst s2  }
0x8f: {  	_ = 	snop  }
0x90: {  	s2 =	sld [smem:$0x3FD0];
	(tm) =	ssettm $0x1  }
0x91: {  	s18 =	sld [smem:$0x3FFB];
	_ =	sdelay $0x3  }
0x92: {  	_ =	strace s18  }
0x93: {  	s3 =	sld [smem:$0x3FFC];
	_ =	sdelay $0x3  }
0x94: {  	_ =	strace s3  }
0x95: {  	s3 =	sld [smem:$0x3FFD];
	_ =	sdelay $0x3  }
0x96: {  	_ =	strace s3  }
0x97: {  	_ =	strace $0x8FFFFFFF  }
0x98: {  	s19 =	sld [smem:$0x3FDB];
	_ =	sdelay $0x1  }
0x99: {  	s4 =	simm.s32 $_scs_section_size  }
0x9a: {  	s5 =	simm.s32 $_size__tile_overlayer_lowered;
	s6 =	simm.s32 $_tile_overlayer_lowered  }
0x9b: {  	s22 =	simm.s32 $0x1BFF;
	s21 =	sshll.u32 s6, $0x1;
	s3 =	sadd.s32 s4, s19  }
0x9c: {  	s7 =	simm.s32 $0x0;
	s20 =	sshll.u32 s5, $0x1;
	s5 =	sadd.s32 s21, s3  }
0x9d: {  	[timem:s7], [sflag:s22] =	dma.local [hbm:s5], s20  }
0x9e: {  	_ =	swait.ge [sflag:s22], s20  }
0x9f: {  	s4 =	ssub.s32 $0x0, s20;
	[sflag:s22] =	ssyncset.done $0x0  }
0xa0: {  	[sflag:s22] =	ssyncadd.s32 s4;
	_ =	sdelay $0x1  }
0xa1: {  	s23 =	simm.s32 $0x1B8B  }
0xa2: {  	_ =	swait.ge [sflag:s23], $0x1  }
0xa3: {  	[sflag:s23] =	ssyncset.done $0x0  }
0xa4: {  	s25 =	simm.s32 $0x1B8E;
	s24 =	sld [smem:$0x3FFE];
	[sflag:s23] =	ssyncadd.s32 $0xFFFFFFFF  }
0xa5: {  	s26 =	simm.s32 $execute0_lowered;
	[smem:$0x3FD2] =	sst s25  }
0xa6: {  	s5 =	sshll.u32 s26, $0x1;
	_ =	strace $0x80000052;
	[dreg:$0x1] =	wrdreg $0xFFFFFFFF  }
0xa7: {  	s28 =	simm.s32 $_size_execute0_lowered;
	s3 =	sadd.s32 s3, s5;
	[dreg:$0x0] =	wrdreg $0x0  }
0xa8: {  	s5 =	sshll.u32 s28, $0x1;
	[dreg:$0x2] =	wrdreg s3  }
0xa9: {  	[dreg:$0x3] =	wrdreg s5  }
0xaa: {  	[dreg:$0x4] =	wrdreg $0xC0  }
0xab: {  	_ =	task [dreg:s7], $0x5FFFF  }
0xac: {  	[dreg:$0x1] =	wrdreg $0xFFFFFFFF  }
0xad: {  	[dreg:$0x0] =	wrdreg $0x60  }
0xae: {  	[dreg:$0x2] =	wrdreg s24  }
0xaf: {  	[dreg:$0x3] =	wrdreg s2  }
0xb0: {  	[dreg:$0x4] =	wrdreg $0x9F000  }
0xb1: {  	[dreg:$0x5] =	wrdreg $0x9  }
0xb2: {  	_ =	task.clear_ibuf [dreg:s7], $0x6FFFF;
	_ =	strace $0x90000052  }
0xb3: {  	s29 =	simm.s32 $0x9;
	_ =	strace $0x80000054  }
0xb4: {  	_ =	swait.ge [sflag:s29], $0x1  }
0xb5: {  	[sflag:s29] =	ssyncadd.s32 $0xFFFFFFFF  }
0xb6: {  	_ =	strace $0x90000054  }
0xb7: {  	_ =	sfence  }
0xb8: {  	s30 =	sld [smem:$0x0];
	_ =	sdelay $0x2  }
0xb9: {  	s31 =	sshll.u32 s1, $0xD;
	s1 =	sshrl.u32 s1, $0x2  }
0xba: {  	s3 =	sand.u32 $0x4000, s31;
	s1 =	sadd.s32 s1, s30  }
0xbb: {  	s0 =	sor.u32 s3, s0;
	s1 =	sshll.u32 s1, $0x11  }
0xbc: {  	s0 =	sor.u32 s1, s0  }
0xbd: {  	s0 =	sadd.s32 $0x8F2B, s0  }
0xbe: {  	[sflag:s0] =	ssyncadd.remote.s32 $0x1  }
0xbf: {  	_ =	sfence.sel $0xFFFF  }
0xc0: {  	[dreg:$0x0] =	wrdreg $0xFFFFFFFF;
	(pc) =	sbr.abs _section_cstart, $3  }
0xc1: {  	[dreg:$0x1] =	wrdreg $0xFFFFFFFF  }
0xc2: {  	_ =	task.clear_ibuf [dreg:s7], $0x2FFFF;
	_ =	strace $0x9FFFFFFF  }
0xc3: {  	(tm) =	ssettm $0x7FFFFFFF  }
tec
execute0_lowered:
.L_overlay_start_1:
0x0: {  	(tag) =	ssettag $0x1  }
0x1: {  	s1 =	rddreg [dreg:$0x0]  }
0x2: {  	s0 =	srdreg.scid;
	s5 =	rddreg [dreg:$0x1]  }
0x3: {  	s9 =	stileid.u32;
	s2 =	rddreg [dreg:$0x2];
	s17 =	simm.s32 $0x4F00  }
0x4: {  	s18 =	simm.s32 $0x5;
	s20 =	simm.s32 $0x28;
	s21 =	simm.s32 $0x6300  }
0x5: {  	s22 =	simm.s32 $0x50;
	s23 =	simm.s32 $0x7700;
	s25 =	simm.s32 $0x8B00  }
0x6: {  	s28 =	simm.s32 $0x2;
	s29 =	simm.s32 $0x3;
	s30 =	simm.s32 $0x4  }
0x7: {  	s19 =	simm.s32 $0x4DF0;
	s0 =	sand.u32 $0x1, s0;
	s8 =	smul.u32 $0x2800, s9  }
0x8: {  	s24 =	simm.s32 $0x4E40;
	s3 =	sshll.u32 s0, $0x4;
	s7 =	smul.u32 $0x28000, s0  }
0x9: {  	s0 =	ssub.s32 $0x2, s0;
	s4 =	sor.u32 s9, s3;
	s9 =	smul.u32 $0x50000, s9  }
0xa: {  	s3 =	simm.s32 $0x0;
	s26 =	sshrl.u32 s0, $0x1;
	s6 =	smul.u32 $0x4E2, s4  }
0xb: {  	[smem:$0x7FF] =	sst s3;
	s4 =	sadd.s32 $0xD400, s1;
	s7 =	sadd.s32 s8, s7  }
0xc: {  	s0 =	ssub.s32 s0, s26;
	s26 =	simm.s32 $0x1;
	_ =	strace $0x80000053  }
0xd: {  	s31 =	sshrl.u32 s9, $0x2;
	s9 =	smax.u32 s0, $0x1;
	s10 =	sadd.s32 s6, s1  }
0xe: {  	s1 =	sadd.s32 s7, s1;
	s5 =	sadd.s32 s5, s6;
	s7 =	sadd.s32 s31, s2  }
0xf: {  	s6 =	sadd.s32 $0x3600, s10;
	s8 =	sadd.s32 $0x35400, s1;
	s10 =	sadd.s32 $0x2800, s7  }
0x10: {  	s11 =	sadd.s32 $0x5000, s7;
	s12 =	sadd.s32 $0x7800, s7;
	s13 =	sadd.s32 $0xA000, s7  }
0x11: {  	v0 =	vimm.f32 $0.0e+00;
	s14 =	sadd.s32 $0xC800, s7;
	s15 =	sadd.s32 $0xF000, s7;
	s16 =	sadd.s32 $0x11800, s7  }
.LBB2_1:
0x12: {  	s31 =	simm.s32 $0x70;
	s1 =	simm.s32 $0x3C0  }
.LBB2_2:
0x13: {  	p0 =	sne.s32 s1, $0x9FC0;
	[tilespmem:s31+$0x4F00] =	vst v0  }
0x14: {  	[tilespmem:s31+$0x4E90] =	vst v0  }
0x15: {  	[tilespmem:s31+$0x4EA0] =	vst v0  }
.Ltmp0:
0x16: {  	[tilespmem:s31+$0x4EB0] =	vst v0;
	(pc) =	sbr.rel @p0 .LBB2_2-.Ltmp0, $4  }
0x17: {  	[tilespmem:s31+$0x4EC0] =	vst v0  }
0x18: {  	[tilespmem:s31+$0x4ED0] =	vst v0  }
0x19: {  	[tilespmem:s31+$0x4EE0] =	vst v0  }
0x1a: {  	[tilespmem:s31+$0x4EF0] =	vst v0;
	s31 =	sshra.s32 s1, $0x2;
	s1 =	sadd.s32 $0x200, s1  }
0x1b: {  	[tilespmem:s31+$0x4F00] =	vst v0  }
0x1c: {  	[tilespmem:s31+$0x4E90] =	vst v0  }
0x1d: {  	[tilespmem:s31+$0x4EA0] =	vst v0  }
0x1e: {  	[tilespmem:s31+$0x4EB0] =	vst v0  }
0x1f: {  	[tilespmem:s31+$0x4EC0] =	vst v0  }
0x20: {  	[tilespmem:s31+$0x4ED0] =	vst v0  }
0x21: {  	[tilespmem:s31+$0x4EE0] =	vst v0  }
0x22: {  	[tilespmem:s31+$0x4EF0] =	vst v0  }
0x23: {  	[spmem:s7] =	stream.linear.scatter [tilespmem:s17], [sflag:$0x5], $0x2800, $0x38;
	[tilespmem:$0x1DF00] =	vst v63  }
0x24: {  	_ =	swait.ge [sflag:s18], $0x2800  }
0x25: {  	[sflag:s18] =	ssyncset.done $0x0  }
0x26: {  	[sflag:s18] =	ssyncadd.s32 $0xFFFFD800  }
0x27: {  	[spmem:s10] =	stream.linear.scatter [tilespmem:s17], [sflag:$0x5], $0x2800, $0x38;
	[tilespmem:$0x1DF00] =	vst v63  }
0x28: {  	_ =	swait.ge [sflag:s18], $0x2800  }
0x29: {  	[sflag:s18] =	ssyncset.done $0x0  }
0x2a: {  	[sflag:s18] =	ssyncadd.s32 $0xFFFFD800  }
0x2b: {  	[spmem:s11] =	stream.linear.scatter [tilespmem:s17], [sflag:$0x5], $0x2800, $0x38;
	[tilespmem:$0x1DF00] =	vst v63  }
0x2c: {  	_ =	swait.ge [sflag:s18], $0x2800  }
0x2d: {  	[sflag:s18] =	ssyncset.done $0x0  }
0x2e: {  	[sflag:s18] =	ssyncadd.s32 $0xFFFFD800  }
0x2f: {  	[spmem:s12] =	stream.linear.scatter [tilespmem:s17], [sflag:$0x5], $0x2800, $0x38;
	[tilespmem:$0x1DF00] =	vst v63  }
0x30: {  	_ =	swait.ge [sflag:s18], $0x2800  }
0x31: {  	[sflag:s18] =	ssyncset.done $0x0  }
0x32: {  	[sflag:s18] =	ssyncadd.s32 $0xFFFFD800  }
0x33: {  	[spmem:s13] =	stream.linear.scatter [tilespmem:s17], [sflag:$0x5], $0x2800, $0x38;
	[tilespmem:$0x1DF00] =	vst v63  }
0x34: {  	_ =	swait.ge [sflag:s18], $0x2800  }
0x35: {  	[sflag:s18] =	ssyncset.done $0x0  }
0x36: {  	[sflag:s18] =	ssyncadd.s32 $0xFFFFD800  }
0x37: {  	[spmem:s14] =	stream.linear.scatter [tilespmem:s17], [sflag:$0x5], $0x2800, $0x38;
	[tilespmem:$0x1DF00] =	vst v63  }
0x38: {  	_ =	swait.ge [sflag:s18], $0x2800  }
0x39: {  	[sflag:s18] =	ssyncset.done $0x0  }
0x3a: {  	[sflag:s18] =	ssyncadd.s32 $0xFFFFD800  }
0x3b: {  	[spmem:s15] =	stream.linear.scatter [tilespmem:s17], [sflag:$0x5], $0x2800, $0x38;
	[tilespmem:$0x1DF00] =	vst v63  }
0x3c: {  	_ =	swait.ge [sflag:s18], $0x2800  }
0x3d: {  	[sflag:s18] =	ssyncset.done $0x0  }
0x3e: {  	[sflag:s18] =	ssyncadd.s32 $0xFFFFD800  }
0x3f: {  	[spmem:s16] =	stream.linear.scatter [tilespmem:s17], [sflag:$0x5], $0x2800, $0x38;
	[tilespmem:$0x1DF00] =	vst v63  }
0x40: {  	_ =	swait.ge [sflag:s18], $0x2800  }
0x41: {  	[sflag:s18] =	ssyncset.done $0x0  }
0x42: {  	s1 =	simm.s32 $0x0;
	[sflag:s18] =	ssyncadd.s32 $0xFFFFD800  }
0x43: {  	[tilespmem:s1], [sflag:$0x5] =	stream.linear.gather [hbm4b:s5+s1], $0x2710, $0x38;
	[tilespmem:$0x1DF00] =	vst v63  }
0x44: {  	_ =	swait.ge [sflag:s18], $0x2710  }
0x45: {  	[sflag:s18] =	ssyncset.done $0x0  }
0x46: {  	s0 =	simm.s32 $0x2780;
	[sflag:s18] =	ssyncadd.s32 $0xFFFFD8F0  }
0x47: {  	[tilespmem:s0], [sflag:$0x5] =	stream.linear.gather [hbm4b:s6+s1], $0x2710, $0x38;
	[tilespmem:$0x1DF00] =	vst v63  }
0x48: {  	_ =	swait.ge [sflag:s18], $0x2710  }
0x49: {  	[sflag:s18] =	ssyncset.done $0x0  }
0x4a: {  	[sflag:s18] =	ssyncadd.s32 $0xFFFFD8F0  }
0x4b: {  	[bflag:$0x0] =	sbarrier.arrive $0xFFFF  }
0x4c: {  	[tilespmem:s17], [sflag:$0x1] =	stream.indirect.gather [hbm4b:s4+s20], $0x80, s1, s20, $0xb8;
	[tilespmem:$0x1DF00] =	vst v63  }
0x4d: {  	_ = 	snop  }
0x4e: {  	[tilespmem:s21], [sflag:$0x2] =	stream.indirect.gather [hbm4b:s4+s20], $0x80, s20, s20, $0xb8;
	[tilespmem:$0x1DF00] =	vst v63  }
0x4f: {  	_ = 	snop  }
0x50: {  	[tilespmem:s23], [sflag:$0x3] =	stream.indirect.gather [hbm4b:s4+s20], $0x80, s22, s20, $0xb8;
	[tilespmem:$0x1DF00] =	vst v63  }
0x51: {  	s1 =	simm.s32 $0x78  }
0x52: {  	[tilespmem:s25], [sflag:$0x4] =	stream.indirect.gather [hbm4b:s4+s20], $0x80, s1, s20, $0xb8;
	[tilespmem:$0x1DF00] =	vst v63  }
0x53: {  	_ =	swait.ge [sflag:s26], $0x1400  }
0x54: {  	[sflag:s26] =	ssyncset.done $0x0  }
0x55: {  	[sflag:s26] =	ssyncadd.s32 $0xFFFFEC00  }
0x56: {  	_ =	swait.ge [sflag:s28], $0x1400  }
0x57: {  	[sflag:s28] =	ssyncset.done $0x0  }
0x58: {  	s0 =	simm.s32 $0x2780;
	[sflag:s28] =	ssyncadd.s32 $0xFFFFEC00  }
0x59: {  	[spmem:s2] =	stream.indirect.scatter.add.f32 [tilespmem:s17], [sflag:$0x5], $0x80, s0, s22, $0xb8;
	[tilespmem:$0x1DF00] =	vst v63  }
0x5a: {  	_ =	swait.ge [sflag:s18], $0x2800  }
0x5b: {  	[sflag:s18] =	ssyncset.done $0x0  }
0x5c: {  	s0 =	simm.s32 $0xA0;
	[sflag:s18] =	ssyncadd.s32 $0xFFFFD800  }
0x5d: {  	[tilespmem:s17], [sflag:$0x1] =	stream.indirect.gather [hbm4b:s4+s20], $0x80, s0, s20, $0xb8;
	[tilespmem:$0x1DF00] =	vst v63  }
0x5e: {  	s0 =	simm.s32 $0xC8  }
0x5f: {  	[tilespmem:s21], [sflag:$0x2] =	stream.indirect.gather [hbm4b:s4+s20], $0x80, s0, s20, $0xb8;
	[tilespmem:$0x1DF00] =	vst v63  }
0x60: {  	_ =	swait.ge [sflag:s29], $0x1400  }
0x61: {  	[sflag:s29] =	ssyncset.done $0x0  }
0x62: {  	[sflag:s29] =	ssyncadd.s32 $0xFFFFEC00  }
0x63: {  	_ =	swait.ge [sflag:s30], $0x1400  }
0x64: {  	[sflag:s30] =	ssyncset.done $0x0  }
0x65: {  	s0 =	simm.s32 $0x27D0;
	[sflag:s30] =	ssyncadd.s32 $0xFFFFEC00  }
0x66: {  	[spmem:s2] =	stream.indirect.scatter.add.f32 [tilespmem:s23], [sflag:$0x5], $0x80, s0, s22, $0xb8;
	[tilespmem:$0x1DF00] =	vst v63  }
0x67: {  	_ =	swait.ge [sflag:s18], $0x2800  }
0x68: {  	s31 =	simm.s32 $0x280;
	[sflag:s18] =	ssyncset.done $0x0  }
0x69: {  	s1 =	simm.s32 $0x118;
	s0 =	simm.s32 $0xF0;
	[sflag:s18] =	ssyncadd.s32 $0xFFFFD800  }
0x6a: {  	[tilespmem:s23], [sflag:$0x3] =	stream.indirect.gather [hbm4b:s4+s20], $0x80, s0, s20, $0xb8;
	[tilespmem:$0x1DF00] =	vst v63  }
.LBB2_4:
0x6b: {  	[tilespmem:s25], [sflag:$0x4] =	stream.indirect.gather [hbm4b:s4+s20], $0x80, s1, s20, $0xb8;
	[tilespmem:$0x1DF00] =	vst v63  }
0x6c: {  	s1 =	smov.u32 s31  }
0x6d: {  	p0 =	sne.s32 s31, $0x9600;
	s31 =	sadd.s32 $0x280, s31;
	_ =	swait.ge [sflag:s26], $0x1400  }
0x6e: {  	[sflag:s26] =	ssyncset.done $0x0  }
0x6f: {  	[sflag:s26] =	ssyncadd.s32 $0xFFFFEC00  }
0x70: {  	_ =	swait.ge [sflag:s28], $0x1400  }
0x71: {  	s1 =	sshra.s32 s1, $0x2;
	[sflag:s28] =	ssyncset.done $0x0  }
0x72: {  	s0 =	sadd.s32 $0x2780, s1;
	[sflag:s28] =	ssyncadd.s32 $0xFFFFEC00  }
0x73: {  	[spmem:s2] =	stream.indirect.scatter.add.f32 [tilespmem:s17], [sflag:$0x5], $0x80, s0, s22, $0xb8;
	[tilespmem:$0x1DF00] =	vst v63  }
0x74: {  	_ =	swait.ge [sflag:s18], $0x2800  }
0x75: {  	[sflag:s18] =	ssyncset.done $0x0  }
0x76: {  	s0 =	sadd.s32 $0xA0, s1;
	[sflag:s18] =	ssyncadd.s32 $0xFFFFD800  }
0x77: {  	[tilespmem:s17], [sflag:$0x1] =	stream.indirect.gather [hbm4b:s4+s20], $0x80, s0, s20, $0xb8;
	[tilespmem:$0x1DF00] =	vst v63  }
0x78: {  	s0 =	sadd.s32 $0xC8, s1  }
0x79: {  	[tilespmem:s21], [sflag:$0x2] =	stream.indirect.gather [hbm4b:s4+s20], $0x80, s0, s20, $0xb8;
	[tilespmem:$0x1DF00] =	vst v63  }
0x7a: {  	_ =	swait.ge [sflag:s29], $0x1400  }
0x7b: {  	[sflag:s29] =	ssyncset.done $0x0  }
0x7c: {  	[sflag:s29] =	ssyncadd.s32 $0xFFFFEC00  }
0x7d: {  	_ =	swait.ge [sflag:s30], $0x1400  }
0x7e: {  	[sflag:s30] =	ssyncset.done $0x0  }
0x7f: {  	s0 =	sadd.s32 $0x27D0, s1;
	[sflag:s30] =	ssyncadd.s32 $0xFFFFEC00  }
0x80: {  	[spmem:s2] =	stream.indirect.scatter.add.f32 [tilespmem:s23], [sflag:$0x5], $0x80, s0, s22, $0xb8;
	[tilespmem:$0x1DF00] =	vst v63  }
.Ltmp1:
0x81: {  	_ =	swait.ge [sflag:s18], $0x2800;
	(pc) =	sbr.rel @p0 .LBB2_4-.Ltmp1, $4  }
0x82: {  	[sflag:s18] =	ssyncset.done $0x0  }
0x83: {  	s0 =	sadd.s32 $0xF0, s1;
	[sflag:s18] =	ssyncadd.s32 $0xFFFFD800  }
0x84: {  	[tilespmem:s23], [sflag:$0x3] =	stream.indirect.gather [hbm4b:s4+s20], $0x80, s0, s20, $0xb8;
	[tilespmem:$0x1DF00] =	vst v63  }
0x85: {  	s1 =	sadd.s32 $0x118, s1  }
0x86: {  	[tilespmem:s25], [sflag:$0x4] =	stream.indirect.gather [hbm4b:s4+s20], $0x80, s1, s20, $0xb8;
	[tilespmem:$0x1DF00] =	vst v63  }
0x87: {  	_ =	swait.ge [sflag:s26], $0x1400  }
0x88: {  	[sflag:s26] =	ssyncset.done $0x0  }
0x89: {  	[sflag:s26] =	ssyncadd.s32 $0xFFFFEC00  }
0x8a: {  	_ =	swait.ge [sflag:s28], $0x1400  }
0x8b: {  	[sflag:s28] =	ssyncset.done $0x0  }
0x8c: {  	s0 =	simm.s32 $0x4DA0;
	[sflag:s28] =	ssyncadd.s32 $0xFFFFEC00  }
0x8d: {  	[spmem:s2] =	stream.indirect.scatter.add.f32 [tilespmem:s17], [sflag:$0x5], $0x80, s0, s22, $0xb8;
	[tilespmem:$0x1DF00] =	vst v63  }
0x8e: {  	_ =	swait.ge [sflag:s18], $0x2800  }
0x8f: {  	[sflag:s18] =	ssyncset.done $0x0  }
0x90: {  	s1 =	simm.s32 $0x26C0;
	[sflag:s18] =	ssyncadd.s32 $0xFFFFD800  }
0x91: {  	[tilespmem:s17], [sflag:$0x1] =	stream.indirect.gather [hbm4b:s4+s20], $0x80, s1, s20, $0xb8;
	[tilespmem:$0x1DF00] =	vst v63  }
0x92: {  	s31 =	simm.s32 $0x26E8  }
0x93: {  	[tilespmem:s21], [sflag:$0x2] =	stream.indirect.gather [hbm4b:s4+s20], $0x80, s31, s20, $0xb8;
	[tilespmem:$0x1DF00] =	vst v63  }
0x94: {  	_ =	swait.ge [sflag:s29], $0x1400  }
0x95: {  	[sflag:s29] =	ssyncset.done $0x0  }
0x96: {  	[sflag:s29] =	ssyncadd.s32 $0xFFFFEC00  }
0x97: {  	_ =	swait.ge [sflag:s30], $0x1400  }
0x98: {  	[sflag:s30] =	ssyncset.done $0x0  }
0x99: {  	[sflag:s30] =	ssyncadd.s32 $0xFFFFEC00  }
0x9a: {  	[spmem:s2] =	stream.indirect.scatter.add.f32 [tilespmem:s23], [sflag:$0x5], $0x80, s19, s22, $0xb8;
	[tilespmem:$0x1DF00] =	vst v63  }
0x9b: {  	_ =	swait.ge [sflag:s18], $0x2800  }
0x9c: {  	[sflag:s18] =	ssyncset.done $0x0  }
0x9d: {  	[sflag:s18] =	ssyncadd.s32 $0xFFFFD800  }
0x9e: {  	_ =	swait.ge [sflag:s26], $0x1400  }
0x9f: {  	[sflag:s26] =	ssyncset.done $0x0  }
0xa0: {  	[sflag:s26] =	ssyncadd.s32 $0xFFFFEC00  }
0xa1: {  	_ =	swait.ge [sflag:s28], $0x1400  }
0xa2: {  	[sflag:s28] =	ssyncset.done $0x0  }
0xa3: {  	[sflag:s28] =	ssyncadd.s32 $0xFFFFEC00  }
0xa4: {  	[spmem:s2] =	stream.indirect.scatter.add.f32 [tilespmem:s17], [sflag:$0x5], $0x80, s24, s22, $0xb8;
	[tilespmem:$0x1DF00] =	vst v63  }
0xa5: {  	s1 =	stileid.u32;
	_ =	swait.ge [sflag:s18], $0x2800  }
0xa6: {  	s3 =	sadd.s32 $0x1, s3;
	s0 =	sshll.u32 s1, $0x6;
	[sflag:s18] =	ssyncset.done $0x0  }
0xa7: {  	p0 =	sne.s32 s3, s9;
	s0 =	sor.u32 $0x1C05, s0;
	[sflag:s18] =	ssyncadd.s32 $0xFFFFD800  }
.Ltmp2:
0xa8: {  	s31 =	sshrl.u32 s7, $0x3;
	[bflag:$0x0] =	sbarrier.arrive $0xFFFF;
	(pc) =	sbr.rel @p0 .LBB2_1-.Ltmp2, $4  }
0xa9: {  	[hbm:s8], [sflag:s0] =	dma.local [spmem:s31], $0x2800  }
0xaa: {  	_ =	swait.ge [sflag:s18], $0x2800  }
0xab: {  	[sflag:s18] =	ssyncset.done $0x0  }
0xac: {  	[sflag:s18] =	ssyncadd.s32 $0xFFFFD800  }
0xad: {  	_ =	sfence.sel $0x180000  }
0xae: {  	[bflag:$0x0] =	sbarrier.arrive $0xFFFF  }
0xaf: {  	_ =	strace $0x90000053  }
0xb0: {  	s0 =	stileid.u32;
	[bflag:$0x2] =	sbarrier.arrive $0xFFFF  }
0xb1: {  	p0 =	sne.s32 s0, $0x0;
	s0 =	rddreg [dreg:$0x3]  }
0xb2: {  	s0 =	sadd.s32 @!p0 $0x100000, s0  }
0xb3: {  	[sflag:s0] =	ssyncadd.tile.s32 @!p0 $0x1;
	_ =	shalt  }
.Lfunc_end2:
_tile_overlayer_lowered:
.L_overlay_start_2:
0xb4: {  	(tag) =	ssettag $0x2  }
0xb5: {  	s0 =	rddreg [dreg:$0x0];
	s2 =	stileid.u32  }
0xb6: {  	s1 =	rddreg [dreg:$0x1];
	p0 =	sne.s32 s2, $0x0  }
0xb7: {  	s3 =	rddreg [dreg:$0x2];
	[bflag:$0x3] =	sbarrier.arrive $0xFFFF;
	s2 =	simm.s32 @!p0 $0x1C05  }
0xb8: {  	[timem:s3], [sflag:s2] =	dma.local @!p0 [hbm:s0], s1  }
0xb9: {  	s0 =	simm.s32 @!p0 $0x5  }
0xba: {  	_ =	swait.ge @!p0 [sflag:s0], s1  }
0xbb: {  	s1 =	ssub.s32 @!p0 $0x0, s1;
	[sflag:s0] =	ssyncset.done @!p0 $0x0  }
0xbc: {  	[sflag:s0] =	ssyncadd.s32 @!p0 s1  }
0xbd: {  	[bflag:$0x3] =	sbarrier.arrive $0xFFFF  }
0xbe: {  	_ =	shalt  }

</sc_bundles>
